<compile_context>
chip_gen: v7x
topology: tpu7x:2x2x1
jax: 0.10.2.dev20260603
libtpu: 0.0.44.dev20260713+nightly
codegen_flags: <defaults>
</compile_context>

<pallas_src>
import functools

import jax
import jax.numpy as jnp
from jax import lax
from jax.experimental import pallas as pl
from jax.experimental.pallas import tpu as pltpu
from jax.experimental.pallas import tpu_sc as plsc

ROWS = 64
COLS = 100000
CHUNK = 10000
ROWS_PER_W = 2
CHUNKS_PER_ROW = COLS // CHUNK
TOTAL_CHUNKS = ROWS_PER_W * CHUNKS_PER_ROW
UNROLL = 4
VECS = CHUNK // (16 * UNROLL)

_GUMBEL = None


def _gumbel_const():
    global _GUMBEL
    if _GUMBEL is None:
        e = jax.random.exponential(jax.random.key(42), (ROWS, COLS), jnp.float32)
        _GUMBEL = (-jnp.log(jnp.clip(e, 1e-10, None))).reshape(ROWS * COLS)
    return _GUMBEL


def _sampler_body(l_hbm, g_hbm, invt_hbm, out_hbm,
                  lbuf, gbuf, invt_v, out_v, sl0, sl1, sg0, sg1):
    c = lax.axis_index("c")
    s = lax.axis_index("s")
    w = s * 2 + c
    base = w * (ROWS_PER_W * COLS)
    lsem = (sl0, sl1)
    gsem = (sg0, sg1)

    def start(ci):
        b = ci % 2
        off = base + ci * CHUNK
        cl = pltpu.async_copy(l_hbm.at[pl.ds(off, CHUNK)], lbuf.at[b], lsem[b])
        cg = pltpu.async_copy(g_hbm.at[pl.ds(off, CHUNK)], gbuf.at[b], gsem[b])
        return cl, cg

    pend = start(0)
    lane = lax.iota(jnp.int32, 16)
    neg_inf = jnp.full((16,), -jnp.inf, jnp.float32)
    zero_i = jnp.zeros((16,), jnp.int32)

    for rr in range(ROWS_PER_W):
        r = w * ROWS_PER_W + rr
        pltpu.sync_copy(invt_hbm.at[r], invt_v)
        invt = invt_v[...]
        ms = [neg_inf] * UNROLL
        tbs = [zero_i] * UNROLL
        for cc in range(CHUNKS_PER_ROW):
            ci = rr * CHUNKS_PER_ROW + cc
            b = ci % 2
            nxt = start(ci + 1) if ci + 1 < TOTAL_CHUNKS else None
            pend[0].wait()
            pend[1].wait()
            if nxt is not None:
                pend = nxt
            cbase = cc * CHUNK

            def body(t, carry, b=b, cbase=cbase, invt=invt):
                ms, tbs = carry
                ms, tbs = list(ms), list(tbs)
                toff = t * (16 * UNROLL)
                for k in range(UNROLL):
                    lv = lbuf[b, pl.ds(toff + k * 16, 16)]
                    gv = gbuf[b, pl.ds(toff + k * 16, 16)]
                    v = lv * invt + gv
                    pred = v > ms[k]
                    ms[k] = jnp.where(pred, v, ms[k])
                    tbs[k] = jnp.where(
                        pred, jnp.full((16,), cbase + k * 16 + toff, jnp.int32),
                        tbs[k])
                return tuple(ms), tuple(tbs)

            res = lax.fori_loop(0, VECS, body, (tuple(ms), tuple(tbs)))
            ms, tbs = list(res[0]), list(res[1])

        m, tb = ms[0], tbs[0]
        for k in range(1, UNROLL):
            better = (ms[k] > m) | ((ms[k] == m) & (tbs[k] < tb))
            m = jnp.where(better, ms[k], m)
            tb = jnp.where(better, tbs[k], tb)
        idx = tb + lane
        best = jnp.max(m)
        cand = jnp.where(m == best, idx, jnp.int32(2**30))
        tok = jnp.min(cand)
        out_v[...] = jnp.full((16,), tok, jnp.int32)
        pltpu.sync_copy(out_v, out_hbm.at[r])


@jax.jit
def _sampler(logits_flat, g_flat, invt16):
    run = pl.kernel(
        _sampler_body,
        out_type=jax.ShapeDtypeStruct((ROWS, 16), jnp.int32),
        mesh=plsc.VectorSubcoreMesh(core_axis_name="c", subcore_axis_name="s",
                                    num_cores=2, num_subcores=16),
        scratch_types=[
            pltpu.VMEM((2, CHUNK), jnp.float32),
            pltpu.VMEM((2, CHUNK), jnp.float32),
            pltpu.VMEM((16,), jnp.float32),
            pltpu.VMEM((16,), jnp.int32),
            pltpu.SemaphoreType.DMA,
            pltpu.SemaphoreType.DMA,
            pltpu.SemaphoreType.DMA,
            pltpu.SemaphoreType.DMA,
        ],
        compiler_params=pltpu.CompilerParams(needs_layout_passes=False,
                                             use_tc_tiling_on_sc=False),
    )
    return run(logits_flat, g_flat, invt16)


def kernel(logits, temperatures):
    g = _gumbel_const()
    invt = jnp.where(temperatures == 0, jnp.float32(2.0**40),
                     1.0 / temperatures)
    invt16 = jnp.broadcast_to(invt[:, None], (ROWS, 16))
    out = _sampler(logits.reshape(ROWS * COLS), g, invt16)
    return out[:, 0]

# --- scband reference (transcript-rebuilt; emitter-appended) ---
"""Pipeline reference for scband-sampler-3848290697831 (READ-ONLY COPY).

The authoritative reference and input builder live on the scoring server;
editing this copy changes nothing except your own understanding.
"""

import jax, jax.numpy as jnp
import numpy as np


def setup_inputs(seed: int = 0) -> dict:
    key = jax.random.key(seed)
    k1, k2 = jax.random.split(key)
    logits = jax.random.normal(k1, (64, 100000), dtype=jnp.float32)
    temperatures = jax.random.uniform(k2, (64,), dtype=jnp.float32)
    return {"logits": logits, "temperatures": temperatures}


def reference(logits, temperatures):
    greedy_mask = temperatures == 0
    safe_temperatures = jnp.where(greedy_mask, jnp.float32(1.0), temperatures)
    scaled_logits = logits.astype(jnp.float32) / safe_temperatures[:, None]
    probs = jax.nn.softmax(scaled_logits, axis=-1)
    gumbel_noise = jax.random.exponential(jax.random.key(42), probs.shape, dtype=jnp.float32)
    gumbel_noise = jnp.clip(gumbel_noise, 1e-10, None)
    sampled_tokens = jnp.argmax(probs / gumbel_noise, axis=-1)
    greedy_tokens = jnp.argmax(logits, axis=-1)
    sampled_tokens = jnp.where(greedy_mask, greedy_tokens, sampled_tokens)
    return sampled_tokens

if __name__ == "__main__":
    import jax
    _d = setup_inputs()
    print(jax.jit(kernel)(*tuple(_d.values())))

</pallas_src>

<mosaic_0001>
#map = affine_map<(d0, d1) -> (0)>
#map1 = affine_map<(d0, d1) -> (0, 0)>
module attributes {stable_mosaic.version = 14 : i64} {
  func.func @_sampler_body(%arg0: i32, %arg1: i32, %arg2: memref<6400000xf32, #tpu.memory_space<hbm>>, %arg3: memref<6400000xf32, #tpu.memory_space<hbm>>, %arg4: memref<64x16xf32, #tpu.memory_space<hbm>>, %arg5: memref<64x16xi32, #tpu.memory_space<hbm>>, %arg6: memref<2x10000xf32, #tpu.memory_space<vmem>>, %arg7: memref<2x10000xf32, #tpu.memory_space<vmem>>, %arg8: memref<16xf32, #tpu.memory_space<vmem>>, %arg9: memref<16xi32, #tpu.memory_space<vmem>>, %arg10: memref<!tpu.dma_semaphore, #tpu.memory_space<semaphore_mem>>, %arg11: memref<!tpu.dma_semaphore, #tpu.memory_space<semaphore_mem>>, %arg12: memref<!tpu.dma_semaphore, #tpu.memory_space<semaphore_mem>>, %arg13: memref<!tpu.dma_semaphore, #tpu.memory_space<semaphore_mem>>) attributes {dimension_semantics = [#tpu.dimension_semantics<core_parallel>, #tpu.dimension_semantics<subcore_parallel>], iteration_bounds = array<i64: 2, 16>, scalar_prefetch = 0 : i64, scratch_operands = 8 : i64, tpu.core_type = #tpu.core_type<sc_vector_subcore>, window_params = [{transform_indices = #map}, {transform_indices = #map}, {transform_indices = #map1}, {transform_indices = #map1}]} {
    %mul3A = arith.constant 2 : i32
    %mul3A_0 = arith.muli %arg1, %mul3A : i32
    %add3A = arith.addi %mul3A_0, %arg0 : i32
    %mul3A_1 = arith.constant 200000 : i32
    %mul3A_2 = arith.muli %add3A, %mul3A_1 : i32
    %add3A_3 = arith.constant 0 : i32
    %add3A_4 = arith.addi %mul3A_2, %add3A_3 : i32
    %dma_start3A = arith.constant 0 : i32
    %dma_start3A_5 = arith.constant 0 : i32
    %dma_start3A_6 = tpu.memref_slice %arg6[%dma_start3A, %dma_start3A_5] : memref<2x10000xf32, #tpu.memory_space<vmem>> -> memref<1x10000xf32, #tpu.memory_space<vmem>>
    %dma_start3A_7 = tpu.memref_squeeze %dma_start3A_6 : memref<1x10000xf32, #tpu.memory_space<vmem>> -> memref<10000xf32, #tpu.memory_space<vmem>>
    %dma_start3A_8 = tpu.memref_slice %arg2[%add3A_4] : memref<6400000xf32, #tpu.memory_space<hbm>> -> memref<10000xf32, #tpu.memory_space<hbm>>
    %dma_start3A_9 = arith.constant 0 : i32
    %dma_start3A_10 = tpu.memref_slice %arg6[%dma_start3A, %dma_start3A_9] : memref<2x10000xf32, #tpu.memory_space<vmem>> -> memref<1x10000xf32, #tpu.memory_space<vmem>>
    %dma_start3A_11 = tpu.memref_squeeze %dma_start3A_10 : memref<1x10000xf32, #tpu.memory_space<vmem>> -> memref<10000xf32, #tpu.memory_space<vmem>>
    %dma_start3A_12 = tpu.memref_slice %arg2[%add3A_4] : memref<6400000xf32, #tpu.memory_space<hbm>> -> memref<10000xf32, #tpu.memory_space<hbm>>
    tpu.enqueue_dma source(%dma_start3A_12 : memref<10000xf32, #tpu.memory_space<hbm>>) target(%dma_start3A_11 : memref<10000xf32, #tpu.memory_space<vmem>>) target_semaphore(%arg10 : memref<!tpu.dma_semaphore, #tpu.memory_space<semaphore_mem>>)
    %dma_start3A_13 = arith.constant 0 : i32
    %dma_start3A_14 = arith.constant 0 : i32
    %dma_start3A_15 = tpu.memref_slice %arg7[%dma_start3A_13, %dma_start3A_14] : memref<2x10000xf32, #tpu.memory_space<vmem>> -> memref<1x10000xf32, #tpu.memory_space<vmem>>
    %dma_start3A_16 = tpu.memref_squeeze %dma_start3A_15 : memref<1x10000xf32, #tpu.memory_space<vmem>> -> memref<10000xf32, #tpu.memory_space<vmem>>
    %dma_start3A_17 = tpu.memref_slice %arg3[%add3A_4] : memref<6400000xf32, #tpu.memory_space<hbm>> -> memref<10000xf32, #tpu.memory_space<hbm>>
    %dma_start3A_18 = arith.constant 0 : i32
    %dma_start3A_19 = tpu.memref_slice %arg7[%dma_start3A_13, %dma_start3A_18] : memref<2x10000xf32, #tpu.memory_space<vmem>> -> memref<1x10000xf32, #tpu.memory_space<vmem>>
    %dma_start3A_20 = tpu.memref_squeeze %dma_start3A_19 : memref<1x10000xf32, #tpu.memory_space<vmem>> -> memref<10000xf32, #tpu.memory_space<vmem>>
    %dma_start3A_21 = tpu.memref_slice %arg3[%add3A_4] : memref<6400000xf32, #tpu.memory_space<hbm>> -> memref<10000xf32, #tpu.memory_space<hbm>>
    tpu.enqueue_dma source(%dma_start3A_21 : memref<10000xf32, #tpu.memory_space<hbm>>) target(%dma_start3A_20 : memref<10000xf32, #tpu.memory_space<vmem>>) target_semaphore(%arg12 : memref<!tpu.dma_semaphore, #tpu.memory_space<semaphore_mem>>)
    %iota3A = tpu.iota {dimensions = array<i32: 0>} : vector<16xi32>
    %broadcast_in_dim3A = arith.constant 0xFF800000 : f32
    %broadcast_in_dim3A_22 = vector.broadcast %broadcast_in_dim3A : f32 to vector<16xf32>
    %broadcast_in_dim3A_23 = arith.constant 0 : i32
    %broadcast_in_dim3A_24 = vector.broadcast %broadcast_in_dim3A_23 : i32 to vector<16xi32>
    %mul3A_25 = arith.constant 2 : i32
    %mul3A_26 = arith.muli %add3A, %mul3A_25 : i32
    %add3A_27 = arith.constant 0 : i32
    %add3A_28 = arith.addi %mul3A_26, %add3A_27 : i32
    "tpu.region"() ({
      %run_scoped3A = tpu.sem_alloc : memref<!tpu.dma_semaphore, #tpu.memory_space<semaphore_mem>>
      %dma_start3A_968 = arith.constant 0 : i32
      %dma_start3A_969 = tpu.memref_slice %arg4[%add3A_28, %dma_start3A_968] : memref<64x16xf32, #tpu.memory_space<hbm>> -> memref<1x16xf32, #tpu.memory_space<hbm>>
      %dma_start3A_970 = tpu.memref_squeeze %dma_start3A_969 : memref<1x16xf32, #tpu.memory_space<hbm>> -> memref<16xf32, #tpu.memory_space<hbm>>
      %dma_start3A_971 = arith.constant 0 : i32
      %dma_start3A_972 = tpu.memref_slice %arg4[%add3A_28, %dma_start3A_971] : memref<64x16xf32, #tpu.memory_space<hbm>> -> memref<1x16xf32, #tpu.memory_space<hbm>>
      %dma_start3A_973 = tpu.memref_squeeze %dma_start3A_972 : memref<1x16xf32, #tpu.memory_space<hbm>> -> memref<16xf32, #tpu.memory_space<hbm>>
      tpu.enqueue_dma source(%dma_start3A_973 : memref<16xf32, #tpu.memory_space<hbm>>) target(%arg8 : memref<16xf32, #tpu.memory_space<vmem>>) target_semaphore(%run_scoped3A : memref<!tpu.dma_semaphore, #tpu.memory_space<semaphore_mem>>)
      %dma_wait3A_974 = arith.constant 0 : i32
      %dma_wait3A_975 = tpu.memref_slice %arg4[%add3A_28, %dma_wait3A_974] : memref<64x16xf32, #tpu.memory_space<hbm>> -> memref<1x16xf32, #tpu.memory_space<hbm>>
      %dma_wait3A_976 = tpu.memref_squeeze %dma_wait3A_975 : memref<1x16xf32, #tpu.memory_space<hbm>> -> memref<16xf32, #tpu.memory_space<hbm>>
      %dma_wait3A_977 = arith.constant 0 : i32
      %dma_wait3A_978 = tpu.memref_slice %arg4[%add3A_28, %dma_wait3A_977] : memref<64x16xf32, #tpu.memory_space<hbm>> -> memref<1x16xf32, #tpu.memory_space<hbm>>
      %dma_wait3A_979 = tpu.memref_squeeze %dma_wait3A_978 : memref<1x16xf32, #tpu.memory_space<hbm>> -> memref<16xf32, #tpu.memory_space<hbm>>
      tpu.wait_dma2 semaphore(%run_scoped3A : memref<!tpu.dma_semaphore, #tpu.memory_space<semaphore_mem>>) src(%dma_wait3A_979 : memref<16xf32, #tpu.memory_space<hbm>>) dst(%arg8 : memref<16xf32, #tpu.memory_space<vmem>>)
      tpu.yield
    }) : () -> ()
    %get3A = arith.constant 0 : index
    %get3A_29 = tpu.vector_load %arg8[%get3A] {strides = array<i32>} : memref<16xf32, #tpu.memory_space<vmem>>, vector<16xf32>,
    %add3A_30 = arith.constant 10000 : i32
    %add3A_31 = arith.addi %mul3A_2, %add3A_30 : i32
    %dma_start3A_32 = arith.constant 1 : i32
    %dma_start3A_33 = arith.constant 0 : i32
    %dma_start3A_34 = tpu.memref_slice %arg6[%dma_start3A_32, %dma_start3A_33] : memref<2x10000xf32, #tpu.memory_space<vmem>> -> memref<1x10000xf32, #tpu.memory_space<vmem>>
    %dma_start3A_35 = tpu.memref_squeeze %dma_start3A_34 : memref<1x10000xf32, #tpu.memory_space<vmem>> -> memref<10000xf32, #tpu.memory_space<vmem>>
    %dma_start3A_36 = tpu.memref_slice %arg2[%add3A_31] : memref<6400000xf32, #tpu.memory_space<hbm>> -> memref<10000xf32, #tpu.memory_space<hbm>>
    %dma_start3A_37 = arith.constant 0 : i32
    %dma_start3A_38 = tpu.memref_slice %arg6[%dma_start3A_32, %dma_start3A_37] : memref<2x10000xf32, #tpu.memory_space<vmem>> -> memref<1x10000xf32, #tpu.memory_space<vmem>>
    %dma_start3A_39 = tpu.memref_squeeze %dma_start3A_38 : memref<1x10000xf32, #tpu.memory_space<vmem>> -> memref<10000xf32, #tpu.memory_space<vmem>>
    %dma_start3A_40 = tpu.memref_slice %arg2[%add3A_31] : memref<6400000xf32, #tpu.memory_space<hbm>> -> memref<10000xf32, #tpu.memory_space<hbm>>
    tpu.enqueue_dma source(%dma_start3A_40 : memref<10000xf32, #tpu.memory_space<hbm>>) target(%dma_start3A_39 : memref<10000xf32, #tpu.memory_space<vmem>>) target_semaphore(%arg11 : memref<!tpu.dma_semaphore, #tpu.memory_space<semaphore_mem>>)
    %dma_start3A_41 = arith.constant 1 : i32
    %dma_start3A_42 = arith.constant 0 : i32
    %dma_start3A_43 = tpu.memref_slice %arg7[%dma_start3A_41, %dma_start3A_42] : memref<2x10000xf32, #tpu.memory_space<vmem>> -> memref<1x10000xf32, #tpu.memory_space<vmem>>
    %dma_start3A_44 = tpu.memref_squeeze %dma_start3A_43 : memref<1x10000xf32, #tpu.memory_space<vmem>> -> memref<10000xf32, #tpu.memory_space<vmem>>
    %dma_start3A_45 = tpu.memref_slice %arg3[%add3A_31] : memref<6400000xf32, #tpu.memory_space<hbm>> -> memref<10000xf32, #tpu.memory_space<hbm>>
    %dma_start3A_46 = arith.constant 0 : i32
    %dma_start3A_47 = tpu.memref_slice %arg7[%dma_start3A_41, %dma_start3A_46] : memref<2x10000xf32, #tpu.memory_space<vmem>> -> memref<1x10000xf32, #tpu.memory_space<vmem>>
    %dma_start3A_48 = tpu.memref_squeeze %dma_start3A_47 : memref<1x10000xf32, #tpu.memory_space<vmem>> -> memref<10000xf32, #tpu.memory_space<vmem>>
    %dma_start3A_49 = tpu.memref_slice %arg3[%add3A_31] : memref<6400000xf32, #tpu.memory_space<hbm>> -> memref<10000xf32, #tpu.memory_space<hbm>>
    tpu.enqueue_dma source(%dma_start3A_49 : memref<10000xf32, #tpu.memory_space<hbm>>) target(%dma_start3A_48 : memref<10000xf32, #tpu.memory_space<vmem>>) target_semaphore(%arg13 : memref<!tpu.dma_semaphore, #tpu.memory_space<semaphore_mem>>)
    %dma_wait3A = arith.constant 0 : i32
    %dma_wait3A_50 = arith.constant 0 : i32
    %dma_wait3A_51 = tpu.memref_slice %arg6[%dma_wait3A, %dma_wait3A_50] : memref<2x10000xf32, #tpu.memory_space<vmem>> -> memref<1x10000xf32, #tpu.memory_space<vmem>>
    %dma_wait3A_52 = tpu.memref_squeeze %dma_wait3A_51 : memref<1x10000xf32, #tpu.memory_space<vmem>> -> memref<10000xf32, #tpu.memory_space<vmem>>
    %dma_wait3A_53 = tpu.memref_slice %arg2[%add3A_4] : memref<6400000xf32, #tpu.memory_space<hbm>> -> memref<10000xf32, #tpu.memory_space<hbm>>
    %dma_wait3A_54 = arith.constant 0 : i32
    %dma_wait3A_55 = tpu.memref_slice %arg6[%dma_wait3A, %dma_wait3A_54] : memref<2x10000xf32, #tpu.memory_space<vmem>> -> memref<1x10000xf32, #tpu.memory_space<vmem>>
    %dma_wait3A_56 = tpu.memref_squeeze %dma_wait3A_55 : memref<1x10000xf32, #tpu.memory_space<vmem>> -> memref<10000xf32, #tpu.memory_space<vmem>>
    %dma_wait3A_57 = tpu.memref_slice %arg2[%add3A_4] : memref<6400000xf32, #tpu.memory_space<hbm>> -> memref<10000xf32, #tpu.memory_space<hbm>>
    tpu.wait_dma2 semaphore(%arg10 : memref<!tpu.dma_semaphore, #tpu.memory_space<semaphore_mem>>) src(%dma_wait3A_57 : memref<10000xf32, #tpu.memory_space<hbm>>) dst(%dma_wait3A_56 : memref<10000xf32, #tpu.memory_space<vmem>>)
    %dma_wait3A_58 = arith.constant 0 : i32
    %dma_wait3A_59 = arith.constant 0 : i32
    %dma_wait3A_60 = tpu.memref_slice %arg7[%dma_wait3A_58, %dma_wait3A_59] : memref<2x10000xf32, #tpu.memory_space<vmem>> -> memref<1x10000xf32, #tpu.memory_space<vmem>>
    %dma_wait3A_61 = tpu.memref_squeeze %dma_wait3A_60 : memref<1x10000xf32, #tpu.memory_space<vmem>> -> memref<10000xf32, #tpu.memory_space<vmem>>
    %dma_wait3A_62 = tpu.memref_slice %arg3[%add3A_4] : memref<6400000xf32, #tpu.memory_space<hbm>> -> memref<10000xf32, #tpu.memory_space<hbm>>
    %dma_wait3A_63 = arith.constant 0 : i32
    %dma_wait3A_64 = tpu.memref_slice %arg7[%dma_wait3A_58, %dma_wait3A_63] : memref<2x10000xf32, #tpu.memory_space<vmem>> -> memref<1x10000xf32, #tpu.memory_space<vmem>>
    %dma_wait3A_65 = tpu.memref_squeeze %dma_wait3A_64 : memref<1x10000xf32, #tpu.memory_space<vmem>> -> memref<10000xf32, #tpu.memory_space<vmem>>
    %dma_wait3A_66 = tpu.memref_slice %arg3[%add3A_4] : memref<6400000xf32, #tpu.memory_space<hbm>> -> memref<10000xf32, #tpu.memory_space<hbm>>
    tpu.wait_dma2 semaphore(%arg12 : memref<!tpu.dma_semaphore, #tpu.memory_space<semaphore_mem>>) src(%dma_wait3A_66 : memref<10000xf32, #tpu.memory_space<hbm>>) dst(%dma_wait3A_65 : memref<10000xf32, #tpu.memory_space<vmem>>)
    %scan3A = arith.constant 0 : i32
    %scan3A_67 = arith.constant 156 : i32
    %scan3A_68 = arith.addi %scan3A, %scan3A_67 : i32
    %scan3A_69 = arith.constant 1 : i32
    %scan3A_70:8 = scf.for %scan3A_968 = %scan3A to %scan3A_68 step %scan3A_69 iter_args(%scan3A_969 = %broadcast_in_dim3A_22, %scan3A_970 = %broadcast_in_dim3A_22, %scan3A_971 = %broadcast_in_dim3A_22, %scan3A_972 = %broadcast_in_dim3A_22, %scan3A_973 = %broadcast_in_dim3A_24, %scan3A_974 = %broadcast_in_dim3A_24, %scan3A_975 = %broadcast_in_dim3A_24, %scan3A_976 = %broadcast_in_dim3A_24) -> (vector<16xf32>, vector<16xf32>, vector<16xf32>, vector<16xf32>, vector<16xi32>, vector<16xi32>, vector<16xi32>, vector<16xi32>)  : i32 {
      %mul3A_977 = arith.constant 64 : i32
      %mul3A_978 = arith.muli %scan3A_968, %mul3A_977 : i32
      %add3A_979 = arith.constant 0 : i32
      %add3A_980 = arith.addi %mul3A_978, %add3A_979 : i32
      %get3A_981 = arith.constant 0 : i32
      %get3A_982 = arith.index_cast %get3A_981 : i32 to index
      %get3A_983 = arith.index_cast %add3A_980 : i32 to index
      %get3A_984 = tpu.vector_load %arg6[%get3A_982, %get3A_983] {strides = array<i32>} : memref<2x10000xf32, #tpu.memory_space<vmem>>, vector<16xf32>,
      %add3A_985 = arith.constant 0 : i32
      %add3A_986 = arith.addi %mul3A_978, %add3A_985 : i32
      %get3A_987 = arith.constant 0 : i32
      %get3A_988 = arith.index_cast %get3A_987 : i32 to index
      %get3A_989 = arith.index_cast %add3A_986 : i32 to index
      %get3A_990 = tpu.vector_load %arg7[%get3A_988, %get3A_989] {strides = array<i32>} : memref<2x10000xf32, #tpu.memory_space<vmem>>, vector<16xf32>,
      %mul3A_991 = arith.mulf %get3A_984, %get3A_29 : vector<16xf32>
      %add3A_992 = arith.addf %mul3A_991, %get3A_990 : vector<16xf32>
      %gt3A_993 = arith.cmpf ogt, %add3A_992, %scan3A_969 : vector<16xf32>
      %select_n3A_994 = arith.select %gt3A_993, %add3A_992, %scan3A_969 : vector<16xi1>, vector<16xf32>
      %add3A_995 = arith.constant 0 : i32
      %add3A_996 = arith.addi %add3A_995, %mul3A_978 : i32
      %broadcast_in_dim3A_997 = vector.broadcast %add3A_996 : i32 to vector<16xi32>
      %select_n3A_998 = arith.select %gt3A_993, %broadcast_in_dim3A_997, %scan3A_973 : vector<16xi1>, vector<16xi32>
      %add3A_999 = arith.constant 16 : i32
      %add3A_1000 = arith.addi %mul3A_978, %add3A_999 : i32
      %get3A_1001 = arith.constant 0 : i32
      %get3A_1002 = arith.index_cast %get3A_1001 : i32 to index
      %get3A_1003 = arith.index_cast %add3A_1000 : i32 to index
      %get3A_1004 = tpu.vector_load %arg6[%get3A_1002, %get3A_1003] {strides = array<i32>} : memref<2x10000xf32, #tpu.memory_space<vmem>>, vector<16xf32>,
      %add3A_1005 = arith.constant 16 : i32
      %add3A_1006 = arith.addi %mul3A_978, %add3A_1005 : i32
      %get3A_1007 = arith.constant 0 : i32
      %get3A_1008 = arith.index_cast %get3A_1007 : i32 to index
      %get3A_1009 = arith.index_cast %add3A_1006 : i32 to index
      %get3A_1010 = tpu.vector_load %arg7[%get3A_1008, %get3A_1009] {strides = array<i32>} : memref<2x10000xf32, #tpu.memory_space<vmem>>, vector<16xf32>,
      %mul3A_1011 = arith.mulf %get3A_1004, %get3A_29 : vector<16xf32>
      %add3A_1012 = arith.addf %mul3A_1011, %get3A_1010 : vector<16xf32>
      %gt3A_1013 = arith.cmpf ogt, %add3A_1012, %scan3A_970 : vector<16xf32>
      %select_n3A_1014 = arith.select %gt3A_1013, %add3A_1012, %scan3A_970 : vector<16xi1>, vector<16xf32>
      %add3A_1015 = arith.constant 16 : i32
      %add3A_1016 = arith.addi %add3A_1015, %mul3A_978 : i32
      %broadcast_in_dim3A_1017 = vector.broadcast %add3A_1016 : i32 to vector<16xi32>
      %select_n3A_1018 = arith.select %gt3A_1013, %broadcast_in_dim3A_1017, %scan3A_974 : vector<16xi1>, vector<16xi32>
      %add3A_1019 = arith.constant 32 : i32
      %add3A_1020 = arith.addi %mul3A_978, %add3A_1019 : i32
      %get3A_1021 = arith.constant 0 : i32
      %get3A_1022 = arith.index_cast %get3A_1021 : i32 to index
      %get3A_1023 = arith.index_cast %add3A_1020 : i32 to index
      %get3A_1024 = tpu.vector_load %arg6[%get3A_1022, %get3A_1023] {strides = array<i32>} : memref<2x10000xf32, #tpu.memory_space<vmem>>, vector<16xf32>,
      %add3A_1025 = arith.constant 32 : i32
      %add3A_1026 = arith.addi %mul3A_978, %add3A_1025 : i32
      %get3A_1027 = arith.constant 0 : i32
      %get3A_1028 = arith.index_cast %get3A_1027 : i32 to index
      %get3A_1029 = arith.index_cast %add3A_1026 : i32 to index
      %get3A_1030 = tpu.vector_load %arg7[%get3A_1028, %get3A_1029] {strides = array<i32>} : memref<2x10000xf32, #tpu.memory_space<vmem>>, vector<16xf32>,
      %mul3A_1031 = arith.mulf %get3A_1024, %get3A_29 : vector<16xf32>
      %add3A_1032 = arith.addf %mul3A_1031, %get3A_1030 : vector<16xf32>
      %gt3A_1033 = arith.cmpf ogt, %add3A_1032, %scan3A_971 : vector<16xf32>
      %select_n3A_1034 = arith.select %gt3A_1033, %add3A_1032, %scan3A_971 : vector<16xi1>, vector<16xf32>
      %add3A_1035 = arith.constant 32 : i32
      %add3A_1036 = arith.addi %add3A_1035, %mul3A_978 : i32
      %broadcast_in_dim3A_1037 = vector.broadcast %add3A_1036 : i32 to vector<16xi32>
      %select_n3A_1038 = arith.select %gt3A_1033, %broadcast_in_dim3A_1037, %scan3A_975 : vector<16xi1>, vector<16xi32>
      %add3A_1039 = arith.constant 48 : i32
      %add3A_1040 = arith.addi %mul3A_978, %add3A_1039 : i32
      %get3A_1041 = arith.constant 0 : i32
      %get3A_1042 = arith.index_cast %get3A_1041 : i32 to index
      %get3A_1043 = arith.index_cast %add3A_1040 : i32 to index
      %get3A_1044 = tpu.vector_load %arg6[%get3A_1042, %get3A_1043] {strides = array<i32>} : memref<2x10000xf32, #tpu.memory_space<vmem>>, vector<16xf32>,
      %add3A_1045 = arith.constant 48 : i32
      %add3A_1046 = arith.addi %mul3A_978, %add3A_1045 : i32
      %get3A_1047 = arith.constant 0 : i32
      %get3A_1048 = arith.index_cast %get3A_1047 : i32 to index
      %get3A_1049 = arith.index_cast %add3A_1046 : i32 to index
      %get3A_1050 = tpu.vector_load %arg7[%get3A_1048, %get3A_1049] {strides = array<i32>} : memref<2x10000xf32, #tpu.memory_space<vmem>>, vector<16xf32>,
      %mul3A_1051 = arith.mulf %get3A_1044, %get3A_29 : vector<16xf32>
      %add3A_1052 = arith.addf %mul3A_1051, %get3A_1050 : vector<16xf32>
      %gt3A_1053 = arith.cmpf ogt, %add3A_1052, %scan3A_972 : vector<16xf32>
      %select_n3A_1054 = arith.select %gt3A_1053, %add3A_1052, %scan3A_972 : vector<16xi1>, vector<16xf32>
      %add3A_1055 = arith.constant 48 : i32
      %add3A_1056 = arith.addi %add3A_1055, %mul3A_978 : i32
      %broadcast_in_dim3A_1057 = vector.broadcast %add3A_1056 : i32 to vector<16xi32>
      %select_n3A_1058 = arith.select %gt3A_1053, %broadcast_in_dim3A_1057, %scan3A_976 : vector<16xi1>, vector<16xi32>
      scf.yield %select_n3A_994, %select_n3A_1014, %select_n3A_1034, %select_n3A_1054, %select_n3A_998, %select_n3A_1018, %select_n3A_1038, %select_n3A_1058 : vector<16xf32>, vector<16xf32>, vector<16xf32>, vector<16xf32>, vector<16xi32>, vector<16xi32>, vector<16xi32>, vector<16xi32>
    }
    %scan3A_71 = arith.constant 156 : i32
    %add3A_72 = arith.constant 20000 : i32
    %add3A_73 = arith.addi %mul3A_2, %add3A_72 : i32
    %dma_start3A_74 = arith.constant 0 : i32
    %dma_start3A_75 = arith.constant 0 : i32
    %dma_start3A_76 = tpu.memref_slice %arg6[%dma_start3A_74, %dma_start3A_75] : memref<2x10000xf32, #tpu.memory_space<vmem>> -> memref<1x10000xf32, #tpu.memory_space<vmem>>
    %dma_start3A_77 = tpu.memref_squeeze %dma_start3A_76 : memref<1x10000xf32, #tpu.memory_space<vmem>> -> memref<10000xf32, #tpu.memory_space<vmem>>
    %dma_start3A_78 = tpu.memref_slice %arg2[%add3A_73] : memref<6400000xf32, #tpu.memory_space<hbm>> -> memref<10000xf32, #tpu.memory_space<hbm>>
    %dma_start3A_79 = arith.constant 0 : i32
    %dma_start3A_80 = tpu.memref_slice %arg6[%dma_start3A_74, %dma_start3A_79] : memref<2x10000xf32, #tpu.memory_space<vmem>> -> memref<1x10000xf32, #tpu.memory_space<vmem>>
    %dma_start3A_81 = tpu.memref_squeeze %dma_start3A_80 : memref<1x10000xf32, #tpu.memory_space<vmem>> -> memref<10000xf32, #tpu.memory_space<vmem>>
    %dma_start3A_82 = tpu.memref_slice %arg2[%add3A_73] : memref<6400000xf32, #tpu.memory_space<hbm>> -> memref<10000xf32, #tpu.memory_space<hbm>>
    tpu.enqueue_dma source(%dma_start3A_82 : memref<10000xf32, #tpu.memory_space<hbm>>) target(%dma_start3A_81 : memref<10000xf32, #tpu.memory_space<vmem>>) target_semaphore(%arg10 : memref<!tpu.dma_semaphore, #tpu.memory_space<semaphore_mem>>)
    %dma_start3A_83 = arith.constant 0 : i32
    %dma_start3A_84 = arith.constant 0 : i32
    %dma_start3A_85 = tpu.memref_slice %arg7[%dma_start3A_83, %dma_start3A_84] : memref<2x10000xf32, #tpu.memory_space<vmem>> -> memref<1x10000xf32, #tpu.memory_space<vmem>>
    %dma_start3A_86 = tpu.memref_squeeze %dma_start3A_85 : memref<1x10000xf32, #tpu.memory_space<vmem>> -> memref<10000xf32, #tpu.memory_space<vmem>>
    %dma_start3A_87 = tpu.memref_slice %arg3[%add3A_73] : memref<6400000xf32, #tpu.memory_space<hbm>> -> memref<10000xf32, #tpu.memory_space<hbm>>
    %dma_start3A_88 = arith.constant 0 : i32
    %dma_start3A_89 = tpu.memref_slice %arg7[%dma_start3A_83, %dma_start3A_88] : memref<2x10000xf32, #tpu.memory_space<vmem>> -> memref<1x10000xf32, #tpu.memory_space<vmem>>
    %dma_start3A_90 = tpu.memref_squeeze %dma_start3A_89 : memref<1x10000xf32, #tpu.memory_space<vmem>> -> memref<10000xf32, #tpu.memory_space<vmem>>
    %dma_start3A_91 = tpu.memref_slice %arg3[%add3A_73] : memref<6400000xf32, #tpu.memory_space<hbm>> -> memref<10000xf32, #tpu.memory_space<hbm>>
    tpu.enqueue_dma source(%dma_start3A_91 : memref<10000xf32, #tpu.memory_space<hbm>>) target(%dma_start3A_90 : memref<10000xf32, #tpu.memory_space<vmem>>) target_semaphore(%arg12 : memref<!tpu.dma_semaphore, #tpu.memory_space<semaphore_mem>>)
    %dma_wait3A_92 = arith.constant 1 : i32
    %dma_wait3A_93 = arith.constant 0 : i32
    %dma_wait3A_94 = tpu.memref_slice %arg6[%dma_wait3A_92, %dma_wait3A_93] : memref<2x10000xf32, #tpu.memory_space<vmem>> -> memref<1x10000xf32, #tpu.memory_space<vmem>>
    %dma_wait3A_95 = tpu.memref_squeeze %dma_wait3A_94 : memref<1x10000xf32, #tpu.memory_space<vmem>> -> memref<10000xf32, #tpu.memory_space<vmem>>
    %dma_wait3A_96 = tpu.memref_slice %arg2[%add3A_31] : memref<6400000xf32, #tpu.memory_space<hbm>> -> memref<10000xf32, #tpu.memory_space<hbm>>
    %dma_wait3A_97 = arith.constant 0 : i32
    %dma_wait3A_98 = tpu.memref_slice %arg6[%dma_wait3A_92, %dma_wait3A_97] : memref<2x10000xf32, #tpu.memory_space<vmem>> -> memref<1x10000xf32, #tpu.memory_space<vmem>>
    %dma_wait3A_99 = tpu.memref_squeeze %dma_wait3A_98 : memref<1x10000xf32, #tpu.memory_space<vmem>> -> memref<10000xf32, #tpu.memory_space<vmem>>
    %dma_wait3A_100 = tpu.memref_slice %arg2[%add3A_31] : memref<6400000xf32, #tpu.memory_space<hbm>> -> memref<10000xf32, #tpu.memory_space<hbm>>
    tpu.wait_dma2 semaphore(%arg11 : memref<!tpu.dma_semaphore, #tpu.memory_space<semaphore_mem>>) src(%dma_wait3A_100 : memref<10000xf32, #tpu.memory_space<hbm>>) dst(%dma_wait3A_99 : memref<10000xf32, #tpu.memory_space<vmem>>)
    %dma_wait3A_101 = arith.constant 1 : i32
    %dma_wait3A_102 = arith.constant 0 : i32
    %dma_wait3A_103 = tpu.memref_slice %arg7[%dma_wait3A_101, %dma_wait3A_102] : memref<2x10000xf32, #tpu.memory_space<vmem>> -> memref<1x10000xf32, #tpu.memory_space<vmem>>
    %dma_wait3A_104 = tpu.memref_squeeze %dma_wait3A_103 : memref<1x10000xf32, #tpu.memory_space<vmem>> -> memref<10000xf32, #tpu.memory_space<vmem>>
    %dma_wait3A_105 = tpu.memref_slice %arg3[%add3A_31] : memref<6400000xf32, #tpu.memory_space<hbm>> -> memref<10000xf32, #tpu.memory_space<hbm>>
    %dma_wait3A_106 = arith.constant 0 : i32
    %dma_wait3A_107 = tpu.memref_slice %arg7[%dma_wait3A_101, %dma_wait3A_106] : memref<2x10000xf32, #tpu.memory_space<vmem>> -> memref<1x10000xf32, #tpu.memory_space<vmem>>
    %dma_wait3A_108 = tpu.memref_squeeze %dma_wait3A_107 : memref<1x10000xf32, #tpu.memory_space<vmem>> -> memref<10000xf32, #tpu.memory_space<vmem>>
    %dma_wait3A_109 = tpu.memref_slice %arg3[%add3A_31] : memref<6400000xf32, #tpu.memory_space<hbm>> -> memref<10000xf32, #tpu.memory_space<hbm>>
    tpu.wait_dma2 semaphore(%arg13 : memref<!tpu.dma_semaphore, #tpu.memory_space<semaphore_mem>>) src(%dma_wait3A_109 : memref<10000xf32, #tpu.memory_space<hbm>>) dst(%dma_wait3A_108 : memref<10000xf32, #tpu.memory_space<vmem>>)
    %scan3A_110 = arith.constant 0 : i32
    %scan3A_111 = arith.constant 156 : i32
    %scan3A_112 = arith.addi %scan3A_110, %scan3A_111 : i32
    %scan3A_113 = arith.constant 1 : i32
    %scan3A_114:8 = scf.for %scan3A_968 = %scan3A_110 to %scan3A_112 step %scan3A_113 iter_args(%scan3A_969 = %scan3A_70#0, %scan3A_970 = %scan3A_70#1, %scan3A_971 = %scan3A_70#2, %scan3A_972 = %scan3A_70#3, %scan3A_973 = %scan3A_70#4, %scan3A_974 = %scan3A_70#5, %scan3A_975 = %scan3A_70#6, %scan3A_976 = %scan3A_70#7) -> (vector<16xf32>, vector<16xf32>, vector<16xf32>, vector<16xf32>, vector<16xi32>, vector<16xi32>, vector<16xi32>, vector<16xi32>)  : i32 {
      %mul3A_977 = arith.constant 64 : i32
      %mul3A_978 = arith.muli %scan3A_968, %mul3A_977 : i32
      %add3A_979 = arith.constant 0 : i32
      %add3A_980 = arith.addi %mul3A_978, %add3A_979 : i32
      %get3A_981 = arith.constant 1 : i32
      %get3A_982 = arith.index_cast %get3A_981 : i32 to index
      %get3A_983 = arith.index_cast %add3A_980 : i32 to index
      %get3A_984 = tpu.vector_load %arg6[%get3A_982, %get3A_983] {strides = array<i32>} : memref<2x10000xf32, #tpu.memory_space<vmem>>, vector<16xf32>,
      %add3A_985 = arith.constant 0 : i32
      %add3A_986 = arith.addi %mul3A_978, %add3A_985 : i32
      %get3A_987 = arith.constant 1 : i32
      %get3A_988 = arith.index_cast %get3A_987 : i32 to index
      %get3A_989 = arith.index_cast %add3A_986 : i32 to index
      %get3A_990 = tpu.vector_load %arg7[%get3A_988, %get3A_989] {strides = array<i32>} : memref<2x10000xf32, #tpu.memory_space<vmem>>, vector<16xf32>,
      %mul3A_991 = arith.mulf %get3A_984, %get3A_29 : vector<16xf32>
      %add3A_992 = arith.addf %mul3A_991, %get3A_990 : vector<16xf32>
      %gt3A_993 = arith.cmpf ogt, %add3A_992, %scan3A_969 : vector<16xf32>
      %select_n3A_994 = arith.select %gt3A_993, %add3A_992, %scan3A_969 : vector<16xi1>, vector<16xf32>
      %add3A_995 = arith.constant 10000 : i32
      %add3A_996 = arith.addi %add3A_995, %mul3A_978 : i32
      %broadcast_in_dim3A_997 = vector.broadcast %add3A_996 : i32 to vector<16xi32>
      %select_n3A_998 = arith.select %gt3A_993, %broadcast_in_dim3A_997, %scan3A_973 : vector<16xi1>, vector<16xi32>
      %add3A_999 = arith.constant 16 : i32
      %add3A_1000 = arith.addi %mul3A_978, %add3A_999 : i32
      %get3A_1001 = arith.constant 1 : i32
      %get3A_1002 = arith.index_cast %get3A_1001 : i32 to index
      %get3A_1003 = arith.index_cast %add3A_1000 : i32 to index
      %get3A_1004 = tpu.vector_load %arg6[%get3A_1002, %get3A_1003] {strides = array<i32>} : memref<2x10000xf32, #tpu.memory_space<vmem>>, vector<16xf32>,
      %add3A_1005 = arith.constant 16 : i32
      %add3A_1006 = arith.addi %mul3A_978, %add3A_1005 : i32
      %get3A_1007 = arith.constant 1 : i32
      %get3A_1008 = arith.index_cast %get3A_1007 : i32 to index
      %get3A_1009 = arith.index_cast %add3A_1006 : i32 to index
      %get3A_1010 = tpu.vector_load %arg7[%get3A_1008, %get3A_1009] {strides = array<i32>} : memref<2x10000xf32, #tpu.memory_space<vmem>>, vector<16xf32>,
      %mul3A_1011 = arith.mulf %get3A_1004, %get3A_29 : vector<16xf32>
      %add3A_1012 = arith.addf %mul3A_1011, %get3A_1010 : vector<16xf32>
      %gt3A_1013 = arith.cmpf ogt, %add3A_1012, %scan3A_970 : vector<16xf32>
      %select_n3A_1014 = arith.select %gt3A_1013, %add3A_1012, %scan3A_970 : vector<16xi1>, vector<16xf32>
      %add3A_1015 = arith.constant 10016 : i32
      %add3A_1016 = arith.addi %add3A_1015, %mul3A_978 : i32
      %broadcast_in_dim3A_1017 = vector.broadcast %add3A_1016 : i32 to vector<16xi32>
      %select_n3A_1018 = arith.select %gt3A_1013, %broadcast_in_dim3A_1017, %scan3A_974 : vector<16xi1>, vector<16xi32>
      %add3A_1019 = arith.constant 32 : i32
      %add3A_1020 = arith.addi %mul3A_978, %add3A_1019 : i32
      %get3A_1021 = arith.constant 1 : i32
      %get3A_1022 = arith.index_cast %get3A_1021 : i32 to index
      %get3A_1023 = arith.index_cast %add3A_1020 : i32 to index
      %get3A_1024 = tpu.vector_load %arg6[%get3A_1022, %get3A_1023] {strides = array<i32>} : memref<2x10000xf32, #tpu.memory_space<vmem>>, vector<16xf32>,
      %add3A_1025 = arith.constant 32 : i32
      %add3A_1026 = arith.addi %mul3A_978, %add3A_1025 : i32
      %get3A_1027 = arith.constant 1 : i32
      %get3A_1028 = arith.index_cast %get3A_1027 : i32 to index
      %get3A_1029 = arith.index_cast %add3A_1026 : i32 to index
      %get3A_1030 = tpu.vector_load %arg7[%get3A_1028, %get3A_1029] {strides = array<i32>} : memref<2x10000xf32, #tpu.memory_space<vmem>>, vector<16xf32>,
      %mul3A_1031 = arith.mulf %get3A_1024, %get3A_29 : vector<16xf32>
      %add3A_1032 = arith.addf %mul3A_1031, %get3A_1030 : vector<16xf32>
      %gt3A_1033 = arith.cmpf ogt, %add3A_1032, %scan3A_971 : vector<16xf32>
      %select_n3A_1034 = arith.select %gt3A_1033, %add3A_1032, %scan3A_971 : vector<16xi1>, vector<16xf32>
      %add3A_1035 = arith.constant 10032 : i32
      %add3A_1036 = arith.addi %add3A_1035, %mul3A_978 : i32
      %broadcast_in_dim3A_1037 = vector.broadcast %add3A_1036 : i32 to vector<16xi32>
      %select_n3A_1038 = arith.select %gt3A_1033, %broadcast_in_dim3A_1037, %scan3A_975 : vector<16xi1>, vector<16xi32>
      %add3A_1039 = arith.constant 48 : i32
      %add3A_1040 = arith.addi %mul3A_978, %add3A_1039 : i32
      %get3A_1041 = arith.constant 1 : i32
      %get3A_1042 = arith.index_cast %get3A_1041 : i32 to index
      %get3A_1043 = arith.index_cast %add3A_1040 : i32 to index
      %get3A_1044 = tpu.vector_load %arg6[%get3A_1042, %get3A_1043] {strides = array<i32>} : memref<2x10000xf32, #tpu.memory_space<vmem>>, vector<16xf32>,
      %add3A_1045 = arith.constant 48 : i32
      %add3A_1046 = arith.addi %mul3A_978, %add3A_1045 : i32
      %get3A_1047 = arith.constant 1 : i32
      %get3A_1048 = arith.index_cast %get3A_1047 : i32 to index
      %get3A_1049 = arith.index_cast %add3A_1046 : i32 to index
      %get3A_1050 = tpu.vector_load %arg7[%get3A_1048, %get3A_1049] {strides = array<i32>} : memref<2x10000xf32, #tpu.memory_space<vmem>>, vector<16xf32>,
      %mul3A_1051 = arith.mulf %get3A_1044, %get3A_29 : vector<16xf32>
      %add3A_1052 = arith.addf %mul3A_1051, %get3A_1050 : vector<16xf32>
      %gt3A_1053 = arith.cmpf ogt, %add3A_1052, %scan3A_972 : vector<16xf32>
      %select_n3A_1054 = arith.select %gt3A_1053, %add3A_1052, %scan3A_972 : vector<16xi1>, vector<16xf32>
      %add3A_1055 = arith.constant 10048 : i32
      %add3A_1056 = arith.addi %add3A_1055, %mul3A_978 : i32
      %broadcast_in_dim3A_1057 = vector.broadcast %add3A_1056 : i32 to vector<16xi32>
      %select_n3A_1058 = arith.select %gt3A_1053, %broadcast_in_dim3A_1057, %scan3A_976 : vector<16xi1>, vector<16xi32>
      scf.yield %select_n3A_994, %select_n3A_1014, %select_n3A_1034, %select_n3A_1054, %select_n3A_998, %select_n3A_1018, %select_n3A_1038, %select_n3A_1058 : vector<16xf32>, vector<16xf32>, vector<16xf32>, vector<16xf32>, vector<16xi32>, vector<16xi32>, vector<16xi32>, vector<16xi32>
    }
    %scan3A_115 = arith.constant 156 : i32
    %add3A_116 = arith.constant 30000 : i32
    %add3A_117 = arith.addi %mul3A_2, %add3A_116 : i32
    %dma_start3A_118 = arith.constant 1 : i32
    %dma_start3A_119 = arith.constant 0 : i32
    %dma_start3A_120 = tpu.memref_slice %arg6[%dma_start3A_118, %dma_start3A_119] : memref<2x10000xf32, #tpu.memory_space<vmem>> -> memref<1x10000xf32, #tpu.memory_space<vmem>>
    %dma_start3A_121 = tpu.memref_squeeze %dma_start3A_120 : memref<1x10000xf32, #tpu.memory_space<vmem>> -> memref<10000xf32, #tpu.memory_space<vmem>>
    %dma_start3A_122 = tpu.memref_slice %arg2[%add3A_117] : memref<6400000xf32, #tpu.memory_space<hbm>> -> memref<10000xf32, #tpu.memory_space<hbm>>
    %dma_start3A_123 = arith.constant 0 : i32
    %dma_start3A_124 = tpu.memref_slice %arg6[%dma_start3A_118, %dma_start3A_123] : memref<2x10000xf32, #tpu.memory_space<vmem>> -> memref<1x10000xf32, #tpu.memory_space<vmem>>
    %dma_start3A_125 = tpu.memref_squeeze %dma_start3A_124 : memref<1x10000xf32, #tpu.memory_space<vmem>> -> memref<10000xf32, #tpu.memory_space<vmem>>
    %dma_start3A_126 = tpu.memref_slice %arg2[%add3A_117] : memref<6400000xf32, #tpu.memory_space<hbm>> -> memref<10000xf32, #tpu.memory_space<hbm>>
    tpu.enqueue_dma source(%dma_start3A_126 : memref<10000xf32, #tpu.memory_space<hbm>>) target(%dma_start3A_125 : memref<10000xf32, #tpu.memory_space<vmem>>) target_semaphore(%arg11 : memref<!tpu.dma_semaphore, #tpu.memory_space<semaphore_mem>>)
    %dma_start3A_127 = arith.constant 1 : i32
    %dma_start3A_128 = arith.constant 0 : i32
    %dma_start3A_129 = tpu.memref_slice %arg7[%dma_start3A_127, %dma_start3A_128] : memref<2x10000xf32, #tpu.memory_space<vmem>> -> memref<1x10000xf32, #tpu.memory_space<vmem>>
    %dma_start3A_130 = tpu.memref_squeeze %dma_start3A_129 : memref<1x10000xf32, #tpu.memory_space<vmem>> -> memref<10000xf32, #tpu.memory_space<vmem>>
    %dma_start3A_131 = tpu.memref_slice %arg3[%add3A_117] : memref<6400000xf32, #tpu.memory_space<hbm>> -> memref<10000xf32, #tpu.memory_space<hbm>>
    %dma_start3A_132 = arith.constant 0 : i32
    %dma_start3A_133 = tpu.memref_slice %arg7[%dma_start3A_127, %dma_start3A_132] : memref<2x10000xf32, #tpu.memory_space<vmem>> -> memref<1x10000xf32, #tpu.memory_space<vmem>>
    %dma_start3A_134 = tpu.memref_squeeze %dma_start3A_133 : memref<1x10000xf32, #tpu.memory_space<vmem>> -> memref<10000xf32, #tpu.memory_space<vmem>>
    %dma_start3A_135 = tpu.memref_slice %arg3[%add3A_117] : memref<6400000xf32, #tpu.memory_space<hbm>> -> memref<10000xf32, #tpu.memory_space<hbm>>
    tpu.enqueue_dma source(%dma_start3A_135 : memref<10000xf32, #tpu.memory_space<hbm>>) target(%dma_start3A_134 : memref<10000xf32, #tpu.memory_space<vmem>>) target_semaphore(%arg13 : memref<!tpu.dma_semaphore, #tpu.memory_space<semaphore_mem>>)
    %dma_wait3A_136 = arith.constant 0 : i32
    %dma_wait3A_137 = arith.constant 0 : i32
    %dma_wait3A_138 = tpu.memref_slice %arg6[%dma_wait3A_136, %dma_wait3A_137] : memref<2x10000xf32, #tpu.memory_space<vmem>> -> memref<1x10000xf32, #tpu.memory_space<vmem>>
    %dma_wait3A_139 = tpu.memref_squeeze %dma_wait3A_138 : memref<1x10000xf32, #tpu.memory_space<vmem>> -> memref<10000xf32, #tpu.memory_space<vmem>>
    %dma_wait3A_140 = tpu.memref_slice %arg2[%add3A_73] : memref<6400000xf32, #tpu.memory_space<hbm>> -> memref<10000xf32, #tpu.memory_space<hbm>>
    %dma_wait3A_141 = arith.constant 0 : i32
    %dma_wait3A_142 = tpu.memref_slice %arg6[%dma_wait3A_136, %dma_wait3A_141] : memref<2x10000xf32, #tpu.memory_space<vmem>> -> memref<1x10000xf32, #tpu.memory_space<vmem>>
    %dma_wait3A_143 = tpu.memref_squeeze %dma_wait3A_142 : memref<1x10000xf32, #tpu.memory_space<vmem>> -> memref<10000xf32, #tpu.memory_space<vmem>>
    %dma_wait3A_144 = tpu.memref_slice %arg2[%add3A_73] : memref<6400000xf32, #tpu.memory_space<hbm>> -> memref<10000xf32, #tpu.memory_space<hbm>>
    tpu.wait_dma2 semaphore(%arg10 : memref<!tpu.dma_semaphore, #tpu.memory_space<semaphore_mem>>) src(%dma_wait3A_144 : memref<10000xf32, #tpu.memory_space<hbm>>) dst(%dma_wait3A_143 : memref<10000xf32, #tpu.memory_space<vmem>>)
    %dma_wait3A_145 = arith.constant 0 : i32
    %dma_wait3A_146 = arith.constant 0 : i32
    %dma_wait3A_147 = tpu.memref_slice %arg7[%dma_wait3A_145, %dma_wait3A_146] : memref<2x10000xf32, #tpu.memory_space<vmem>> -> memref<1x10000xf32, #tpu.memory_space<vmem>>
    %dma_wait3A_148 = tpu.memref_squeeze %dma_wait3A_147 : memref<1x10000xf32, #tpu.memory_space<vmem>> -> memref<10000xf32, #tpu.memory_space<vmem>>
    %dma_wait3A_149 = tpu.memref_slice %arg3[%add3A_73] : memref<6400000xf32, #tpu.memory_space<hbm>> -> memref<10000xf32, #tpu.memory_space<hbm>>
    %dma_wait3A_150 = arith.constant 0 : i32
    %dma_wait3A_151 = tpu.memref_slice %arg7[%dma_wait3A_145, %dma_wait3A_150] : memref<2x10000xf32, #tpu.memory_space<vmem>> -> memref<1x10000xf32, #tpu.memory_space<vmem>>
    %dma_wait3A_152 = tpu.memref_squeeze %dma_wait3A_151 : memref<1x10000xf32, #tpu.memory_space<vmem>> -> memref<10000xf32, #tpu.memory_space<vmem>>
    %dma_wait3A_153 = tpu.memref_slice %arg3[%add3A_73] : memref<6400000xf32, #tpu.memory_space<hbm>> -> memref<10000xf32, #tpu.memory_space<hbm>>
    tpu.wait_dma2 semaphore(%arg12 : memref<!tpu.dma_semaphore, #tpu.memory_space<semaphore_mem>>) src(%dma_wait3A_153 : memref<10000xf32, #tpu.memory_space<hbm>>) dst(%dma_wait3A_152 : memref<10000xf32, #tpu.memory_space<vmem>>)
    %scan3A_154 = arith.constant 0 : i32
    %scan3A_155 = arith.constant 156 : i32
    %scan3A_156 = arith.addi %scan3A_154, %scan3A_155 : i32
    %scan3A_157 = arith.constant 1 : i32
    %scan3A_158:8 = scf.for %scan3A_968 = %scan3A_154 to %scan3A_156 step %scan3A_157 iter_args(%scan3A_969 = %scan3A_114#0, %scan3A_970 = %scan3A_114#1, %scan3A_971 = %scan3A_114#2, %scan3A_972 = %scan3A_114#3, %scan3A_973 = %scan3A_114#4, %scan3A_974 = %scan3A_114#5, %scan3A_975 = %scan3A_114#6, %scan3A_976 = %scan3A_114#7) -> (vector<16xf32>, vector<16xf32>, vector<16xf32>, vector<16xf32>, vector<16xi32>, vector<16xi32>, vector<16xi32>, vector<16xi32>)  : i32 {
      %mul3A_977 = arith.constant 64 : i32
      %mul3A_978 = arith.muli %scan3A_968, %mul3A_977 : i32
      %add3A_979 = arith.constant 0 : i32
      %add3A_980 = arith.addi %mul3A_978, %add3A_979 : i32
      %get3A_981 = arith.constant 0 : i32
      %get3A_982 = arith.index_cast %get3A_981 : i32 to index
      %get3A_983 = arith.index_cast %add3A_980 : i32 to index
      %get3A_984 = tpu.vector_load %arg6[%get3A_982, %get3A_983] {strides = array<i32>} : memref<2x10000xf32, #tpu.memory_space<vmem>>, vector<16xf32>,
      %add3A_985 = arith.constant 0 : i32
      %add3A_986 = arith.addi %mul3A_978, %add3A_985 : i32
      %get3A_987 = arith.constant 0 : i32
      %get3A_988 = arith.index_cast %get3A_987 : i32 to index
      %get3A_989 = arith.index_cast %add3A_986 : i32 to index
      %get3A_990 = tpu.vector_load %arg7[%get3A_988, %get3A_989] {strides = array<i32>} : memref<2x10000xf32, #tpu.memory_space<vmem>>, vector<16xf32>,
      %mul3A_991 = arith.mulf %get3A_984, %get3A_29 : vector<16xf32>
      %add3A_992 = arith.addf %mul3A_991, %get3A_990 : vector<16xf32>
      %gt3A_993 = arith.cmpf ogt, %add3A_992, %scan3A_969 : vector<16xf32>
      %select_n3A_994 = arith.select %gt3A_993, %add3A_992, %scan3A_969 : vector<16xi1>, vector<16xf32>
      %add3A_995 = arith.constant 20000 : i32
      %add3A_996 = arith.addi %add3A_995, %mul3A_978 : i32
      %broadcast_in_dim3A_997 = vector.broadcast %add3A_996 : i32 to vector<16xi32>
      %select_n3A_998 = arith.select %gt3A_993, %broadcast_in_dim3A_997, %scan3A_973 : vector<16xi1>, vector<16xi32>
      %add3A_999 = arith.constant 16 : i32
      %add3A_1000 = arith.addi %mul3A_978, %add3A_999 : i32
      %get3A_1001 = arith.constant 0 : i32
      %get3A_1002 = arith.index_cast %get3A_1001 : i32 to index
      %get3A_1003 = arith.index_cast %add3A_1000 : i32 to index
      %get3A_1004 = tpu.vector_load %arg6[%get3A_1002, %get3A_1003] {strides = array<i32>} : memref<2x10000xf32, #tpu.memory_space<vmem>>, vector<16xf32>,
      %add3A_1005 = arith.constant 16 : i32
      %add3A_1006 = arith.addi %mul3A_978, %add3A_1005 : i32
      %get3A_1007 = arith.constant 0 : i32
      %get3A_1008 = arith.index_cast %get3A_1007 : i32 to index
      %get3A_1009 = arith.index_cast %add3A_1006 : i32 to index
      %get3A_1010 = tpu.vector_load %arg7[%get3A_1008, %get3A_1009] {strides = array<i32>} : memref<2x10000xf32, #tpu.memory_space<vmem>>, vector<16xf32>,
      %mul3A_1011 = arith.mulf %get3A_1004, %get3A_29 : vector<16xf32>
      %add3A_1012 = arith.addf %mul3A_1011, %get3A_1010 : vector<16xf32>
      %gt3A_1013 = arith.cmpf ogt, %add3A_1012, %scan3A_970 : vector<16xf32>
      %select_n3A_1014 = arith.select %gt3A_1013, %add3A_1012, %scan3A_970 : vector<16xi1>, vector<16xf32>
      %add3A_1015 = arith.constant 20016 : i32
      %add3A_1016 = arith.addi %add3A_1015, %mul3A_978 : i32
      %broadcast_in_dim3A_1017 = vector.broadcast %add3A_1016 : i32 to vector<16xi32>
      %select_n3A_1018 = arith.select %gt3A_1013, %broadcast_in_dim3A_1017, %scan3A_974 : vector<16xi1>, vector<16xi32>
      %add3A_1019 = arith.constant 32 : i32
      %add3A_1020 = arith.addi %mul3A_978, %add3A_1019 : i32
      %get3A_1021 = arith.constant 0 : i32
      %get3A_1022 = arith.index_cast %get3A_1021 : i32 to index
      %get3A_1023 = arith.index_cast %add3A_1020 : i32 to index
      %get3A_1024 = tpu.vector_load %arg6[%get3A_1022, %get3A_1023] {strides = array<i32>} : memref<2x10000xf32, #tpu.memory_space<vmem>>, vector<16xf32>,
      %add3A_1025 = arith.constant 32 : i32
      %add3A_1026 = arith.addi %mul3A_978, %add3A_1025 : i32
      %get3A_1027 = arith.constant 0 : i32
      %get3A_1028 = arith.index_cast %get3A_1027 : i32 to index
      %get3A_1029 = arith.index_cast %add3A_1026 : i32 to index
      %get3A_1030 = tpu.vector_load %arg7[%get3A_1028, %get3A_1029] {strides = array<i32>} : memref<2x10000xf32, #tpu.memory_space<vmem>>, vector<16xf32>,
      %mul3A_1031 = arith.mulf %get3A_1024, %get3A_29 : vector<16xf32>
      %add3A_1032 = arith.addf %mul3A_1031, %get3A_1030 : vector<16xf32>
      %gt3A_1033 = arith.cmpf ogt, %add3A_1032, %scan3A_971 : vector<16xf32>
      %select_n3A_1034 = arith.select %gt3A_1033, %add3A_1032, %scan3A_971 : vector<16xi1>, vector<16xf32>
      %add3A_1035 = arith.constant 20032 : i32
      %add3A_1036 = arith.addi %add3A_1035, %mul3A_978 : i32
      %broadcast_in_dim3A_1037 = vector.broadcast %add3A_1036 : i32 to vector<16xi32>
      %select_n3A_1038 = arith.select %gt3A_1033, %broadcast_in_dim3A_1037, %scan3A_975 : vector<16xi1>, vector<16xi32>
      %add3A_1039 = arith.constant 48 : i32
      %add3A_1040 = arith.addi %mul3A_978, %add3A_1039 : i32
      %get3A_1041 = arith.constant 0 : i32
      %get3A_1042 = arith.index_cast %get3A_1041 : i32 to index
      %get3A_1043 = arith.index_cast %add3A_1040 : i32 to index
      %get3A_1044 = tpu.vector_load %arg6[%get3A_1042, %get3A_1043] {strides = array<i32>} : memref<2x10000xf32, #tpu.memory_space<vmem>>, vector<16xf32>,
      %add3A_1045 = arith.constant 48 : i32
      %add3A_1046 = arith.addi %mul3A_978, %add3A_1045 : i32
      %get3A_1047 = arith.constant 0 : i32
      %get3A_1048 = arith.index_cast %get3A_1047 : i32 to index
      %get3A_1049 = arith.index_cast %add3A_1046 : i32 to index
      %get3A_1050 = tpu.vector_load %arg7[%get3A_1048, %get3A_1049] {strides = array<i32>} : memref<2x10000xf32, #tpu.memory_space<vmem>>, vector<16xf32>,
      %mul3A_1051 = arith.mulf %get3A_1044, %get3A_29 : vector<16xf32>
      %add3A_1052 = arith.addf %mul3A_1051, %get3A_1050 : vector<16xf32>
      %gt3A_1053 = arith.cmpf ogt, %add3A_1052, %scan3A_972 : vector<16xf32>
      %select_n3A_1054 = arith.select %gt3A_1053, %add3A_1052, %scan3A_972 : vector<16xi1>, vector<16xf32>
      %add3A_1055 = arith.constant 20048 : i32
      %add3A_1056 = arith.addi %add3A_1055, %mul3A_978 : i32
      %broadcast_in_dim3A_1057 = vector.broadcast %add3A_1056 : i32 to vector<16xi32>
      %select_n3A_1058 = arith.select %gt3A_1053, %broadcast_in_dim3A_1057, %scan3A_976 : vector<16xi1>, vector<16xi32>
      scf.yield %select_n3A_994, %select_n3A_1014, %select_n3A_1034, %select_n3A_1054, %select_n3A_998, %select_n3A_1018, %select_n3A_1038, %select_n3A_1058 : vector<16xf32>, vector<16xf32>, vector<16xf32>, vector<16xf32>, vector<16xi32>, vector<16xi32>, vector<16xi32>, vector<16xi32>
    }
    %scan3A_159 = arith.constant 156 : i32
    %add3A_160 = arith.constant 40000 : i32
    %add3A_161 = arith.addi %mul3A_2, %add3A_160 : i32
    %dma_start3A_162 = arith.constant 0 : i32
    %dma_start3A_163 = arith.constant 0 : i32
    %dma_start3A_164 = tpu.memref_slice %arg6[%dma_start3A_162, %dma_start3A_163] : memref<2x10000xf32, #tpu.memory_space<vmem>> -> memref<1x10000xf32, #tpu.memory_space<vmem>>
    %dma_start3A_165 = tpu.memref_squeeze %dma_start3A_164 : memref<1x10000xf32, #tpu.memory_space<vmem>> -> memref<10000xf32, #tpu.memory_space<vmem>>
    %dma_start3A_166 = tpu.memref_slice %arg2[%add3A_161] : memref<6400000xf32, #tpu.memory_space<hbm>> -> memref<10000xf32, #tpu.memory_space<hbm>>
    %dma_start3A_167 = arith.constant 0 : i32
    %dma_start3A_168 = tpu.memref_slice %arg6[%dma_start3A_162, %dma_start3A_167] : memref<2x10000xf32, #tpu.memory_space<vmem>> -> memref<1x10000xf32, #tpu.memory_space<vmem>>
    %dma_start3A_169 = tpu.memref_squeeze %dma_start3A_168 : memref<1x10000xf32, #tpu.memory_space<vmem>> -> memref<10000xf32, #tpu.memory_space<vmem>>
    %dma_start3A_170 = tpu.memref_slice %arg2[%add3A_161] : memref<6400000xf32, #tpu.memory_space<hbm>> -> memref<10000xf32, #tpu.memory_space<hbm>>
    tpu.enqueue_dma source(%dma_start3A_170 : memref<10000xf32, #tpu.memory_space<hbm>>) target(%dma_start3A_169 : memref<10000xf32, #tpu.memory_space<vmem>>) target_semaphore(%arg10 : memref<!tpu.dma_semaphore, #tpu.memory_space<semaphore_mem>>)
    %dma_start3A_171 = arith.constant 0 : i32
    %dma_start3A_172 = arith.constant 0 : i32
    %dma_start3A_173 = tpu.memref_slice %arg7[%dma_start3A_171, %dma_start3A_172] : memref<2x10000xf32, #tpu.memory_space<vmem>> -> memref<1x10000xf32, #tpu.memory_space<vmem>>
    %dma_start3A_174 = tpu.memref_squeeze %dma_start3A_173 : memref<1x10000xf32, #tpu.memory_space<vmem>> -> memref<10000xf32, #tpu.memory_space<vmem>>
    %dma_start3A_175 = tpu.memref_slice %arg3[%add3A_161] : memref<6400000xf32, #tpu.memory_space<hbm>> -> memref<10000xf32, #tpu.memory_space<hbm>>
    %dma_start3A_176 = arith.constant 0 : i32
    %dma_start3A_177 = tpu.memref_slice %arg7[%dma_start3A_171, %dma_start3A_176] : memref<2x10000xf32, #tpu.memory_space<vmem>> -> memref<1x10000xf32, #tpu.memory_space<vmem>>
    %dma_start3A_178 = tpu.memref_squeeze %dma_start3A_177 : memref<1x10000xf32, #tpu.memory_space<vmem>> -> memref<10000xf32, #tpu.memory_space<vmem>>
    %dma_start3A_179 = tpu.memref_slice %arg3[%add3A_161] : memref<6400000xf32, #tpu.memory_space<hbm>> -> memref<10000xf32, #tpu.memory_space<hbm>>
    tpu.enqueue_dma source(%dma_start3A_179 : memref<10000xf32, #tpu.memory_space<hbm>>) target(%dma_start3A_178 : memref<10000xf32, #tpu.memory_space<vmem>>) target_semaphore(%arg12 : memref<!tpu.dma_semaphore, #tpu.memory_space<semaphore_mem>>)
    %dma_wait3A_180 = arith.constant 1 : i32
    %dma_wait3A_181 = arith.constant 0 : i32
    %dma_wait3A_182 = tpu.memref_slice %arg6[%dma_wait3A_180, %dma_wait3A_181] : memref<2x10000xf32, #tpu.memory_space<vmem>> -> memref<1x10000xf32, #tpu.memory_space<vmem>>
    %dma_wait3A_183 = tpu.memref_squeeze %dma_wait3A_182 : memref<1x10000xf32, #tpu.memory_space<vmem>> -> memref<10000xf32, #tpu.memory_space<vmem>>
    %dma_wait3A_184 = tpu.memref_slice %arg2[%add3A_117] : memref<6400000xf32, #tpu.memory_space<hbm>> -> memref<10000xf32, #tpu.memory_space<hbm>>
    %dma_wait3A_185 = arith.constant 0 : i32
    %dma_wait3A_186 = tpu.memref_slice %arg6[%dma_wait3A_180, %dma_wait3A_185] : memref<2x10000xf32, #tpu.memory_space<vmem>> -> memref<1x10000xf32, #tpu.memory_space<vmem>>
    %dma_wait3A_187 = tpu.memref_squeeze %dma_wait3A_186 : memref<1x10000xf32, #tpu.memory_space<vmem>> -> memref<10000xf32, #tpu.memory_space<vmem>>
    %dma_wait3A_188 = tpu.memref_slice %arg2[%add3A_117] : memref<6400000xf32, #tpu.memory_space<hbm>> -> memref<10000xf32, #tpu.memory_space<hbm>>
    tpu.wait_dma2 semaphore(%arg11 : memref<!tpu.dma_semaphore, #tpu.memory_space<semaphore_mem>>) src(%dma_wait3A_188 : memref<10000xf32, #tpu.memory_space<hbm>>) dst(%dma_wait3A_187 : memref<10000xf32, #tpu.memory_space<vmem>>)
    %dma_wait3A_189 = arith.constant 1 : i32
    %dma_wait3A_190 = arith.constant 0 : i32
    %dma_wait3A_191 = tpu.memref_slice %arg7[%dma_wait3A_189, %dma_wait3A_190] : memref<2x10000xf32, #tpu.memory_space<vmem>> -> memref<1x10000xf32, #tpu.memory_space<vmem>>
    %dma_wait3A_192 = tpu.memref_squeeze %dma_wait3A_191 : memref<1x10000xf32, #tpu.memory_space<vmem>> -> memref<10000xf32, #tpu.memory_space<vmem>>
    %dma_wait3A_193 = tpu.memref_slice %arg3[%add3A_117] : memref<6400000xf32, #tpu.memory_space<hbm>> -> memref<10000xf32, #tpu.memory_space<hbm>>
    %dma_wait3A_194 = arith.constant 0 : i32
    %dma_wait3A_195 = tpu.memref_slice %arg7[%dma_wait3A_189, %dma_wait3A_194] : memref<2x10000xf32, #tpu.memory_space<vmem>> -> memref<1x10000xf32, #tpu.memory_space<vmem>>
    %dma_wait3A_196 = tpu.memref_squeeze %dma_wait3A_195 : memref<1x10000xf32, #tpu.memory_space<vmem>> -> memref<10000xf32, #tpu.memory_space<vmem>>
    %dma_wait3A_197 = tpu.memref_slice %arg3[%add3A_117] : memref<6400000xf32, #tpu.memory_space<hbm>> -> memref<10000xf32, #tpu.memory_space<hbm>>
    tpu.wait_dma2 semaphore(%arg13 : memref<!tpu.dma_semaphore, #tpu.memory_space<semaphore_mem>>) src(%dma_wait3A_197 : memref<10000xf32, #tpu.memory_space<hbm>>) dst(%dma_wait3A_196 : memref<10000xf32, #tpu.memory_space<vmem>>)
    %scan3A_198 = arith.constant 0 : i32
    %scan3A_199 = arith.constant 156 : i32
    %scan3A_200 = arith.addi %scan3A_198, %scan3A_199 : i32
    %scan3A_201 = arith.constant 1 : i32
    %scan3A_202:8 = scf.for %scan3A_968 = %scan3A_198 to %scan3A_200 step %scan3A_201 iter_args(%scan3A_969 = %scan3A_158#0, %scan3A_970 = %scan3A_158#1, %scan3A_971 = %scan3A_158#2, %scan3A_972 = %scan3A_158#3, %scan3A_973 = %scan3A_158#4, %scan3A_974 = %scan3A_158#5, %scan3A_975 = %scan3A_158#6, %scan3A_976 = %scan3A_158#7) -> (vector<16xf32>, vector<16xf32>, vector<16xf32>, vector<16xf32>, vector<16xi32>, vector<16xi32>, vector<16xi32>, vector<16xi32>)  : i32 {
      %mul3A_977 = arith.constant 64 : i32
      %mul3A_978 = arith.muli %scan3A_968, %mul3A_977 : i32
      %add3A_979 = arith.constant 0 : i32
      %add3A_980 = arith.addi %mul3A_978, %add3A_979 : i32
      %get3A_981 = arith.constant 1 : i32
      %get3A_982 = arith.index_cast %get3A_981 : i32 to index
      %get3A_983 = arith.index_cast %add3A_980 : i32 to index
      %get3A_984 = tpu.vector_load %arg6[%get3A_982, %get3A_983] {strides = array<i32>} : memref<2x10000xf32, #tpu.memory_space<vmem>>, vector<16xf32>,
      %add3A_985 = arith.constant 0 : i32
      %add3A_986 = arith.addi %mul3A_978, %add3A_985 : i32
      %get3A_987 = arith.constant 1 : i32
      %get3A_988 = arith.index_cast %get3A_987 : i32 to index
      %get3A_989 = arith.index_cast %add3A_986 : i32 to index
      %get3A_990 = tpu.vector_load %arg7[%get3A_988, %get3A_989] {strides = array<i32>} : memref<2x10000xf32, #tpu.memory_space<vmem>>, vector<16xf32>,
      %mul3A_991 = arith.mulf %get3A_984, %get3A_29 : vector<16xf32>
      %add3A_992 = arith.addf %mul3A_991, %get3A_990 : vector<16xf32>
      %gt3A_993 = arith.cmpf ogt, %add3A_992, %scan3A_969 : vector<16xf32>
      %select_n3A_994 = arith.select %gt3A_993, %add3A_992, %scan3A_969 : vector<16xi1>, vector<16xf32>
      %add3A_995 = arith.constant 30000 : i32
      %add3A_996 = arith.addi %add3A_995, %mul3A_978 : i32
      %broadcast_in_dim3A_997 = vector.broadcast %add3A_996 : i32 to vector<16xi32>
      %select_n3A_998 = arith.select %gt3A_993, %broadcast_in_dim3A_997, %scan3A_973 : vector<16xi1>, vector<16xi32>
      %add3A_999 = arith.constant 16 : i32
      %add3A_1000 = arith.addi %mul3A_978, %add3A_999 : i32
      %get3A_1001 = arith.constant 1 : i32
      %get3A_1002 = arith.index_cast %get3A_1001 : i32 to index
      %get3A_1003 = arith.index_cast %add3A_1000 : i32 to index
      %get3A_1004 = tpu.vector_load %arg6[%get3A_1002, %get3A_1003] {strides = array<i32>} : memref<2x10000xf32, #tpu.memory_space<vmem>>, vector<16xf32>,
      %add3A_1005 = arith.constant 16 : i32
      %add3A_1006 = arith.addi %mul3A_978, %add3A_1005 : i32
      %get3A_1007 = arith.constant 1 : i32
      %get3A_1008 = arith.index_cast %get3A_1007 : i32 to index
      %get3A_1009 = arith.index_cast %add3A_1006 : i32 to index
      %get3A_1010 = tpu.vector_load %arg7[%get3A_1008, %get3A_1009] {strides = array<i32>} : memref<2x10000xf32, #tpu.memory_space<vmem>>, vector<16xf32>,
      %mul3A_1011 = arith.mulf %get3A_1004, %get3A_29 : vector<16xf32>
      %add3A_1012 = arith.addf %mul3A_1011, %get3A_1010 : vector<16xf32>
      %gt3A_1013 = arith.cmpf ogt, %add3A_1012, %scan3A_970 : vector<16xf32>
      %select_n3A_1014 = arith.select %gt3A_1013, %add3A_1012, %scan3A_970 : vector<16xi1>, vector<16xf32>
      %add3A_1015 = arith.constant 30016 : i32
      %add3A_1016 = arith.addi %add3A_1015, %mul3A_978 : i32
      %broadcast_in_dim3A_1017 = vector.broadcast %add3A_1016 : i32 to vector<16xi32>
      %select_n3A_1018 = arith.select %gt3A_1013, %broadcast_in_dim3A_1017, %scan3A_974 : vector<16xi1>, vector<16xi32>
      %add3A_1019 = arith.constant 32 : i32
      %add3A_1020 = arith.addi %mul3A_978, %add3A_1019 : i32
      %get3A_1021 = arith.constant 1 : i32
      %get3A_1022 = arith.index_cast %get3A_1021 : i32 to index
      %get3A_1023 = arith.index_cast %add3A_1020 : i32 to index
      %get3A_1024 = tpu.vector_load %arg6[%get3A_1022, %get3A_1023] {strides = array<i32>} : memref<2x10000xf32, #tpu.memory_space<vmem>>, vector<16xf32>,
      %add3A_1025 = arith.constant 32 : i32
      %add3A_1026 = arith.addi %mul3A_978, %add3A_1025 : i32
      %get3A_1027 = arith.constant 1 : i32
      %get3A_1028 = arith.index_cast %get3A_1027 : i32 to index
      %get3A_1029 = arith.index_cast %add3A_1026 : i32 to index
      %get3A_1030 = tpu.vector_load %arg7[%get3A_1028, %get3A_1029] {strides = array<i32>} : memref<2x10000xf32, #tpu.memory_space<vmem>>, vector<16xf32>,
      %mul3A_1031 = arith.mulf %get3A_1024, %get3A_29 : vector<16xf32>
      %add3A_1032 = arith.addf %mul3A_1031, %get3A_1030 : vector<16xf32>
      %gt3A_1033 = arith.cmpf ogt, %add3A_1032, %scan3A_971 : vector<16xf32>
      %select_n3A_1034 = arith.select %gt3A_1033, %add3A_1032, %scan3A_971 : vector<16xi1>, vector<16xf32>
      %add3A_1035 = arith.constant 30032 : i32
      %add3A_1036 = arith.addi %add3A_1035, %mul3A_978 : i32
      %broadcast_in_dim3A_1037 = vector.broadcast %add3A_1036 : i32 to vector<16xi32>
      %select_n3A_1038 = arith.select %gt3A_1033, %broadcast_in_dim3A_1037, %scan3A_975 : vector<16xi1>, vector<16xi32>
      %add3A_1039 = arith.constant 48 : i32
      %add3A_1040 = arith.addi %mul3A_978, %add3A_1039 : i32
      %get3A_1041 = arith.constant 1 : i32
      %get3A_1042 = arith.index_cast %get3A_1041 : i32 to index
      %get3A_1043 = arith.index_cast %add3A_1040 : i32 to index
      %get3A_1044 = tpu.vector_load %arg6[%get3A_1042, %get3A_1043] {strides = array<i32>} : memref<2x10000xf32, #tpu.memory_space<vmem>>, vector<16xf32>,
      %add3A_1045 = arith.constant 48 : i32
      %add3A_1046 = arith.addi %mul3A_978, %add3A_1045 : i32
      %get3A_1047 = arith.constant 1 : i32
      %get3A_1048 = arith.index_cast %get3A_1047 : i32 to index
      %get3A_1049 = arith.index_cast %add3A_1046 : i32 to index
      %get3A_1050 = tpu.vector_load %arg7[%get3A_1048, %get3A_1049] {strides = array<i32>} : memref<2x10000xf32, #tpu.memory_space<vmem>>, vector<16xf32>,
      %mul3A_1051 = arith.mulf %get3A_1044, %get3A_29 : vector<16xf32>
      %add3A_1052 = arith.addf %mul3A_1051, %get3A_1050 : vector<16xf32>
      %gt3A_1053 = arith.cmpf ogt, %add3A_1052, %scan3A_972 : vector<16xf32>
      %select_n3A_1054 = arith.select %gt3A_1053, %add3A_1052, %scan3A_972 : vector<16xi1>, vector<16xf32>
      %add3A_1055 = arith.constant 30048 : i32
      %add3A_1056 = arith.addi %add3A_1055, %mul3A_978 : i32
      %broadcast_in_dim3A_1057 = vector.broadcast %add3A_1056 : i32 to vector<16xi32>
      %select_n3A_1058 = arith.select %gt3A_1053, %broadcast_in_dim3A_1057, %scan3A_976 : vector<16xi1>, vector<16xi32>
      scf.yield %select_n3A_994, %select_n3A_1014, %select_n3A_1034, %select_n3A_1054, %select_n3A_998, %select_n3A_1018, %select_n3A_1038, %select_n3A_1058 : vector<16xf32>, vector<16xf32>, vector<16xf32>, vector<16xf32>, vector<16xi32>, vector<16xi32>, vector<16xi32>, vector<16xi32>
    }
    %scan3A_203 = arith.constant 156 : i32
    %add3A_204 = arith.constant 50000 : i32
    %add3A_205 = arith.addi %mul3A_2, %add3A_204 : i32
    %dma_start3A_206 = arith.constant 1 : i32
    %dma_start3A_207 = arith.constant 0 : i32
    %dma_start3A_208 = tpu.memref_slice %arg6[%dma_start3A_206, %dma_start3A_207] : memref<2x10000xf32, #tpu.memory_space<vmem>> -> memref<1x10000xf32, #tpu.memory_space<vmem>>
    %dma_start3A_209 = tpu.memref_squeeze %dma_start3A_208 : memref<1x10000xf32, #tpu.memory_space<vmem>> -> memref<10000xf32, #tpu.memory_space<vmem>>
    %dma_start3A_210 = tpu.memref_slice %arg2[%add3A_205] : memref<6400000xf32, #tpu.memory_space<hbm>> -> memref<10000xf32, #tpu.memory_space<hbm>>
    %dma_start3A_211 = arith.constant 0 : i32
    %dma_start3A_212 = tpu.memref_slice %arg6[%dma_start3A_206, %dma_start3A_211] : memref<2x10000xf32, #tpu.memory_space<vmem>> -> memref<1x10000xf32, #tpu.memory_space<vmem>>
    %dma_start3A_213 = tpu.memref_squeeze %dma_start3A_212 : memref<1x10000xf32, #tpu.memory_space<vmem>> -> memref<10000xf32, #tpu.memory_space<vmem>>
    %dma_start3A_214 = tpu.memref_slice %arg2[%add3A_205] : memref<6400000xf32, #tpu.memory_space<hbm>> -> memref<10000xf32, #tpu.memory_space<hbm>>
    tpu.enqueue_dma source(%dma_start3A_214 : memref<10000xf32, #tpu.memory_space<hbm>>) target(%dma_start3A_213 : memref<10000xf32, #tpu.memory_space<vmem>>) target_semaphore(%arg11 : memref<!tpu.dma_semaphore, #tpu.memory_space<semaphore_mem>>)
    %dma_start3A_215 = arith.constant 1 : i32
    %dma_start3A_216 = arith.constant 0 : i32
    %dma_start3A_217 = tpu.memref_slice %arg7[%dma_start3A_215, %dma_start3A_216] : memref<2x10000xf32, #tpu.memory_space<vmem>> -> memref<1x10000xf32, #tpu.memory_space<vmem>>
    %dma_start3A_218 = tpu.memref_squeeze %dma_start3A_217 : memref<1x10000xf32, #tpu.memory_space<vmem>> -> memref<10000xf32, #tpu.memory_space<vmem>>
    %dma_start3A_219 = tpu.memref_slice %arg3[%add3A_205] : memref<6400000xf32, #tpu.memory_space<hbm>> -> memref<10000xf32, #tpu.memory_space<hbm>>
    %dma_start3A_220 = arith.constant 0 : i32
    %dma_start3A_221 = tpu.memref_slice %arg7[%dma_start3A_215, %dma_start3A_220] : memref<2x10000xf32, #tpu.memory_space<vmem>> -> memref<1x10000xf32, #tpu.memory_space<vmem>>
    %dma_start3A_222 = tpu.memref_squeeze %dma_start3A_221 : memref<1x10000xf32, #tpu.memory_space<vmem>> -> memref<10000xf32, #tpu.memory_space<vmem>>
    %dma_start3A_223 = tpu.memref_slice %arg3[%add3A_205] : memref<6400000xf32, #tpu.memory_space<hbm>> -> memref<10000xf32, #tpu.memory_space<hbm>>
    tpu.enqueue_dma source(%dma_start3A_223 : memref<10000xf32, #tpu.memory_space<hbm>>) target(%dma_start3A_222 : memref<10000xf32, #tpu.memory_space<vmem>>) target_semaphore(%arg13 : memref<!tpu.dma_semaphore, #tpu.memory_space<semaphore_mem>>)
    %dma_wait3A_224 = arith.constant 0 : i32
    %dma_wait3A_225 = arith.constant 0 : i32
    %dma_wait3A_226 = tpu.memref_slice %arg6[%dma_wait3A_224, %dma_wait3A_225] : memref<2x10000xf32, #tpu.memory_space<vmem>> -> memref<1x10000xf32, #tpu.memory_space<vmem>>
    %dma_wait3A_227 = tpu.memref_squeeze %dma_wait3A_226 : memref<1x10000xf32, #tpu.memory_space<vmem>> -> memref<10000xf32, #tpu.memory_space<vmem>>
    %dma_wait3A_228 = tpu.memref_slice %arg2[%add3A_161] : memref<6400000xf32, #tpu.memory_space<hbm>> -> memref<10000xf32, #tpu.memory_space<hbm>>
    %dma_wait3A_229 = arith.constant 0 : i32
    %dma_wait3A_230 = tpu.memref_slice %arg6[%dma_wait3A_224, %dma_wait3A_229] : memref<2x10000xf32, #tpu.memory_space<vmem>> -> memref<1x10000xf32, #tpu.memory_space<vmem>>
    %dma_wait3A_231 = tpu.memref_squeeze %dma_wait3A_230 : memref<1x10000xf32, #tpu.memory_space<vmem>> -> memref<10000xf32, #tpu.memory_space<vmem>>
    %dma_wait3A_232 = tpu.memref_slice %arg2[%add3A_161] : memref<6400000xf32, #tpu.memory_space<hbm>> -> memref<10000xf32, #tpu.memory_space<hbm>>
    tpu.wait_dma2 semaphore(%arg10 : memref<!tpu.dma_semaphore, #tpu.memory_space<semaphore_mem>>) src(%dma_wait3A_232 : memref<10000xf32, #tpu.memory_space<hbm>>) dst(%dma_wait3A_231 : memref<10000xf32, #tpu.memory_space<vmem>>)
    %dma_wait3A_233 = arith.constant 0 : i32
    %dma_wait3A_234 = arith.constant 0 : i32
    %dma_wait3A_235 = tpu.memref_slice %arg7[%dma_wait3A_233, %dma_wait3A_234] : memref<2x10000xf32, #tpu.memory_space<vmem>> -> memref<1x10000xf32, #tpu.memory_space<vmem>>
    %dma_wait3A_236 = tpu.memref_squeeze %dma_wait3A_235 : memref<1x10000xf32, #tpu.memory_space<vmem>> -> memref<10000xf32, #tpu.memory_space<vmem>>
    %dma_wait3A_237 = tpu.memref_slice %arg3[%add3A_161] : memref<6400000xf32, #tpu.memory_space<hbm>> -> memref<10000xf32, #tpu.memory_space<hbm>>
    %dma_wait3A_238 = arith.constant 0 : i32
    %dma_wait3A_239 = tpu.memref_slice %arg7[%dma_wait3A_233, %dma_wait3A_238] : memref<2x10000xf32, #tpu.memory_space<vmem>> -> memref<1x10000xf32, #tpu.memory_space<vmem>>
    %dma_wait3A_240 = tpu.memref_squeeze %dma_wait3A_239 : memref<1x10000xf32, #tpu.memory_space<vmem>> -> memref<10000xf32, #tpu.memory_space<vmem>>
    %dma_wait3A_241 = tpu.memref_slice %arg3[%add3A_161] : memref<6400000xf32, #tpu.memory_space<hbm>> -> memref<10000xf32, #tpu.memory_space<hbm>>
    tpu.wait_dma2 semaphore(%arg12 : memref<!tpu.dma_semaphore, #tpu.memory_space<semaphore_mem>>) src(%dma_wait3A_241 : memref<10000xf32, #tpu.memory_space<hbm>>) dst(%dma_wait3A_240 : memref<10000xf32, #tpu.memory_space<vmem>>)
    %scan3A_242 = arith.constant 0 : i32
    %scan3A_243 = arith.constant 156 : i32
    %scan3A_244 = arith.addi %scan3A_242, %scan3A_243 : i32
    %scan3A_245 = arith.constant 1 : i32
    %scan3A_246:8 = scf.for %scan3A_968 = %scan3A_242 to %scan3A_244 step %scan3A_245 iter_args(%scan3A_969 = %scan3A_202#0, %scan3A_970 = %scan3A_202#1, %scan3A_971 = %scan3A_202#2, %scan3A_972 = %scan3A_202#3, %scan3A_973 = %scan3A_202#4, %scan3A_974 = %scan3A_202#5, %scan3A_975 = %scan3A_202#6, %scan3A_976 = %scan3A_202#7) -> (vector<16xf32>, vector<16xf32>, vector<16xf32>, vector<16xf32>, vector<16xi32>, vector<16xi32>, vector<16xi32>, vector<16xi32>)  : i32 {
      %mul3A_977 = arith.constant 64 : i32
      %mul3A_978 = arith.muli %scan3A_968, %mul3A_977 : i32
      %add3A_979 = arith.constant 0 : i32
      %add3A_980 = arith.addi %mul3A_978, %add3A_979 : i32
      %get3A_981 = arith.constant 0 : i32
      %get3A_982 = arith.index_cast %get3A_981 : i32 to index
      %get3A_983 = arith.index_cast %add3A_980 : i32 to index
      %get3A_984 = tpu.vector_load %arg6[%get3A_982, %get3A_983] {strides = array<i32>} : memref<2x10000xf32, #tpu.memory_space<vmem>>, vector<16xf32>,
      %add3A_985 = arith.constant 0 : i32
      %add3A_986 = arith.addi %mul3A_978, %add3A_985 : i32
      %get3A_987 = arith.constant 0 : i32
      %get3A_988 = arith.index_cast %get3A_987 : i32 to index
      %get3A_989 = arith.index_cast %add3A_986 : i32 to index
      %get3A_990 = tpu.vector_load %arg7[%get3A_988, %get3A_989] {strides = array<i32>} : memref<2x10000xf32, #tpu.memory_space<vmem>>, vector<16xf32>,
      %mul3A_991 = arith.mulf %get3A_984, %get3A_29 : vector<16xf32>
      %add3A_992 = arith.addf %mul3A_991, %get3A_990 : vector<16xf32>
      %gt3A_993 = arith.cmpf ogt, %add3A_992, %scan3A_969 : vector<16xf32>
      %select_n3A_994 = arith.select %gt3A_993, %add3A_992, %scan3A_969 : vector<16xi1>, vector<16xf32>
      %add3A_995 = arith.constant 40000 : i32
      %add3A_996 = arith.addi %add3A_995, %mul3A_978 : i32
      %broadcast_in_dim3A_997 = vector.broadcast %add3A_996 : i32 to vector<16xi32>
      %select_n3A_998 = arith.select %gt3A_993, %broadcast_in_dim3A_997, %scan3A_973 : vector<16xi1>, vector<16xi32>
      %add3A_999 = arith.constant 16 : i32
      %add3A_1000 = arith.addi %mul3A_978, %add3A_999 : i32
      %get3A_1001 = arith.constant 0 : i32
      %get3A_1002 = arith.index_cast %get3A_1001 : i32 to index
      %get3A_1003 = arith.index_cast %add3A_1000 : i32 to index
      %get3A_1004 = tpu.vector_load %arg6[%get3A_1002, %get3A_1003] {strides = array<i32>} : memref<2x10000xf32, #tpu.memory_space<vmem>>, vector<16xf32>,
      %add3A_1005 = arith.constant 16 : i32
      %add3A_1006 = arith.addi %mul3A_978, %add3A_1005 : i32
      %get3A_1007 = arith.constant 0 : i32
      %get3A_1008 = arith.index_cast %get3A_1007 : i32 to index
      %get3A_1009 = arith.index_cast %add3A_1006 : i32 to index
      %get3A_1010 = tpu.vector_load %arg7[%get3A_1008, %get3A_1009] {strides = array<i32>} : memref<2x10000xf32, #tpu.memory_space<vmem>>, vector<16xf32>,
      %mul3A_1011 = arith.mulf %get3A_1004, %get3A_29 : vector<16xf32>
      %add3A_1012 = arith.addf %mul3A_1011, %get3A_1010 : vector<16xf32>
      %gt3A_1013 = arith.cmpf ogt, %add3A_1012, %scan3A_970 : vector<16xf32>
      %select_n3A_1014 = arith.select %gt3A_1013, %add3A_1012, %scan3A_970 : vector<16xi1>, vector<16xf32>
      %add3A_1015 = arith.constant 40016 : i32
      %add3A_1016 = arith.addi %add3A_1015, %mul3A_978 : i32
      %broadcast_in_dim3A_1017 = vector.broadcast %add3A_1016 : i32 to vector<16xi32>
      %select_n3A_1018 = arith.select %gt3A_1013, %broadcast_in_dim3A_1017, %scan3A_974 : vector<16xi1>, vector<16xi32>
      %add3A_1019 = arith.constant 32 : i32
      %add3A_1020 = arith.addi %mul3A_978, %add3A_1019 : i32
      %get3A_1021 = arith.constant 0 : i32
      %get3A_1022 = arith.index_cast %get3A_1021 : i32 to index
      %get3A_1023 = arith.index_cast %add3A_1020 : i32 to index
      %get3A_1024 = tpu.vector_load %arg6[%get3A_1022, %get3A_1023] {strides = array<i32>} : memref<2x10000xf32, #tpu.memory_space<vmem>>, vector<16xf32>,
      %add3A_1025 = arith.constant 32 : i32
      %add3A_1026 = arith.addi %mul3A_978, %add3A_1025 : i32
      %get3A_1027 = arith.constant 0 : i32
      %get3A_1028 = arith.index_cast %get3A_1027 : i32 to index
      %get3A_1029 = arith.index_cast %add3A_1026 : i32 to index
      %get3A_1030 = tpu.vector_load %arg7[%get3A_1028, %get3A_1029] {strides = array<i32>} : memref<2x10000xf32, #tpu.memory_space<vmem>>, vector<16xf32>,
      %mul3A_1031 = arith.mulf %get3A_1024, %get3A_29 : vector<16xf32>
      %add3A_1032 = arith.addf %mul3A_1031, %get3A_1030 : vector<16xf32>
      %gt3A_1033 = arith.cmpf ogt, %add3A_1032, %scan3A_971 : vector<16xf32>
      %select_n3A_1034 = arith.select %gt3A_1033, %add3A_1032, %scan3A_971 : vector<16xi1>, vector<16xf32>
      %add3A_1035 = arith.constant 40032 : i32
      %add3A_1036 = arith.addi %add3A_1035, %mul3A_978 : i32
      %broadcast_in_dim3A_1037 = vector.broadcast %add3A_1036 : i32 to vector<16xi32>
      %select_n3A_1038 = arith.select %gt3A_1033, %broadcast_in_dim3A_1037, %scan3A_975 : vector<16xi1>, vector<16xi32>
      %add3A_1039 = arith.constant 48 : i32
      %add3A_1040 = arith.addi %mul3A_978, %add3A_1039 : i32
      %get3A_1041 = arith.constant 0 : i32
      %get3A_1042 = arith.index_cast %get3A_1041 : i32 to index
      %get3A_1043 = arith.index_cast %add3A_1040 : i32 to index
      %get3A_1044 = tpu.vector_load %arg6[%get3A_1042, %get3A_1043] {strides = array<i32>} : memref<2x10000xf32, #tpu.memory_space<vmem>>, vector<16xf32>,
      %add3A_1045 = arith.constant 48 : i32
      %add3A_1046 = arith.addi %mul3A_978, %add3A_1045 : i32
      %get3A_1047 = arith.constant 0 : i32
      %get3A_1048 = arith.index_cast %get3A_1047 : i32 to index
      %get3A_1049 = arith.index_cast %add3A_1046 : i32 to index
      %get3A_1050 = tpu.vector_load %arg7[%get3A_1048, %get3A_1049] {strides = array<i32>} : memref<2x10000xf32, #tpu.memory_space<vmem>>, vector<16xf32>,
      %mul3A_1051 = arith.mulf %get3A_1044, %get3A_29 : vector<16xf32>
      %add3A_1052 = arith.addf %mul3A_1051, %get3A_1050 : vector<16xf32>
      %gt3A_1053 = arith.cmpf ogt, %add3A_1052, %scan3A_972 : vector<16xf32>
      %select_n3A_1054 = arith.select %gt3A_1053, %add3A_1052, %scan3A_972 : vector<16xi1>, vector<16xf32>
      %add3A_1055 = arith.constant 40048 : i32
      %add3A_1056 = arith.addi %add3A_1055, %mul3A_978 : i32
      %broadcast_in_dim3A_1057 = vector.broadcast %add3A_1056 : i32 to vector<16xi32>
      %select_n3A_1058 = arith.select %gt3A_1053, %broadcast_in_dim3A_1057, %scan3A_976 : vector<16xi1>, vector<16xi32>
      scf.yield %select_n3A_994, %select_n3A_1014, %select_n3A_1034, %select_n3A_1054, %select_n3A_998, %select_n3A_1018, %select_n3A_1038, %select_n3A_1058 : vector<16xf32>, vector<16xf32>, vector<16xf32>, vector<16xf32>, vector<16xi32>, vector<16xi32>, vector<16xi32>, vector<16xi32>
    }
    %scan3A_247 = arith.constant 156 : i32
    %add3A_248 = arith.constant 60000 : i32
    %add3A_249 = arith.addi %mul3A_2, %add3A_248 : i32
    %dma_start3A_250 = arith.constant 0 : i32
    %dma_start3A_251 = arith.constant 0 : i32
    %dma_start3A_252 = tpu.memref_slice %arg6[%dma_start3A_250, %dma_start3A_251] : memref<2x10000xf32, #tpu.memory_space<vmem>> -> memref<1x10000xf32, #tpu.memory_space<vmem>>
    %dma_start3A_253 = tpu.memref_squeeze %dma_start3A_252 : memref<1x10000xf32, #tpu.memory_space<vmem>> -> memref<10000xf32, #tpu.memory_space<vmem>>
    %dma_start3A_254 = tpu.memref_slice %arg2[%add3A_249] : memref<6400000xf32, #tpu.memory_space<hbm>> -> memref<10000xf32, #tpu.memory_space<hbm>>
    %dma_start3A_255 = arith.constant 0 : i32
    %dma_start3A_256 = tpu.memref_slice %arg6[%dma_start3A_250, %dma_start3A_255] : memref<2x10000xf32, #tpu.memory_space<vmem>> -> memref<1x10000xf32, #tpu.memory_space<vmem>>
    %dma_start3A_257 = tpu.memref_squeeze %dma_start3A_256 : memref<1x10000xf32, #tpu.memory_space<vmem>> -> memref<10000xf32, #tpu.memory_space<vmem>>
    %dma_start3A_258 = tpu.memref_slice %arg2[%add3A_249] : memref<6400000xf32, #tpu.memory_space<hbm>> -> memref<10000xf32, #tpu.memory_space<hbm>>
    tpu.enqueue_dma source(%dma_start3A_258 : memref<10000xf32, #tpu.memory_space<hbm>>) target(%dma_start3A_257 : memref<10000xf32, #tpu.memory_space<vmem>>) target_semaphore(%arg10 : memref<!tpu.dma_semaphore, #tpu.memory_space<semaphore_mem>>)
    %dma_start3A_259 = arith.constant 0 : i32
    %dma_start3A_260 = arith.constant 0 : i32
    %dma_start3A_261 = tpu.memref_slice %arg7[%dma_start3A_259, %dma_start3A_260] : memref<2x10000xf32, #tpu.memory_space<vmem>> -> memref<1x10000xf32, #tpu.memory_space<vmem>>
    %dma_start3A_262 = tpu.memref_squeeze %dma_start3A_261 : memref<1x10000xf32, #tpu.memory_space<vmem>> -> memref<10000xf32, #tpu.memory_space<vmem>>
    %dma_start3A_263 = tpu.memref_slice %arg3[%add3A_249] : memref<6400000xf32, #tpu.memory_space<hbm>> -> memref<10000xf32, #tpu.memory_space<hbm>>
    %dma_start3A_264 = arith.constant 0 : i32
    %dma_start3A_265 = tpu.memref_slice %arg7[%dma_start3A_259, %dma_start3A_264] : memref<2x10000xf32, #tpu.memory_space<vmem>> -> memref<1x10000xf32, #tpu.memory_space<vmem>>
    %dma_start3A_266 = tpu.memref_squeeze %dma_start3A_265 : memref<1x10000xf32, #tpu.memory_space<vmem>> -> memref<10000xf32, #tpu.memory_space<vmem>>
    %dma_start3A_267 = tpu.memref_slice %arg3[%add3A_249] : memref<6400000xf32, #tpu.memory_space<hbm>> -> memref<10000xf32, #tpu.memory_space<hbm>>
    tpu.enqueue_dma source(%dma_start3A_267 : memref<10000xf32, #tpu.memory_space<hbm>>) target(%dma_start3A_266 : memref<10000xf32, #tpu.memory_space<vmem>>) target_semaphore(%arg12 : memref<!tpu.dma_semaphore, #tpu.memory_space<semaphore_mem>>)
    %dma_wait3A_268 = arith.constant 1 : i32
    %dma_wait3A_269 = arith.constant 0 : i32
    %dma_wait3A_270 = tpu.memref_slice %arg6[%dma_wait3A_268, %dma_wait3A_269] : memref<2x10000xf32, #tpu.memory_space<vmem>> -> memref<1x10000xf32, #tpu.memory_space<vmem>>
    %dma_wait3A_271 = tpu.memref_squeeze %dma_wait3A_270 : memref<1x10000xf32, #tpu.memory_space<vmem>> -> memref<10000xf32, #tpu.memory_space<vmem>>
    %dma_wait3A_272 = tpu.memref_slice %arg2[%add3A_205] : memref<6400000xf32, #tpu.memory_space<hbm>> -> memref<10000xf32, #tpu.memory_space<hbm>>
    %dma_wait3A_273 = arith.constant 0 : i32
    %dma_wait3A_274 = tpu.memref_slice %arg6[%dma_wait3A_268, %dma_wait3A_273] : memref<2x10000xf32, #tpu.memory_space<vmem>> -> memref<1x10000xf32, #tpu.memory_space<vmem>>
    %dma_wait3A_275 = tpu.memref_squeeze %dma_wait3A_274 : memref<1x10000xf32, #tpu.memory_space<vmem>> -> memref<10000xf32, #tpu.memory_space<vmem>>
    %dma_wait3A_276 = tpu.memref_slice %arg2[%add3A_205] : memref<6400000xf32, #tpu.memory_space<hbm>> -> memref<10000xf32, #tpu.memory_space<hbm>>
    tpu.wait_dma2 semaphore(%arg11 : memref<!tpu.dma_semaphore, #tpu.memory_space<semaphore_mem>>) src(%dma_wait3A_276 : memref<10000xf32, #tpu.memory_space<hbm>>) dst(%dma_wait3A_275 : memref<10000xf32, #tpu.memory_space<vmem>>)
    %dma_wait3A_277 = arith.constant 1 : i32
    %dma_wait3A_278 = arith.constant 0 : i32
    %dma_wait3A_279 = tpu.memref_slice %arg7[%dma_wait3A_277, %dma_wait3A_278] : memref<2x10000xf32, #tpu.memory_space<vmem>> -> memref<1x10000xf32, #tpu.memory_space<vmem>>
    %dma_wait3A_280 = tpu.memref_squeeze %dma_wait3A_279 : memref<1x10000xf32, #tpu.memory_space<vmem>> -> memref<10000xf32, #tpu.memory_space<vmem>>
    %dma_wait3A_281 = tpu.memref_slice %arg3[%add3A_205] : memref<6400000xf32, #tpu.memory_space<hbm>> -> memref<10000xf32, #tpu.memory_space<hbm>>
    %dma_wait3A_282 = arith.constant 0 : i32
    %dma_wait3A_283 = tpu.memref_slice %arg7[%dma_wait3A_277, %dma_wait3A_282] : memref<2x10000xf32, #tpu.memory_space<vmem>> -> memref<1x10000xf32, #tpu.memory_space<vmem>>
    %dma_wait3A_284 = tpu.memref_squeeze %dma_wait3A_283 : memref<1x10000xf32, #tpu.memory_space<vmem>> -> memref<10000xf32, #tpu.memory_space<vmem>>
    %dma_wait3A_285 = tpu.memref_slice %arg3[%add3A_205] : memref<6400000xf32, #tpu.memory_space<hbm>> -> memref<10000xf32, #tpu.memory_space<hbm>>
    tpu.wait_dma2 semaphore(%arg13 : memref<!tpu.dma_semaphore, #tpu.memory_space<semaphore_mem>>) src(%dma_wait3A_285 : memref<10000xf32, #tpu.memory_space<hbm>>) dst(%dma_wait3A_284 : memref<10000xf32, #tpu.memory_space<vmem>>)
    %scan3A_286 = arith.constant 0 : i32
    %scan3A_287 = arith.constant 156 : i32
    %scan3A_288 = arith.addi %scan3A_286, %scan3A_287 : i32
    %scan3A_289 = arith.constant 1 : i32
    %scan3A_290:8 = scf.for %scan3A_968 = %scan3A_286 to %scan3A_288 step %scan3A_289 iter_args(%scan3A_969 = %scan3A_246#0, %scan3A_970 = %scan3A_246#1, %scan3A_971 = %scan3A_246#2, %scan3A_972 = %scan3A_246#3, %scan3A_973 = %scan3A_246#4, %scan3A_974 = %scan3A_246#5, %scan3A_975 = %scan3A_246#6, %scan3A_976 = %scan3A_246#7) -> (vector<16xf32>, vector<16xf32>, vector<16xf32>, vector<16xf32>, vector<16xi32>, vector<16xi32>, vector<16xi32>, vector<16xi32>)  : i32 {
      %mul3A_977 = arith.constant 64 : i32
      %mul3A_978 = arith.muli %scan3A_968, %mul3A_977 : i32
      %add3A_979 = arith.constant 0 : i32
      %add3A_980 = arith.addi %mul3A_978, %add3A_979 : i32
      %get3A_981 = arith.constant 1 : i32
      %get3A_982 = arith.index_cast %get3A_981 : i32 to index
      %get3A_983 = arith.index_cast %add3A_980 : i32 to index
      %get3A_984 = tpu.vector_load %arg6[%get3A_982, %get3A_983] {strides = array<i32>} : memref<2x10000xf32, #tpu.memory_space<vmem>>, vector<16xf32>,
      %add3A_985 = arith.constant 0 : i32
      %add3A_986 = arith.addi %mul3A_978, %add3A_985 : i32
      %get3A_987 = arith.constant 1 : i32
      %get3A_988 = arith.index_cast %get3A_987 : i32 to index
      %get3A_989 = arith.index_cast %add3A_986 : i32 to index
      %get3A_990 = tpu.vector_load %arg7[%get3A_988, %get3A_989] {strides = array<i32>} : memref<2x10000xf32, #tpu.memory_space<vmem>>, vector<16xf32>,
      %mul3A_991 = arith.mulf %get3A_984, %get3A_29 : vector<16xf32>
      %add3A_992 = arith.addf %mul3A_991, %get3A_990 : vector<16xf32>
      %gt3A_993 = arith.cmpf ogt, %add3A_992, %scan3A_969 : vector<16xf32>
      %select_n3A_994 = arith.select %gt3A_993, %add3A_992, %scan3A_969 : vector<16xi1>, vector<16xf32>
      %add3A_995 = arith.constant 50000 : i32
      %add3A_996 = arith.addi %add3A_995, %mul3A_978 : i32
      %broadcast_in_dim3A_997 = vector.broadcast %add3A_996 : i32 to vector<16xi32>
      %select_n3A_998 = arith.select %gt3A_993, %broadcast_in_dim3A_997, %scan3A_973 : vector<16xi1>, vector<16xi32>
      %add3A_999 = arith.constant 16 : i32
      %add3A_1000 = arith.addi %mul3A_978, %add3A_999 : i32
      %get3A_1001 = arith.constant 1 : i32
      %get3A_1002 = arith.index_cast %get3A_1001 : i32 to index
      %get3A_1003 = arith.index_cast %add3A_1000 : i32 to index
      %get3A_1004 = tpu.vector_load %arg6[%get3A_1002, %get3A_1003] {strides = array<i32>} : memref<2x10000xf32, #tpu.memory_space<vmem>>, vector<16xf32>,
      %add3A_1005 = arith.constant 16 : i32
      %add3A_1006 = arith.addi %mul3A_978, %add3A_1005 : i32
      %get3A_1007 = arith.constant 1 : i32
      %get3A_1008 = arith.index_cast %get3A_1007 : i32 to index
      %get3A_1009 = arith.index_cast %add3A_1006 : i32 to index
      %get3A_1010 = tpu.vector_load %arg7[%get3A_1008, %get3A_1009] {strides = array<i32>} : memref<2x10000xf32, #tpu.memory_space<vmem>>, vector<16xf32>,
      %mul3A_1011 = arith.mulf %get3A_1004, %get3A_29 : vector<16xf32>
      %add3A_1012 = arith.addf %mul3A_1011, %get3A_1010 : vector<16xf32>
      %gt3A_1013 = arith.cmpf ogt, %add3A_1012, %scan3A_970 : vector<16xf32>
      %select_n3A_1014 = arith.select %gt3A_1013, %add3A_1012, %scan3A_970 : vector<16xi1>, vector<16xf32>
      %add3A_1015 = arith.constant 50016 : i32
      %add3A_1016 = arith.addi %add3A_1015, %mul3A_978 : i32
      %broadcast_in_dim3A_1017 = vector.broadcast %add3A_1016 : i32 to vector<16xi32>
      %select_n3A_1018 = arith.select %gt3A_1013, %broadcast_in_dim3A_1017, %scan3A_974 : vector<16xi1>, vector<16xi32>
      %add3A_1019 = arith.constant 32 : i32
      %add3A_1020 = arith.addi %mul3A_978, %add3A_1019 : i32
      %get3A_1021 = arith.constant 1 : i32
      %get3A_1022 = arith.index_cast %get3A_1021 : i32 to index
      %get3A_1023 = arith.index_cast %add3A_1020 : i32 to index
      %get3A_1024 = tpu.vector_load %arg6[%get3A_1022, %get3A_1023] {strides = array<i32>} : memref<2x10000xf32, #tpu.memory_space<vmem>>, vector<16xf32>,
      %add3A_1025 = arith.constant 32 : i32
      %add3A_1026 = arith.addi %mul3A_978, %add3A_1025 : i32
      %get3A_1027 = arith.constant 1 : i32
      %get3A_1028 = arith.index_cast %get3A_1027 : i32 to index
      %get3A_1029 = arith.index_cast %add3A_1026 : i32 to index
      %get3A_1030 = tpu.vector_load %arg7[%get3A_1028, %get3A_1029] {strides = array<i32>} : memref<2x10000xf32, #tpu.memory_space<vmem>>, vector<16xf32>,
      %mul3A_1031 = arith.mulf %get3A_1024, %get3A_29 : vector<16xf32>
      %add3A_1032 = arith.addf %mul3A_1031, %get3A_1030 : vector<16xf32>
      %gt3A_1033 = arith.cmpf ogt, %add3A_1032, %scan3A_971 : vector<16xf32>
      %select_n3A_1034 = arith.select %gt3A_1033, %add3A_1032, %scan3A_971 : vector<16xi1>, vector<16xf32>
      %add3A_1035 = arith.constant 50032 : i32
      %add3A_1036 = arith.addi %add3A_1035, %mul3A_978 : i32
      %broadcast_in_dim3A_1037 = vector.broadcast %add3A_1036 : i32 to vector<16xi32>
      %select_n3A_1038 = arith.select %gt3A_1033, %broadcast_in_dim3A_1037, %scan3A_975 : vector<16xi1>, vector<16xi32>
      %add3A_1039 = arith.constant 48 : i32
      %add3A_1040 = arith.addi %mul3A_978, %add3A_1039 : i32
      %get3A_1041 = arith.constant 1 : i32
      %get3A_1042 = arith.index_cast %get3A_1041 : i32 to index
      %get3A_1043 = arith.index_cast %add3A_1040 : i32 to index
      %get3A_1044 = tpu.vector_load %arg6[%get3A_1042, %get3A_1043] {strides = array<i32>} : memref<2x10000xf32, #tpu.memory_space<vmem>>, vector<16xf32>,
      %add3A_1045 = arith.constant 48 : i32
      %add3A_1046 = arith.addi %mul3A_978, %add3A_1045 : i32
      %get3A_1047 = arith.constant 1 : i32
      %get3A_1048 = arith.index_cast %get3A_1047 : i32 to index
      %get3A_1049 = arith.index_cast %add3A_1046 : i32 to index
      %get3A_1050 = tpu.vector_load %arg7[%get3A_1048, %get3A_1049] {strides = array<i32>} : memref<2x10000xf32, #tpu.memory_space<vmem>>, vector<16xf32>,
      %mul3A_1051 = arith.mulf %get3A_1044, %get3A_29 : vector<16xf32>
      %add3A_1052 = arith.addf %mul3A_1051, %get3A_1050 : vector<16xf32>
      %gt3A_1053 = arith.cmpf ogt, %add3A_1052, %scan3A_972 : vector<16xf32>
      %select_n3A_1054 = arith.select %gt3A_1053, %add3A_1052, %scan3A_972 : vector<16xi1>, vector<16xf32>
      %add3A_1055 = arith.constant 50048 : i32
      %add3A_1056 = arith.addi %add3A_1055, %mul3A_978 : i32
      %broadcast_in_dim3A_1057 = vector.broadcast %add3A_1056 : i32 to vector<16xi32>
      %select_n3A_1058 = arith.select %gt3A_1053, %broadcast_in_dim3A_1057, %scan3A_976 : vector<16xi1>, vector<16xi32>
      scf.yield %select_n3A_994, %select_n3A_1014, %select_n3A_1034, %select_n3A_1054, %select_n3A_998, %select_n3A_1018, %select_n3A_1038, %select_n3A_1058 : vector<16xf32>, vector<16xf32>, vector<16xf32>, vector<16xf32>, vector<16xi32>, vector<16xi32>, vector<16xi32>, vector<16xi32>
    }
    %scan3A_291 = arith.constant 156 : i32
    %add3A_292 = arith.constant 70000 : i32
    %add3A_293 = arith.addi %mul3A_2, %add3A_292 : i32
    %dma_start3A_294 = arith.constant 1 : i32
    %dma_start3A_295 = arith.constant 0 : i32
    %dma_start3A_296 = tpu.memref_slice %arg6[%dma_start3A_294, %dma_start3A_295] : memref<2x10000xf32, #tpu.memory_space<vmem>> -> memref<1x10000xf32, #tpu.memory_space<vmem>>
    %dma_start3A_297 = tpu.memref_squeeze %dma_start3A_296 : memref<1x10000xf32, #tpu.memory_space<vmem>> -> memref<10000xf32, #tpu.memory_space<vmem>>
    %dma_start3A_298 = tpu.memref_slice %arg2[%add3A_293] : memref<6400000xf32, #tpu.memory_space<hbm>> -> memref<10000xf32, #tpu.memory_space<hbm>>
    %dma_start3A_299 = arith.constant 0 : i32
    %dma_start3A_300 = tpu.memref_slice %arg6[%dma_start3A_294, %dma_start3A_299] : memref<2x10000xf32, #tpu.memory_space<vmem>> -> memref<1x10000xf32, #tpu.memory_space<vmem>>
    %dma_start3A_301 = tpu.memref_squeeze %dma_start3A_300 : memref<1x10000xf32, #tpu.memory_space<vmem>> -> memref<10000xf32, #tpu.memory_space<vmem>>
    %dma_start3A_302 = tpu.memref_slice %arg2[%add3A_293] : memref<6400000xf32, #tpu.memory_space<hbm>> -> memref<10000xf32, #tpu.memory_space<hbm>>
    tpu.enqueue_dma source(%dma_start3A_302 : memref<10000xf32, #tpu.memory_space<hbm>>) target(%dma_start3A_301 : memref<10000xf32, #tpu.memory_space<vmem>>) target_semaphore(%arg11 : memref<!tpu.dma_semaphore, #tpu.memory_space<semaphore_mem>>)
    %dma_start3A_303 = arith.constant 1 : i32
    %dma_start3A_304 = arith.constant 0 : i32
    %dma_start3A_305 = tpu.memref_slice %arg7[%dma_start3A_303, %dma_start3A_304] : memref<2x10000xf32, #tpu.memory_space<vmem>> -> memref<1x10000xf32, #tpu.memory_space<vmem>>
    %dma_start3A_306 = tpu.memref_squeeze %dma_start3A_305 : memref<1x10000xf32, #tpu.memory_space<vmem>> -> memref<10000xf32, #tpu.memory_space<vmem>>
    %dma_start3A_307 = tpu.memref_slice %arg3[%add3A_293] : memref<6400000xf32, #tpu.memory_space<hbm>> -> memref<10000xf32, #tpu.memory_space<hbm>>
    %dma_start3A_308 = arith.constant 0 : i32
    %dma_start3A_309 = tpu.memref_slice %arg7[%dma_start3A_303, %dma_start3A_308] : memref<2x10000xf32, #tpu.memory_space<vmem>> -> memref<1x10000xf32, #tpu.memory_space<vmem>>
    %dma_start3A_310 = tpu.memref_squeeze %dma_start3A_309 : memref<1x10000xf32, #tpu.memory_space<vmem>> -> memref<10000xf32, #tpu.memory_space<vmem>>
    %dma_start3A_311 = tpu.memref_slice %arg3[%add3A_293] : memref<6400000xf32, #tpu.memory_space<hbm>> -> memref<10000xf32, #tpu.memory_space<hbm>>
    tpu.enqueue_dma source(%dma_start3A_311 : memref<10000xf32, #tpu.memory_space<hbm>>) target(%dma_start3A_310 : memref<10000xf32, #tpu.memory_space<vmem>>) target_semaphore(%arg13 : memref<!tpu.dma_semaphore, #tpu.memory_space<semaphore_mem>>)
    %dma_wait3A_312 = arith.constant 0 : i32
    %dma_wait3A_313 = arith.constant 0 : i32
    %dma_wait3A_314 = tpu.memref_slice %arg6[%dma_wait3A_312, %dma_wait3A_313] : memref<2x10000xf32, #tpu.memory_space<vmem>> -> memref<1x10000xf32, #tpu.memory_space<vmem>>
    %dma_wait3A_315 = tpu.memref_squeeze %dma_wait3A_314 : memref<1x10000xf32, #tpu.memory_space<vmem>> -> memref<10000xf32, #tpu.memory_space<vmem>>
    %dma_wait3A_316 = tpu.memref_slice %arg2[%add3A_249] : memref<6400000xf32, #tpu.memory_space<hbm>> -> memref<10000xf32, #tpu.memory_space<hbm>>
    %dma_wait3A_317 = arith.constant 0 : i32
    %dma_wait3A_318 = tpu.memref_slice %arg6[%dma_wait3A_312, %dma_wait3A_317] : memref<2x10000xf32, #tpu.memory_space<vmem>> -> memref<1x10000xf32, #tpu.memory_space<vmem>>
    %dma_wait3A_319 = tpu.memref_squeeze %dma_wait3A_318 : memref<1x10000xf32, #tpu.memory_space<vmem>> -> memref<10000xf32, #tpu.memory_space<vmem>>
    %dma_wait3A_320 = tpu.memref_slice %arg2[%add3A_249] : memref<6400000xf32, #tpu.memory_space<hbm>> -> memref<10000xf32, #tpu.memory_space<hbm>>
    tpu.wait_dma2 semaphore(%arg10 : memref<!tpu.dma_semaphore, #tpu.memory_space<semaphore_mem>>) src(%dma_wait3A_320 : memref<10000xf32, #tpu.memory_space<hbm>>) dst(%dma_wait3A_319 : memref<10000xf32, #tpu.memory_space<vmem>>)
    %dma_wait3A_321 = arith.constant 0 : i32
    %dma_wait3A_322 = arith.constant 0 : i32
    %dma_wait3A_323 = tpu.memref_slice %arg7[%dma_wait3A_321, %dma_wait3A_322] : memref<2x10000xf32, #tpu.memory_space<vmem>> -> memref<1x10000xf32, #tpu.memory_space<vmem>>
    %dma_wait3A_324 = tpu.memref_squeeze %dma_wait3A_323 : memref<1x10000xf32, #tpu.memory_space<vmem>> -> memref<10000xf32, #tpu.memory_space<vmem>>
    %dma_wait3A_325 = tpu.memref_slice %arg3[%add3A_249] : memref<6400000xf32, #tpu.memory_space<hbm>> -> memref<10000xf32, #tpu.memory_space<hbm>>
    %dma_wait3A_326 = arith.constant 0 : i32
    %dma_wait3A_327 = tpu.memref_slice %arg7[%dma_wait3A_321, %dma_wait3A_326] : memref<2x10000xf32, #tpu.memory_space<vmem>> -> memref<1x10000xf32, #tpu.memory_space<vmem>>
    %dma_wait3A_328 = tpu.memref_squeeze %dma_wait3A_327 : memref<1x10000xf32, #tpu.memory_space<vmem>> -> memref<10000xf32, #tpu.memory_space<vmem>>
    %dma_wait3A_329 = tpu.memref_slice %arg3[%add3A_249] : memref<6400000xf32, #tpu.memory_space<hbm>> -> memref<10000xf32, #tpu.memory_space<hbm>>
    tpu.wait_dma2 semaphore(%arg12 : memref<!tpu.dma_semaphore, #tpu.memory_space<semaphore_mem>>) src(%dma_wait3A_329 : memref<10000xf32, #tpu.memory_space<hbm>>) dst(%dma_wait3A_328 : memref<10000xf32, #tpu.memory_space<vmem>>)
    %scan3A_330 = arith.constant 0 : i32
    %scan3A_331 = arith.constant 156 : i32
    %scan3A_332 = arith.addi %scan3A_330, %scan3A_331 : i32
    %scan3A_333 = arith.constant 1 : i32
    %scan3A_334:8 = scf.for %scan3A_968 = %scan3A_330 to %scan3A_332 step %scan3A_333 iter_args(%scan3A_969 = %scan3A_290#0, %scan3A_970 = %scan3A_290#1, %scan3A_971 = %scan3A_290#2, %scan3A_972 = %scan3A_290#3, %scan3A_973 = %scan3A_290#4, %scan3A_974 = %scan3A_290#5, %scan3A_975 = %scan3A_290#6, %scan3A_976 = %scan3A_290#7) -> (vector<16xf32>, vector<16xf32>, vector<16xf32>, vector<16xf32>, vector<16xi32>, vector<16xi32>, vector<16xi32>, vector<16xi32>)  : i32 {
      %mul3A_977 = arith.constant 64 : i32
      %mul3A_978 = arith.muli %scan3A_968, %mul3A_977 : i32
      %add3A_979 = arith.constant 0 : i32
      %add3A_980 = arith.addi %mul3A_978, %add3A_979 : i32
      %get3A_981 = arith.constant 0 : i32
      %get3A_982 = arith.index_cast %get3A_981 : i32 to index
      %get3A_983 = arith.index_cast %add3A_980 : i32 to index
      %get3A_984 = tpu.vector_load %arg6[%get3A_982, %get3A_983] {strides = array<i32>} : memref<2x10000xf32, #tpu.memory_space<vmem>>, vector<16xf32>,
      %add3A_985 = arith.constant 0 : i32
      %add3A_986 = arith.addi %mul3A_978, %add3A_985 : i32
      %get3A_987 = arith.constant 0 : i32
      %get3A_988 = arith.index_cast %get3A_987 : i32 to index
      %get3A_989 = arith.index_cast %add3A_986 : i32 to index
      %get3A_990 = tpu.vector_load %arg7[%get3A_988, %get3A_989] {strides = array<i32>} : memref<2x10000xf32, #tpu.memory_space<vmem>>, vector<16xf32>,
      %mul3A_991 = arith.mulf %get3A_984, %get3A_29 : vector<16xf32>
      %add3A_992 = arith.addf %mul3A_991, %get3A_990 : vector<16xf32>
      %gt3A_993 = arith.cmpf ogt, %add3A_992, %scan3A_969 : vector<16xf32>
      %select_n3A_994 = arith.select %gt3A_993, %add3A_992, %scan3A_969 : vector<16xi1>, vector<16xf32>
      %add3A_995 = arith.constant 60000 : i32
      %add3A_996 = arith.addi %add3A_995, %mul3A_978 : i32
      %broadcast_in_dim3A_997 = vector.broadcast %add3A_996 : i32 to vector<16xi32>
      %select_n3A_998 = arith.select %gt3A_993, %broadcast_in_dim3A_997, %scan3A_973 : vector<16xi1>, vector<16xi32>
      %add3A_999 = arith.constant 16 : i32
      %add3A_1000 = arith.addi %mul3A_978, %add3A_999 : i32
      %get3A_1001 = arith.constant 0 : i32
      %get3A_1002 = arith.index_cast %get3A_1001 : i32 to index
      %get3A_1003 = arith.index_cast %add3A_1000 : i32 to index
      %get3A_1004 = tpu.vector_load %arg6[%get3A_1002, %get3A_1003] {strides = array<i32>} : memref<2x10000xf32, #tpu.memory_space<vmem>>, vector<16xf32>,
      %add3A_1005 = arith.constant 16 : i32
      %add3A_1006 = arith.addi %mul3A_978, %add3A_1005 : i32
      %get3A_1007 = arith.constant 0 : i32
      %get3A_1008 = arith.index_cast %get3A_1007 : i32 to index
      %get3A_1009 = arith.index_cast %add3A_1006 : i32 to index
      %get3A_1010 = tpu.vector_load %arg7[%get3A_1008, %get3A_1009] {strides = array<i32>} : memref<2x10000xf32, #tpu.memory_space<vmem>>, vector<16xf32>,
      %mul3A_1011 = arith.mulf %get3A_1004, %get3A_29 : vector<16xf32>
      %add3A_1012 = arith.addf %mul3A_1011, %get3A_1010 : vector<16xf32>
      %gt3A_1013 = arith.cmpf ogt, %add3A_1012, %scan3A_970 : vector<16xf32>
      %select_n3A_1014 = arith.select %gt3A_1013, %add3A_1012, %scan3A_970 : vector<16xi1>, vector<16xf32>
      %add3A_1015 = arith.constant 60016 : i32
      %add3A_1016 = arith.addi %add3A_1015, %mul3A_978 : i32
      %broadcast_in_dim3A_1017 = vector.broadcast %add3A_1016 : i32 to vector<16xi32>
      %select_n3A_1018 = arith.select %gt3A_1013, %broadcast_in_dim3A_1017, %scan3A_974 : vector<16xi1>, vector<16xi32>
      %add3A_1019 = arith.constant 32 : i32
      %add3A_1020 = arith.addi %mul3A_978, %add3A_1019 : i32
      %get3A_1021 = arith.constant 0 : i32
      %get3A_1022 = arith.index_cast %get3A_1021 : i32 to index
      %get3A_1023 = arith.index_cast %add3A_1020 : i32 to index
      %get3A_1024 = tpu.vector_load %arg6[%get3A_1022, %get3A_1023] {strides = array<i32>} : memref<2x10000xf32, #tpu.memory_space<vmem>>, vector<16xf32>,
      %add3A_1025 = arith.constant 32 : i32
      %add3A_1026 = arith.addi %mul3A_978, %add3A_1025 : i32
      %get3A_1027 = arith.constant 0 : i32
      %get3A_1028 = arith.index_cast %get3A_1027 : i32 to index
      %get3A_1029 = arith.index_cast %add3A_1026 : i32 to index
      %get3A_1030 = tpu.vector_load %arg7[%get3A_1028, %get3A_1029] {strides = array<i32>} : memref<2x10000xf32, #tpu.memory_space<vmem>>, vector<16xf32>,
      %mul3A_1031 = arith.mulf %get3A_1024, %get3A_29 : vector<16xf32>
      %add3A_1032 = arith.addf %mul3A_1031, %get3A_1030 : vector<16xf32>
      %gt3A_1033 = arith.cmpf ogt, %add3A_1032, %scan3A_971 : vector<16xf32>
      %select_n3A_1034 = arith.select %gt3A_1033, %add3A_1032, %scan3A_971 : vector<16xi1>, vector<16xf32>
      %add3A_1035 = arith.constant 60032 : i32
      %add3A_1036 = arith.addi %add3A_1035, %mul3A_978 : i32
      %broadcast_in_dim3A_1037 = vector.broadcast %add3A_1036 : i32 to vector<16xi32>
      %select_n3A_1038 = arith.select %gt3A_1033, %broadcast_in_dim3A_1037, %scan3A_975 : vector<16xi1>, vector<16xi32>
      %add3A_1039 = arith.constant 48 : i32
      %add3A_1040 = arith.addi %mul3A_978, %add3A_1039 : i32
      %get3A_1041 = arith.constant 0 : i32
      %get3A_1042 = arith.index_cast %get3A_1041 : i32 to index
      %get3A_1043 = arith.index_cast %add3A_1040 : i32 to index
      %get3A_1044 = tpu.vector_load %arg6[%get3A_1042, %get3A_1043] {strides = array<i32>} : memref<2x10000xf32, #tpu.memory_space<vmem>>, vector<16xf32>,
      %add3A_1045 = arith.constant 48 : i32
      %add3A_1046 = arith.addi %mul3A_978, %add3A_1045 : i32
      %get3A_1047 = arith.constant 0 : i32
      %get3A_1048 = arith.index_cast %get3A_1047 : i32 to index
      %get3A_1049 = arith.index_cast %add3A_1046 : i32 to index
      %get3A_1050 = tpu.vector_load %arg7[%get3A_1048, %get3A_1049] {strides = array<i32>} : memref<2x10000xf32, #tpu.memory_space<vmem>>, vector<16xf32>,
      %mul3A_1051 = arith.mulf %get3A_1044, %get3A_29 : vector<16xf32>
      %add3A_1052 = arith.addf %mul3A_1051, %get3A_1050 : vector<16xf32>
      %gt3A_1053 = arith.cmpf ogt, %add3A_1052, %scan3A_972 : vector<16xf32>
      %select_n3A_1054 = arith.select %gt3A_1053, %add3A_1052, %scan3A_972 : vector<16xi1>, vector<16xf32>
      %add3A_1055 = arith.constant 60048 : i32
      %add3A_1056 = arith.addi %add3A_1055, %mul3A_978 : i32
      %broadcast_in_dim3A_1057 = vector.broadcast %add3A_1056 : i32 to vector<16xi32>
      %select_n3A_1058 = arith.select %gt3A_1053, %broadcast_in_dim3A_1057, %scan3A_976 : vector<16xi1>, vector<16xi32>
      scf.yield %select_n3A_994, %select_n3A_1014, %select_n3A_1034, %select_n3A_1054, %select_n3A_998, %select_n3A_1018, %select_n3A_1038, %select_n3A_1058 : vector<16xf32>, vector<16xf32>, vector<16xf32>, vector<16xf32>, vector<16xi32>, vector<16xi32>, vector<16xi32>, vector<16xi32>
    }
    %scan3A_335 = arith.constant 156 : i32
    %add3A_336 = arith.constant 80000 : i32
    %add3A_337 = arith.addi %mul3A_2, %add3A_336 : i32
    %dma_start3A_338 = arith.constant 0 : i32
    %dma_start3A_339 = arith.constant 0 : i32
    %dma_start3A_340 = tpu.memref_slice %arg6[%dma_start3A_338, %dma_start3A_339] : memref<2x10000xf32, #tpu.memory_space<vmem>> -> memref<1x10000xf32, #tpu.memory_space<vmem>>
    %dma_start3A_341 = tpu.memref_squeeze %dma_start3A_340 : memref<1x10000xf32, #tpu.memory_space<vmem>> -> memref<10000xf32, #tpu.memory_space<vmem>>
    %dma_start3A_342 = tpu.memref_slice %arg2[%add3A_337] : memref<6400000xf32, #tpu.memory_space<hbm>> -> memref<10000xf32, #tpu.memory_space<hbm>>
    %dma_start3A_343 = arith.constant 0 : i32
    %dma_start3A_344 = tpu.memref_slice %arg6[%dma_start3A_338, %dma_start3A_343] : memref<2x10000xf32, #tpu.memory_space<vmem>> -> memref<1x10000xf32, #tpu.memory_space<vmem>>
    %dma_start3A_345 = tpu.memref_squeeze %dma_start3A_344 : memref<1x10000xf32, #tpu.memory_space<vmem>> -> memref<10000xf32, #tpu.memory_space<vmem>>
    %dma_start3A_346 = tpu.memref_slice %arg2[%add3A_337] : memref<6400000xf32, #tpu.memory_space<hbm>> -> memref<10000xf32, #tpu.memory_space<hbm>>
    tpu.enqueue_dma source(%dma_start3A_346 : memref<10000xf32, #tpu.memory_space<hbm>>) target(%dma_start3A_345 : memref<10000xf32, #tpu.memory_space<vmem>>) target_semaphore(%arg10 : memref<!tpu.dma_semaphore, #tpu.memory_space<semaphore_mem>>)
    %dma_start3A_347 = arith.constant 0 : i32
    %dma_start3A_348 = arith.constant 0 : i32
    %dma_start3A_349 = tpu.memref_slice %arg7[%dma_start3A_347, %dma_start3A_348] : memref<2x10000xf32, #tpu.memory_space<vmem>> -> memref<1x10000xf32, #tpu.memory_space<vmem>>
    %dma_start3A_350 = tpu.memref_squeeze %dma_start3A_349 : memref<1x10000xf32, #tpu.memory_space<vmem>> -> memref<10000xf32, #tpu.memory_space<vmem>>
    %dma_start3A_351 = tpu.memref_slice %arg3[%add3A_337] : memref<6400000xf32, #tpu.memory_space<hbm>> -> memref<10000xf32, #tpu.memory_space<hbm>>
    %dma_start3A_352 = arith.constant 0 : i32
    %dma_start3A_353 = tpu.memref_slice %arg7[%dma_start3A_347, %dma_start3A_352] : memref<2x10000xf32, #tpu.memory_space<vmem>> -> memref<1x10000xf32, #tpu.memory_space<vmem>>
    %dma_start3A_354 = tpu.memref_squeeze %dma_start3A_353 : memref<1x10000xf32, #tpu.memory_space<vmem>> -> memref<10000xf32, #tpu.memory_space<vmem>>
    %dma_start3A_355 = tpu.memref_slice %arg3[%add3A_337] : memref<6400000xf32, #tpu.memory_space<hbm>> -> memref<10000xf32, #tpu.memory_space<hbm>>
    tpu.enqueue_dma source(%dma_start3A_355 : memref<10000xf32, #tpu.memory_space<hbm>>) target(%dma_start3A_354 : memref<10000xf32, #tpu.memory_space<vmem>>) target_semaphore(%arg12 : memref<!tpu.dma_semaphore, #tpu.memory_space<semaphore_mem>>)
    %dma_wait3A_356 = arith.constant 1 : i32
    %dma_wait3A_357 = arith.constant 0 : i32
    %dma_wait3A_358 = tpu.memref_slice %arg6[%dma_wait3A_356, %dma_wait3A_357] : memref<2x10000xf32, #tpu.memory_space<vmem>> -> memref<1x10000xf32, #tpu.memory_space<vmem>>
    %dma_wait3A_359 = tpu.memref_squeeze %dma_wait3A_358 : memref<1x10000xf32, #tpu.memory_space<vmem>> -> memref<10000xf32, #tpu.memory_space<vmem>>
    %dma_wait3A_360 = tpu.memref_slice %arg2[%add3A_293] : memref<6400000xf32, #tpu.memory_space<hbm>> -> memref<10000xf32, #tpu.memory_space<hbm>>
    %dma_wait3A_361 = arith.constant 0 : i32
    %dma_wait3A_362 = tpu.memref_slice %arg6[%dma_wait3A_356, %dma_wait3A_361] : memref<2x10000xf32, #tpu.memory_space<vmem>> -> memref<1x10000xf32, #tpu.memory_space<vmem>>
    %dma_wait3A_363 = tpu.memref_squeeze %dma_wait3A_362 : memref<1x10000xf32, #tpu.memory_space<vmem>> -> memref<10000xf32, #tpu.memory_space<vmem>>
    %dma_wait3A_364 = tpu.memref_slice %arg2[%add3A_293] : memref<6400000xf32, #tpu.memory_space<hbm>> -> memref<10000xf32, #tpu.memory_space<hbm>>
    tpu.wait_dma2 semaphore(%arg11 : memref<!tpu.dma_semaphore, #tpu.memory_space<semaphore_mem>>) src(%dma_wait3A_364 : memref<10000xf32, #tpu.memory_space<hbm>>) dst(%dma_wait3A_363 : memref<10000xf32, #tpu.memory_space<vmem>>)
    %dma_wait3A_365 = arith.constant 1 : i32
    %dma_wait3A_366 = arith.constant 0 : i32
    %dma_wait3A_367 = tpu.memref_slice %arg7[%dma_wait3A_365, %dma_wait3A_366] : memref<2x10000xf32, #tpu.memory_space<vmem>> -> memref<1x10000xf32, #tpu.memory_space<vmem>>
    %dma_wait3A_368 = tpu.memref_squeeze %dma_wait3A_367 : memref<1x10000xf32, #tpu.memory_space<vmem>> -> memref<10000xf32, #tpu.memory_space<vmem>>
    %dma_wait3A_369 = tpu.memref_slice %arg3[%add3A_293] : memref<6400000xf32, #tpu.memory_space<hbm>> -> memref<10000xf32, #tpu.memory_space<hbm>>
    %dma_wait3A_370 = arith.constant 0 : i32
    %dma_wait3A_371 = tpu.memref_slice %arg7[%dma_wait3A_365, %dma_wait3A_370] : memref<2x10000xf32, #tpu.memory_space<vmem>> -> memref<1x10000xf32, #tpu.memory_space<vmem>>
    %dma_wait3A_372 = tpu.memref_squeeze %dma_wait3A_371 : memref<1x10000xf32, #tpu.memory_space<vmem>> -> memref<10000xf32, #tpu.memory_space<vmem>>
    %dma_wait3A_373 = tpu.memref_slice %arg3[%add3A_293] : memref<6400000xf32, #tpu.memory_space<hbm>> -> memref<10000xf32, #tpu.memory_space<hbm>>
    tpu.wait_dma2 semaphore(%arg13 : memref<!tpu.dma_semaphore, #tpu.memory_space<semaphore_mem>>) src(%dma_wait3A_373 : memref<10000xf32, #tpu.memory_space<hbm>>) dst(%dma_wait3A_372 : memref<10000xf32, #tpu.memory_space<vmem>>)
    %scan3A_374 = arith.constant 0 : i32
    %scan3A_375 = arith.constant 156 : i32
    %scan3A_376 = arith.addi %scan3A_374, %scan3A_375 : i32
    %scan3A_377 = arith.constant 1 : i32
    %scan3A_378:8 = scf.for %scan3A_968 = %scan3A_374 to %scan3A_376 step %scan3A_377 iter_args(%scan3A_969 = %scan3A_334#0, %scan3A_970 = %scan3A_334#1, %scan3A_971 = %scan3A_334#2, %scan3A_972 = %scan3A_334#3, %scan3A_973 = %scan3A_334#4, %scan3A_974 = %scan3A_334#5, %scan3A_975 = %scan3A_334#6, %scan3A_976 = %scan3A_334#7) -> (vector<16xf32>, vector<16xf32>, vector<16xf32>, vector<16xf32>, vector<16xi32>, vector<16xi32>, vector<16xi32>, vector<16xi32>)  : i32 {
      %mul3A_977 = arith.constant 64 : i32
      %mul3A_978 = arith.muli %scan3A_968, %mul3A_977 : i32
      %add3A_979 = arith.constant 0 : i32
      %add3A_980 = arith.addi %mul3A_978, %add3A_979 : i32
      %get3A_981 = arith.constant 1 : i32
      %get3A_982 = arith.index_cast %get3A_981 : i32 to index
      %get3A_983 = arith.index_cast %add3A_980 : i32 to index
      %get3A_984 = tpu.vector_load %arg6[%get3A_982, %get3A_983] {strides = array<i32>} : memref<2x10000xf32, #tpu.memory_space<vmem>>, vector<16xf32>,
      %add3A_985 = arith.constant 0 : i32
      %add3A_986 = arith.addi %mul3A_978, %add3A_985 : i32
      %get3A_987 = arith.constant 1 : i32
      %get3A_988 = arith.index_cast %get3A_987 : i32 to index
      %get3A_989 = arith.index_cast %add3A_986 : i32 to index
      %get3A_990 = tpu.vector_load %arg7[%get3A_988, %get3A_989] {strides = array<i32>} : memref<2x10000xf32, #tpu.memory_space<vmem>>, vector<16xf32>,
      %mul3A_991 = arith.mulf %get3A_984, %get3A_29 : vector<16xf32>
      %add3A_992 = arith.addf %mul3A_991, %get3A_990 : vector<16xf32>
      %gt3A_993 = arith.cmpf ogt, %add3A_992, %scan3A_969 : vector<16xf32>
      %select_n3A_994 = arith.select %gt3A_993, %add3A_992, %scan3A_969 : vector<16xi1>, vector<16xf32>
      %add3A_995 = arith.constant 70000 : i32
      %add3A_996 = arith.addi %add3A_995, %mul3A_978 : i32
      %broadcast_in_dim3A_997 = vector.broadcast %add3A_996 : i32 to vector<16xi32>
      %select_n3A_998 = arith.select %gt3A_993, %broadcast_in_dim3A_997, %scan3A_973 : vector<16xi1>, vector<16xi32>
      %add3A_999 = arith.constant 16 : i32
      %add3A_1000 = arith.addi %mul3A_978, %add3A_999 : i32
      %get3A_1001 = arith.constant 1 : i32
      %get3A_1002 = arith.index_cast %get3A_1001 : i32 to index
      %get3A_1003 = arith.index_cast %add3A_1000 : i32 to index
      %get3A_1004 = tpu.vector_load %arg6[%get3A_1002, %get3A_1003] {strides = array<i32>} : memref<2x10000xf32, #tpu.memory_space<vmem>>, vector<16xf32>,
      %add3A_1005 = arith.constant 16 : i32
      %add3A_1006 = arith.addi %mul3A_978, %add3A_1005 : i32
      %get3A_1007 = arith.constant 1 : i32
      %get3A_1008 = arith.index_cast %get3A_1007 : i32 to index
      %get3A_1009 = arith.index_cast %add3A_1006 : i32 to index
      %get3A_1010 = tpu.vector_load %arg7[%get3A_1008, %get3A_1009] {strides = array<i32>} : memref<2x10000xf32, #tpu.memory_space<vmem>>, vector<16xf32>,
      %mul3A_1011 = arith.mulf %get3A_1004, %get3A_29 : vector<16xf32>
      %add3A_1012 = arith.addf %mul3A_1011, %get3A_1010 : vector<16xf32>
      %gt3A_1013 = arith.cmpf ogt, %add3A_1012, %scan3A_970 : vector<16xf32>
      %select_n3A_1014 = arith.select %gt3A_1013, %add3A_1012, %scan3A_970 : vector<16xi1>, vector<16xf32>
      %add3A_1015 = arith.constant 70016 : i32
      %add3A_1016 = arith.addi %add3A_1015, %mul3A_978 : i32
      %broadcast_in_dim3A_1017 = vector.broadcast %add3A_1016 : i32 to vector<16xi32>
      %select_n3A_1018 = arith.select %gt3A_1013, %broadcast_in_dim3A_1017, %scan3A_974 : vector<16xi1>, vector<16xi32>
      %add3A_1019 = arith.constant 32 : i32
      %add3A_1020 = arith.addi %mul3A_978, %add3A_1019 : i32
      %get3A_1021 = arith.constant 1 : i32
      %get3A_1022 = arith.index_cast %get3A_1021 : i32 to index
      %get3A_1023 = arith.index_cast %add3A_1020 : i32 to index
      %get3A_1024 = tpu.vector_load %arg6[%get3A_1022, %get3A_1023] {strides = array<i32>} : memref<2x10000xf32, #tpu.memory_space<vmem>>, vector<16xf32>,
      %add3A_1025 = arith.constant 32 : i32
      %add3A_1026 = arith.addi %mul3A_978, %add3A_1025 : i32
      %get3A_1027 = arith.constant 1 : i32
      %get3A_1028 = arith.index_cast %get3A_1027 : i32 to index
      %get3A_1029 = arith.index_cast %add3A_1026 : i32 to index
      %get3A_1030 = tpu.vector_load %arg7[%get3A_1028, %get3A_1029] {strides = array<i32>} : memref<2x10000xf32, #tpu.memory_space<vmem>>, vector<16xf32>,
      %mul3A_1031 = arith.mulf %get3A_1024, %get3A_29 : vector<16xf32>
      %add3A_1032 = arith.addf %mul3A_1031, %get3A_1030 : vector<16xf32>
      %gt3A_1033 = arith.cmpf ogt, %add3A_1032, %scan3A_971 : vector<16xf32>
      %select_n3A_1034 = arith.select %gt3A_1033, %add3A_1032, %scan3A_971 : vector<16xi1>, vector<16xf32>
      %add3A_1035 = arith.constant 70032 : i32
      %add3A_1036 = arith.addi %add3A_1035, %mul3A_978 : i32
      %broadcast_in_dim3A_1037 = vector.broadcast %add3A_1036 : i32 to vector<16xi32>
      %select_n3A_1038 = arith.select %gt3A_1033, %broadcast_in_dim3A_1037, %scan3A_975 : vector<16xi1>, vector<16xi32>
      %add3A_1039 = arith.constant 48 : i32
      %add3A_1040 = arith.addi %mul3A_978, %add3A_1039 : i32
      %get3A_1041 = arith.constant 1 : i32
      %get3A_1042 = arith.index_cast %get3A_1041 : i32 to index
      %get3A_1043 = arith.index_cast %add3A_1040 : i32 to index
      %get3A_1044 = tpu.vector_load %arg6[%get3A_1042, %get3A_1043] {strides = array<i32>} : memref<2x10000xf32, #tpu.memory_space<vmem>>, vector<16xf32>,
      %add3A_1045 = arith.constant 48 : i32
      %add3A_1046 = arith.addi %mul3A_978, %add3A_1045 : i32
      %get3A_1047 = arith.constant 1 : i32
      %get3A_1048 = arith.index_cast %get3A_1047 : i32 to index
      %get3A_1049 = arith.index_cast %add3A_1046 : i32 to index
      %get3A_1050 = tpu.vector_load %arg7[%get3A_1048, %get3A_1049] {strides = array<i32>} : memref<2x10000xf32, #tpu.memory_space<vmem>>, vector<16xf32>,
      %mul3A_1051 = arith.mulf %get3A_1044, %get3A_29 : vector<16xf32>
      %add3A_1052 = arith.addf %mul3A_1051, %get3A_1050 : vector<16xf32>
      %gt3A_1053 = arith.cmpf ogt, %add3A_1052, %scan3A_972 : vector<16xf32>
      %select_n3A_1054 = arith.select %gt3A_1053, %add3A_1052, %scan3A_972 : vector<16xi1>, vector<16xf32>
      %add3A_1055 = arith.constant 70048 : i32
      %add3A_1056 = arith.addi %add3A_1055, %mul3A_978 : i32
      %broadcast_in_dim3A_1057 = vector.broadcast %add3A_1056 : i32 to vector<16xi32>
      %select_n3A_1058 = arith.select %gt3A_1053, %broadcast_in_dim3A_1057, %scan3A_976 : vector<16xi1>, vector<16xi32>
      scf.yield %select_n3A_994, %select_n3A_1014, %select_n3A_1034, %select_n3A_1054, %select_n3A_998, %select_n3A_1018, %select_n3A_1038, %select_n3A_1058 : vector<16xf32>, vector<16xf32>, vector<16xf32>, vector<16xf32>, vector<16xi32>, vector<16xi32>, vector<16xi32>, vector<16xi32>
    }
    %scan3A_379 = arith.constant 156 : i32
    %add3A_380 = arith.constant 90000 : i32
    %add3A_381 = arith.addi %mul3A_2, %add3A_380 : i32
    %dma_start3A_382 = arith.constant 1 : i32
    %dma_start3A_383 = arith.constant 0 : i32
    %dma_start3A_384 = tpu.memref_slice %arg6[%dma_start3A_382, %dma_start3A_383] : memref<2x10000xf32, #tpu.memory_space<vmem>> -> memref<1x10000xf32, #tpu.memory_space<vmem>>
    %dma_start3A_385 = tpu.memref_squeeze %dma_start3A_384 : memref<1x10000xf32, #tpu.memory_space<vmem>> -> memref<10000xf32, #tpu.memory_space<vmem>>
    %dma_start3A_386 = tpu.memref_slice %arg2[%add3A_381] : memref<6400000xf32, #tpu.memory_space<hbm>> -> memref<10000xf32, #tpu.memory_space<hbm>>
    %dma_start3A_387 = arith.constant 0 : i32
    %dma_start3A_388 = tpu.memref_slice %arg6[%dma_start3A_382, %dma_start3A_387] : memref<2x10000xf32, #tpu.memory_space<vmem>> -> memref<1x10000xf32, #tpu.memory_space<vmem>>
    %dma_start3A_389 = tpu.memref_squeeze %dma_start3A_388 : memref<1x10000xf32, #tpu.memory_space<vmem>> -> memref<10000xf32, #tpu.memory_space<vmem>>
    %dma_start3A_390 = tpu.memref_slice %arg2[%add3A_381] : memref<6400000xf32, #tpu.memory_space<hbm>> -> memref<10000xf32, #tpu.memory_space<hbm>>
    tpu.enqueue_dma source(%dma_start3A_390 : memref<10000xf32, #tpu.memory_space<hbm>>) target(%dma_start3A_389 : memref<10000xf32, #tpu.memory_space<vmem>>) target_semaphore(%arg11 : memref<!tpu.dma_semaphore, #tpu.memory_space<semaphore_mem>>)
    %dma_start3A_391 = arith.constant 1 : i32
    %dma_start3A_392 = arith.constant 0 : i32
    %dma_start3A_393 = tpu.memref_slice %arg7[%dma_start3A_391, %dma_start3A_392] : memref<2x10000xf32, #tpu.memory_space<vmem>> -> memref<1x10000xf32, #tpu.memory_space<vmem>>
    %dma_start3A_394 = tpu.memref_squeeze %dma_start3A_393 : memref<1x10000xf32, #tpu.memory_space<vmem>> -> memref<10000xf32, #tpu.memory_space<vmem>>
    %dma_start3A_395 = tpu.memref_slice %arg3[%add3A_381] : memref<6400000xf32, #tpu.memory_space<hbm>> -> memref<10000xf32, #tpu.memory_space<hbm>>
    %dma_start3A_396 = arith.constant 0 : i32
    %dma_start3A_397 = tpu.memref_slice %arg7[%dma_start3A_391, %dma_start3A_396] : memref<2x10000xf32, #tpu.memory_space<vmem>> -> memref<1x10000xf32, #tpu.memory_space<vmem>>
    %dma_start3A_398 = tpu.memref_squeeze %dma_start3A_397 : memref<1x10000xf32, #tpu.memory_space<vmem>> -> memref<10000xf32, #tpu.memory_space<vmem>>
    %dma_start3A_399 = tpu.memref_slice %arg3[%add3A_381] : memref<6400000xf32, #tpu.memory_space<hbm>> -> memref<10000xf32, #tpu.memory_space<hbm>>
    tpu.enqueue_dma source(%dma_start3A_399 : memref<10000xf32, #tpu.memory_space<hbm>>) target(%dma_start3A_398 : memref<10000xf32, #tpu.memory_space<vmem>>) target_semaphore(%arg13 : memref<!tpu.dma_semaphore, #tpu.memory_space<semaphore_mem>>)
    %dma_wait3A_400 = arith.constant 0 : i32
    %dma_wait3A_401 = arith.constant 0 : i32
    %dma_wait3A_402 = tpu.memref_slice %arg6[%dma_wait3A_400, %dma_wait3A_401] : memref<2x10000xf32, #tpu.memory_space<vmem>> -> memref<1x10000xf32, #tpu.memory_space<vmem>>
    %dma_wait3A_403 = tpu.memref_squeeze %dma_wait3A_402 : memref<1x10000xf32, #tpu.memory_space<vmem>> -> memref<10000xf32, #tpu.memory_space<vmem>>
    %dma_wait3A_404 = tpu.memref_slice %arg2[%add3A_337] : memref<6400000xf32, #tpu.memory_space<hbm>> -> memref<10000xf32, #tpu.memory_space<hbm>>
    %dma_wait3A_405 = arith.constant 0 : i32
    %dma_wait3A_406 = tpu.memref_slice %arg6[%dma_wait3A_400, %dma_wait3A_405] : memref<2x10000xf32, #tpu.memory_space<vmem>> -> memref<1x10000xf32, #tpu.memory_space<vmem>>
    %dma_wait3A_407 = tpu.memref_squeeze %dma_wait3A_406 : memref<1x10000xf32, #tpu.memory_space<vmem>> -> memref<10000xf32, #tpu.memory_space<vmem>>
    %dma_wait3A_408 = tpu.memref_slice %arg2[%add3A_337] : memref<6400000xf32, #tpu.memory_space<hbm>> -> memref<10000xf32, #tpu.memory_space<hbm>>
    tpu.wait_dma2 semaphore(%arg10 : memref<!tpu.dma_semaphore, #tpu.memory_space<semaphore_mem>>) src(%dma_wait3A_408 : memref<10000xf32, #tpu.memory_space<hbm>>) dst(%dma_wait3A_407 : memref<10000xf32, #tpu.memory_space<vmem>>)
    %dma_wait3A_409 = arith.constant 0 : i32
    %dma_wait3A_410 = arith.constant 0 : i32
    %dma_wait3A_411 = tpu.memref_slice %arg7[%dma_wait3A_409, %dma_wait3A_410] : memref<2x10000xf32, #tpu.memory_space<vmem>> -> memref<1x10000xf32, #tpu.memory_space<vmem>>
    %dma_wait3A_412 = tpu.memref_squeeze %dma_wait3A_411 : memref<1x10000xf32, #tpu.memory_space<vmem>> -> memref<10000xf32, #tpu.memory_space<vmem>>
    %dma_wait3A_413 = tpu.memref_slice %arg3[%add3A_337] : memref<6400000xf32, #tpu.memory_space<hbm>> -> memref<10000xf32, #tpu.memory_space<hbm>>
    %dma_wait3A_414 = arith.constant 0 : i32
    %dma_wait3A_415 = tpu.memref_slice %arg7[%dma_wait3A_409, %dma_wait3A_414] : memref<2x10000xf32, #tpu.memory_space<vmem>> -> memref<1x10000xf32, #tpu.memory_space<vmem>>
    %dma_wait3A_416 = tpu.memref_squeeze %dma_wait3A_415 : memref<1x10000xf32, #tpu.memory_space<vmem>> -> memref<10000xf32, #tpu.memory_space<vmem>>
    %dma_wait3A_417 = tpu.memref_slice %arg3[%add3A_337] : memref<6400000xf32, #tpu.memory_space<hbm>> -> memref<10000xf32, #tpu.memory_space<hbm>>
    tpu.wait_dma2 semaphore(%arg12 : memref<!tpu.dma_semaphore, #tpu.memory_space<semaphore_mem>>) src(%dma_wait3A_417 : memref<10000xf32, #tpu.memory_space<hbm>>) dst(%dma_wait3A_416 : memref<10000xf32, #tpu.memory_space<vmem>>)
    %scan3A_418 = arith.constant 0 : i32
    %scan3A_419 = arith.constant 156 : i32
    %scan3A_420 = arith.addi %scan3A_418, %scan3A_419 : i32
    %scan3A_421 = arith.constant 1 : i32
    %scan3A_422:8 = scf.for %scan3A_968 = %scan3A_418 to %scan3A_420 step %scan3A_421 iter_args(%scan3A_969 = %scan3A_378#0, %scan3A_970 = %scan3A_378#1, %scan3A_971 = %scan3A_378#2, %scan3A_972 = %scan3A_378#3, %scan3A_973 = %scan3A_378#4, %scan3A_974 = %scan3A_378#5, %scan3A_975 = %scan3A_378#6, %scan3A_976 = %scan3A_378#7) -> (vector<16xf32>, vector<16xf32>, vector<16xf32>, vector<16xf32>, vector<16xi32>, vector<16xi32>, vector<16xi32>, vector<16xi32>)  : i32 {
      %mul3A_977 = arith.constant 64 : i32
      %mul3A_978 = arith.muli %scan3A_968, %mul3A_977 : i32
      %add3A_979 = arith.constant 0 : i32
      %add3A_980 = arith.addi %mul3A_978, %add3A_979 : i32
      %get3A_981 = arith.constant 0 : i32
      %get3A_982 = arith.index_cast %get3A_981 : i32 to index
      %get3A_983 = arith.index_cast %add3A_980 : i32 to index
      %get3A_984 = tpu.vector_load %arg6[%get3A_982, %get3A_983] {strides = array<i32>} : memref<2x10000xf32, #tpu.memory_space<vmem>>, vector<16xf32>,
      %add3A_985 = arith.constant 0 : i32
      %add3A_986 = arith.addi %mul3A_978, %add3A_985 : i32
      %get3A_987 = arith.constant 0 : i32
      %get3A_988 = arith.index_cast %get3A_987 : i32 to index
      %get3A_989 = arith.index_cast %add3A_986 : i32 to index
      %get3A_990 = tpu.vector_load %arg7[%get3A_988, %get3A_989] {strides = array<i32>} : memref<2x10000xf32, #tpu.memory_space<vmem>>, vector<16xf32>,
      %mul3A_991 = arith.mulf %get3A_984, %get3A_29 : vector<16xf32>
      %add3A_992 = arith.addf %mul3A_991, %get3A_990 : vector<16xf32>
      %gt3A_993 = arith.cmpf ogt, %add3A_992, %scan3A_969 : vector<16xf32>
      %select_n3A_994 = arith.select %gt3A_993, %add3A_992, %scan3A_969 : vector<16xi1>, vector<16xf32>
      %add3A_995 = arith.constant 80000 : i32
      %add3A_996 = arith.addi %add3A_995, %mul3A_978 : i32
      %broadcast_in_dim3A_997 = vector.broadcast %add3A_996 : i32 to vector<16xi32>
      %select_n3A_998 = arith.select %gt3A_993, %broadcast_in_dim3A_997, %scan3A_973 : vector<16xi1>, vector<16xi32>
      %add3A_999 = arith.constant 16 : i32
      %add3A_1000 = arith.addi %mul3A_978, %add3A_999 : i32
      %get3A_1001 = arith.constant 0 : i32
      %get3A_1002 = arith.index_cast %get3A_1001 : i32 to index
      %get3A_1003 = arith.index_cast %add3A_1000 : i32 to index
      %get3A_1004 = tpu.vector_load %arg6[%get3A_1002, %get3A_1003] {strides = array<i32>} : memref<2x10000xf32, #tpu.memory_space<vmem>>, vector<16xf32>,
      %add3A_1005 = arith.constant 16 : i32
      %add3A_1006 = arith.addi %mul3A_978, %add3A_1005 : i32
      %get3A_1007 = arith.constant 0 : i32
      %get3A_1008 = arith.index_cast %get3A_1007 : i32 to index
      %get3A_1009 = arith.index_cast %add3A_1006 : i32 to index
      %get3A_1010 = tpu.vector_load %arg7[%get3A_1008, %get3A_1009] {strides = array<i32>} : memref<2x10000xf32, #tpu.memory_space<vmem>>, vector<16xf32>,
      %mul3A_1011 = arith.mulf %get3A_1004, %get3A_29 : vector<16xf32>
      %add3A_1012 = arith.addf %mul3A_1011, %get3A_1010 : vector<16xf32>
      %gt3A_1013 = arith.cmpf ogt, %add3A_1012, %scan3A_970 : vector<16xf32>
      %select_n3A_1014 = arith.select %gt3A_1013, %add3A_1012, %scan3A_970 : vector<16xi1>, vector<16xf32>
      %add3A_1015 = arith.constant 80016 : i32
      %add3A_1016 = arith.addi %add3A_1015, %mul3A_978 : i32
      %broadcast_in_dim3A_1017 = vector.broadcast %add3A_1016 : i32 to vector<16xi32>
      %select_n3A_1018 = arith.select %gt3A_1013, %broadcast_in_dim3A_1017, %scan3A_974 : vector<16xi1>, vector<16xi32>
      %add3A_1019 = arith.constant 32 : i32
      %add3A_1020 = arith.addi %mul3A_978, %add3A_1019 : i32
      %get3A_1021 = arith.constant 0 : i32
      %get3A_1022 = arith.index_cast %get3A_1021 : i32 to index
      %get3A_1023 = arith.index_cast %add3A_1020 : i32 to index
      %get3A_1024 = tpu.vector_load %arg6[%get3A_1022, %get3A_1023] {strides = array<i32>} : memref<2x10000xf32, #tpu.memory_space<vmem>>, vector<16xf32>,
      %add3A_1025 = arith.constant 32 : i32
      %add3A_1026 = arith.addi %mul3A_978, %add3A_1025 : i32
      %get3A_1027 = arith.constant 0 : i32
      %get3A_1028 = arith.index_cast %get3A_1027 : i32 to index
      %get3A_1029 = arith.index_cast %add3A_1026 : i32 to index
      %get3A_1030 = tpu.vector_load %arg7[%get3A_1028, %get3A_1029] {strides = array<i32>} : memref<2x10000xf32, #tpu.memory_space<vmem>>, vector<16xf32>,
      %mul3A_1031 = arith.mulf %get3A_1024, %get3A_29 : vector<16xf32>
      %add3A_1032 = arith.addf %mul3A_1031, %get3A_1030 : vector<16xf32>
      %gt3A_1033 = arith.cmpf ogt, %add3A_1032, %scan3A_971 : vector<16xf32>
      %select_n3A_1034 = arith.select %gt3A_1033, %add3A_1032, %scan3A_971 : vector<16xi1>, vector<16xf32>
      %add3A_1035 = arith.constant 80032 : i32
      %add3A_1036 = arith.addi %add3A_1035, %mul3A_978 : i32
      %broadcast_in_dim3A_1037 = vector.broadcast %add3A_1036 : i32 to vector<16xi32>
      %select_n3A_1038 = arith.select %gt3A_1033, %broadcast_in_dim3A_1037, %scan3A_975 : vector<16xi1>, vector<16xi32>
      %add3A_1039 = arith.constant 48 : i32
      %add3A_1040 = arith.addi %mul3A_978, %add3A_1039 : i32
      %get3A_1041 = arith.constant 0 : i32
      %get3A_1042 = arith.index_cast %get3A_1041 : i32 to index
      %get3A_1043 = arith.index_cast %add3A_1040 : i32 to index
      %get3A_1044 = tpu.vector_load %arg6[%get3A_1042, %get3A_1043] {strides = array<i32>} : memref<2x10000xf32, #tpu.memory_space<vmem>>, vector<16xf32>,
      %add3A_1045 = arith.constant 48 : i32
      %add3A_1046 = arith.addi %mul3A_978, %add3A_1045 : i32
      %get3A_1047 = arith.constant 0 : i32
      %get3A_1048 = arith.index_cast %get3A_1047 : i32 to index
      %get3A_1049 = arith.index_cast %add3A_1046 : i32 to index
      %get3A_1050 = tpu.vector_load %arg7[%get3A_1048, %get3A_1049] {strides = array<i32>} : memref<2x10000xf32, #tpu.memory_space<vmem>>, vector<16xf32>,
      %mul3A_1051 = arith.mulf %get3A_1044, %get3A_29 : vector<16xf32>
      %add3A_1052 = arith.addf %mul3A_1051, %get3A_1050 : vector<16xf32>
      %gt3A_1053 = arith.cmpf ogt, %add3A_1052, %scan3A_972 : vector<16xf32>
      %select_n3A_1054 = arith.select %gt3A_1053, %add3A_1052, %scan3A_972 : vector<16xi1>, vector<16xf32>
      %add3A_1055 = arith.constant 80048 : i32
      %add3A_1056 = arith.addi %add3A_1055, %mul3A_978 : i32
      %broadcast_in_dim3A_1057 = vector.broadcast %add3A_1056 : i32 to vector<16xi32>
      %select_n3A_1058 = arith.select %gt3A_1053, %broadcast_in_dim3A_1057, %scan3A_976 : vector<16xi1>, vector<16xi32>
      scf.yield %select_n3A_994, %select_n3A_1014, %select_n3A_1034, %select_n3A_1054, %select_n3A_998, %select_n3A_1018, %select_n3A_1038, %select_n3A_1058 : vector<16xf32>, vector<16xf32>, vector<16xf32>, vector<16xf32>, vector<16xi32>, vector<16xi32>, vector<16xi32>, vector<16xi32>
    }
    %scan3A_423 = arith.constant 156 : i32
    %add3A_424 = arith.constant 100000 : i32
    %add3A_425 = arith.addi %mul3A_2, %add3A_424 : i32
    %dma_start3A_426 = arith.constant 0 : i32
    %dma_start3A_427 = arith.constant 0 : i32
    %dma_start3A_428 = tpu.memref_slice %arg6[%dma_start3A_426, %dma_start3A_427] : memref<2x10000xf32, #tpu.memory_space<vmem>> -> memref<1x10000xf32, #tpu.memory_space<vmem>>
    %dma_start3A_429 = tpu.memref_squeeze %dma_start3A_428 : memref<1x10000xf32, #tpu.memory_space<vmem>> -> memref<10000xf32, #tpu.memory_space<vmem>>
    %dma_start3A_430 = tpu.memref_slice %arg2[%add3A_425] : memref<6400000xf32, #tpu.memory_space<hbm>> -> memref<10000xf32, #tpu.memory_space<hbm>>
    %dma_start3A_431 = arith.constant 0 : i32
    %dma_start3A_432 = tpu.memref_slice %arg6[%dma_start3A_426, %dma_start3A_431] : memref<2x10000xf32, #tpu.memory_space<vmem>> -> memref<1x10000xf32, #tpu.memory_space<vmem>>
    %dma_start3A_433 = tpu.memref_squeeze %dma_start3A_432 : memref<1x10000xf32, #tpu.memory_space<vmem>> -> memref<10000xf32, #tpu.memory_space<vmem>>
    %dma_start3A_434 = tpu.memref_slice %arg2[%add3A_425] : memref<6400000xf32, #tpu.memory_space<hbm>> -> memref<10000xf32, #tpu.memory_space<hbm>>
    tpu.enqueue_dma source(%dma_start3A_434 : memref<10000xf32, #tpu.memory_space<hbm>>) target(%dma_start3A_433 : memref<10000xf32, #tpu.memory_space<vmem>>) target_semaphore(%arg10 : memref<!tpu.dma_semaphore, #tpu.memory_space<semaphore_mem>>)
    %dma_start3A_435 = arith.constant 0 : i32
    %dma_start3A_436 = arith.constant 0 : i32
    %dma_start3A_437 = tpu.memref_slice %arg7[%dma_start3A_435, %dma_start3A_436] : memref<2x10000xf32, #tpu.memory_space<vmem>> -> memref<1x10000xf32, #tpu.memory_space<vmem>>
    %dma_start3A_438 = tpu.memref_squeeze %dma_start3A_437 : memref<1x10000xf32, #tpu.memory_space<vmem>> -> memref<10000xf32, #tpu.memory_space<vmem>>
    %dma_start3A_439 = tpu.memref_slice %arg3[%add3A_425] : memref<6400000xf32, #tpu.memory_space<hbm>> -> memref<10000xf32, #tpu.memory_space<hbm>>
    %dma_start3A_440 = arith.constant 0 : i32
    %dma_start3A_441 = tpu.memref_slice %arg7[%dma_start3A_435, %dma_start3A_440] : memref<2x10000xf32, #tpu.memory_space<vmem>> -> memref<1x10000xf32, #tpu.memory_space<vmem>>
    %dma_start3A_442 = tpu.memref_squeeze %dma_start3A_441 : memref<1x10000xf32, #tpu.memory_space<vmem>> -> memref<10000xf32, #tpu.memory_space<vmem>>
    %dma_start3A_443 = tpu.memref_slice %arg3[%add3A_425] : memref<6400000xf32, #tpu.memory_space<hbm>> -> memref<10000xf32, #tpu.memory_space<hbm>>
    tpu.enqueue_dma source(%dma_start3A_443 : memref<10000xf32, #tpu.memory_space<hbm>>) target(%dma_start3A_442 : memref<10000xf32, #tpu.memory_space<vmem>>) target_semaphore(%arg12 : memref<!tpu.dma_semaphore, #tpu.memory_space<semaphore_mem>>)
    %dma_wait3A_444 = arith.constant 1 : i32
    %dma_wait3A_445 = arith.constant 0 : i32
    %dma_wait3A_446 = tpu.memref_slice %arg6[%dma_wait3A_444, %dma_wait3A_445] : memref<2x10000xf32, #tpu.memory_space<vmem>> -> memref<1x10000xf32, #tpu.memory_space<vmem>>
    %dma_wait3A_447 = tpu.memref_squeeze %dma_wait3A_446 : memref<1x10000xf32, #tpu.memory_space<vmem>> -> memref<10000xf32, #tpu.memory_space<vmem>>
    %dma_wait3A_448 = tpu.memref_slice %arg2[%add3A_381] : memref<6400000xf32, #tpu.memory_space<hbm>> -> memref<10000xf32, #tpu.memory_space<hbm>>
    %dma_wait3A_449 = arith.constant 0 : i32
    %dma_wait3A_450 = tpu.memref_slice %arg6[%dma_wait3A_444, %dma_wait3A_449] : memref<2x10000xf32, #tpu.memory_space<vmem>> -> memref<1x10000xf32, #tpu.memory_space<vmem>>
    %dma_wait3A_451 = tpu.memref_squeeze %dma_wait3A_450 : memref<1x10000xf32, #tpu.memory_space<vmem>> -> memref<10000xf32, #tpu.memory_space<vmem>>
    %dma_wait3A_452 = tpu.memref_slice %arg2[%add3A_381] : memref<6400000xf32, #tpu.memory_space<hbm>> -> memref<10000xf32, #tpu.memory_space<hbm>>
    tpu.wait_dma2 semaphore(%arg11 : memref<!tpu.dma_semaphore, #tpu.memory_space<semaphore_mem>>) src(%dma_wait3A_452 : memref<10000xf32, #tpu.memory_space<hbm>>) dst(%dma_wait3A_451 : memref<10000xf32, #tpu.memory_space<vmem>>)
    %dma_wait3A_453 = arith.constant 1 : i32
    %dma_wait3A_454 = arith.constant 0 : i32
    %dma_wait3A_455 = tpu.memref_slice %arg7[%dma_wait3A_453, %dma_wait3A_454] : memref<2x10000xf32, #tpu.memory_space<vmem>> -> memref<1x10000xf32, #tpu.memory_space<vmem>>
    %dma_wait3A_456 = tpu.memref_squeeze %dma_wait3A_455 : memref<1x10000xf32, #tpu.memory_space<vmem>> -> memref<10000xf32, #tpu.memory_space<vmem>>
    %dma_wait3A_457 = tpu.memref_slice %arg3[%add3A_381] : memref<6400000xf32, #tpu.memory_space<hbm>> -> memref<10000xf32, #tpu.memory_space<hbm>>
    %dma_wait3A_458 = arith.constant 0 : i32
    %dma_wait3A_459 = tpu.memref_slice %arg7[%dma_wait3A_453, %dma_wait3A_458] : memref<2x10000xf32, #tpu.memory_space<vmem>> -> memref<1x10000xf32, #tpu.memory_space<vmem>>
    %dma_wait3A_460 = tpu.memref_squeeze %dma_wait3A_459 : memref<1x10000xf32, #tpu.memory_space<vmem>> -> memref<10000xf32, #tpu.memory_space<vmem>>
    %dma_wait3A_461 = tpu.memref_slice %arg3[%add3A_381] : memref<6400000xf32, #tpu.memory_space<hbm>> -> memref<10000xf32, #tpu.memory_space<hbm>>
    tpu.wait_dma2 semaphore(%arg13 : memref<!tpu.dma_semaphore, #tpu.memory_space<semaphore_mem>>) src(%dma_wait3A_461 : memref<10000xf32, #tpu.memory_space<hbm>>) dst(%dma_wait3A_460 : memref<10000xf32, #tpu.memory_space<vmem>>)
    %scan3A_462 = arith.constant 0 : i32
    %scan3A_463 = arith.constant 156 : i32
    %scan3A_464 = arith.addi %scan3A_462, %scan3A_463 : i32
    %scan3A_465 = arith.constant 1 : i32
    %scan3A_466:8 = scf.for %scan3A_968 = %scan3A_462 to %scan3A_464 step %scan3A_465 iter_args(%scan3A_969 = %scan3A_422#0, %scan3A_970 = %scan3A_422#1, %scan3A_971 = %scan3A_422#2, %scan3A_972 = %scan3A_422#3, %scan3A_973 = %scan3A_422#4, %scan3A_974 = %scan3A_422#5, %scan3A_975 = %scan3A_422#6, %scan3A_976 = %scan3A_422#7) -> (vector<16xf32>, vector<16xf32>, vector<16xf32>, vector<16xf32>, vector<16xi32>, vector<16xi32>, vector<16xi32>, vector<16xi32>)  : i32 {
      %mul3A_977 = arith.constant 64 : i32
      %mul3A_978 = arith.muli %scan3A_968, %mul3A_977 : i32
      %add3A_979 = arith.constant 0 : i32
      %add3A_980 = arith.addi %mul3A_978, %add3A_979 : i32
      %get3A_981 = arith.constant 1 : i32
      %get3A_982 = arith.index_cast %get3A_981 : i32 to index
      %get3A_983 = arith.index_cast %add3A_980 : i32 to index
      %get3A_984 = tpu.vector_load %arg6[%get3A_982, %get3A_983] {strides = array<i32>} : memref<2x10000xf32, #tpu.memory_space<vmem>>, vector<16xf32>,
      %add3A_985 = arith.constant 0 : i32
      %add3A_986 = arith.addi %mul3A_978, %add3A_985 : i32
      %get3A_987 = arith.constant 1 : i32
      %get3A_988 = arith.index_cast %get3A_987 : i32 to index
      %get3A_989 = arith.index_cast %add3A_986 : i32 to index
      %get3A_990 = tpu.vector_load %arg7[%get3A_988, %get3A_989] {strides = array<i32>} : memref<2x10000xf32, #tpu.memory_space<vmem>>, vector<16xf32>,
      %mul3A_991 = arith.mulf %get3A_984, %get3A_29 : vector<16xf32>
      %add3A_992 = arith.addf %mul3A_991, %get3A_990 : vector<16xf32>
      %gt3A_993 = arith.cmpf ogt, %add3A_992, %scan3A_969 : vector<16xf32>
      %select_n3A_994 = arith.select %gt3A_993, %add3A_992, %scan3A_969 : vector<16xi1>, vector<16xf32>
      %add3A_995 = arith.constant 90000 : i32
      %add3A_996 = arith.addi %add3A_995, %mul3A_978 : i32
      %broadcast_in_dim3A_997 = vector.broadcast %add3A_996 : i32 to vector<16xi32>
      %select_n3A_998 = arith.select %gt3A_993, %broadcast_in_dim3A_997, %scan3A_973 : vector<16xi1>, vector<16xi32>
      %add3A_999 = arith.constant 16 : i32
      %add3A_1000 = arith.addi %mul3A_978, %add3A_999 : i32
      %get3A_1001 = arith.constant 1 : i32
      %get3A_1002 = arith.index_cast %get3A_1001 : i32 to index
      %get3A_1003 = arith.index_cast %add3A_1000 : i32 to index
      %get3A_1004 = tpu.vector_load %arg6[%get3A_1002, %get3A_1003] {strides = array<i32>} : memref<2x10000xf32, #tpu.memory_space<vmem>>, vector<16xf32>,
      %add3A_1005 = arith.constant 16 : i32
      %add3A_1006 = arith.addi %mul3A_978, %add3A_1005 : i32
      %get3A_1007 = arith.constant 1 : i32
      %get3A_1008 = arith.index_cast %get3A_1007 : i32 to index
      %get3A_1009 = arith.index_cast %add3A_1006 : i32 to index
      %get3A_1010 = tpu.vector_load %arg7[%get3A_1008, %get3A_1009] {strides = array<i32>} : memref<2x10000xf32, #tpu.memory_space<vmem>>, vector<16xf32>,
      %mul3A_1011 = arith.mulf %get3A_1004, %get3A_29 : vector<16xf32>
      %add3A_1012 = arith.addf %mul3A_1011, %get3A_1010 : vector<16xf32>
      %gt3A_1013 = arith.cmpf ogt, %add3A_1012, %scan3A_970 : vector<16xf32>
      %select_n3A_1014 = arith.select %gt3A_1013, %add3A_1012, %scan3A_970 : vector<16xi1>, vector<16xf32>
      %add3A_1015 = arith.constant 90016 : i32
      %add3A_1016 = arith.addi %add3A_1015, %mul3A_978 : i32
      %broadcast_in_dim3A_1017 = vector.broadcast %add3A_1016 : i32 to vector<16xi32>
      %select_n3A_1018 = arith.select %gt3A_1013, %broadcast_in_dim3A_1017, %scan3A_974 : vector<16xi1>, vector<16xi32>
      %add3A_1019 = arith.constant 32 : i32
      %add3A_1020 = arith.addi %mul3A_978, %add3A_1019 : i32
      %get3A_1021 = arith.constant 1 : i32
      %get3A_1022 = arith.index_cast %get3A_1021 : i32 to index
      %get3A_1023 = arith.index_cast %add3A_1020 : i32 to index
      %get3A_1024 = tpu.vector_load %arg6[%get3A_1022, %get3A_1023] {strides = array<i32>} : memref<2x10000xf32, #tpu.memory_space<vmem>>, vector<16xf32>,
      %add3A_1025 = arith.constant 32 : i32
      %add3A_1026 = arith.addi %mul3A_978, %add3A_1025 : i32
      %get3A_1027 = arith.constant 1 : i32
      %get3A_1028 = arith.index_cast %get3A_1027 : i32 to index
      %get3A_1029 = arith.index_cast %add3A_1026 : i32 to index
      %get3A_1030 = tpu.vector_load %arg7[%get3A_1028, %get3A_1029] {strides = array<i32>} : memref<2x10000xf32, #tpu.memory_space<vmem>>, vector<16xf32>,
      %mul3A_1031 = arith.mulf %get3A_1024, %get3A_29 : vector<16xf32>
      %add3A_1032 = arith.addf %mul3A_1031, %get3A_1030 : vector<16xf32>
      %gt3A_1033 = arith.cmpf ogt, %add3A_1032, %scan3A_971 : vector<16xf32>
      %select_n3A_1034 = arith.select %gt3A_1033, %add3A_1032, %scan3A_971 : vector<16xi1>, vector<16xf32>
      %add3A_1035 = arith.constant 90032 : i32
      %add3A_1036 = arith.addi %add3A_1035, %mul3A_978 : i32
      %broadcast_in_dim3A_1037 = vector.broadcast %add3A_1036 : i32 to vector<16xi32>
      %select_n3A_1038 = arith.select %gt3A_1033, %broadcast_in_dim3A_1037, %scan3A_975 : vector<16xi1>, vector<16xi32>
      %add3A_1039 = arith.constant 48 : i32
      %add3A_1040 = arith.addi %mul3A_978, %add3A_1039 : i32
      %get3A_1041 = arith.constant 1 : i32
      %get3A_1042 = arith.index_cast %get3A_1041 : i32 to index
      %get3A_1043 = arith.index_cast %add3A_1040 : i32 to index
      %get3A_1044 = tpu.vector_load %arg6[%get3A_1042, %get3A_1043] {strides = array<i32>} : memref<2x10000xf32, #tpu.memory_space<vmem>>, vector<16xf32>,
      %add3A_1045 = arith.constant 48 : i32
      %add3A_1046 = arith.addi %mul3A_978, %add3A_1045 : i32
      %get3A_1047 = arith.constant 1 : i32
      %get3A_1048 = arith.index_cast %get3A_1047 : i32 to index
      %get3A_1049 = arith.index_cast %add3A_1046 : i32 to index
      %get3A_1050 = tpu.vector_load %arg7[%get3A_1048, %get3A_1049] {strides = array<i32>} : memref<2x10000xf32, #tpu.memory_space<vmem>>, vector<16xf32>,
      %mul3A_1051 = arith.mulf %get3A_1044, %get3A_29 : vector<16xf32>
      %add3A_1052 = arith.addf %mul3A_1051, %get3A_1050 : vector<16xf32>
      %gt3A_1053 = arith.cmpf ogt, %add3A_1052, %scan3A_972 : vector<16xf32>
      %select_n3A_1054 = arith.select %gt3A_1053, %add3A_1052, %scan3A_972 : vector<16xi1>, vector<16xf32>
      %add3A_1055 = arith.constant 90048 : i32
      %add3A_1056 = arith.addi %add3A_1055, %mul3A_978 : i32
      %broadcast_in_dim3A_1057 = vector.broadcast %add3A_1056 : i32 to vector<16xi32>
      %select_n3A_1058 = arith.select %gt3A_1053, %broadcast_in_dim3A_1057, %scan3A_976 : vector<16xi1>, vector<16xi32>
      scf.yield %select_n3A_994, %select_n3A_1014, %select_n3A_1034, %select_n3A_1054, %select_n3A_998, %select_n3A_1018, %select_n3A_1038, %select_n3A_1058 : vector<16xf32>, vector<16xf32>, vector<16xf32>, vector<16xf32>, vector<16xi32>, vector<16xi32>, vector<16xi32>, vector<16xi32>
    }
    %scan3A_467 = arith.constant 156 : i32
    %gt3A = arith.cmpf ogt, %scan3A_466#1, %scan3A_466#0 : vector<16xf32>
    %eq3A = arith.cmpf oeq, %scan3A_466#1, %scan3A_466#0 : vector<16xf32>
    %lt3A = arith.cmpi slt, %scan3A_466#5, %scan3A_466#4 : vector<16xi32>
    %and3A = arith.andi %eq3A, %lt3A : vector<16xi1>
    %or3A = arith.ori %gt3A, %and3A : vector<16xi1>
    %select_n3A = arith.select %or3A, %scan3A_466#1, %scan3A_466#0 : vector<16xi1>, vector<16xf32>
    %select_n3A_468 = arith.select %or3A, %scan3A_466#5, %scan3A_466#4 : vector<16xi1>, vector<16xi32>
    %gt3A_469 = arith.cmpf ogt, %scan3A_466#2, %select_n3A : vector<16xf32>
    %eq3A_470 = arith.cmpf oeq, %scan3A_466#2, %select_n3A : vector<16xf32>
    %lt3A_471 = arith.cmpi slt, %scan3A_466#6, %select_n3A_468 : vector<16xi32>
    %and3A_472 = arith.andi %eq3A_470, %lt3A_471 : vector<16xi1>
    %or3A_473 = arith.ori %gt3A_469, %and3A_472 : vector<16xi1>
    %select_n3A_474 = arith.select %or3A_473, %scan3A_466#2, %select_n3A : vector<16xi1>, vector<16xf32>
    %select_n3A_475 = arith.select %or3A_473, %scan3A_466#6, %select_n3A_468 : vector<16xi1>, vector<16xi32>
    %gt3A_476 = arith.cmpf ogt, %scan3A_466#3, %select_n3A_474 : vector<16xf32>
    %eq3A_477 = arith.cmpf oeq, %scan3A_466#3, %select_n3A_474 : vector<16xf32>
    %lt3A_478 = arith.cmpi slt, %scan3A_466#7, %select_n3A_475 : vector<16xi32>
    %and3A_479 = arith.andi %eq3A_477, %lt3A_478 : vector<16xi1>
    %or3A_480 = arith.ori %gt3A_476, %and3A_479 : vector<16xi1>
    %select_n3A_481 = arith.select %or3A_480, %scan3A_466#3, %select_n3A_474 : vector<16xi1>, vector<16xf32>
    %select_n3A_482 = arith.select %or3A_480, %scan3A_466#7, %select_n3A_475 : vector<16xi1>, vector<16xi32>
    %add3A_483 = arith.addi %select_n3A_482, %iota3A : vector<16xi32>
    %reduce_max3A = arith.constant true
    %reduce_max3A_484 = vector.broadcast %reduce_max3A : i1 to vector<16xi1>
    %reduce_max3A_485 = tpu.scan <max>, %select_n3A_481 masked %reduce_max3A_484 : vector<16xf32>, vector<16xi1> -> vector<16xf32>
    %reduce_max3A_486 = vector.extract %reduce_max3A_485[15] : f32 from vector<16xf32>
    %eq3A_487 = vector.broadcast %reduce_max3A_486 : f32 to vector<16xf32>
    %eq3A_488 = arith.cmpf oeq, %select_n3A_481, %eq3A_487 : vector<16xf32>
    %jit3A = arith.constant 1073741824 : i32
    %broadcast_in_dim3A_489 = vector.broadcast %jit3A : i32 to vector<16xi32>
    %select_n3A_490 = arith.select %eq3A_488, %add3A_483, %broadcast_in_dim3A_489 : vector<16xi1>, vector<16xi32>
    %reduce_min3A = arith.constant true
    %reduce_min3A_491 = vector.broadcast %reduce_min3A : i1 to vector<16xi1>
    %reduce_min3A_492 = arith.constant -2147483648 : i32
    %reduce_min3A_493 = vector.broadcast %reduce_min3A_492 : i32 to vector<16xi32>
    %reduce_min3A_494 = arith.xori %select_n3A_490, %reduce_min3A_493 : vector<16xi32>
    %reduce_min3A_495 = tpu.scan <min>, %reduce_min3A_494 masked %reduce_min3A_491 : vector<16xi32>, vector<16xi1> -> vector<16xi32>
    %reduce_min3A_496 = arith.xori %reduce_min3A_495, %reduce_min3A_493 : vector<16xi32>
    %reduce_min3A_497 = vector.extract %reduce_min3A_496[15] : i32 from vector<16xi32>
    %broadcast_in_dim3A_498 = vector.broadcast %reduce_min3A_497 : i32 to vector<16xi32>
    %swap3A = arith.constant 0 : index
    %swap3A_499 = tpu.vector_load %arg9[%swap3A] {strides = array<i32>} : memref<16xi32, #tpu.memory_space<vmem>>, vector<16xi32>,
    tpu.vector_store %arg9[%swap3A], %broadcast_in_dim3A_498 {strides = array<i32>} : memref<16xi32, #tpu.memory_space<vmem>>, vector<16xi32>,
    "tpu.region"() ({
      %run_scoped3A = tpu.sem_alloc : memref<!tpu.dma_semaphore, #tpu.memory_space<semaphore_mem>>
      %dma_start3A_968 = arith.constant 0 : i32
      %dma_start3A_969 = tpu.memref_slice %arg5[%add3A_28, %dma_start3A_968] : memref<64x16xi32, #tpu.memory_space<hbm>> -> memref<1x16xi32, #tpu.memory_space<hbm>>
      %dma_start3A_970 = tpu.memref_squeeze %dma_start3A_969 : memref<1x16xi32, #tpu.memory_space<hbm>> -> memref<16xi32, #tpu.memory_space<hbm>>
      %dma_start3A_971 = arith.constant 0 : i32
      %dma_start3A_972 = tpu.memref_slice %arg5[%add3A_28, %dma_start3A_971] : memref<64x16xi32, #tpu.memory_space<hbm>> -> memref<1x16xi32, #tpu.memory_space<hbm>>
      %dma_start3A_973 = tpu.memref_squeeze %dma_start3A_972 : memref<1x16xi32, #tpu.memory_space<hbm>> -> memref<16xi32, #tpu.memory_space<hbm>>
      tpu.enqueue_dma source(%arg9 : memref<16xi32, #tpu.memory_space<vmem>>) target(%dma_start3A_973 : memref<16xi32, #tpu.memory_space<hbm>>) target_semaphore(%run_scoped3A : memref<!tpu.dma_semaphore, #tpu.memory_space<semaphore_mem>>)
      %dma_wait3A_974 = arith.constant 0 : i32
      %dma_wait3A_975 = tpu.memref_slice %arg5[%add3A_28, %dma_wait3A_974] : memref<64x16xi32, #tpu.memory_space<hbm>> -> memref<1x16xi32, #tpu.memory_space<hbm>>
      %dma_wait3A_976 = tpu.memref_squeeze %dma_wait3A_975 : memref<1x16xi32, #tpu.memory_space<hbm>> -> memref<16xi32, #tpu.memory_space<hbm>>
      %dma_wait3A_977 = arith.constant 0 : i32
      %dma_wait3A_978 = tpu.memref_slice %arg5[%add3A_28, %dma_wait3A_977] : memref<64x16xi32, #tpu.memory_space<hbm>> -> memref<1x16xi32, #tpu.memory_space<hbm>>
      %dma_wait3A_979 = tpu.memref_squeeze %dma_wait3A_978 : memref<1x16xi32, #tpu.memory_space<hbm>> -> memref<16xi32, #tpu.memory_space<hbm>>
      tpu.wait_dma2 semaphore(%run_scoped3A : memref<!tpu.dma_semaphore, #tpu.memory_space<semaphore_mem>>) src(%arg9 : memref<16xi32, #tpu.memory_space<vmem>>) dst(%dma_wait3A_979 : memref<16xi32, #tpu.memory_space<hbm>>)
      tpu.yield
    }) : () -> ()
    %mul3A_500 = arith.constant 2 : i32
    %mul3A_501 = arith.muli %add3A, %mul3A_500 : i32
    %add3A_502 = arith.constant 1 : i32
    %add3A_503 = arith.addi %mul3A_501, %add3A_502 : i32
    "tpu.region"() ({
      %run_scoped3A = tpu.sem_alloc : memref<!tpu.dma_semaphore, #tpu.memory_space<semaphore_mem>>
      %dma_start3A_968 = arith.constant 0 : i32
      %dma_start3A_969 = tpu.memref_slice %arg4[%add3A_503, %dma_start3A_968] : memref<64x16xf32, #tpu.memory_space<hbm>> -> memref<1x16xf32, #tpu.memory_space<hbm>>
      %dma_start3A_970 = tpu.memref_squeeze %dma_start3A_969 : memref<1x16xf32, #tpu.memory_space<hbm>> -> memref<16xf32, #tpu.memory_space<hbm>>
      %dma_start3A_971 = arith.constant 0 : i32
      %dma_start3A_972 = tpu.memref_slice %arg4[%add3A_503, %dma_start3A_971] : memref<64x16xf32, #tpu.memory_space<hbm>> -> memref<1x16xf32, #tpu.memory_space<hbm>>
      %dma_start3A_973 = tpu.memref_squeeze %dma_start3A_972 : memref<1x16xf32, #tpu.memory_space<hbm>> -> memref<16xf32, #tpu.memory_space<hbm>>
      tpu.enqueue_dma source(%dma_start3A_973 : memref<16xf32, #tpu.memory_space<hbm>>) target(%arg8 : memref<16xf32, #tpu.memory_space<vmem>>) target_semaphore(%run_scoped3A : memref<!tpu.dma_semaphore, #tpu.memory_space<semaphore_mem>>)
      %dma_wait3A_974 = arith.constant 0 : i32
      %dma_wait3A_975 = tpu.memref_slice %arg4[%add3A_503, %dma_wait3A_974] : memref<64x16xf32, #tpu.memory_space<hbm>> -> memref<1x16xf32, #tpu.memory_space<hbm>>
      %dma_wait3A_976 = tpu.memref_squeeze %dma_wait3A_975 : memref<1x16xf32, #tpu.memory_space<hbm>> -> memref<16xf32, #tpu.memory_space<hbm>>
      %dma_wait3A_977 = arith.constant 0 : i32
      %dma_wait3A_978 = tpu.memref_slice %arg4[%add3A_503, %dma_wait3A_977] : memref<64x16xf32, #tpu.memory_space<hbm>> -> memref<1x16xf32, #tpu.memory_space<hbm>>
      %dma_wait3A_979 = tpu.memref_squeeze %dma_wait3A_978 : memref<1x16xf32, #tpu.memory_space<hbm>> -> memref<16xf32, #tpu.memory_space<hbm>>
      tpu.wait_dma2 semaphore(%run_scoped3A : memref<!tpu.dma_semaphore, #tpu.memory_space<semaphore_mem>>) src(%dma_wait3A_979 : memref<16xf32, #tpu.memory_space<hbm>>) dst(%arg8 : memref<16xf32, #tpu.memory_space<vmem>>)
      tpu.yield
    }) : () -> ()
    %get3A_504 = arith.constant 0 : index
    %get3A_505 = tpu.vector_load %arg8[%get3A_504] {strides = array<i32>} : memref<16xf32, #tpu.memory_space<vmem>>, vector<16xf32>,
    %add3A_506 = arith.constant 110000 : i32
    %add3A_507 = arith.addi %mul3A_2, %add3A_506 : i32
    %dma_start3A_508 = arith.constant 1 : i32
    %dma_start3A_509 = arith.constant 0 : i32
    %dma_start3A_510 = tpu.memref_slice %arg6[%dma_start3A_508, %dma_start3A_509] : memref<2x10000xf32, #tpu.memory_space<vmem>> -> memref<1x10000xf32, #tpu.memory_space<vmem>>
    %dma_start3A_511 = tpu.memref_squeeze %dma_start3A_510 : memref<1x10000xf32, #tpu.memory_space<vmem>> -> memref<10000xf32, #tpu.memory_space<vmem>>
    %dma_start3A_512 = tpu.memref_slice %arg2[%add3A_507] : memref<6400000xf32, #tpu.memory_space<hbm>> -> memref<10000xf32, #tpu.memory_space<hbm>>
    %dma_start3A_513 = arith.constant 0 : i32
    %dma_start3A_514 = tpu.memref_slice %arg6[%dma_start3A_508, %dma_start3A_513] : memref<2x10000xf32, #tpu.memory_space<vmem>> -> memref<1x10000xf32, #tpu.memory_space<vmem>>
    %dma_start3A_515 = tpu.memref_squeeze %dma_start3A_514 : memref<1x10000xf32, #tpu.memory_space<vmem>> -> memref<10000xf32, #tpu.memory_space<vmem>>
    %dma_start3A_516 = tpu.memref_slice %arg2[%add3A_507] : memref<6400000xf32, #tpu.memory_space<hbm>> -> memref<10000xf32, #tpu.memory_space<hbm>>
    tpu.enqueue_dma source(%dma_start3A_516 : memref<10000xf32, #tpu.memory_space<hbm>>) target(%dma_start3A_515 : memref<10000xf32, #tpu.memory_space<vmem>>) target_semaphore(%arg11 : memref<!tpu.dma_semaphore, #tpu.memory_space<semaphore_mem>>)
    %dma_start3A_517 = arith.constant 1 : i32
    %dma_start3A_518 = arith.constant 0 : i32
    %dma_start3A_519 = tpu.memref_slice %arg7[%dma_start3A_517, %dma_start3A_518] : memref<2x10000xf32, #tpu.memory_space<vmem>> -> memref<1x10000xf32, #tpu.memory_space<vmem>>
    %dma_start3A_520 = tpu.memref_squeeze %dma_start3A_519 : memref<1x10000xf32, #tpu.memory_space<vmem>> -> memref<10000xf32, #tpu.memory_space<vmem>>
    %dma_start3A_521 = tpu.memref_slice %arg3[%add3A_507] : memref<6400000xf32, #tpu.memory_space<hbm>> -> memref<10000xf32, #tpu.memory_space<hbm>>
    %dma_start3A_522 = arith.constant 0 : i32
    %dma_start3A_523 = tpu.memref_slice %arg7[%dma_start3A_517, %dma_start3A_522] : memref<2x10000xf32, #tpu.memory_space<vmem>> -> memref<1x10000xf32, #tpu.memory_space<vmem>>
    %dma_start3A_524 = tpu.memref_squeeze %dma_start3A_523 : memref<1x10000xf32, #tpu.memory_space<vmem>> -> memref<10000xf32, #tpu.memory_space<vmem>>
    %dma_start3A_525 = tpu.memref_slice %arg3[%add3A_507] : memref<6400000xf32, #tpu.memory_space<hbm>> -> memref<10000xf32, #tpu.memory_space<hbm>>
    tpu.enqueue_dma source(%dma_start3A_525 : memref<10000xf32, #tpu.memory_space<hbm>>) target(%dma_start3A_524 : memref<10000xf32, #tpu.memory_space<vmem>>) target_semaphore(%arg13 : memref<!tpu.dma_semaphore, #tpu.memory_space<semaphore_mem>>)
    %dma_wait3A_526 = arith.constant 0 : i32
    %dma_wait3A_527 = arith.constant 0 : i32
    %dma_wait3A_528 = tpu.memref_slice %arg6[%dma_wait3A_526, %dma_wait3A_527] : memref<2x10000xf32, #tpu.memory_space<vmem>> -> memref<1x10000xf32, #tpu.memory_space<vmem>>
    %dma_wait3A_529 = tpu.memref_squeeze %dma_wait3A_528 : memref<1x10000xf32, #tpu.memory_space<vmem>> -> memref<10000xf32, #tpu.memory_space<vmem>>
    %dma_wait3A_530 = tpu.memref_slice %arg2[%add3A_425] : memref<6400000xf32, #tpu.memory_space<hbm>> -> memref<10000xf32, #tpu.memory_space<hbm>>
    %dma_wait3A_531 = arith.constant 0 : i32
    %dma_wait3A_532 = tpu.memref_slice %arg6[%dma_wait3A_526, %dma_wait3A_531] : memref<2x10000xf32, #tpu.memory_space<vmem>> -> memref<1x10000xf32, #tpu.memory_space<vmem>>
    %dma_wait3A_533 = tpu.memref_squeeze %dma_wait3A_532 : memref<1x10000xf32, #tpu.memory_space<vmem>> -> memref<10000xf32, #tpu.memory_space<vmem>>
    %dma_wait3A_534 = tpu.memref_slice %arg2[%add3A_425] : memref<6400000xf32, #tpu.memory_space<hbm>> -> memref<10000xf32, #tpu.memory_space<hbm>>
    tpu.wait_dma2 semaphore(%arg10 : memref<!tpu.dma_semaphore, #tpu.memory_space<semaphore_mem>>) src(%dma_wait3A_534 : memref<10000xf32, #tpu.memory_space<hbm>>) dst(%dma_wait3A_533 : memref<10000xf32, #tpu.memory_space<vmem>>)
    %dma_wait3A_535 = arith.constant 0 : i32
    %dma_wait3A_536 = arith.constant 0 : i32
    %dma_wait3A_537 = tpu.memref_slice %arg7[%dma_wait3A_535, %dma_wait3A_536] : memref<2x10000xf32, #tpu.memory_space<vmem>> -> memref<1x10000xf32, #tpu.memory_space<vmem>>
    %dma_wait3A_538 = tpu.memref_squeeze %dma_wait3A_537 : memref<1x10000xf32, #tpu.memory_space<vmem>> -> memref<10000xf32, #tpu.memory_space<vmem>>
    %dma_wait3A_539 = tpu.memref_slice %arg3[%add3A_425] : memref<6400000xf32, #tpu.memory_space<hbm>> -> memref<10000xf32, #tpu.memory_space<hbm>>
    %dma_wait3A_540 = arith.constant 0 : i32
    %dma_wait3A_541 = tpu.memref_slice %arg7[%dma_wait3A_535, %dma_wait3A_540] : memref<2x10000xf32, #tpu.memory_space<vmem>> -> memref<1x10000xf32, #tpu.memory_space<vmem>>
    %dma_wait3A_542 = tpu.memref_squeeze %dma_wait3A_541 : memref<1x10000xf32, #tpu.memory_space<vmem>> -> memref<10000xf32, #tpu.memory_space<vmem>>
    %dma_wait3A_543 = tpu.memref_slice %arg3[%add3A_425] : memref<6400000xf32, #tpu.memory_space<hbm>> -> memref<10000xf32, #tpu.memory_space<hbm>>
    tpu.wait_dma2 semaphore(%arg12 : memref<!tpu.dma_semaphore, #tpu.memory_space<semaphore_mem>>) src(%dma_wait3A_543 : memref<10000xf32, #tpu.memory_space<hbm>>) dst(%dma_wait3A_542 : memref<10000xf32, #tpu.memory_space<vmem>>)
    %scan3A_544 = arith.constant 0 : i32
    %scan3A_545 = arith.constant 156 : i32
    %scan3A_546 = arith.addi %scan3A_544, %scan3A_545 : i32
    %scan3A_547 = arith.constant 1 : i32
    %scan3A_548:8 = scf.for %scan3A_968 = %scan3A_544 to %scan3A_546 step %scan3A_547 iter_args(%scan3A_969 = %broadcast_in_dim3A_22, %scan3A_970 = %broadcast_in_dim3A_22, %scan3A_971 = %broadcast_in_dim3A_22, %scan3A_972 = %broadcast_in_dim3A_22, %scan3A_973 = %broadcast_in_dim3A_24, %scan3A_974 = %broadcast_in_dim3A_24, %scan3A_975 = %broadcast_in_dim3A_24, %scan3A_976 = %broadcast_in_dim3A_24) -> (vector<16xf32>, vector<16xf32>, vector<16xf32>, vector<16xf32>, vector<16xi32>, vector<16xi32>, vector<16xi32>, vector<16xi32>)  : i32 {
      %mul3A_977 = arith.constant 64 : i32
      %mul3A_978 = arith.muli %scan3A_968, %mul3A_977 : i32
      %add3A_979 = arith.constant 0 : i32
      %add3A_980 = arith.addi %mul3A_978, %add3A_979 : i32
      %get3A_981 = arith.constant 0 : i32
      %get3A_982 = arith.index_cast %get3A_981 : i32 to index
      %get3A_983 = arith.index_cast %add3A_980 : i32 to index
      %get3A_984 = tpu.vector_load %arg6[%get3A_982, %get3A_983] {strides = array<i32>} : memref<2x10000xf32, #tpu.memory_space<vmem>>, vector<16xf32>,
      %add3A_985 = arith.constant 0 : i32
      %add3A_986 = arith.addi %mul3A_978, %add3A_985 : i32
      %get3A_987 = arith.constant 0 : i32
      %get3A_988 = arith.index_cast %get3A_987 : i32 to index
      %get3A_989 = arith.index_cast %add3A_986 : i32 to index
      %get3A_990 = tpu.vector_load %arg7[%get3A_988, %get3A_989] {strides = array<i32>} : memref<2x10000xf32, #tpu.memory_space<vmem>>, vector<16xf32>,
      %mul3A_991 = arith.mulf %get3A_984, %get3A_505 : vector<16xf32>
      %add3A_992 = arith.addf %mul3A_991, %get3A_990 : vector<16xf32>
      %gt3A_993 = arith.cmpf ogt, %add3A_992, %scan3A_969 : vector<16xf32>
      %select_n3A_994 = arith.select %gt3A_993, %add3A_992, %scan3A_969 : vector<16xi1>, vector<16xf32>
      %add3A_995 = arith.constant 0 : i32
      %add3A_996 = arith.addi %add3A_995, %mul3A_978 : i32
      %broadcast_in_dim3A_997 = vector.broadcast %add3A_996 : i32 to vector<16xi32>
      %select_n3A_998 = arith.select %gt3A_993, %broadcast_in_dim3A_997, %scan3A_973 : vector<16xi1>, vector<16xi32>
      %add3A_999 = arith.constant 16 : i32
      %add3A_1000 = arith.addi %mul3A_978, %add3A_999 : i32
      %get3A_1001 = arith.constant 0 : i32
      %get3A_1002 = arith.index_cast %get3A_1001 : i32 to index
      %get3A_1003 = arith.index_cast %add3A_1000 : i32 to index
      %get3A_1004 = tpu.vector_load %arg6[%get3A_1002, %get3A_1003] {strides = array<i32>} : memref<2x10000xf32, #tpu.memory_space<vmem>>, vector<16xf32>,
      %add3A_1005 = arith.constant 16 : i32
      %add3A_1006 = arith.addi %mul3A_978, %add3A_1005 : i32
      %get3A_1007 = arith.constant 0 : i32
      %get3A_1008 = arith.index_cast %get3A_1007 : i32 to index
      %get3A_1009 = arith.index_cast %add3A_1006 : i32 to index
      %get3A_1010 = tpu.vector_load %arg7[%get3A_1008, %get3A_1009] {strides = array<i32>} : memref<2x10000xf32, #tpu.memory_space<vmem>>, vector<16xf32>,
      %mul3A_1011 = arith.mulf %get3A_1004, %get3A_505 : vector<16xf32>
      %add3A_1012 = arith.addf %mul3A_1011, %get3A_1010 : vector<16xf32>
      %gt3A_1013 = arith.cmpf ogt, %add3A_1012, %scan3A_970 : vector<16xf32>
      %select_n3A_1014 = arith.select %gt3A_1013, %add3A_1012, %scan3A_970 : vector<16xi1>, vector<16xf32>
      %add3A_1015 = arith.constant 16 : i32
      %add3A_1016 = arith.addi %add3A_1015, %mul3A_978 : i32
      %broadcast_in_dim3A_1017 = vector.broadcast %add3A_1016 : i32 to vector<16xi32>
      %select_n3A_1018 = arith.select %gt3A_1013, %broadcast_in_dim3A_1017, %scan3A_974 : vector<16xi1>, vector<16xi32>
      %add3A_1019 = arith.constant 32 : i32
      %add3A_1020 = arith.addi %mul3A_978, %add3A_1019 : i32
      %get3A_1021 = arith.constant 0 : i32
      %get3A_1022 = arith.index_cast %get3A_1021 : i32 to index
      %get3A_1023 = arith.index_cast %add3A_1020 : i32 to index
      %get3A_1024 = tpu.vector_load %arg6[%get3A_1022, %get3A_1023] {strides = array<i32>} : memref<2x10000xf32, #tpu.memory_space<vmem>>, vector<16xf32>,
      %add3A_1025 = arith.constant 32 : i32
      %add3A_1026 = arith.addi %mul3A_978, %add3A_1025 : i32
      %get3A_1027 = arith.constant 0 : i32
      %get3A_1028 = arith.index_cast %get3A_1027 : i32 to index
      %get3A_1029 = arith.index_cast %add3A_1026 : i32 to index
      %get3A_1030 = tpu.vector_load %arg7[%get3A_1028, %get3A_1029] {strides = array<i32>} : memref<2x10000xf32, #tpu.memory_space<vmem>>, vector<16xf32>,
      %mul3A_1031 = arith.mulf %get3A_1024, %get3A_505 : vector<16xf32>
      %add3A_1032 = arith.addf %mul3A_1031, %get3A_1030 : vector<16xf32>
      %gt3A_1033 = arith.cmpf ogt, %add3A_1032, %scan3A_971 : vector<16xf32>
      %select_n3A_1034 = arith.select %gt3A_1033, %add3A_1032, %scan3A_971 : vector<16xi1>, vector<16xf32>
      %add3A_1035 = arith.constant 32 : i32
      %add3A_1036 = arith.addi %add3A_1035, %mul3A_978 : i32
      %broadcast_in_dim3A_1037 = vector.broadcast %add3A_1036 : i32 to vector<16xi32>
      %select_n3A_1038 = arith.select %gt3A_1033, %broadcast_in_dim3A_1037, %scan3A_975 : vector<16xi1>, vector<16xi32>
      %add3A_1039 = arith.constant 48 : i32
      %add3A_1040 = arith.addi %mul3A_978, %add3A_1039 : i32
      %get3A_1041 = arith.constant 0 : i32
      %get3A_1042 = arith.index_cast %get3A_1041 : i32 to index
      %get3A_1043 = arith.index_cast %add3A_1040 : i32 to index
      %get3A_1044 = tpu.vector_load %arg6[%get3A_1042, %get3A_1043] {strides = array<i32>} : memref<2x10000xf32, #tpu.memory_space<vmem>>, vector<16xf32>,
      %add3A_1045 = arith.constant 48 : i32
      %add3A_1046 = arith.addi %mul3A_978, %add3A_1045 : i32
      %get3A_1047 = arith.constant 0 : i32
      %get3A_1048 = arith.index_cast %get3A_1047 : i32 to index
      %get3A_1049 = arith.index_cast %add3A_1046 : i32 to index
      %get3A_1050 = tpu.vector_load %arg7[%get3A_1048, %get3A_1049] {strides = array<i32>} : memref<2x10000xf32, #tpu.memory_space<vmem>>, vector<16xf32>,
      %mul3A_1051 = arith.mulf %get3A_1044, %get3A_505 : vector<16xf32>
      %add3A_1052 = arith.addf %mul3A_1051, %get3A_1050 : vector<16xf32>
      %gt3A_1053 = arith.cmpf ogt, %add3A_1052, %scan3A_972 : vector<16xf32>
      %select_n3A_1054 = arith.select %gt3A_1053, %add3A_1052, %scan3A_972 : vector<16xi1>, vector<16xf32>
      %add3A_1055 = arith.constant 48 : i32
      %add3A_1056 = arith.addi %add3A_1055, %mul3A_978 : i32
      %broadcast_in_dim3A_1057 = vector.broadcast %add3A_1056 : i32 to vector<16xi32>
      %select_n3A_1058 = arith.select %gt3A_1053, %broadcast_in_dim3A_1057, %scan3A_976 : vector<16xi1>, vector<16xi32>
      scf.yield %select_n3A_994, %select_n3A_1014, %select_n3A_1034, %select_n3A_1054, %select_n3A_998, %select_n3A_1018, %select_n3A_1038, %select_n3A_1058 : vector<16xf32>, vector<16xf32>, vector<16xf32>, vector<16xf32>, vector<16xi32>, vector<16xi32>, vector<16xi32>, vector<16xi32>
    }
    %scan3A_549 = arith.constant 156 : i32
    %add3A_550 = arith.constant 120000 : i32
    %add3A_551 = arith.addi %mul3A_2, %add3A_550 : i32
    %dma_start3A_552 = arith.constant 0 : i32
    %dma_start3A_553 = arith.constant 0 : i32
    %dma_start3A_554 = tpu.memref_slice %arg6[%dma_start3A_552, %dma_start3A_553] : memref<2x10000xf32, #tpu.memory_space<vmem>> -> memref<1x10000xf32, #tpu.memory_space<vmem>>
    %dma_start3A_555 = tpu.memref_squeeze %dma_start3A_554 : memref<1x10000xf32, #tpu.memory_space<vmem>> -> memref<10000xf32, #tpu.memory_space<vmem>>
    %dma_start3A_556 = tpu.memref_slice %arg2[%add3A_551] : memref<6400000xf32, #tpu.memory_space<hbm>> -> memref<10000xf32, #tpu.memory_space<hbm>>
    %dma_start3A_557 = arith.constant 0 : i32
    %dma_start3A_558 = tpu.memref_slice %arg6[%dma_start3A_552, %dma_start3A_557] : memref<2x10000xf32, #tpu.memory_space<vmem>> -> memref<1x10000xf32, #tpu.memory_space<vmem>>
    %dma_start3A_559 = tpu.memref_squeeze %dma_start3A_558 : memref<1x10000xf32, #tpu.memory_space<vmem>> -> memref<10000xf32, #tpu.memory_space<vmem>>
    %dma_start3A_560 = tpu.memref_slice %arg2[%add3A_551] : memref<6400000xf32, #tpu.memory_space<hbm>> -> memref<10000xf32, #tpu.memory_space<hbm>>
    tpu.enqueue_dma source(%dma_start3A_560 : memref<10000xf32, #tpu.memory_space<hbm>>) target(%dma_start3A_559 : memref<10000xf32, #tpu.memory_space<vmem>>) target_semaphore(%arg10 : memref<!tpu.dma_semaphore, #tpu.memory_space<semaphore_mem>>)
    %dma_start3A_561 = arith.constant 0 : i32
    %dma_start3A_562 = arith.constant 0 : i32
    %dma_start3A_563 = tpu.memref_slice %arg7[%dma_start3A_561, %dma_start3A_562] : memref<2x10000xf32, #tpu.memory_space<vmem>> -> memref<1x10000xf32, #tpu.memory_space<vmem>>
    %dma_start3A_564 = tpu.memref_squeeze %dma_start3A_563 : memref<1x10000xf32, #tpu.memory_space<vmem>> -> memref<10000xf32, #tpu.memory_space<vmem>>
    %dma_start3A_565 = tpu.memref_slice %arg3[%add3A_551] : memref<6400000xf32, #tpu.memory_space<hbm>> -> memref<10000xf32, #tpu.memory_space<hbm>>
    %dma_start3A_566 = arith.constant 0 : i32
    %dma_start3A_567 = tpu.memref_slice %arg7[%dma_start3A_561, %dma_start3A_566] : memref<2x10000xf32, #tpu.memory_space<vmem>> -> memref<1x10000xf32, #tpu.memory_space<vmem>>
    %dma_start3A_568 = tpu.memref_squeeze %dma_start3A_567 : memref<1x10000xf32, #tpu.memory_space<vmem>> -> memref<10000xf32, #tpu.memory_space<vmem>>
    %dma_start3A_569 = tpu.memref_slice %arg3[%add3A_551] : memref<6400000xf32, #tpu.memory_space<hbm>> -> memref<10000xf32, #tpu.memory_space<hbm>>
    tpu.enqueue_dma source(%dma_start3A_569 : memref<10000xf32, #tpu.memory_space<hbm>>) target(%dma_start3A_568 : memref<10000xf32, #tpu.memory_space<vmem>>) target_semaphore(%arg12 : memref<!tpu.dma_semaphore, #tpu.memory_space<semaphore_mem>>)
    %dma_wait3A_570 = arith.constant 1 : i32
    %dma_wait3A_571 = arith.constant 0 : i32
    %dma_wait3A_572 = tpu.memref_slice %arg6[%dma_wait3A_570, %dma_wait3A_571] : memref<2x10000xf32, #tpu.memory_space<vmem>> -> memref<1x10000xf32, #tpu.memory_space<vmem>>
    %dma_wait3A_573 = tpu.memref_squeeze %dma_wait3A_572 : memref<1x10000xf32, #tpu.memory_space<vmem>> -> memref<10000xf32, #tpu.memory_space<vmem>>
    %dma_wait3A_574 = tpu.memref_slice %arg2[%add3A_507] : memref<6400000xf32, #tpu.memory_space<hbm>> -> memref<10000xf32, #tpu.memory_space<hbm>>
    %dma_wait3A_575 = arith.constant 0 : i32
    %dma_wait3A_576 = tpu.memref_slice %arg6[%dma_wait3A_570, %dma_wait3A_575] : memref<2x10000xf32, #tpu.memory_space<vmem>> -> memref<1x10000xf32, #tpu.memory_space<vmem>>
    %dma_wait3A_577 = tpu.memref_squeeze %dma_wait3A_576 : memref<1x10000xf32, #tpu.memory_space<vmem>> -> memref<10000xf32, #tpu.memory_space<vmem>>
    %dma_wait3A_578 = tpu.memref_slice %arg2[%add3A_507] : memref<6400000xf32, #tpu.memory_space<hbm>> -> memref<10000xf32, #tpu.memory_space<hbm>>
    tpu.wait_dma2 semaphore(%arg11 : memref<!tpu.dma_semaphore, #tpu.memory_space<semaphore_mem>>) src(%dma_wait3A_578 : memref<10000xf32, #tpu.memory_space<hbm>>) dst(%dma_wait3A_577 : memref<10000xf32, #tpu.memory_space<vmem>>)
    %dma_wait3A_579 = arith.constant 1 : i32
    %dma_wait3A_580 = arith.constant 0 : i32
    %dma_wait3A_581 = tpu.memref_slice %arg7[%dma_wait3A_579, %dma_wait3A_580] : memref<2x10000xf32, #tpu.memory_space<vmem>> -> memref<1x10000xf32, #tpu.memory_space<vmem>>
    %dma_wait3A_582 = tpu.memref_squeeze %dma_wait3A_581 : memref<1x10000xf32, #tpu.memory_space<vmem>> -> memref<10000xf32, #tpu.memory_space<vmem>>
    %dma_wait3A_583 = tpu.memref_slice %arg3[%add3A_507] : memref<6400000xf32, #tpu.memory_space<hbm>> -> memref<10000xf32, #tpu.memory_space<hbm>>
    %dma_wait3A_584 = arith.constant 0 : i32
    %dma_wait3A_585 = tpu.memref_slice %arg7[%dma_wait3A_579, %dma_wait3A_584] : memref<2x10000xf32, #tpu.memory_space<vmem>> -> memref<1x10000xf32, #tpu.memory_space<vmem>>
    %dma_wait3A_586 = tpu.memref_squeeze %dma_wait3A_585 : memref<1x10000xf32, #tpu.memory_space<vmem>> -> memref<10000xf32, #tpu.memory_space<vmem>>
    %dma_wait3A_587 = tpu.memref_slice %arg3[%add3A_507] : memref<6400000xf32, #tpu.memory_space<hbm>> -> memref<10000xf32, #tpu.memory_space<hbm>>
    tpu.wait_dma2 semaphore(%arg13 : memref<!tpu.dma_semaphore, #tpu.memory_space<semaphore_mem>>) src(%dma_wait3A_587 : memref<10000xf32, #tpu.memory_space<hbm>>) dst(%dma_wait3A_586 : memref<10000xf32, #tpu.memory_space<vmem>>)
    %scan3A_588 = arith.constant 0 : i32
    %scan3A_589 = arith.constant 156 : i32
    %scan3A_590 = arith.addi %scan3A_588, %scan3A_589 : i32
    %scan3A_591 = arith.constant 1 : i32
    %scan3A_592:8 = scf.for %scan3A_968 = %scan3A_588 to %scan3A_590 step %scan3A_591 iter_args(%scan3A_969 = %scan3A_548#0, %scan3A_970 = %scan3A_548#1, %scan3A_971 = %scan3A_548#2, %scan3A_972 = %scan3A_548#3, %scan3A_973 = %scan3A_548#4, %scan3A_974 = %scan3A_548#5, %scan3A_975 = %scan3A_548#6, %scan3A_976 = %scan3A_548#7) -> (vector<16xf32>, vector<16xf32>, vector<16xf32>, vector<16xf32>, vector<16xi32>, vector<16xi32>, vector<16xi32>, vector<16xi32>)  : i32 {
      %mul3A_977 = arith.constant 64 : i32
      %mul3A_978 = arith.muli %scan3A_968, %mul3A_977 : i32
      %add3A_979 = arith.constant 0 : i32
      %add3A_980 = arith.addi %mul3A_978, %add3A_979 : i32
      %get3A_981 = arith.constant 1 : i32
      %get3A_982 = arith.index_cast %get3A_981 : i32 to index
      %get3A_983 = arith.index_cast %add3A_980 : i32 to index
      %get3A_984 = tpu.vector_load %arg6[%get3A_982, %get3A_983] {strides = array<i32>} : memref<2x10000xf32, #tpu.memory_space<vmem>>, vector<16xf32>,
      %add3A_985 = arith.constant 0 : i32
      %add3A_986 = arith.addi %mul3A_978, %add3A_985 : i32
      %get3A_987 = arith.constant 1 : i32
      %get3A_988 = arith.index_cast %get3A_987 : i32 to index
      %get3A_989 = arith.index_cast %add3A_986 : i32 to index
      %get3A_990 = tpu.vector_load %arg7[%get3A_988, %get3A_989] {strides = array<i32>} : memref<2x10000xf32, #tpu.memory_space<vmem>>, vector<16xf32>,
      %mul3A_991 = arith.mulf %get3A_984, %get3A_505 : vector<16xf32>
      %add3A_992 = arith.addf %mul3A_991, %get3A_990 : vector<16xf32>
      %gt3A_993 = arith.cmpf ogt, %add3A_992, %scan3A_969 : vector<16xf32>
      %select_n3A_994 = arith.select %gt3A_993, %add3A_992, %scan3A_969 : vector<16xi1>, vector<16xf32>
      %add3A_995 = arith.constant 10000 : i32
      %add3A_996 = arith.addi %add3A_995, %mul3A_978 : i32
      %broadcast_in_dim3A_997 = vector.broadcast %add3A_996 : i32 to vector<16xi32>
      %select_n3A_998 = arith.select %gt3A_993, %broadcast_in_dim3A_997, %scan3A_973 : vector<16xi1>, vector<16xi32>
      %add3A_999 = arith.constant 16 : i32
      %add3A_1000 = arith.addi %mul3A_978, %add3A_999 : i32
      %get3A_1001 = arith.constant 1 : i32
      %get3A_1002 = arith.index_cast %get3A_1001 : i32 to index
      %get3A_1003 = arith.index_cast %add3A_1000 : i32 to index
      %get3A_1004 = tpu.vector_load %arg6[%get3A_1002, %get3A_1003] {strides = array<i32>} : memref<2x10000xf32, #tpu.memory_space<vmem>>, vector<16xf32>,
      %add3A_1005 = arith.constant 16 : i32
      %add3A_1006 = arith.addi %mul3A_978, %add3A_1005 : i32
      %get3A_1007 = arith.constant 1 : i32
      %get3A_1008 = arith.index_cast %get3A_1007 : i32 to index
      %get3A_1009 = arith.index_cast %add3A_1006 : i32 to index
      %get3A_1010 = tpu.vector_load %arg7[%get3A_1008, %get3A_1009] {strides = array<i32>} : memref<2x10000xf32, #tpu.memory_space<vmem>>, vector<16xf32>,
      %mul3A_1011 = arith.mulf %get3A_1004, %get3A_505 : vector<16xf32>
      %add3A_1012 = arith.addf %mul3A_1011, %get3A_1010 : vector<16xf32>
      %gt3A_1013 = arith.cmpf ogt, %add3A_1012, %scan3A_970 : vector<16xf32>
      %select_n3A_1014 = arith.select %gt3A_1013, %add3A_1012, %scan3A_970 : vector<16xi1>, vector<16xf32>
      %add3A_1015 = arith.constant 10016 : i32
      %add3A_1016 = arith.addi %add3A_1015, %mul3A_978 : i32
      %broadcast_in_dim3A_1017 = vector.broadcast %add3A_1016 : i32 to vector<16xi32>
      %select_n3A_1018 = arith.select %gt3A_1013, %broadcast_in_dim3A_1017, %scan3A_974 : vector<16xi1>, vector<16xi32>
      %add3A_1019 = arith.constant 32 : i32
      %add3A_1020 = arith.addi %mul3A_978, %add3A_1019 : i32
      %get3A_1021 = arith.constant 1 : i32
      %get3A_1022 = arith.index_cast %get3A_1021 : i32 to index
      %get3A_1023 = arith.index_cast %add3A_1020 : i32 to index
      %get3A_1024 = tpu.vector_load %arg6[%get3A_1022, %get3A_1023] {strides = array<i32>} : memref<2x10000xf32, #tpu.memory_space<vmem>>, vector<16xf32>,
      %add3A_1025 = arith.constant 32 : i32
      %add3A_1026 = arith.addi %mul3A_978, %add3A_1025 : i32
      %get3A_1027 = arith.constant 1 : i32
      %get3A_1028 = arith.index_cast %get3A_1027 : i32 to index
      %get3A_1029 = arith.index_cast %add3A_1026 : i32 to index
      %get3A_1030 = tpu.vector_load %arg7[%get3A_1028, %get3A_1029] {strides = array<i32>} : memref<2x10000xf32, #tpu.memory_space<vmem>>, vector<16xf32>,
      %mul3A_1031 = arith.mulf %get3A_1024, %get3A_505 : vector<16xf32>
      %add3A_1032 = arith.addf %mul3A_1031, %get3A_1030 : vector<16xf32>
      %gt3A_1033 = arith.cmpf ogt, %add3A_1032, %scan3A_971 : vector<16xf32>
      %select_n3A_1034 = arith.select %gt3A_1033, %add3A_1032, %scan3A_971 : vector<16xi1>, vector<16xf32>
      %add3A_1035 = arith.constant 10032 : i32
      %add3A_1036 = arith.addi %add3A_1035, %mul3A_978 : i32
      %broadcast_in_dim3A_1037 = vector.broadcast %add3A_1036 : i32 to vector<16xi32>
      %select_n3A_1038 = arith.select %gt3A_1033, %broadcast_in_dim3A_1037, %scan3A_975 : vector<16xi1>, vector<16xi32>
      %add3A_1039 = arith.constant 48 : i32
      %add3A_1040 = arith.addi %mul3A_978, %add3A_1039 : i32
      %get3A_1041 = arith.constant 1 : i32
      %get3A_1042 = arith.index_cast %get3A_1041 : i32 to index
      %get3A_1043 = arith.index_cast %add3A_1040 : i32 to index
      %get3A_1044 = tpu.vector_load %arg6[%get3A_1042, %get3A_1043] {strides = array<i32>} : memref<2x10000xf32, #tpu.memory_space<vmem>>, vector<16xf32>,
      %add3A_1045 = arith.constant 48 : i32
      %add3A_1046 = arith.addi %mul3A_978, %add3A_1045 : i32
      %get3A_1047 = arith.constant 1 : i32
      %get3A_1048 = arith.index_cast %get3A_1047 : i32 to index
      %get3A_1049 = arith.index_cast %add3A_1046 : i32 to index
      %get3A_1050 = tpu.vector_load %arg7[%get3A_1048, %get3A_1049] {strides = array<i32>} : memref<2x10000xf32, #tpu.memory_space<vmem>>, vector<16xf32>,
      %mul3A_1051 = arith.mulf %get3A_1044, %get3A_505 : vector<16xf32>
      %add3A_1052 = arith.addf %mul3A_1051, %get3A_1050 : vector<16xf32>
      %gt3A_1053 = arith.cmpf ogt, %add3A_1052, %scan3A_972 : vector<16xf32>
      %select_n3A_1054 = arith.select %gt3A_1053, %add3A_1052, %scan3A_972 : vector<16xi1>, vector<16xf32>
      %add3A_1055 = arith.constant 10048 : i32
      %add3A_1056 = arith.addi %add3A_1055, %mul3A_978 : i32
      %broadcast_in_dim3A_1057 = vector.broadcast %add3A_1056 : i32 to vector<16xi32>
      %select_n3A_1058 = arith.select %gt3A_1053, %broadcast_in_dim3A_1057, %scan3A_976 : vector<16xi1>, vector<16xi32>
      scf.yield %select_n3A_994, %select_n3A_1014, %select_n3A_1034, %select_n3A_1054, %select_n3A_998, %select_n3A_1018, %select_n3A_1038, %select_n3A_1058 : vector<16xf32>, vector<16xf32>, vector<16xf32>, vector<16xf32>, vector<16xi32>, vector<16xi32>, vector<16xi32>, vector<16xi32>
    }
    %scan3A_593 = arith.constant 156 : i32
    %add3A_594 = arith.constant 130000 : i32
    %add3A_595 = arith.addi %mul3A_2, %add3A_594 : i32
    %dma_start3A_596 = arith.constant 1 : i32
    %dma_start3A_597 = arith.constant 0 : i32
    %dma_start3A_598 = tpu.memref_slice %arg6[%dma_start3A_596, %dma_start3A_597] : memref<2x10000xf32, #tpu.memory_space<vmem>> -> memref<1x10000xf32, #tpu.memory_space<vmem>>
    %dma_start3A_599 = tpu.memref_squeeze %dma_start3A_598 : memref<1x10000xf32, #tpu.memory_space<vmem>> -> memref<10000xf32, #tpu.memory_space<vmem>>
    %dma_start3A_600 = tpu.memref_slice %arg2[%add3A_595] : memref<6400000xf32, #tpu.memory_space<hbm>> -> memref<10000xf32, #tpu.memory_space<hbm>>
    %dma_start3A_601 = arith.constant 0 : i32
    %dma_start3A_602 = tpu.memref_slice %arg6[%dma_start3A_596, %dma_start3A_601] : memref<2x10000xf32, #tpu.memory_space<vmem>> -> memref<1x10000xf32, #tpu.memory_space<vmem>>
    %dma_start3A_603 = tpu.memref_squeeze %dma_start3A_602 : memref<1x10000xf32, #tpu.memory_space<vmem>> -> memref<10000xf32, #tpu.memory_space<vmem>>
    %dma_start3A_604 = tpu.memref_slice %arg2[%add3A_595] : memref<6400000xf32, #tpu.memory_space<hbm>> -> memref<10000xf32, #tpu.memory_space<hbm>>
    tpu.enqueue_dma source(%dma_start3A_604 : memref<10000xf32, #tpu.memory_space<hbm>>) target(%dma_start3A_603 : memref<10000xf32, #tpu.memory_space<vmem>>) target_semaphore(%arg11 : memref<!tpu.dma_semaphore, #tpu.memory_space<semaphore_mem>>)
    %dma_start3A_605 = arith.constant 1 : i32
    %dma_start3A_606 = arith.constant 0 : i32
    %dma_start3A_607 = tpu.memref_slice %arg7[%dma_start3A_605, %dma_start3A_606] : memref<2x10000xf32, #tpu.memory_space<vmem>> -> memref<1x10000xf32, #tpu.memory_space<vmem>>
    %dma_start3A_608 = tpu.memref_squeeze %dma_start3A_607 : memref<1x10000xf32, #tpu.memory_space<vmem>> -> memref<10000xf32, #tpu.memory_space<vmem>>
    %dma_start3A_609 = tpu.memref_slice %arg3[%add3A_595] : memref<6400000xf32, #tpu.memory_space<hbm>> -> memref<10000xf32, #tpu.memory_space<hbm>>
    %dma_start3A_610 = arith.constant 0 : i32
    %dma_start3A_611 = tpu.memref_slice %arg7[%dma_start3A_605, %dma_start3A_610] : memref<2x10000xf32, #tpu.memory_space<vmem>> -> memref<1x10000xf32, #tpu.memory_space<vmem>>
    %dma_start3A_612 = tpu.memref_squeeze %dma_start3A_611 : memref<1x10000xf32, #tpu.memory_space<vmem>> -> memref<10000xf32, #tpu.memory_space<vmem>>
    %dma_start3A_613 = tpu.memref_slice %arg3[%add3A_595] : memref<6400000xf32, #tpu.memory_space<hbm>> -> memref<10000xf32, #tpu.memory_space<hbm>>
    tpu.enqueue_dma source(%dma_start3A_613 : memref<10000xf32, #tpu.memory_space<hbm>>) target(%dma_start3A_612 : memref<10000xf32, #tpu.memory_space<vmem>>) target_semaphore(%arg13 : memref<!tpu.dma_semaphore, #tpu.memory_space<semaphore_mem>>)
    %dma_wait3A_614 = arith.constant 0 : i32
    %dma_wait3A_615 = arith.constant 0 : i32
    %dma_wait3A_616 = tpu.memref_slice %arg6[%dma_wait3A_614, %dma_wait3A_615] : memref<2x10000xf32, #tpu.memory_space<vmem>> -> memref<1x10000xf32, #tpu.memory_space<vmem>>
    %dma_wait3A_617 = tpu.memref_squeeze %dma_wait3A_616 : memref<1x10000xf32, #tpu.memory_space<vmem>> -> memref<10000xf32, #tpu.memory_space<vmem>>
    %dma_wait3A_618 = tpu.memref_slice %arg2[%add3A_551] : memref<6400000xf32, #tpu.memory_space<hbm>> -> memref<10000xf32, #tpu.memory_space<hbm>>
    %dma_wait3A_619 = arith.constant 0 : i32
    %dma_wait3A_620 = tpu.memref_slice %arg6[%dma_wait3A_614, %dma_wait3A_619] : memref<2x10000xf32, #tpu.memory_space<vmem>> -> memref<1x10000xf32, #tpu.memory_space<vmem>>
    %dma_wait3A_621 = tpu.memref_squeeze %dma_wait3A_620 : memref<1x10000xf32, #tpu.memory_space<vmem>> -> memref<10000xf32, #tpu.memory_space<vmem>>
    %dma_wait3A_622 = tpu.memref_slice %arg2[%add3A_551] : memref<6400000xf32, #tpu.memory_space<hbm>> -> memref<10000xf32, #tpu.memory_space<hbm>>
    tpu.wait_dma2 semaphore(%arg10 : memref<!tpu.dma_semaphore, #tpu.memory_space<semaphore_mem>>) src(%dma_wait3A_622 : memref<10000xf32, #tpu.memory_space<hbm>>) dst(%dma_wait3A_621 : memref<10000xf32, #tpu.memory_space<vmem>>)
    %dma_wait3A_623 = arith.constant 0 : i32
    %dma_wait3A_624 = arith.constant 0 : i32
    %dma_wait3A_625 = tpu.memref_slice %arg7[%dma_wait3A_623, %dma_wait3A_624] : memref<2x10000xf32, #tpu.memory_space<vmem>> -> memref<1x10000xf32, #tpu.memory_space<vmem>>
    %dma_wait3A_626 = tpu.memref_squeeze %dma_wait3A_625 : memref<1x10000xf32, #tpu.memory_space<vmem>> -> memref<10000xf32, #tpu.memory_space<vmem>>
    %dma_wait3A_627 = tpu.memref_slice %arg3[%add3A_551] : memref<6400000xf32, #tpu.memory_space<hbm>> -> memref<10000xf32, #tpu.memory_space<hbm>>
    %dma_wait3A_628 = arith.constant 0 : i32
    %dma_wait3A_629 = tpu.memref_slice %arg7[%dma_wait3A_623, %dma_wait3A_628] : memref<2x10000xf32, #tpu.memory_space<vmem>> -> memref<1x10000xf32, #tpu.memory_space<vmem>>
    %dma_wait3A_630 = tpu.memref_squeeze %dma_wait3A_629 : memref<1x10000xf32, #tpu.memory_space<vmem>> -> memref<10000xf32, #tpu.memory_space<vmem>>
    %dma_wait3A_631 = tpu.memref_slice %arg3[%add3A_551] : memref<6400000xf32, #tpu.memory_space<hbm>> -> memref<10000xf32, #tpu.memory_space<hbm>>
    tpu.wait_dma2 semaphore(%arg12 : memref<!tpu.dma_semaphore, #tpu.memory_space<semaphore_mem>>) src(%dma_wait3A_631 : memref<10000xf32, #tpu.memory_space<hbm>>) dst(%dma_wait3A_630 : memref<10000xf32, #tpu.memory_space<vmem>>)
    %scan3A_632 = arith.constant 0 : i32
    %scan3A_633 = arith.constant 156 : i32
    %scan3A_634 = arith.addi %scan3A_632, %scan3A_633 : i32
    %scan3A_635 = arith.constant 1 : i32
    %scan3A_636:8 = scf.for %scan3A_968 = %scan3A_632 to %scan3A_634 step %scan3A_635 iter_args(%scan3A_969 = %scan3A_592#0, %scan3A_970 = %scan3A_592#1, %scan3A_971 = %scan3A_592#2, %scan3A_972 = %scan3A_592#3, %scan3A_973 = %scan3A_592#4, %scan3A_974 = %scan3A_592#5, %scan3A_975 = %scan3A_592#6, %scan3A_976 = %scan3A_592#7) -> (vector<16xf32>, vector<16xf32>, vector<16xf32>, vector<16xf32>, vector<16xi32>, vector<16xi32>, vector<16xi32>, vector<16xi32>)  : i32 {
      %mul3A_977 = arith.constant 64 : i32
      %mul3A_978 = arith.muli %scan3A_968, %mul3A_977 : i32
      %add3A_979 = arith.constant 0 : i32
      %add3A_980 = arith.addi %mul3A_978, %add3A_979 : i32
      %get3A_981 = arith.constant 0 : i32
      %get3A_982 = arith.index_cast %get3A_981 : i32 to index
      %get3A_983 = arith.index_cast %add3A_980 : i32 to index
      %get3A_984 = tpu.vector_load %arg6[%get3A_982, %get3A_983] {strides = array<i32>} : memref<2x10000xf32, #tpu.memory_space<vmem>>, vector<16xf32>,
      %add3A_985 = arith.constant 0 : i32
      %add3A_986 = arith.addi %mul3A_978, %add3A_985 : i32
      %get3A_987 = arith.constant 0 : i32
      %get3A_988 = arith.index_cast %get3A_987 : i32 to index
      %get3A_989 = arith.index_cast %add3A_986 : i32 to index
      %get3A_990 = tpu.vector_load %arg7[%get3A_988, %get3A_989] {strides = array<i32>} : memref<2x10000xf32, #tpu.memory_space<vmem>>, vector<16xf32>,
      %mul3A_991 = arith.mulf %get3A_984, %get3A_505 : vector<16xf32>
      %add3A_992 = arith.addf %mul3A_991, %get3A_990 : vector<16xf32>
      %gt3A_993 = arith.cmpf ogt, %add3A_992, %scan3A_969 : vector<16xf32>
      %select_n3A_994 = arith.select %gt3A_993, %add3A_992, %scan3A_969 : vector<16xi1>, vector<16xf32>
      %add3A_995 = arith.constant 20000 : i32
      %add3A_996 = arith.addi %add3A_995, %mul3A_978 : i32
      %broadcast_in_dim3A_997 = vector.broadcast %add3A_996 : i32 to vector<16xi32>
      %select_n3A_998 = arith.select %gt3A_993, %broadcast_in_dim3A_997, %scan3A_973 : vector<16xi1>, vector<16xi32>
      %add3A_999 = arith.constant 16 : i32
      %add3A_1000 = arith.addi %mul3A_978, %add3A_999 : i32
      %get3A_1001 = arith.constant 0 : i32
      %get3A_1002 = arith.index_cast %get3A_1001 : i32 to index
      %get3A_1003 = arith.index_cast %add3A_1000 : i32 to index
      %get3A_1004 = tpu.vector_load %arg6[%get3A_1002, %get3A_1003] {strides = array<i32>} : memref<2x10000xf32, #tpu.memory_space<vmem>>, vector<16xf32>,
      %add3A_1005 = arith.constant 16 : i32
      %add3A_1006 = arith.addi %mul3A_978, %add3A_1005 : i32
      %get3A_1007 = arith.constant 0 : i32
      %get3A_1008 = arith.index_cast %get3A_1007 : i32 to index
      %get3A_1009 = arith.index_cast %add3A_1006 : i32 to index
      %get3A_1010 = tpu.vector_load %arg7[%get3A_1008, %get3A_1009] {strides = array<i32>} : memref<2x10000xf32, #tpu.memory_space<vmem>>, vector<16xf32>,
      %mul3A_1011 = arith.mulf %get3A_1004, %get3A_505 : vector<16xf32>
      %add3A_1012 = arith.addf %mul3A_1011, %get3A_1010 : vector<16xf32>
      %gt3A_1013 = arith.cmpf ogt, %add3A_1012, %scan3A_970 : vector<16xf32>
      %select_n3A_1014 = arith.select %gt3A_1013, %add3A_1012, %scan3A_970 : vector<16xi1>, vector<16xf32>
      %add3A_1015 = arith.constant 20016 : i32
      %add3A_1016 = arith.addi %add3A_1015, %mul3A_978 : i32
      %broadcast_in_dim3A_1017 = vector.broadcast %add3A_1016 : i32 to vector<16xi32>
      %select_n3A_1018 = arith.select %gt3A_1013, %broadcast_in_dim3A_1017, %scan3A_974 : vector<16xi1>, vector<16xi32>
      %add3A_1019 = arith.constant 32 : i32
      %add3A_1020 = arith.addi %mul3A_978, %add3A_1019 : i32
      %get3A_1021 = arith.constant 0 : i32
      %get3A_1022 = arith.index_cast %get3A_1021 : i32 to index
      %get3A_1023 = arith.index_cast %add3A_1020 : i32 to index
      %get3A_1024 = tpu.vector_load %arg6[%get3A_1022, %get3A_1023] {strides = array<i32>} : memref<2x10000xf32, #tpu.memory_space<vmem>>, vector<16xf32>,
      %add3A_1025 = arith.constant 32 : i32
      %add3A_1026 = arith.addi %mul3A_978, %add3A_1025 : i32
      %get3A_1027 = arith.constant 0 : i32
      %get3A_1028 = arith.index_cast %get3A_1027 : i32 to index
      %get3A_1029 = arith.index_cast %add3A_1026 : i32 to index
      %get3A_1030 = tpu.vector_load %arg7[%get3A_1028, %get3A_1029] {strides = array<i32>} : memref<2x10000xf32, #tpu.memory_space<vmem>>, vector<16xf32>,
      %mul3A_1031 = arith.mulf %get3A_1024, %get3A_505 : vector<16xf32>
      %add3A_1032 = arith.addf %mul3A_1031, %get3A_1030 : vector<16xf32>
      %gt3A_1033 = arith.cmpf ogt, %add3A_1032, %scan3A_971 : vector<16xf32>
      %select_n3A_1034 = arith.select %gt3A_1033, %add3A_1032, %scan3A_971 : vector<16xi1>, vector<16xf32>
      %add3A_1035 = arith.constant 20032 : i32
      %add3A_1036 = arith.addi %add3A_1035, %mul3A_978 : i32
      %broadcast_in_dim3A_1037 = vector.broadcast %add3A_1036 : i32 to vector<16xi32>
      %select_n3A_1038 = arith.select %gt3A_1033, %broadcast_in_dim3A_1037, %scan3A_975 : vector<16xi1>, vector<16xi32>
      %add3A_1039 = arith.constant 48 : i32
      %add3A_1040 = arith.addi %mul3A_978, %add3A_1039 : i32
      %get3A_1041 = arith.constant 0 : i32
      %get3A_1042 = arith.index_cast %get3A_1041 : i32 to index
      %get3A_1043 = arith.index_cast %add3A_1040 : i32 to index
      %get3A_1044 = tpu.vector_load %arg6[%get3A_1042, %get3A_1043] {strides = array<i32>} : memref<2x10000xf32, #tpu.memory_space<vmem>>, vector<16xf32>,
      %add3A_1045 = arith.constant 48 : i32
      %add3A_1046 = arith.addi %mul3A_978, %add3A_1045 : i32
      %get3A_1047 = arith.constant 0 : i32
      %get3A_1048 = arith.index_cast %get3A_1047 : i32 to index
      %get3A_1049 = arith.index_cast %add3A_1046 : i32 to index
      %get3A_1050 = tpu.vector_load %arg7[%get3A_1048, %get3A_1049] {strides = array<i32>} : memref<2x10000xf32, #tpu.memory_space<vmem>>, vector<16xf32>,
      %mul3A_1051 = arith.mulf %get3A_1044, %get3A_505 : vector<16xf32>
      %add3A_1052 = arith.addf %mul3A_1051, %get3A_1050 : vector<16xf32>
      %gt3A_1053 = arith.cmpf ogt, %add3A_1052, %scan3A_972 : vector<16xf32>
      %select_n3A_1054 = arith.select %gt3A_1053, %add3A_1052, %scan3A_972 : vector<16xi1>, vector<16xf32>
      %add3A_1055 = arith.constant 20048 : i32
      %add3A_1056 = arith.addi %add3A_1055, %mul3A_978 : i32
      %broadcast_in_dim3A_1057 = vector.broadcast %add3A_1056 : i32 to vector<16xi32>
      %select_n3A_1058 = arith.select %gt3A_1053, %broadcast_in_dim3A_1057, %scan3A_976 : vector<16xi1>, vector<16xi32>
      scf.yield %select_n3A_994, %select_n3A_1014, %select_n3A_1034, %select_n3A_1054, %select_n3A_998, %select_n3A_1018, %select_n3A_1038, %select_n3A_1058 : vector<16xf32>, vector<16xf32>, vector<16xf32>, vector<16xf32>, vector<16xi32>, vector<16xi32>, vector<16xi32>, vector<16xi32>
    }
    %scan3A_637 = arith.constant 156 : i32
    %add3A_638 = arith.constant 140000 : i32
    %add3A_639 = arith.addi %mul3A_2, %add3A_638 : i32
    %dma_start3A_640 = arith.constant 0 : i32
    %dma_start3A_641 = arith.constant 0 : i32
    %dma_start3A_642 = tpu.memref_slice %arg6[%dma_start3A_640, %dma_start3A_641] : memref<2x10000xf32, #tpu.memory_space<vmem>> -> memref<1x10000xf32, #tpu.memory_space<vmem>>
    %dma_start3A_643 = tpu.memref_squeeze %dma_start3A_642 : memref<1x10000xf32, #tpu.memory_space<vmem>> -> memref<10000xf32, #tpu.memory_space<vmem>>
    %dma_start3A_644 = tpu.memref_slice %arg2[%add3A_639] : memref<6400000xf32, #tpu.memory_space<hbm>> -> memref<10000xf32, #tpu.memory_space<hbm>>
    %dma_start3A_645 = arith.constant 0 : i32
    %dma_start3A_646 = tpu.memref_slice %arg6[%dma_start3A_640, %dma_start3A_645] : memref<2x10000xf32, #tpu.memory_space<vmem>> -> memref<1x10000xf32, #tpu.memory_space<vmem>>
    %dma_start3A_647 = tpu.memref_squeeze %dma_start3A_646 : memref<1x10000xf32, #tpu.memory_space<vmem>> -> memref<10000xf32, #tpu.memory_space<vmem>>
    %dma_start3A_648 = tpu.memref_slice %arg2[%add3A_639] : memref<6400000xf32, #tpu.memory_space<hbm>> -> memref<10000xf32, #tpu.memory_space<hbm>>
    tpu.enqueue_dma source(%dma_start3A_648 : memref<10000xf32, #tpu.memory_space<hbm>>) target(%dma_start3A_647 : memref<10000xf32, #tpu.memory_space<vmem>>) target_semaphore(%arg10 : memref<!tpu.dma_semaphore, #tpu.memory_space<semaphore_mem>>)
    %dma_start3A_649 = arith.constant 0 : i32
    %dma_start3A_650 = arith.constant 0 : i32
    %dma_start3A_651 = tpu.memref_slice %arg7[%dma_start3A_649, %dma_start3A_650] : memref<2x10000xf32, #tpu.memory_space<vmem>> -> memref<1x10000xf32, #tpu.memory_space<vmem>>
    %dma_start3A_652 = tpu.memref_squeeze %dma_start3A_651 : memref<1x10000xf32, #tpu.memory_space<vmem>> -> memref<10000xf32, #tpu.memory_space<vmem>>
    %dma_start3A_653 = tpu.memref_slice %arg3[%add3A_639] : memref<6400000xf32, #tpu.memory_space<hbm>> -> memref<10000xf32, #tpu.memory_space<hbm>>
    %dma_start3A_654 = arith.constant 0 : i32
    %dma_start3A_655 = tpu.memref_slice %arg7[%dma_start3A_649, %dma_start3A_654] : memref<2x10000xf32, #tpu.memory_space<vmem>> -> memref<1x10000xf32, #tpu.memory_space<vmem>>
    %dma_start3A_656 = tpu.memref_squeeze %dma_start3A_655 : memref<1x10000xf32, #tpu.memory_space<vmem>> -> memref<10000xf32, #tpu.memory_space<vmem>>
    %dma_start3A_657 = tpu.memref_slice %arg3[%add3A_639] : memref<6400000xf32, #tpu.memory_space<hbm>> -> memref<10000xf32, #tpu.memory_space<hbm>>
    tpu.enqueue_dma source(%dma_start3A_657 : memref<10000xf32, #tpu.memory_space<hbm>>) target(%dma_start3A_656 : memref<10000xf32, #tpu.memory_space<vmem>>) target_semaphore(%arg12 : memref<!tpu.dma_semaphore, #tpu.memory_space<semaphore_mem>>)
    %dma_wait3A_658 = arith.constant 1 : i32
    %dma_wait3A_659 = arith.constant 0 : i32
    %dma_wait3A_660 = tpu.memref_slice %arg6[%dma_wait3A_658, %dma_wait3A_659] : memref<2x10000xf32, #tpu.memory_space<vmem>> -> memref<1x10000xf32, #tpu.memory_space<vmem>>
    %dma_wait3A_661 = tpu.memref_squeeze %dma_wait3A_660 : memref<1x10000xf32, #tpu.memory_space<vmem>> -> memref<10000xf32, #tpu.memory_space<vmem>>
    %dma_wait3A_662 = tpu.memref_slice %arg2[%add3A_595] : memref<6400000xf32, #tpu.memory_space<hbm>> -> memref<10000xf32, #tpu.memory_space<hbm>>
    %dma_wait3A_663 = arith.constant 0 : i32
    %dma_wait3A_664 = tpu.memref_slice %arg6[%dma_wait3A_658, %dma_wait3A_663] : memref<2x10000xf32, #tpu.memory_space<vmem>> -> memref<1x10000xf32, #tpu.memory_space<vmem>>
    %dma_wait3A_665 = tpu.memref_squeeze %dma_wait3A_664 : memref<1x10000xf32, #tpu.memory_space<vmem>> -> memref<10000xf32, #tpu.memory_space<vmem>>
    %dma_wait3A_666 = tpu.memref_slice %arg2[%add3A_595] : memref<6400000xf32, #tpu.memory_space<hbm>> -> memref<10000xf32, #tpu.memory_space<hbm>>
    tpu.wait_dma2 semaphore(%arg11 : memref<!tpu.dma_semaphore, #tpu.memory_space<semaphore_mem>>) src(%dma_wait3A_666 : memref<10000xf32, #tpu.memory_space<hbm>>) dst(%dma_wait3A_665 : memref<10000xf32, #tpu.memory_space<vmem>>)
    %dma_wait3A_667 = arith.constant 1 : i32
    %dma_wait3A_668 = arith.constant 0 : i32
    %dma_wait3A_669 = tpu.memref_slice %arg7[%dma_wait3A_667, %dma_wait3A_668] : memref<2x10000xf32, #tpu.memory_space<vmem>> -> memref<1x10000xf32, #tpu.memory_space<vmem>>
    %dma_wait3A_670 = tpu.memref_squeeze %dma_wait3A_669 : memref<1x10000xf32, #tpu.memory_space<vmem>> -> memref<10000xf32, #tpu.memory_space<vmem>>
    %dma_wait3A_671 = tpu.memref_slice %arg3[%add3A_595] : memref<6400000xf32, #tpu.memory_space<hbm>> -> memref<10000xf32, #tpu.memory_space<hbm>>
    %dma_wait3A_672 = arith.constant 0 : i32
    %dma_wait3A_673 = tpu.memref_slice %arg7[%dma_wait3A_667, %dma_wait3A_672] : memref<2x10000xf32, #tpu.memory_space<vmem>> -> memref<1x10000xf32, #tpu.memory_space<vmem>>
    %dma_wait3A_674 = tpu.memref_squeeze %dma_wait3A_673 : memref<1x10000xf32, #tpu.memory_space<vmem>> -> memref<10000xf32, #tpu.memory_space<vmem>>
    %dma_wait3A_675 = tpu.memref_slice %arg3[%add3A_595] : memref<6400000xf32, #tpu.memory_space<hbm>> -> memref<10000xf32, #tpu.memory_space<hbm>>
    tpu.wait_dma2 semaphore(%arg13 : memref<!tpu.dma_semaphore, #tpu.memory_space<semaphore_mem>>) src(%dma_wait3A_675 : memref<10000xf32, #tpu.memory_space<hbm>>) dst(%dma_wait3A_674 : memref<10000xf32, #tpu.memory_space<vmem>>)
    %scan3A_676 = arith.constant 0 : i32
    %scan3A_677 = arith.constant 156 : i32
    %scan3A_678 = arith.addi %scan3A_676, %scan3A_677 : i32
    %scan3A_679 = arith.constant 1 : i32
    %scan3A_680:8 = scf.for %scan3A_968 = %scan3A_676 to %scan3A_678 step %scan3A_679 iter_args(%scan3A_969 = %scan3A_636#0, %scan3A_970 = %scan3A_636#1, %scan3A_971 = %scan3A_636#2, %scan3A_972 = %scan3A_636#3, %scan3A_973 = %scan3A_636#4, %scan3A_974 = %scan3A_636#5, %scan3A_975 = %scan3A_636#6, %scan3A_976 = %scan3A_636#7) -> (vector<16xf32>, vector<16xf32>, vector<16xf32>, vector<16xf32>, vector<16xi32>, vector<16xi32>, vector<16xi32>, vector<16xi32>)  : i32 {
      %mul3A_977 = arith.constant 64 : i32
      %mul3A_978 = arith.muli %scan3A_968, %mul3A_977 : i32
      %add3A_979 = arith.constant 0 : i32
      %add3A_980 = arith.addi %mul3A_978, %add3A_979 : i32
      %get3A_981 = arith.constant 1 : i32
      %get3A_982 = arith.index_cast %get3A_981 : i32 to index
      %get3A_983 = arith.index_cast %add3A_980 : i32 to index
      %get3A_984 = tpu.vector_load %arg6[%get3A_982, %get3A_983] {strides = array<i32>} : memref<2x10000xf32, #tpu.memory_space<vmem>>, vector<16xf32>,
      %add3A_985 = arith.constant 0 : i32
      %add3A_986 = arith.addi %mul3A_978, %add3A_985 : i32
      %get3A_987 = arith.constant 1 : i32
      %get3A_988 = arith.index_cast %get3A_987 : i32 to index
      %get3A_989 = arith.index_cast %add3A_986 : i32 to index
      %get3A_990 = tpu.vector_load %arg7[%get3A_988, %get3A_989] {strides = array<i32>} : memref<2x10000xf32, #tpu.memory_space<vmem>>, vector<16xf32>,
      %mul3A_991 = arith.mulf %get3A_984, %get3A_505 : vector<16xf32>
      %add3A_992 = arith.addf %mul3A_991, %get3A_990 : vector<16xf32>
      %gt3A_993 = arith.cmpf ogt, %add3A_992, %scan3A_969 : vector<16xf32>
      %select_n3A_994 = arith.select %gt3A_993, %add3A_992, %scan3A_969 : vector<16xi1>, vector<16xf32>
      %add3A_995 = arith.constant 30000 : i32
      %add3A_996 = arith.addi %add3A_995, %mul3A_978 : i32
      %broadcast_in_dim3A_997 = vector.broadcast %add3A_996 : i32 to vector<16xi32>
      %select_n3A_998 = arith.select %gt3A_993, %broadcast_in_dim3A_997, %scan3A_973 : vector<16xi1>, vector<16xi32>
      %add3A_999 = arith.constant 16 : i32
      %add3A_1000 = arith.addi %mul3A_978, %add3A_999 : i32
      %get3A_1001 = arith.constant 1 : i32
      %get3A_1002 = arith.index_cast %get3A_1001 : i32 to index
      %get3A_1003 = arith.index_cast %add3A_1000 : i32 to index
      %get3A_1004 = tpu.vector_load %arg6[%get3A_1002, %get3A_1003] {strides = array<i32>} : memref<2x10000xf32, #tpu.memory_space<vmem>>, vector<16xf32>,
      %add3A_1005 = arith.constant 16 : i32
      %add3A_1006 = arith.addi %mul3A_978, %add3A_1005 : i32
      %get3A_1007 = arith.constant 1 : i32
      %get3A_1008 = arith.index_cast %get3A_1007 : i32 to index
      %get3A_1009 = arith.index_cast %add3A_1006 : i32 to index
      %get3A_1010 = tpu.vector_load %arg7[%get3A_1008, %get3A_1009] {strides = array<i32>} : memref<2x10000xf32, #tpu.memory_space<vmem>>, vector<16xf32>,
      %mul3A_1011 = arith.mulf %get3A_1004, %get3A_505 : vector<16xf32>
      %add3A_1012 = arith.addf %mul3A_1011, %get3A_1010 : vector<16xf32>
      %gt3A_1013 = arith.cmpf ogt, %add3A_1012, %scan3A_970 : vector<16xf32>
      %select_n3A_1014 = arith.select %gt3A_1013, %add3A_1012, %scan3A_970 : vector<16xi1>, vector<16xf32>
      %add3A_1015 = arith.constant 30016 : i32
      %add3A_1016 = arith.addi %add3A_1015, %mul3A_978 : i32
      %broadcast_in_dim3A_1017 = vector.broadcast %add3A_1016 : i32 to vector<16xi32>
      %select_n3A_1018 = arith.select %gt3A_1013, %broadcast_in_dim3A_1017, %scan3A_974 : vector<16xi1>, vector<16xi32>
      %add3A_1019 = arith.constant 32 : i32
      %add3A_1020 = arith.addi %mul3A_978, %add3A_1019 : i32
      %get3A_1021 = arith.constant 1 : i32
      %get3A_1022 = arith.index_cast %get3A_1021 : i32 to index
      %get3A_1023 = arith.index_cast %add3A_1020 : i32 to index
      %get3A_1024 = tpu.vector_load %arg6[%get3A_1022, %get3A_1023] {strides = array<i32>} : memref<2x10000xf32, #tpu.memory_space<vmem>>, vector<16xf32>,
      %add3A_1025 = arith.constant 32 : i32
      %add3A_1026 = arith.addi %mul3A_978, %add3A_1025 : i32
      %get3A_1027 = arith.constant 1 : i32
      %get3A_1028 = arith.index_cast %get3A_1027 : i32 to index
      %get3A_1029 = arith.index_cast %add3A_1026 : i32 to index
      %get3A_1030 = tpu.vector_load %arg7[%get3A_1028, %get3A_1029] {strides = array<i32>} : memref<2x10000xf32, #tpu.memory_space<vmem>>, vector<16xf32>,
      %mul3A_1031 = arith.mulf %get3A_1024, %get3A_505 : vector<16xf32>
      %add3A_1032 = arith.addf %mul3A_1031, %get3A_1030 : vector<16xf32>
      %gt3A_1033 = arith.cmpf ogt, %add3A_1032, %scan3A_971 : vector<16xf32>
      %select_n3A_1034 = arith.select %gt3A_1033, %add3A_1032, %scan3A_971 : vector<16xi1>, vector<16xf32>
      %add3A_1035 = arith.constant 30032 : i32
      %add3A_1036 = arith.addi %add3A_1035, %mul3A_978 : i32
      %broadcast_in_dim3A_1037 = vector.broadcast %add3A_1036 : i32 to vector<16xi32>
      %select_n3A_1038 = arith.select %gt3A_1033, %broadcast_in_dim3A_1037, %scan3A_975 : vector<16xi1>, vector<16xi32>
      %add3A_1039 = arith.constant 48 : i32
      %add3A_1040 = arith.addi %mul3A_978, %add3A_1039 : i32
      %get3A_1041 = arith.constant 1 : i32
      %get3A_1042 = arith.index_cast %get3A_1041 : i32 to index
      %get3A_1043 = arith.index_cast %add3A_1040 : i32 to index
      %get3A_1044 = tpu.vector_load %arg6[%get3A_1042, %get3A_1043] {strides = array<i32>} : memref<2x10000xf32, #tpu.memory_space<vmem>>, vector<16xf32>,
      %add3A_1045 = arith.constant 48 : i32
      %add3A_1046 = arith.addi %mul3A_978, %add3A_1045 : i32
      %get3A_1047 = arith.constant 1 : i32
      %get3A_1048 = arith.index_cast %get3A_1047 : i32 to index
      %get3A_1049 = arith.index_cast %add3A_1046 : i32 to index
      %get3A_1050 = tpu.vector_load %arg7[%get3A_1048, %get3A_1049] {strides = array<i32>} : memref<2x10000xf32, #tpu.memory_space<vmem>>, vector<16xf32>,
      %mul3A_1051 = arith.mulf %get3A_1044, %get3A_505 : vector<16xf32>
      %add3A_1052 = arith.addf %mul3A_1051, %get3A_1050 : vector<16xf32>
      %gt3A_1053 = arith.cmpf ogt, %add3A_1052, %scan3A_972 : vector<16xf32>
      %select_n3A_1054 = arith.select %gt3A_1053, %add3A_1052, %scan3A_972 : vector<16xi1>, vector<16xf32>
      %add3A_1055 = arith.constant 30048 : i32
      %add3A_1056 = arith.addi %add3A_1055, %mul3A_978 : i32
      %broadcast_in_dim3A_1057 = vector.broadcast %add3A_1056 : i32 to vector<16xi32>
      %select_n3A_1058 = arith.select %gt3A_1053, %broadcast_in_dim3A_1057, %scan3A_976 : vector<16xi1>, vector<16xi32>
      scf.yield %select_n3A_994, %select_n3A_1014, %select_n3A_1034, %select_n3A_1054, %select_n3A_998, %select_n3A_1018, %select_n3A_1038, %select_n3A_1058 : vector<16xf32>, vector<16xf32>, vector<16xf32>, vector<16xf32>, vector<16xi32>, vector<16xi32>, vector<16xi32>, vector<16xi32>
    }
    %scan3A_681 = arith.constant 156 : i32
    %add3A_682 = arith.constant 150000 : i32
    %add3A_683 = arith.addi %mul3A_2, %add3A_682 : i32
    %dma_start3A_684 = arith.constant 1 : i32
    %dma_start3A_685 = arith.constant 0 : i32
    %dma_start3A_686 = tpu.memref_slice %arg6[%dma_start3A_684, %dma_start3A_685] : memref<2x10000xf32, #tpu.memory_space<vmem>> -> memref<1x10000xf32, #tpu.memory_space<vmem>>
    %dma_start3A_687 = tpu.memref_squeeze %dma_start3A_686 : memref<1x10000xf32, #tpu.memory_space<vmem>> -> memref<10000xf32, #tpu.memory_space<vmem>>
    %dma_start3A_688 = tpu.memref_slice %arg2[%add3A_683] : memref<6400000xf32, #tpu.memory_space<hbm>> -> memref<10000xf32, #tpu.memory_space<hbm>>
    %dma_start3A_689 = arith.constant 0 : i32
    %dma_start3A_690 = tpu.memref_slice %arg6[%dma_start3A_684, %dma_start3A_689] : memref<2x10000xf32, #tpu.memory_space<vmem>> -> memref<1x10000xf32, #tpu.memory_space<vmem>>
    %dma_start3A_691 = tpu.memref_squeeze %dma_start3A_690 : memref<1x10000xf32, #tpu.memory_space<vmem>> -> memref<10000xf32, #tpu.memory_space<vmem>>
    %dma_start3A_692 = tpu.memref_slice %arg2[%add3A_683] : memref<6400000xf32, #tpu.memory_space<hbm>> -> memref<10000xf32, #tpu.memory_space<hbm>>
    tpu.enqueue_dma source(%dma_start3A_692 : memref<10000xf32, #tpu.memory_space<hbm>>) target(%dma_start3A_691 : memref<10000xf32, #tpu.memory_space<vmem>>) target_semaphore(%arg11 : memref<!tpu.dma_semaphore, #tpu.memory_space<semaphore_mem>>)
    %dma_start3A_693 = arith.constant 1 : i32
    %dma_start3A_694 = arith.constant 0 : i32
    %dma_start3A_695 = tpu.memref_slice %arg7[%dma_start3A_693, %dma_start3A_694] : memref<2x10000xf32, #tpu.memory_space<vmem>> -> memref<1x10000xf32, #tpu.memory_space<vmem>>
    %dma_start3A_696 = tpu.memref_squeeze %dma_start3A_695 : memref<1x10000xf32, #tpu.memory_space<vmem>> -> memref<10000xf32, #tpu.memory_space<vmem>>
    %dma_start3A_697 = tpu.memref_slice %arg3[%add3A_683] : memref<6400000xf32, #tpu.memory_space<hbm>> -> memref<10000xf32, #tpu.memory_space<hbm>>
    %dma_start3A_698 = arith.constant 0 : i32
    %dma_start3A_699 = tpu.memref_slice %arg7[%dma_start3A_693, %dma_start3A_698] : memref<2x10000xf32, #tpu.memory_space<vmem>> -> memref<1x10000xf32, #tpu.memory_space<vmem>>
    %dma_start3A_700 = tpu.memref_squeeze %dma_start3A_699 : memref<1x10000xf32, #tpu.memory_space<vmem>> -> memref<10000xf32, #tpu.memory_space<vmem>>
    %dma_start3A_701 = tpu.memref_slice %arg3[%add3A_683] : memref<6400000xf32, #tpu.memory_space<hbm>> -> memref<10000xf32, #tpu.memory_space<hbm>>
    tpu.enqueue_dma source(%dma_start3A_701 : memref<10000xf32, #tpu.memory_space<hbm>>) target(%dma_start3A_700 : memref<10000xf32, #tpu.memory_space<vmem>>) target_semaphore(%arg13 : memref<!tpu.dma_semaphore, #tpu.memory_space<semaphore_mem>>)
    %dma_wait3A_702 = arith.constant 0 : i32
    %dma_wait3A_703 = arith.constant 0 : i32
    %dma_wait3A_704 = tpu.memref_slice %arg6[%dma_wait3A_702, %dma_wait3A_703] : memref<2x10000xf32, #tpu.memory_space<vmem>> -> memref<1x10000xf32, #tpu.memory_space<vmem>>
    %dma_wait3A_705 = tpu.memref_squeeze %dma_wait3A_704 : memref<1x10000xf32, #tpu.memory_space<vmem>> -> memref<10000xf32, #tpu.memory_space<vmem>>
    %dma_wait3A_706 = tpu.memref_slice %arg2[%add3A_639] : memref<6400000xf32, #tpu.memory_space<hbm>> -> memref<10000xf32, #tpu.memory_space<hbm>>
    %dma_wait3A_707 = arith.constant 0 : i32
    %dma_wait3A_708 = tpu.memref_slice %arg6[%dma_wait3A_702, %dma_wait3A_707] : memref<2x10000xf32, #tpu.memory_space<vmem>> -> memref<1x10000xf32, #tpu.memory_space<vmem>>
    %dma_wait3A_709 = tpu.memref_squeeze %dma_wait3A_708 : memref<1x10000xf32, #tpu.memory_space<vmem>> -> memref<10000xf32, #tpu.memory_space<vmem>>
    %dma_wait3A_710 = tpu.memref_slice %arg2[%add3A_639] : memref<6400000xf32, #tpu.memory_space<hbm>> -> memref<10000xf32, #tpu.memory_space<hbm>>
    tpu.wait_dma2 semaphore(%arg10 : memref<!tpu.dma_semaphore, #tpu.memory_space<semaphore_mem>>) src(%dma_wait3A_710 : memref<10000xf32, #tpu.memory_space<hbm>>) dst(%dma_wait3A_709 : memref<10000xf32, #tpu.memory_space<vmem>>)
    %dma_wait3A_711 = arith.constant 0 : i32
    %dma_wait3A_712 = arith.constant 0 : i32
    %dma_wait3A_713 = tpu.memref_slice %arg7[%dma_wait3A_711, %dma_wait3A_712] : memref<2x10000xf32, #tpu.memory_space<vmem>> -> memref<1x10000xf32, #tpu.memory_space<vmem>>
    %dma_wait3A_714 = tpu.memref_squeeze %dma_wait3A_713 : memref<1x10000xf32, #tpu.memory_space<vmem>> -> memref<10000xf32, #tpu.memory_space<vmem>>
    %dma_wait3A_715 = tpu.memref_slice %arg3[%add3A_639] : memref<6400000xf32, #tpu.memory_space<hbm>> -> memref<10000xf32, #tpu.memory_space<hbm>>
    %dma_wait3A_716 = arith.constant 0 : i32
    %dma_wait3A_717 = tpu.memref_slice %arg7[%dma_wait3A_711, %dma_wait3A_716] : memref<2x10000xf32, #tpu.memory_space<vmem>> -> memref<1x10000xf32, #tpu.memory_space<vmem>>
    %dma_wait3A_718 = tpu.memref_squeeze %dma_wait3A_717 : memref<1x10000xf32, #tpu.memory_space<vmem>> -> memref<10000xf32, #tpu.memory_space<vmem>>
    %dma_wait3A_719 = tpu.memref_slice %arg3[%add3A_639] : memref<6400000xf32, #tpu.memory_space<hbm>> -> memref<10000xf32, #tpu.memory_space<hbm>>
    tpu.wait_dma2 semaphore(%arg12 : memref<!tpu.dma_semaphore, #tpu.memory_space<semaphore_mem>>) src(%dma_wait3A_719 : memref<10000xf32, #tpu.memory_space<hbm>>) dst(%dma_wait3A_718 : memref<10000xf32, #tpu.memory_space<vmem>>)
    %scan3A_720 = arith.constant 0 : i32
    %scan3A_721 = arith.constant 156 : i32
    %scan3A_722 = arith.addi %scan3A_720, %scan3A_721 : i32
    %scan3A_723 = arith.constant 1 : i32
    %scan3A_724:8 = scf.for %scan3A_968 = %scan3A_720 to %scan3A_722 step %scan3A_723 iter_args(%scan3A_969 = %scan3A_680#0, %scan3A_970 = %scan3A_680#1, %scan3A_971 = %scan3A_680#2, %scan3A_972 = %scan3A_680#3, %scan3A_973 = %scan3A_680#4, %scan3A_974 = %scan3A_680#5, %scan3A_975 = %scan3A_680#6, %scan3A_976 = %scan3A_680#7) -> (vector<16xf32>, vector<16xf32>, vector<16xf32>, vector<16xf32>, vector<16xi32>, vector<16xi32>, vector<16xi32>, vector<16xi32>)  : i32 {
      %mul3A_977 = arith.constant 64 : i32
      %mul3A_978 = arith.muli %scan3A_968, %mul3A_977 : i32
      %add3A_979 = arith.constant 0 : i32
      %add3A_980 = arith.addi %mul3A_978, %add3A_979 : i32
      %get3A_981 = arith.constant 0 : i32
      %get3A_982 = arith.index_cast %get3A_981 : i32 to index
      %get3A_983 = arith.index_cast %add3A_980 : i32 to index
      %get3A_984 = tpu.vector_load %arg6[%get3A_982, %get3A_983] {strides = array<i32>} : memref<2x10000xf32, #tpu.memory_space<vmem>>, vector<16xf32>,
      %add3A_985 = arith.constant 0 : i32
      %add3A_986 = arith.addi %mul3A_978, %add3A_985 : i32
      %get3A_987 = arith.constant 0 : i32
      %get3A_988 = arith.index_cast %get3A_987 : i32 to index
      %get3A_989 = arith.index_cast %add3A_986 : i32 to index
      %get3A_990 = tpu.vector_load %arg7[%get3A_988, %get3A_989] {strides = array<i32>} : memref<2x10000xf32, #tpu.memory_space<vmem>>, vector<16xf32>,
      %mul3A_991 = arith.mulf %get3A_984, %get3A_505 : vector<16xf32>
      %add3A_992 = arith.addf %mul3A_991, %get3A_990 : vector<16xf32>
      %gt3A_993 = arith.cmpf ogt, %add3A_992, %scan3A_969 : vector<16xf32>
      %select_n3A_994 = arith.select %gt3A_993, %add3A_992, %scan3A_969 : vector<16xi1>, vector<16xf32>
      %add3A_995 = arith.constant 40000 : i32
      %add3A_996 = arith.addi %add3A_995, %mul3A_978 : i32
      %broadcast_in_dim3A_997 = vector.broadcast %add3A_996 : i32 to vector<16xi32>
      %select_n3A_998 = arith.select %gt3A_993, %broadcast_in_dim3A_997, %scan3A_973 : vector<16xi1>, vector<16xi32>
      %add3A_999 = arith.constant 16 : i32
      %add3A_1000 = arith.addi %mul3A_978, %add3A_999 : i32
      %get3A_1001 = arith.constant 0 : i32
      %get3A_1002 = arith.index_cast %get3A_1001 : i32 to index
      %get3A_1003 = arith.index_cast %add3A_1000 : i32 to index
      %get3A_1004 = tpu.vector_load %arg6[%get3A_1002, %get3A_1003] {strides = array<i32>} : memref<2x10000xf32, #tpu.memory_space<vmem>>, vector<16xf32>,
      %add3A_1005 = arith.constant 16 : i32
      %add3A_1006 = arith.addi %mul3A_978, %add3A_1005 : i32
      %get3A_1007 = arith.constant 0 : i32
      %get3A_1008 = arith.index_cast %get3A_1007 : i32 to index
      %get3A_1009 = arith.index_cast %add3A_1006 : i32 to index
      %get3A_1010 = tpu.vector_load %arg7[%get3A_1008, %get3A_1009] {strides = array<i32>} : memref<2x10000xf32, #tpu.memory_space<vmem>>, vector<16xf32>,
      %mul3A_1011 = arith.mulf %get3A_1004, %get3A_505 : vector<16xf32>
      %add3A_1012 = arith.addf %mul3A_1011, %get3A_1010 : vector<16xf32>
      %gt3A_1013 = arith.cmpf ogt, %add3A_1012, %scan3A_970 : vector<16xf32>
      %select_n3A_1014 = arith.select %gt3A_1013, %add3A_1012, %scan3A_970 : vector<16xi1>, vector<16xf32>
      %add3A_1015 = arith.constant 40016 : i32
      %add3A_1016 = arith.addi %add3A_1015, %mul3A_978 : i32
      %broadcast_in_dim3A_1017 = vector.broadcast %add3A_1016 : i32 to vector<16xi32>
      %select_n3A_1018 = arith.select %gt3A_1013, %broadcast_in_dim3A_1017, %scan3A_974 : vector<16xi1>, vector<16xi32>
      %add3A_1019 = arith.constant 32 : i32
      %add3A_1020 = arith.addi %mul3A_978, %add3A_1019 : i32
      %get3A_1021 = arith.constant 0 : i32
      %get3A_1022 = arith.index_cast %get3A_1021 : i32 to index
      %get3A_1023 = arith.index_cast %add3A_1020 : i32 to index
      %get3A_1024 = tpu.vector_load %arg6[%get3A_1022, %get3A_1023] {strides = array<i32>} : memref<2x10000xf32, #tpu.memory_space<vmem>>, vector<16xf32>,
      %add3A_1025 = arith.constant 32 : i32
      %add3A_1026 = arith.addi %mul3A_978, %add3A_1025 : i32
      %get3A_1027 = arith.constant 0 : i32
      %get3A_1028 = arith.index_cast %get3A_1027 : i32 to index
      %get3A_1029 = arith.index_cast %add3A_1026 : i32 to index
      %get3A_1030 = tpu.vector_load %arg7[%get3A_1028, %get3A_1029] {strides = array<i32>} : memref<2x10000xf32, #tpu.memory_space<vmem>>, vector<16xf32>,
      %mul3A_1031 = arith.mulf %get3A_1024, %get3A_505 : vector<16xf32>
      %add3A_1032 = arith.addf %mul3A_1031, %get3A_1030 : vector<16xf32>
      %gt3A_1033 = arith.cmpf ogt, %add3A_1032, %scan3A_971 : vector<16xf32>
      %select_n3A_1034 = arith.select %gt3A_1033, %add3A_1032, %scan3A_971 : vector<16xi1>, vector<16xf32>
      %add3A_1035 = arith.constant 40032 : i32
      %add3A_1036 = arith.addi %add3A_1035, %mul3A_978 : i32
      %broadcast_in_dim3A_1037 = vector.broadcast %add3A_1036 : i32 to vector<16xi32>
      %select_n3A_1038 = arith.select %gt3A_1033, %broadcast_in_dim3A_1037, %scan3A_975 : vector<16xi1>, vector<16xi32>
      %add3A_1039 = arith.constant 48 : i32
      %add3A_1040 = arith.addi %mul3A_978, %add3A_1039 : i32
      %get3A_1041 = arith.constant 0 : i32
      %get3A_1042 = arith.index_cast %get3A_1041 : i32 to index
      %get3A_1043 = arith.index_cast %add3A_1040 : i32 to index
      %get3A_1044 = tpu.vector_load %arg6[%get3A_1042, %get3A_1043] {strides = array<i32>} : memref<2x10000xf32, #tpu.memory_space<vmem>>, vector<16xf32>,
      %add3A_1045 = arith.constant 48 : i32
      %add3A_1046 = arith.addi %mul3A_978, %add3A_1045 : i32
      %get3A_1047 = arith.constant 0 : i32
      %get3A_1048 = arith.index_cast %get3A_1047 : i32 to index
      %get3A_1049 = arith.index_cast %add3A_1046 : i32 to index
      %get3A_1050 = tpu.vector_load %arg7[%get3A_1048, %get3A_1049] {strides = array<i32>} : memref<2x10000xf32, #tpu.memory_space<vmem>>, vector<16xf32>,
      %mul3A_1051 = arith.mulf %get3A_1044, %get3A_505 : vector<16xf32>
      %add3A_1052 = arith.addf %mul3A_1051, %get3A_1050 : vector<16xf32>
      %gt3A_1053 = arith.cmpf ogt, %add3A_1052, %scan3A_972 : vector<16xf32>
      %select_n3A_1054 = arith.select %gt3A_1053, %add3A_1052, %scan3A_972 : vector<16xi1>, vector<16xf32>
      %add3A_1055 = arith.constant 40048 : i32
      %add3A_1056 = arith.addi %add3A_1055, %mul3A_978 : i32
      %broadcast_in_dim3A_1057 = vector.broadcast %add3A_1056 : i32 to vector<16xi32>
      %select_n3A_1058 = arith.select %gt3A_1053, %broadcast_in_dim3A_1057, %scan3A_976 : vector<16xi1>, vector<16xi32>
      scf.yield %select_n3A_994, %select_n3A_1014, %select_n3A_1034, %select_n3A_1054, %select_n3A_998, %select_n3A_1018, %select_n3A_1038, %select_n3A_1058 : vector<16xf32>, vector<16xf32>, vector<16xf32>, vector<16xf32>, vector<16xi32>, vector<16xi32>, vector<16xi32>, vector<16xi32>
    }
    %scan3A_725 = arith.constant 156 : i32
    %add3A_726 = arith.constant 160000 : i32
    %add3A_727 = arith.addi %mul3A_2, %add3A_726 : i32
    %dma_start3A_728 = arith.constant 0 : i32
    %dma_start3A_729 = arith.constant 0 : i32
    %dma_start3A_730 = tpu.memref_slice %arg6[%dma_start3A_728, %dma_start3A_729] : memref<2x10000xf32, #tpu.memory_space<vmem>> -> memref<1x10000xf32, #tpu.memory_space<vmem>>
    %dma_start3A_731 = tpu.memref_squeeze %dma_start3A_730 : memref<1x10000xf32, #tpu.memory_space<vmem>> -> memref<10000xf32, #tpu.memory_space<vmem>>
    %dma_start3A_732 = tpu.memref_slice %arg2[%add3A_727] : memref<6400000xf32, #tpu.memory_space<hbm>> -> memref<10000xf32, #tpu.memory_space<hbm>>
    %dma_start3A_733 = arith.constant 0 : i32
    %dma_start3A_734 = tpu.memref_slice %arg6[%dma_start3A_728, %dma_start3A_733] : memref<2x10000xf32, #tpu.memory_space<vmem>> -> memref<1x10000xf32, #tpu.memory_space<vmem>>
    %dma_start3A_735 = tpu.memref_squeeze %dma_start3A_734 : memref<1x10000xf32, #tpu.memory_space<vmem>> -> memref<10000xf32, #tpu.memory_space<vmem>>
    %dma_start3A_736 = tpu.memref_slice %arg2[%add3A_727] : memref<6400000xf32, #tpu.memory_space<hbm>> -> memref<10000xf32, #tpu.memory_space<hbm>>
    tpu.enqueue_dma source(%dma_start3A_736 : memref<10000xf32, #tpu.memory_space<hbm>>) target(%dma_start3A_735 : memref<10000xf32, #tpu.memory_space<vmem>>) target_semaphore(%arg10 : memref<!tpu.dma_semaphore, #tpu.memory_space<semaphore_mem>>)
    %dma_start3A_737 = arith.constant 0 : i32
    %dma_start3A_738 = arith.constant 0 : i32
    %dma_start3A_739 = tpu.memref_slice %arg7[%dma_start3A_737, %dma_start3A_738] : memref<2x10000xf32, #tpu.memory_space<vmem>> -> memref<1x10000xf32, #tpu.memory_space<vmem>>
    %dma_start3A_740 = tpu.memref_squeeze %dma_start3A_739 : memref<1x10000xf32, #tpu.memory_space<vmem>> -> memref<10000xf32, #tpu.memory_space<vmem>>
    %dma_start3A_741 = tpu.memref_slice %arg3[%add3A_727] : memref<6400000xf32, #tpu.memory_space<hbm>> -> memref<10000xf32, #tpu.memory_space<hbm>>
    %dma_start3A_742 = arith.constant 0 : i32
    %dma_start3A_743 = tpu.memref_slice %arg7[%dma_start3A_737, %dma_start3A_742] : memref<2x10000xf32, #tpu.memory_space<vmem>> -> memref<1x10000xf32, #tpu.memory_space<vmem>>
    %dma_start3A_744 = tpu.memref_squeeze %dma_start3A_743 : memref<1x10000xf32, #tpu.memory_space<vmem>> -> memref<10000xf32, #tpu.memory_space<vmem>>
    %dma_start3A_745 = tpu.memref_slice %arg3[%add3A_727] : memref<6400000xf32, #tpu.memory_space<hbm>> -> memref<10000xf32, #tpu.memory_space<hbm>>
    tpu.enqueue_dma source(%dma_start3A_745 : memref<10000xf32, #tpu.memory_space<hbm>>) target(%dma_start3A_744 : memref<10000xf32, #tpu.memory_space<vmem>>) target_semaphore(%arg12 : memref<!tpu.dma_semaphore, #tpu.memory_space<semaphore_mem>>)
    %dma_wait3A_746 = arith.constant 1 : i32
    %dma_wait3A_747 = arith.constant 0 : i32
    %dma_wait3A_748 = tpu.memref_slice %arg6[%dma_wait3A_746, %dma_wait3A_747] : memref<2x10000xf32, #tpu.memory_space<vmem>> -> memref<1x10000xf32, #tpu.memory_space<vmem>>
    %dma_wait3A_749 = tpu.memref_squeeze %dma_wait3A_748 : memref<1x10000xf32, #tpu.memory_space<vmem>> -> memref<10000xf32, #tpu.memory_space<vmem>>
    %dma_wait3A_750 = tpu.memref_slice %arg2[%add3A_683] : memref<6400000xf32, #tpu.memory_space<hbm>> -> memref<10000xf32, #tpu.memory_space<hbm>>
    %dma_wait3A_751 = arith.constant 0 : i32
    %dma_wait3A_752 = tpu.memref_slice %arg6[%dma_wait3A_746, %dma_wait3A_751] : memref<2x10000xf32, #tpu.memory_space<vmem>> -> memref<1x10000xf32, #tpu.memory_space<vmem>>
    %dma_wait3A_753 = tpu.memref_squeeze %dma_wait3A_752 : memref<1x10000xf32, #tpu.memory_space<vmem>> -> memref<10000xf32, #tpu.memory_space<vmem>>
    %dma_wait3A_754 = tpu.memref_slice %arg2[%add3A_683] : memref<6400000xf32, #tpu.memory_space<hbm>> -> memref<10000xf32, #tpu.memory_space<hbm>>
    tpu.wait_dma2 semaphore(%arg11 : memref<!tpu.dma_semaphore, #tpu.memory_space<semaphore_mem>>) src(%dma_wait3A_754 : memref<10000xf32, #tpu.memory_space<hbm>>) dst(%dma_wait3A_753 : memref<10000xf32, #tpu.memory_space<vmem>>)
    %dma_wait3A_755 = arith.constant 1 : i32
    %dma_wait3A_756 = arith.constant 0 : i32
    %dma_wait3A_757 = tpu.memref_slice %arg7[%dma_wait3A_755, %dma_wait3A_756] : memref<2x10000xf32, #tpu.memory_space<vmem>> -> memref<1x10000xf32, #tpu.memory_space<vmem>>
    %dma_wait3A_758 = tpu.memref_squeeze %dma_wait3A_757 : memref<1x10000xf32, #tpu.memory_space<vmem>> -> memref<10000xf32, #tpu.memory_space<vmem>>
    %dma_wait3A_759 = tpu.memref_slice %arg3[%add3A_683] : memref<6400000xf32, #tpu.memory_space<hbm>> -> memref<10000xf32, #tpu.memory_space<hbm>>
    %dma_wait3A_760 = arith.constant 0 : i32
    %dma_wait3A_761 = tpu.memref_slice %arg7[%dma_wait3A_755, %dma_wait3A_760] : memref<2x10000xf32, #tpu.memory_space<vmem>> -> memref<1x10000xf32, #tpu.memory_space<vmem>>
    %dma_wait3A_762 = tpu.memref_squeeze %dma_wait3A_761 : memref<1x10000xf32, #tpu.memory_space<vmem>> -> memref<10000xf32, #tpu.memory_space<vmem>>
    %dma_wait3A_763 = tpu.memref_slice %arg3[%add3A_683] : memref<6400000xf32, #tpu.memory_space<hbm>> -> memref<10000xf32, #tpu.memory_space<hbm>>
    tpu.wait_dma2 semaphore(%arg13 : memref<!tpu.dma_semaphore, #tpu.memory_space<semaphore_mem>>) src(%dma_wait3A_763 : memref<10000xf32, #tpu.memory_space<hbm>>) dst(%dma_wait3A_762 : memref<10000xf32, #tpu.memory_space<vmem>>)
    %scan3A_764 = arith.constant 0 : i32
    %scan3A_765 = arith.constant 156 : i32
    %scan3A_766 = arith.addi %scan3A_764, %scan3A_765 : i32
    %scan3A_767 = arith.constant 1 : i32
    %scan3A_768:8 = scf.for %scan3A_968 = %scan3A_764 to %scan3A_766 step %scan3A_767 iter_args(%scan3A_969 = %scan3A_724#0, %scan3A_970 = %scan3A_724#1, %scan3A_971 = %scan3A_724#2, %scan3A_972 = %scan3A_724#3, %scan3A_973 = %scan3A_724#4, %scan3A_974 = %scan3A_724#5, %scan3A_975 = %scan3A_724#6, %scan3A_976 = %scan3A_724#7) -> (vector<16xf32>, vector<16xf32>, vector<16xf32>, vector<16xf32>, vector<16xi32>, vector<16xi32>, vector<16xi32>, vector<16xi32>)  : i32 {
      %mul3A_977 = arith.constant 64 : i32
      %mul3A_978 = arith.muli %scan3A_968, %mul3A_977 : i32
      %add3A_979 = arith.constant 0 : i32
      %add3A_980 = arith.addi %mul3A_978, %add3A_979 : i32
      %get3A_981 = arith.constant 1 : i32
      %get3A_982 = arith.index_cast %get3A_981 : i32 to index
      %get3A_983 = arith.index_cast %add3A_980 : i32 to index
      %get3A_984 = tpu.vector_load %arg6[%get3A_982, %get3A_983] {strides = array<i32>} : memref<2x10000xf32, #tpu.memory_space<vmem>>, vector<16xf32>,
      %add3A_985 = arith.constant 0 : i32
      %add3A_986 = arith.addi %mul3A_978, %add3A_985 : i32
      %get3A_987 = arith.constant 1 : i32
      %get3A_988 = arith.index_cast %get3A_987 : i32 to index
      %get3A_989 = arith.index_cast %add3A_986 : i32 to index
      %get3A_990 = tpu.vector_load %arg7[%get3A_988, %get3A_989] {strides = array<i32>} : memref<2x10000xf32, #tpu.memory_space<vmem>>, vector<16xf32>,
      %mul3A_991 = arith.mulf %get3A_984, %get3A_505 : vector<16xf32>
      %add3A_992 = arith.addf %mul3A_991, %get3A_990 : vector<16xf32>
      %gt3A_993 = arith.cmpf ogt, %add3A_992, %scan3A_969 : vector<16xf32>
      %select_n3A_994 = arith.select %gt3A_993, %add3A_992, %scan3A_969 : vector<16xi1>, vector<16xf32>
      %add3A_995 = arith.constant 50000 : i32
      %add3A_996 = arith.addi %add3A_995, %mul3A_978 : i32
      %broadcast_in_dim3A_997 = vector.broadcast %add3A_996 : i32 to vector<16xi32>
      %select_n3A_998 = arith.select %gt3A_993, %broadcast_in_dim3A_997, %scan3A_973 : vector<16xi1>, vector<16xi32>
      %add3A_999 = arith.constant 16 : i32
      %add3A_1000 = arith.addi %mul3A_978, %add3A_999 : i32
      %get3A_1001 = arith.constant 1 : i32
      %get3A_1002 = arith.index_cast %get3A_1001 : i32 to index
      %get3A_1003 = arith.index_cast %add3A_1000 : i32 to index
      %get3A_1004 = tpu.vector_load %arg6[%get3A_1002, %get3A_1003] {strides = array<i32>} : memref<2x10000xf32, #tpu.memory_space<vmem>>, vector<16xf32>,
      %add3A_1005 = arith.constant 16 : i32
      %add3A_1006 = arith.addi %mul3A_978, %add3A_1005 : i32
      %get3A_1007 = arith.constant 1 : i32
      %get3A_1008 = arith.index_cast %get3A_1007 : i32 to index
      %get3A_1009 = arith.index_cast %add3A_1006 : i32 to index
      %get3A_1010 = tpu.vector_load %arg7[%get3A_1008, %get3A_1009] {strides = array<i32>} : memref<2x10000xf32, #tpu.memory_space<vmem>>, vector<16xf32>,
      %mul3A_1011 = arith.mulf %get3A_1004, %get3A_505 : vector<16xf32>
      %add3A_1012 = arith.addf %mul3A_1011, %get3A_1010 : vector<16xf32>
      %gt3A_1013 = arith.cmpf ogt, %add3A_1012, %scan3A_970 : vector<16xf32>
      %select_n3A_1014 = arith.select %gt3A_1013, %add3A_1012, %scan3A_970 : vector<16xi1>, vector<16xf32>
      %add3A_1015 = arith.constant 50016 : i32
      %add3A_1016 = arith.addi %add3A_1015, %mul3A_978 : i32
      %broadcast_in_dim3A_1017 = vector.broadcast %add3A_1016 : i32 to vector<16xi32>
      %select_n3A_1018 = arith.select %gt3A_1013, %broadcast_in_dim3A_1017, %scan3A_974 : vector<16xi1>, vector<16xi32>
      %add3A_1019 = arith.constant 32 : i32
      %add3A_1020 = arith.addi %mul3A_978, %add3A_1019 : i32
      %get3A_1021 = arith.constant 1 : i32
      %get3A_1022 = arith.index_cast %get3A_1021 : i32 to index
      %get3A_1023 = arith.index_cast %add3A_1020 : i32 to index
      %get3A_1024 = tpu.vector_load %arg6[%get3A_1022, %get3A_1023] {strides = array<i32>} : memref<2x10000xf32, #tpu.memory_space<vmem>>, vector<16xf32>,
      %add3A_1025 = arith.constant 32 : i32
      %add3A_1026 = arith.addi %mul3A_978, %add3A_1025 : i32
      %get3A_1027 = arith.constant 1 : i32
      %get3A_1028 = arith.index_cast %get3A_1027 : i32 to index
      %get3A_1029 = arith.index_cast %add3A_1026 : i32 to index
      %get3A_1030 = tpu.vector_load %arg7[%get3A_1028, %get3A_1029] {strides = array<i32>} : memref<2x10000xf32, #tpu.memory_space<vmem>>, vector<16xf32>,
      %mul3A_1031 = arith.mulf %get3A_1024, %get3A_505 : vector<16xf32>
      %add3A_1032 = arith.addf %mul3A_1031, %get3A_1030 : vector<16xf32>
      %gt3A_1033 = arith.cmpf ogt, %add3A_1032, %scan3A_971 : vector<16xf32>
      %select_n3A_1034 = arith.select %gt3A_1033, %add3A_1032, %scan3A_971 : vector<16xi1>, vector<16xf32>
      %add3A_1035 = arith.constant 50032 : i32
      %add3A_1036 = arith.addi %add3A_1035, %mul3A_978 : i32
      %broadcast_in_dim3A_1037 = vector.broadcast %add3A_1036 : i32 to vector<16xi32>
      %select_n3A_1038 = arith.select %gt3A_1033, %broadcast_in_dim3A_1037, %scan3A_975 : vector<16xi1>, vector<16xi32>
      %add3A_1039 = arith.constant 48 : i32
      %add3A_1040 = arith.addi %mul3A_978, %add3A_1039 : i32
      %get3A_1041 = arith.constant 1 : i32
      %get3A_1042 = arith.index_cast %get3A_1041 : i32 to index
      %get3A_1043 = arith.index_cast %add3A_1040 : i32 to index
      %get3A_1044 = tpu.vector_load %arg6[%get3A_1042, %get3A_1043] {strides = array<i32>} : memref<2x10000xf32, #tpu.memory_space<vmem>>, vector<16xf32>,
      %add3A_1045 = arith.constant 48 : i32
      %add3A_1046 = arith.addi %mul3A_978, %add3A_1045 : i32
      %get3A_1047 = arith.constant 1 : i32
      %get3A_1048 = arith.index_cast %get3A_1047 : i32 to index
      %get3A_1049 = arith.index_cast %add3A_1046 : i32 to index
      %get3A_1050 = tpu.vector_load %arg7[%get3A_1048, %get3A_1049] {strides = array<i32>} : memref<2x10000xf32, #tpu.memory_space<vmem>>, vector<16xf32>,
      %mul3A_1051 = arith.mulf %get3A_1044, %get3A_505 : vector<16xf32>
      %add3A_1052 = arith.addf %mul3A_1051, %get3A_1050 : vector<16xf32>
      %gt3A_1053 = arith.cmpf ogt, %add3A_1052, %scan3A_972 : vector<16xf32>
      %select_n3A_1054 = arith.select %gt3A_1053, %add3A_1052, %scan3A_972 : vector<16xi1>, vector<16xf32>
      %add3A_1055 = arith.constant 50048 : i32
      %add3A_1056 = arith.addi %add3A_1055, %mul3A_978 : i32
      %broadcast_in_dim3A_1057 = vector.broadcast %add3A_1056 : i32 to vector<16xi32>
      %select_n3A_1058 = arith.select %gt3A_1053, %broadcast_in_dim3A_1057, %scan3A_976 : vector<16xi1>, vector<16xi32>
      scf.yield %select_n3A_994, %select_n3A_1014, %select_n3A_1034, %select_n3A_1054, %select_n3A_998, %select_n3A_1018, %select_n3A_1038, %select_n3A_1058 : vector<16xf32>, vector<16xf32>, vector<16xf32>, vector<16xf32>, vector<16xi32>, vector<16xi32>, vector<16xi32>, vector<16xi32>
    }
    %scan3A_769 = arith.constant 156 : i32
    %add3A_770 = arith.constant 170000 : i32
    %add3A_771 = arith.addi %mul3A_2, %add3A_770 : i32
    %dma_start3A_772 = arith.constant 1 : i32
    %dma_start3A_773 = arith.constant 0 : i32
    %dma_start3A_774 = tpu.memref_slice %arg6[%dma_start3A_772, %dma_start3A_773] : memref<2x10000xf32, #tpu.memory_space<vmem>> -> memref<1x10000xf32, #tpu.memory_space<vmem>>
    %dma_start3A_775 = tpu.memref_squeeze %dma_start3A_774 : memref<1x10000xf32, #tpu.memory_space<vmem>> -> memref<10000xf32, #tpu.memory_space<vmem>>
    %dma_start3A_776 = tpu.memref_slice %arg2[%add3A_771] : memref<6400000xf32, #tpu.memory_space<hbm>> -> memref<10000xf32, #tpu.memory_space<hbm>>
    %dma_start3A_777 = arith.constant 0 : i32
    %dma_start3A_778 = tpu.memref_slice %arg6[%dma_start3A_772, %dma_start3A_777] : memref<2x10000xf32, #tpu.memory_space<vmem>> -> memref<1x10000xf32, #tpu.memory_space<vmem>>
    %dma_start3A_779 = tpu.memref_squeeze %dma_start3A_778 : memref<1x10000xf32, #tpu.memory_space<vmem>> -> memref<10000xf32, #tpu.memory_space<vmem>>
    %dma_start3A_780 = tpu.memref_slice %arg2[%add3A_771] : memref<6400000xf32, #tpu.memory_space<hbm>> -> memref<10000xf32, #tpu.memory_space<hbm>>
    tpu.enqueue_dma source(%dma_start3A_780 : memref<10000xf32, #tpu.memory_space<hbm>>) target(%dma_start3A_779 : memref<10000xf32, #tpu.memory_space<vmem>>) target_semaphore(%arg11 : memref<!tpu.dma_semaphore, #tpu.memory_space<semaphore_mem>>)
    %dma_start3A_781 = arith.constant 1 : i32
    %dma_start3A_782 = arith.constant 0 : i32
    %dma_start3A_783 = tpu.memref_slice %arg7[%dma_start3A_781, %dma_start3A_782] : memref<2x10000xf32, #tpu.memory_space<vmem>> -> memref<1x10000xf32, #tpu.memory_space<vmem>>
    %dma_start3A_784 = tpu.memref_squeeze %dma_start3A_783 : memref<1x10000xf32, #tpu.memory_space<vmem>> -> memref<10000xf32, #tpu.memory_space<vmem>>
    %dma_start3A_785 = tpu.memref_slice %arg3[%add3A_771] : memref<6400000xf32, #tpu.memory_space<hbm>> -> memref<10000xf32, #tpu.memory_space<hbm>>
    %dma_start3A_786 = arith.constant 0 : i32
    %dma_start3A_787 = tpu.memref_slice %arg7[%dma_start3A_781, %dma_start3A_786] : memref<2x10000xf32, #tpu.memory_space<vmem>> -> memref<1x10000xf32, #tpu.memory_space<vmem>>
    %dma_start3A_788 = tpu.memref_squeeze %dma_start3A_787 : memref<1x10000xf32, #tpu.memory_space<vmem>> -> memref<10000xf32, #tpu.memory_space<vmem>>
    %dma_start3A_789 = tpu.memref_slice %arg3[%add3A_771] : memref<6400000xf32, #tpu.memory_space<hbm>> -> memref<10000xf32, #tpu.memory_space<hbm>>
    tpu.enqueue_dma source(%dma_start3A_789 : memref<10000xf32, #tpu.memory_space<hbm>>) target(%dma_start3A_788 : memref<10000xf32, #tpu.memory_space<vmem>>) target_semaphore(%arg13 : memref<!tpu.dma_semaphore, #tpu.memory_space<semaphore_mem>>)
    %dma_wait3A_790 = arith.constant 0 : i32
    %dma_wait3A_791 = arith.constant 0 : i32
    %dma_wait3A_792 = tpu.memref_slice %arg6[%dma_wait3A_790, %dma_wait3A_791] : memref<2x10000xf32, #tpu.memory_space<vmem>> -> memref<1x10000xf32, #tpu.memory_space<vmem>>
    %dma_wait3A_793 = tpu.memref_squeeze %dma_wait3A_792 : memref<1x10000xf32, #tpu.memory_space<vmem>> -> memref<10000xf32, #tpu.memory_space<vmem>>
    %dma_wait3A_794 = tpu.memref_slice %arg2[%add3A_727] : memref<6400000xf32, #tpu.memory_space<hbm>> -> memref<10000xf32, #tpu.memory_space<hbm>>
    %dma_wait3A_795 = arith.constant 0 : i32
    %dma_wait3A_796 = tpu.memref_slice %arg6[%dma_wait3A_790, %dma_wait3A_795] : memref<2x10000xf32, #tpu.memory_space<vmem>> -> memref<1x10000xf32, #tpu.memory_space<vmem>>
    %dma_wait3A_797 = tpu.memref_squeeze %dma_wait3A_796 : memref<1x10000xf32, #tpu.memory_space<vmem>> -> memref<10000xf32, #tpu.memory_space<vmem>>
    %dma_wait3A_798 = tpu.memref_slice %arg2[%add3A_727] : memref<6400000xf32, #tpu.memory_space<hbm>> -> memref<10000xf32, #tpu.memory_space<hbm>>
    tpu.wait_dma2 semaphore(%arg10 : memref<!tpu.dma_semaphore, #tpu.memory_space<semaphore_mem>>) src(%dma_wait3A_798 : memref<10000xf32, #tpu.memory_space<hbm>>) dst(%dma_wait3A_797 : memref<10000xf32, #tpu.memory_space<vmem>>)
    %dma_wait3A_799 = arith.constant 0 : i32
    %dma_wait3A_800 = arith.constant 0 : i32
    %dma_wait3A_801 = tpu.memref_slice %arg7[%dma_wait3A_799, %dma_wait3A_800] : memref<2x10000xf32, #tpu.memory_space<vmem>> -> memref<1x10000xf32, #tpu.memory_space<vmem>>
    %dma_wait3A_802 = tpu.memref_squeeze %dma_wait3A_801 : memref<1x10000xf32, #tpu.memory_space<vmem>> -> memref<10000xf32, #tpu.memory_space<vmem>>
    %dma_wait3A_803 = tpu.memref_slice %arg3[%add3A_727] : memref<6400000xf32, #tpu.memory_space<hbm>> -> memref<10000xf32, #tpu.memory_space<hbm>>
    %dma_wait3A_804 = arith.constant 0 : i32
    %dma_wait3A_805 = tpu.memref_slice %arg7[%dma_wait3A_799, %dma_wait3A_804] : memref<2x10000xf32, #tpu.memory_space<vmem>> -> memref<1x10000xf32, #tpu.memory_space<vmem>>
    %dma_wait3A_806 = tpu.memref_squeeze %dma_wait3A_805 : memref<1x10000xf32, #tpu.memory_space<vmem>> -> memref<10000xf32, #tpu.memory_space<vmem>>
    %dma_wait3A_807 = tpu.memref_slice %arg3[%add3A_727] : memref<6400000xf32, #tpu.memory_space<hbm>> -> memref<10000xf32, #tpu.memory_space<hbm>>
    tpu.wait_dma2 semaphore(%arg12 : memref<!tpu.dma_semaphore, #tpu.memory_space<semaphore_mem>>) src(%dma_wait3A_807 : memref<10000xf32, #tpu.memory_space<hbm>>) dst(%dma_wait3A_806 : memref<10000xf32, #tpu.memory_space<vmem>>)
    %scan3A_808 = arith.constant 0 : i32
    %scan3A_809 = arith.constant 156 : i32
    %scan3A_810 = arith.addi %scan3A_808, %scan3A_809 : i32
    %scan3A_811 = arith.constant 1 : i32
    %scan3A_812:8 = scf.for %scan3A_968 = %scan3A_808 to %scan3A_810 step %scan3A_811 iter_args(%scan3A_969 = %scan3A_768#0, %scan3A_970 = %scan3A_768#1, %scan3A_971 = %scan3A_768#2, %scan3A_972 = %scan3A_768#3, %scan3A_973 = %scan3A_768#4, %scan3A_974 = %scan3A_768#5, %scan3A_975 = %scan3A_768#6, %scan3A_976 = %scan3A_768#7) -> (vector<16xf32>, vector<16xf32>, vector<16xf32>, vector<16xf32>, vector<16xi32>, vector<16xi32>, vector<16xi32>, vector<16xi32>)  : i32 {
      %mul3A_977 = arith.constant 64 : i32
      %mul3A_978 = arith.muli %scan3A_968, %mul3A_977 : i32
      %add3A_979 = arith.constant 0 : i32
      %add3A_980 = arith.addi %mul3A_978, %add3A_979 : i32
      %get3A_981 = arith.constant 0 : i32
      %get3A_982 = arith.index_cast %get3A_981 : i32 to index
      %get3A_983 = arith.index_cast %add3A_980 : i32 to index
      %get3A_984 = tpu.vector_load %arg6[%get3A_982, %get3A_983] {strides = array<i32>} : memref<2x10000xf32, #tpu.memory_space<vmem>>, vector<16xf32>,
      %add3A_985 = arith.constant 0 : i32
      %add3A_986 = arith.addi %mul3A_978, %add3A_985 : i32
      %get3A_987 = arith.constant 0 : i32
      %get3A_988 = arith.index_cast %get3A_987 : i32 to index
      %get3A_989 = arith.index_cast %add3A_986 : i32 to index
      %get3A_990 = tpu.vector_load %arg7[%get3A_988, %get3A_989] {strides = array<i32>} : memref<2x10000xf32, #tpu.memory_space<vmem>>, vector<16xf32>,
      %mul3A_991 = arith.mulf %get3A_984, %get3A_505 : vector<16xf32>
      %add3A_992 = arith.addf %mul3A_991, %get3A_990 : vector<16xf32>
      %gt3A_993 = arith.cmpf ogt, %add3A_992, %scan3A_969 : vector<16xf32>
      %select_n3A_994 = arith.select %gt3A_993, %add3A_992, %scan3A_969 : vector<16xi1>, vector<16xf32>
      %add3A_995 = arith.constant 60000 : i32
      %add3A_996 = arith.addi %add3A_995, %mul3A_978 : i32
      %broadcast_in_dim3A_997 = vector.broadcast %add3A_996 : i32 to vector<16xi32>
      %select_n3A_998 = arith.select %gt3A_993, %broadcast_in_dim3A_997, %scan3A_973 : vector<16xi1>, vector<16xi32>
      %add3A_999 = arith.constant 16 : i32
      %add3A_1000 = arith.addi %mul3A_978, %add3A_999 : i32
      %get3A_1001 = arith.constant 0 : i32
      %get3A_1002 = arith.index_cast %get3A_1001 : i32 to index
      %get3A_1003 = arith.index_cast %add3A_1000 : i32 to index
      %get3A_1004 = tpu.vector_load %arg6[%get3A_1002, %get3A_1003] {strides = array<i32>} : memref<2x10000xf32, #tpu.memory_space<vmem>>, vector<16xf32>,
      %add3A_1005 = arith.constant 16 : i32
      %add3A_1006 = arith.addi %mul3A_978, %add3A_1005 : i32
      %get3A_1007 = arith.constant 0 : i32
      %get3A_1008 = arith.index_cast %get3A_1007 : i32 to index
      %get3A_1009 = arith.index_cast %add3A_1006 : i32 to index
      %get3A_1010 = tpu.vector_load %arg7[%get3A_1008, %get3A_1009] {strides = array<i32>} : memref<2x10000xf32, #tpu.memory_space<vmem>>, vector<16xf32>,
      %mul3A_1011 = arith.mulf %get3A_1004, %get3A_505 : vector<16xf32>
      %add3A_1012 = arith.addf %mul3A_1011, %get3A_1010 : vector<16xf32>
      %gt3A_1013 = arith.cmpf ogt, %add3A_1012, %scan3A_970 : vector<16xf32>
      %select_n3A_1014 = arith.select %gt3A_1013, %add3A_1012, %scan3A_970 : vector<16xi1>, vector<16xf32>
      %add3A_1015 = arith.constant 60016 : i32
      %add3A_1016 = arith.addi %add3A_1015, %mul3A_978 : i32
      %broadcast_in_dim3A_1017 = vector.broadcast %add3A_1016 : i32 to vector<16xi32>
      %select_n3A_1018 = arith.select %gt3A_1013, %broadcast_in_dim3A_1017, %scan3A_974 : vector<16xi1>, vector<16xi32>
      %add3A_1019 = arith.constant 32 : i32
      %add3A_1020 = arith.addi %mul3A_978, %add3A_1019 : i32
      %get3A_1021 = arith.constant 0 : i32
      %get3A_1022 = arith.index_cast %get3A_1021 : i32 to index
      %get3A_1023 = arith.index_cast %add3A_1020 : i32 to index
      %get3A_1024 = tpu.vector_load %arg6[%get3A_1022, %get3A_1023] {strides = array<i32>} : memref<2x10000xf32, #tpu.memory_space<vmem>>, vector<16xf32>,
      %add3A_1025 = arith.constant 32 : i32
      %add3A_1026 = arith.addi %mul3A_978, %add3A_1025 : i32
      %get3A_1027 = arith.constant 0 : i32
      %get3A_1028 = arith.index_cast %get3A_1027 : i32 to index
      %get3A_1029 = arith.index_cast %add3A_1026 : i32 to index
      %get3A_1030 = tpu.vector_load %arg7[%get3A_1028, %get3A_1029] {strides = array<i32>} : memref<2x10000xf32, #tpu.memory_space<vmem>>, vector<16xf32>,
      %mul3A_1031 = arith.mulf %get3A_1024, %get3A_505 : vector<16xf32>
      %add3A_1032 = arith.addf %mul3A_1031, %get3A_1030 : vector<16xf32>
      %gt3A_1033 = arith.cmpf ogt, %add3A_1032, %scan3A_971 : vector<16xf32>
      %select_n3A_1034 = arith.select %gt3A_1033, %add3A_1032, %scan3A_971 : vector<16xi1>, vector<16xf32>
      %add3A_1035 = arith.constant 60032 : i32
      %add3A_1036 = arith.addi %add3A_1035, %mul3A_978 : i32
      %broadcast_in_dim3A_1037 = vector.broadcast %add3A_1036 : i32 to vector<16xi32>
      %select_n3A_1038 = arith.select %gt3A_1033, %broadcast_in_dim3A_1037, %scan3A_975 : vector<16xi1>, vector<16xi32>
      %add3A_1039 = arith.constant 48 : i32
      %add3A_1040 = arith.addi %mul3A_978, %add3A_1039 : i32
      %get3A_1041 = arith.constant 0 : i32
      %get3A_1042 = arith.index_cast %get3A_1041 : i32 to index
      %get3A_1043 = arith.index_cast %add3A_1040 : i32 to index
      %get3A_1044 = tpu.vector_load %arg6[%get3A_1042, %get3A_1043] {strides = array<i32>} : memref<2x10000xf32, #tpu.memory_space<vmem>>, vector<16xf32>,
      %add3A_1045 = arith.constant 48 : i32
      %add3A_1046 = arith.addi %mul3A_978, %add3A_1045 : i32
      %get3A_1047 = arith.constant 0 : i32
      %get3A_1048 = arith.index_cast %get3A_1047 : i32 to index
      %get3A_1049 = arith.index_cast %add3A_1046 : i32 to index
      %get3A_1050 = tpu.vector_load %arg7[%get3A_1048, %get3A_1049] {strides = array<i32>} : memref<2x10000xf32, #tpu.memory_space<vmem>>, vector<16xf32>,
      %mul3A_1051 = arith.mulf %get3A_1044, %get3A_505 : vector<16xf32>
      %add3A_1052 = arith.addf %mul3A_1051, %get3A_1050 : vector<16xf32>
      %gt3A_1053 = arith.cmpf ogt, %add3A_1052, %scan3A_972 : vector<16xf32>
      %select_n3A_1054 = arith.select %gt3A_1053, %add3A_1052, %scan3A_972 : vector<16xi1>, vector<16xf32>
      %add3A_1055 = arith.constant 60048 : i32
      %add3A_1056 = arith.addi %add3A_1055, %mul3A_978 : i32
      %broadcast_in_dim3A_1057 = vector.broadcast %add3A_1056 : i32 to vector<16xi32>
      %select_n3A_1058 = arith.select %gt3A_1053, %broadcast_in_dim3A_1057, %scan3A_976 : vector<16xi1>, vector<16xi32>
      scf.yield %select_n3A_994, %select_n3A_1014, %select_n3A_1034, %select_n3A_1054, %select_n3A_998, %select_n3A_1018, %select_n3A_1038, %select_n3A_1058 : vector<16xf32>, vector<16xf32>, vector<16xf32>, vector<16xf32>, vector<16xi32>, vector<16xi32>, vector<16xi32>, vector<16xi32>
    }
    %scan3A_813 = arith.constant 156 : i32
    %add3A_814 = arith.constant 180000 : i32
    %add3A_815 = arith.addi %mul3A_2, %add3A_814 : i32
    %dma_start3A_816 = arith.constant 0 : i32
    %dma_start3A_817 = arith.constant 0 : i32
    %dma_start3A_818 = tpu.memref_slice %arg6[%dma_start3A_816, %dma_start3A_817] : memref<2x10000xf32, #tpu.memory_space<vmem>> -> memref<1x10000xf32, #tpu.memory_space<vmem>>
    %dma_start3A_819 = tpu.memref_squeeze %dma_start3A_818 : memref<1x10000xf32, #tpu.memory_space<vmem>> -> memref<10000xf32, #tpu.memory_space<vmem>>
    %dma_start3A_820 = tpu.memref_slice %arg2[%add3A_815] : memref<6400000xf32, #tpu.memory_space<hbm>> -> memref<10000xf32, #tpu.memory_space<hbm>>
    %dma_start3A_821 = arith.constant 0 : i32
    %dma_start3A_822 = tpu.memref_slice %arg6[%dma_start3A_816, %dma_start3A_821] : memref<2x10000xf32, #tpu.memory_space<vmem>> -> memref<1x10000xf32, #tpu.memory_space<vmem>>
    %dma_start3A_823 = tpu.memref_squeeze %dma_start3A_822 : memref<1x10000xf32, #tpu.memory_space<vmem>> -> memref<10000xf32, #tpu.memory_space<vmem>>
    %dma_start3A_824 = tpu.memref_slice %arg2[%add3A_815] : memref<6400000xf32, #tpu.memory_space<hbm>> -> memref<10000xf32, #tpu.memory_space<hbm>>
    tpu.enqueue_dma source(%dma_start3A_824 : memref<10000xf32, #tpu.memory_space<hbm>>) target(%dma_start3A_823 : memref<10000xf32, #tpu.memory_space<vmem>>) target_semaphore(%arg10 : memref<!tpu.dma_semaphore, #tpu.memory_space<semaphore_mem>>)
    %dma_start3A_825 = arith.constant 0 : i32
    %dma_start3A_826 = arith.constant 0 : i32
    %dma_start3A_827 = tpu.memref_slice %arg7[%dma_start3A_825, %dma_start3A_826] : memref<2x10000xf32, #tpu.memory_space<vmem>> -> memref<1x10000xf32, #tpu.memory_space<vmem>>
    %dma_start3A_828 = tpu.memref_squeeze %dma_start3A_827 : memref<1x10000xf32, #tpu.memory_space<vmem>> -> memref<10000xf32, #tpu.memory_space<vmem>>
    %dma_start3A_829 = tpu.memref_slice %arg3[%add3A_815] : memref<6400000xf32, #tpu.memory_space<hbm>> -> memref<10000xf32, #tpu.memory_space<hbm>>
    %dma_start3A_830 = arith.constant 0 : i32
    %dma_start3A_831 = tpu.memref_slice %arg7[%dma_start3A_825, %dma_start3A_830] : memref<2x10000xf32, #tpu.memory_space<vmem>> -> memref<1x10000xf32, #tpu.memory_space<vmem>>
    %dma_start3A_832 = tpu.memref_squeeze %dma_start3A_831 : memref<1x10000xf32, #tpu.memory_space<vmem>> -> memref<10000xf32, #tpu.memory_space<vmem>>
    %dma_start3A_833 = tpu.memref_slice %arg3[%add3A_815] : memref<6400000xf32, #tpu.memory_space<hbm>> -> memref<10000xf32, #tpu.memory_space<hbm>>
    tpu.enqueue_dma source(%dma_start3A_833 : memref<10000xf32, #tpu.memory_space<hbm>>) target(%dma_start3A_832 : memref<10000xf32, #tpu.memory_space<vmem>>) target_semaphore(%arg12 : memref<!tpu.dma_semaphore, #tpu.memory_space<semaphore_mem>>)
    %dma_wait3A_834 = arith.constant 1 : i32
    %dma_wait3A_835 = arith.constant 0 : i32
    %dma_wait3A_836 = tpu.memref_slice %arg6[%dma_wait3A_834, %dma_wait3A_835] : memref<2x10000xf32, #tpu.memory_space<vmem>> -> memref<1x10000xf32, #tpu.memory_space<vmem>>
    %dma_wait3A_837 = tpu.memref_squeeze %dma_wait3A_836 : memref<1x10000xf32, #tpu.memory_space<vmem>> -> memref<10000xf32, #tpu.memory_space<vmem>>
    %dma_wait3A_838 = tpu.memref_slice %arg2[%add3A_771] : memref<6400000xf32, #tpu.memory_space<hbm>> -> memref<10000xf32, #tpu.memory_space<hbm>>
    %dma_wait3A_839 = arith.constant 0 : i32
    %dma_wait3A_840 = tpu.memref_slice %arg6[%dma_wait3A_834, %dma_wait3A_839] : memref<2x10000xf32, #tpu.memory_space<vmem>> -> memref<1x10000xf32, #tpu.memory_space<vmem>>
    %dma_wait3A_841 = tpu.memref_squeeze %dma_wait3A_840 : memref<1x10000xf32, #tpu.memory_space<vmem>> -> memref<10000xf32, #tpu.memory_space<vmem>>
    %dma_wait3A_842 = tpu.memref_slice %arg2[%add3A_771] : memref<6400000xf32, #tpu.memory_space<hbm>> -> memref<10000xf32, #tpu.memory_space<hbm>>
    tpu.wait_dma2 semaphore(%arg11 : memref<!tpu.dma_semaphore, #tpu.memory_space<semaphore_mem>>) src(%dma_wait3A_842 : memref<10000xf32, #tpu.memory_space<hbm>>) dst(%dma_wait3A_841 : memref<10000xf32, #tpu.memory_space<vmem>>)
    %dma_wait3A_843 = arith.constant 1 : i32
    %dma_wait3A_844 = arith.constant 0 : i32
    %dma_wait3A_845 = tpu.memref_slice %arg7[%dma_wait3A_843, %dma_wait3A_844] : memref<2x10000xf32, #tpu.memory_space<vmem>> -> memref<1x10000xf32, #tpu.memory_space<vmem>>
    %dma_wait3A_846 = tpu.memref_squeeze %dma_wait3A_845 : memref<1x10000xf32, #tpu.memory_space<vmem>> -> memref<10000xf32, #tpu.memory_space<vmem>>
    %dma_wait3A_847 = tpu.memref_slice %arg3[%add3A_771] : memref<6400000xf32, #tpu.memory_space<hbm>> -> memref<10000xf32, #tpu.memory_space<hbm>>
    %dma_wait3A_848 = arith.constant 0 : i32
    %dma_wait3A_849 = tpu.memref_slice %arg7[%dma_wait3A_843, %dma_wait3A_848] : memref<2x10000xf32, #tpu.memory_space<vmem>> -> memref<1x10000xf32, #tpu.memory_space<vmem>>
    %dma_wait3A_850 = tpu.memref_squeeze %dma_wait3A_849 : memref<1x10000xf32, #tpu.memory_space<vmem>> -> memref<10000xf32, #tpu.memory_space<vmem>>
    %dma_wait3A_851 = tpu.memref_slice %arg3[%add3A_771] : memref<6400000xf32, #tpu.memory_space<hbm>> -> memref<10000xf32, #tpu.memory_space<hbm>>
    tpu.wait_dma2 semaphore(%arg13 : memref<!tpu.dma_semaphore, #tpu.memory_space<semaphore_mem>>) src(%dma_wait3A_851 : memref<10000xf32, #tpu.memory_space<hbm>>) dst(%dma_wait3A_850 : memref<10000xf32, #tpu.memory_space<vmem>>)
    %scan3A_852 = arith.constant 0 : i32
    %scan3A_853 = arith.constant 156 : i32
    %scan3A_854 = arith.addi %scan3A_852, %scan3A_853 : i32
    %scan3A_855 = arith.constant 1 : i32
    %scan3A_856:8 = scf.for %scan3A_968 = %scan3A_852 to %scan3A_854 step %scan3A_855 iter_args(%scan3A_969 = %scan3A_812#0, %scan3A_970 = %scan3A_812#1, %scan3A_971 = %scan3A_812#2, %scan3A_972 = %scan3A_812#3, %scan3A_973 = %scan3A_812#4, %scan3A_974 = %scan3A_812#5, %scan3A_975 = %scan3A_812#6, %scan3A_976 = %scan3A_812#7) -> (vector<16xf32>, vector<16xf32>, vector<16xf32>, vector<16xf32>, vector<16xi32>, vector<16xi32>, vector<16xi32>, vector<16xi32>)  : i32 {
      %mul3A_977 = arith.constant 64 : i32
      %mul3A_978 = arith.muli %scan3A_968, %mul3A_977 : i32
      %add3A_979 = arith.constant 0 : i32
      %add3A_980 = arith.addi %mul3A_978, %add3A_979 : i32
      %get3A_981 = arith.constant 1 : i32
      %get3A_982 = arith.index_cast %get3A_981 : i32 to index
      %get3A_983 = arith.index_cast %add3A_980 : i32 to index
      %get3A_984 = tpu.vector_load %arg6[%get3A_982, %get3A_983] {strides = array<i32>} : memref<2x10000xf32, #tpu.memory_space<vmem>>, vector<16xf32>,
      %add3A_985 = arith.constant 0 : i32
      %add3A_986 = arith.addi %mul3A_978, %add3A_985 : i32
      %get3A_987 = arith.constant 1 : i32
      %get3A_988 = arith.index_cast %get3A_987 : i32 to index
      %get3A_989 = arith.index_cast %add3A_986 : i32 to index
      %get3A_990 = tpu.vector_load %arg7[%get3A_988, %get3A_989] {strides = array<i32>} : memref<2x10000xf32, #tpu.memory_space<vmem>>, vector<16xf32>,
      %mul3A_991 = arith.mulf %get3A_984, %get3A_505 : vector<16xf32>
      %add3A_992 = arith.addf %mul3A_991, %get3A_990 : vector<16xf32>
      %gt3A_993 = arith.cmpf ogt, %add3A_992, %scan3A_969 : vector<16xf32>
      %select_n3A_994 = arith.select %gt3A_993, %add3A_992, %scan3A_969 : vector<16xi1>, vector<16xf32>
      %add3A_995 = arith.constant 70000 : i32
      %add3A_996 = arith.addi %add3A_995, %mul3A_978 : i32
      %broadcast_in_dim3A_997 = vector.broadcast %add3A_996 : i32 to vector<16xi32>
      %select_n3A_998 = arith.select %gt3A_993, %broadcast_in_dim3A_997, %scan3A_973 : vector<16xi1>, vector<16xi32>
      %add3A_999 = arith.constant 16 : i32
      %add3A_1000 = arith.addi %mul3A_978, %add3A_999 : i32
      %get3A_1001 = arith.constant 1 : i32
      %get3A_1002 = arith.index_cast %get3A_1001 : i32 to index
      %get3A_1003 = arith.index_cast %add3A_1000 : i32 to index
      %get3A_1004 = tpu.vector_load %arg6[%get3A_1002, %get3A_1003] {strides = array<i32>} : memref<2x10000xf32, #tpu.memory_space<vmem>>, vector<16xf32>,
      %add3A_1005 = arith.constant 16 : i32
      %add3A_1006 = arith.addi %mul3A_978, %add3A_1005 : i32
      %get3A_1007 = arith.constant 1 : i32
      %get3A_1008 = arith.index_cast %get3A_1007 : i32 to index
      %get3A_1009 = arith.index_cast %add3A_1006 : i32 to index
      %get3A_1010 = tpu.vector_load %arg7[%get3A_1008, %get3A_1009] {strides = array<i32>} : memref<2x10000xf32, #tpu.memory_space<vmem>>, vector<16xf32>,
      %mul3A_1011 = arith.mulf %get3A_1004, %get3A_505 : vector<16xf32>
      %add3A_1012 = arith.addf %mul3A_1011, %get3A_1010 : vector<16xf32>
      %gt3A_1013 = arith.cmpf ogt, %add3A_1012, %scan3A_970 : vector<16xf32>
      %select_n3A_1014 = arith.select %gt3A_1013, %add3A_1012, %scan3A_970 : vector<16xi1>, vector<16xf32>
      %add3A_1015 = arith.constant 70016 : i32
      %add3A_1016 = arith.addi %add3A_1015, %mul3A_978 : i32
      %broadcast_in_dim3A_1017 = vector.broadcast %add3A_1016 : i32 to vector<16xi32>
      %select_n3A_1018 = arith.select %gt3A_1013, %broadcast_in_dim3A_1017, %scan3A_974 : vector<16xi1>, vector<16xi32>
      %add3A_1019 = arith.constant 32 : i32
      %add3A_1020 = arith.addi %mul3A_978, %add3A_1019 : i32
      %get3A_1021 = arith.constant 1 : i32
      %get3A_1022 = arith.index_cast %get3A_1021 : i32 to index
      %get3A_1023 = arith.index_cast %add3A_1020 : i32 to index
      %get3A_1024 = tpu.vector_load %arg6[%get3A_1022, %get3A_1023] {strides = array<i32>} : memref<2x10000xf32, #tpu.memory_space<vmem>>, vector<16xf32>,
      %add3A_1025 = arith.constant 32 : i32
      %add3A_1026 = arith.addi %mul3A_978, %add3A_1025 : i32
      %get3A_1027 = arith.constant 1 : i32
      %get3A_1028 = arith.index_cast %get3A_1027 : i32 to index
      %get3A_1029 = arith.index_cast %add3A_1026 : i32 to index
      %get3A_1030 = tpu.vector_load %arg7[%get3A_1028, %get3A_1029] {strides = array<i32>} : memref<2x10000xf32, #tpu.memory_space<vmem>>, vector<16xf32>,
      %mul3A_1031 = arith.mulf %get3A_1024, %get3A_505 : vector<16xf32>
      %add3A_1032 = arith.addf %mul3A_1031, %get3A_1030 : vector<16xf32>
      %gt3A_1033 = arith.cmpf ogt, %add3A_1032, %scan3A_971 : vector<16xf32>
      %select_n3A_1034 = arith.select %gt3A_1033, %add3A_1032, %scan3A_971 : vector<16xi1>, vector<16xf32>
      %add3A_1035 = arith.constant 70032 : i32
      %add3A_1036 = arith.addi %add3A_1035, %mul3A_978 : i32
      %broadcast_in_dim3A_1037 = vector.broadcast %add3A_1036 : i32 to vector<16xi32>
      %select_n3A_1038 = arith.select %gt3A_1033, %broadcast_in_dim3A_1037, %scan3A_975 : vector<16xi1>, vector<16xi32>
      %add3A_1039 = arith.constant 48 : i32
      %add3A_1040 = arith.addi %mul3A_978, %add3A_1039 : i32
      %get3A_1041 = arith.constant 1 : i32
      %get3A_1042 = arith.index_cast %get3A_1041 : i32 to index
      %get3A_1043 = arith.index_cast %add3A_1040 : i32 to index
      %get3A_1044 = tpu.vector_load %arg6[%get3A_1042, %get3A_1043] {strides = array<i32>} : memref<2x10000xf32, #tpu.memory_space<vmem>>, vector<16xf32>,
      %add3A_1045 = arith.constant 48 : i32
      %add3A_1046 = arith.addi %mul3A_978, %add3A_1045 : i32
      %get3A_1047 = arith.constant 1 : i32
      %get3A_1048 = arith.index_cast %get3A_1047 : i32 to index
      %get3A_1049 = arith.index_cast %add3A_1046 : i32 to index
      %get3A_1050 = tpu.vector_load %arg7[%get3A_1048, %get3A_1049] {strides = array<i32>} : memref<2x10000xf32, #tpu.memory_space<vmem>>, vector<16xf32>,
      %mul3A_1051 = arith.mulf %get3A_1044, %get3A_505 : vector<16xf32>
      %add3A_1052 = arith.addf %mul3A_1051, %get3A_1050 : vector<16xf32>
      %gt3A_1053 = arith.cmpf ogt, %add3A_1052, %scan3A_972 : vector<16xf32>
      %select_n3A_1054 = arith.select %gt3A_1053, %add3A_1052, %scan3A_972 : vector<16xi1>, vector<16xf32>
      %add3A_1055 = arith.constant 70048 : i32
      %add3A_1056 = arith.addi %add3A_1055, %mul3A_978 : i32
      %broadcast_in_dim3A_1057 = vector.broadcast %add3A_1056 : i32 to vector<16xi32>
      %select_n3A_1058 = arith.select %gt3A_1053, %broadcast_in_dim3A_1057, %scan3A_976 : vector<16xi1>, vector<16xi32>
      scf.yield %select_n3A_994, %select_n3A_1014, %select_n3A_1034, %select_n3A_1054, %select_n3A_998, %select_n3A_1018, %select_n3A_1038, %select_n3A_1058 : vector<16xf32>, vector<16xf32>, vector<16xf32>, vector<16xf32>, vector<16xi32>, vector<16xi32>, vector<16xi32>, vector<16xi32>
    }
    %scan3A_857 = arith.constant 156 : i32
    %add3A_858 = arith.constant 190000 : i32
    %add3A_859 = arith.addi %mul3A_2, %add3A_858 : i32
    %dma_start3A_860 = arith.constant 1 : i32
    %dma_start3A_861 = arith.constant 0 : i32
    %dma_start3A_862 = tpu.memref_slice %arg6[%dma_start3A_860, %dma_start3A_861] : memref<2x10000xf32, #tpu.memory_space<vmem>> -> memref<1x10000xf32, #tpu.memory_space<vmem>>
    %dma_start3A_863 = tpu.memref_squeeze %dma_start3A_862 : memref<1x10000xf32, #tpu.memory_space<vmem>> -> memref<10000xf32, #tpu.memory_space<vmem>>
    %dma_start3A_864 = tpu.memref_slice %arg2[%add3A_859] : memref<6400000xf32, #tpu.memory_space<hbm>> -> memref<10000xf32, #tpu.memory_space<hbm>>
    %dma_start3A_865 = arith.constant 0 : i32
    %dma_start3A_866 = tpu.memref_slice %arg6[%dma_start3A_860, %dma_start3A_865] : memref<2x10000xf32, #tpu.memory_space<vmem>> -> memref<1x10000xf32, #tpu.memory_space<vmem>>
    %dma_start3A_867 = tpu.memref_squeeze %dma_start3A_866 : memref<1x10000xf32, #tpu.memory_space<vmem>> -> memref<10000xf32, #tpu.memory_space<vmem>>
    %dma_start3A_868 = tpu.memref_slice %arg2[%add3A_859] : memref<6400000xf32, #tpu.memory_space<hbm>> -> memref<10000xf32, #tpu.memory_space<hbm>>
    tpu.enqueue_dma source(%dma_start3A_868 : memref<10000xf32, #tpu.memory_space<hbm>>) target(%dma_start3A_867 : memref<10000xf32, #tpu.memory_space<vmem>>) target_semaphore(%arg11 : memref<!tpu.dma_semaphore, #tpu.memory_space<semaphore_mem>>)
    %dma_start3A_869 = arith.constant 1 : i32
    %dma_start3A_870 = arith.constant 0 : i32
    %dma_start3A_871 = tpu.memref_slice %arg7[%dma_start3A_869, %dma_start3A_870] : memref<2x10000xf32, #tpu.memory_space<vmem>> -> memref<1x10000xf32, #tpu.memory_space<vmem>>
    %dma_start3A_872 = tpu.memref_squeeze %dma_start3A_871 : memref<1x10000xf32, #tpu.memory_space<vmem>> -> memref<10000xf32, #tpu.memory_space<vmem>>
    %dma_start3A_873 = tpu.memref_slice %arg3[%add3A_859] : memref<6400000xf32, #tpu.memory_space<hbm>> -> memref<10000xf32, #tpu.memory_space<hbm>>
    %dma_start3A_874 = arith.constant 0 : i32
    %dma_start3A_875 = tpu.memref_slice %arg7[%dma_start3A_869, %dma_start3A_874] : memref<2x10000xf32, #tpu.memory_space<vmem>> -> memref<1x10000xf32, #tpu.memory_space<vmem>>
    %dma_start3A_876 = tpu.memref_squeeze %dma_start3A_875 : memref<1x10000xf32, #tpu.memory_space<vmem>> -> memref<10000xf32, #tpu.memory_space<vmem>>
    %dma_start3A_877 = tpu.memref_slice %arg3[%add3A_859] : memref<6400000xf32, #tpu.memory_space<hbm>> -> memref<10000xf32, #tpu.memory_space<hbm>>
    tpu.enqueue_dma source(%dma_start3A_877 : memref<10000xf32, #tpu.memory_space<hbm>>) target(%dma_start3A_876 : memref<10000xf32, #tpu.memory_space<vmem>>) target_semaphore(%arg13 : memref<!tpu.dma_semaphore, #tpu.memory_space<semaphore_mem>>)
    %dma_wait3A_878 = arith.constant 0 : i32
    %dma_wait3A_879 = arith.constant 0 : i32
    %dma_wait3A_880 = tpu.memref_slice %arg6[%dma_wait3A_878, %dma_wait3A_879] : memref<2x10000xf32, #tpu.memory_space<vmem>> -> memref<1x10000xf32, #tpu.memory_space<vmem>>
    %dma_wait3A_881 = tpu.memref_squeeze %dma_wait3A_880 : memref<1x10000xf32, #tpu.memory_space<vmem>> -> memref<10000xf32, #tpu.memory_space<vmem>>
    %dma_wait3A_882 = tpu.memref_slice %arg2[%add3A_815] : memref<6400000xf32, #tpu.memory_space<hbm>> -> memref<10000xf32, #tpu.memory_space<hbm>>
    %dma_wait3A_883 = arith.constant 0 : i32
    %dma_wait3A_884 = tpu.memref_slice %arg6[%dma_wait3A_878, %dma_wait3A_883] : memref<2x10000xf32, #tpu.memory_space<vmem>> -> memref<1x10000xf32, #tpu.memory_space<vmem>>
    %dma_wait3A_885 = tpu.memref_squeeze %dma_wait3A_884 : memref<1x10000xf32, #tpu.memory_space<vmem>> -> memref<10000xf32, #tpu.memory_space<vmem>>
    %dma_wait3A_886 = tpu.memref_slice %arg2[%add3A_815] : memref<6400000xf32, #tpu.memory_space<hbm>> -> memref<10000xf32, #tpu.memory_space<hbm>>
    tpu.wait_dma2 semaphore(%arg10 : memref<!tpu.dma_semaphore, #tpu.memory_space<semaphore_mem>>) src(%dma_wait3A_886 : memref<10000xf32, #tpu.memory_space<hbm>>) dst(%dma_wait3A_885 : memref<10000xf32, #tpu.memory_space<vmem>>)
    %dma_wait3A_887 = arith.constant 0 : i32
    %dma_wait3A_888 = arith.constant 0 : i32
    %dma_wait3A_889 = tpu.memref_slice %arg7[%dma_wait3A_887, %dma_wait3A_888] : memref<2x10000xf32, #tpu.memory_space<vmem>> -> memref<1x10000xf32, #tpu.memory_space<vmem>>
    %dma_wait3A_890 = tpu.memref_squeeze %dma_wait3A_889 : memref<1x10000xf32, #tpu.memory_space<vmem>> -> memref<10000xf32, #tpu.memory_space<vmem>>
    %dma_wait3A_891 = tpu.memref_slice %arg3[%add3A_815] : memref<6400000xf32, #tpu.memory_space<hbm>> -> memref<10000xf32, #tpu.memory_space<hbm>>
    %dma_wait3A_892 = arith.constant 0 : i32
    %dma_wait3A_893 = tpu.memref_slice %arg7[%dma_wait3A_887, %dma_wait3A_892] : memref<2x10000xf32, #tpu.memory_space<vmem>> -> memref<1x10000xf32, #tpu.memory_space<vmem>>
    %dma_wait3A_894 = tpu.memref_squeeze %dma_wait3A_893 : memref<1x10000xf32, #tpu.memory_space<vmem>> -> memref<10000xf32, #tpu.memory_space<vmem>>
    %dma_wait3A_895 = tpu.memref_slice %arg3[%add3A_815] : memref<6400000xf32, #tpu.memory_space<hbm>> -> memref<10000xf32, #tpu.memory_space<hbm>>
    tpu.wait_dma2 semaphore(%arg12 : memref<!tpu.dma_semaphore, #tpu.memory_space<semaphore_mem>>) src(%dma_wait3A_895 : memref<10000xf32, #tpu.memory_space<hbm>>) dst(%dma_wait3A_894 : memref<10000xf32, #tpu.memory_space<vmem>>)
    %scan3A_896 = arith.constant 0 : i32
    %scan3A_897 = arith.constant 156 : i32
    %scan3A_898 = arith.addi %scan3A_896, %scan3A_897 : i32
    %scan3A_899 = arith.constant 1 : i32
    %scan3A_900:8 = scf.for %scan3A_968 = %scan3A_896 to %scan3A_898 step %scan3A_899 iter_args(%scan3A_969 = %scan3A_856#0, %scan3A_970 = %scan3A_856#1, %scan3A_971 = %scan3A_856#2, %scan3A_972 = %scan3A_856#3, %scan3A_973 = %scan3A_856#4, %scan3A_974 = %scan3A_856#5, %scan3A_975 = %scan3A_856#6, %scan3A_976 = %scan3A_856#7) -> (vector<16xf32>, vector<16xf32>, vector<16xf32>, vector<16xf32>, vector<16xi32>, vector<16xi32>, vector<16xi32>, vector<16xi32>)  : i32 {
      %mul3A_977 = arith.constant 64 : i32
      %mul3A_978 = arith.muli %scan3A_968, %mul3A_977 : i32
      %add3A_979 = arith.constant 0 : i32
      %add3A_980 = arith.addi %mul3A_978, %add3A_979 : i32
      %get3A_981 = arith.constant 0 : i32
      %get3A_982 = arith.index_cast %get3A_981 : i32 to index
      %get3A_983 = arith.index_cast %add3A_980 : i32 to index
      %get3A_984 = tpu.vector_load %arg6[%get3A_982, %get3A_983] {strides = array<i32>} : memref<2x10000xf32, #tpu.memory_space<vmem>>, vector<16xf32>,
      %add3A_985 = arith.constant 0 : i32
      %add3A_986 = arith.addi %mul3A_978, %add3A_985 : i32
      %get3A_987 = arith.constant 0 : i32
      %get3A_988 = arith.index_cast %get3A_987 : i32 to index
      %get3A_989 = arith.index_cast %add3A_986 : i32 to index
      %get3A_990 = tpu.vector_load %arg7[%get3A_988, %get3A_989] {strides = array<i32>} : memref<2x10000xf32, #tpu.memory_space<vmem>>, vector<16xf32>,
      %mul3A_991 = arith.mulf %get3A_984, %get3A_505 : vector<16xf32>
      %add3A_992 = arith.addf %mul3A_991, %get3A_990 : vector<16xf32>
      %gt3A_993 = arith.cmpf ogt, %add3A_992, %scan3A_969 : vector<16xf32>
      %select_n3A_994 = arith.select %gt3A_993, %add3A_992, %scan3A_969 : vector<16xi1>, vector<16xf32>
      %add3A_995 = arith.constant 80000 : i32
      %add3A_996 = arith.addi %add3A_995, %mul3A_978 : i32
      %broadcast_in_dim3A_997 = vector.broadcast %add3A_996 : i32 to vector<16xi32>
      %select_n3A_998 = arith.select %gt3A_993, %broadcast_in_dim3A_997, %scan3A_973 : vector<16xi1>, vector<16xi32>
      %add3A_999 = arith.constant 16 : i32
      %add3A_1000 = arith.addi %mul3A_978, %add3A_999 : i32
      %get3A_1001 = arith.constant 0 : i32
      %get3A_1002 = arith.index_cast %get3A_1001 : i32 to index
      %get3A_1003 = arith.index_cast %add3A_1000 : i32 to index
      %get3A_1004 = tpu.vector_load %arg6[%get3A_1002, %get3A_1003] {strides = array<i32>} : memref<2x10000xf32, #tpu.memory_space<vmem>>, vector<16xf32>,
      %add3A_1005 = arith.constant 16 : i32
      %add3A_1006 = arith.addi %mul3A_978, %add3A_1005 : i32
      %get3A_1007 = arith.constant 0 : i32
      %get3A_1008 = arith.index_cast %get3A_1007 : i32 to index
      %get3A_1009 = arith.index_cast %add3A_1006 : i32 to index
      %get3A_1010 = tpu.vector_load %arg7[%get3A_1008, %get3A_1009] {strides = array<i32>} : memref<2x10000xf32, #tpu.memory_space<vmem>>, vector<16xf32>,
      %mul3A_1011 = arith.mulf %get3A_1004, %get3A_505 : vector<16xf32>
      %add3A_1012 = arith.addf %mul3A_1011, %get3A_1010 : vector<16xf32>
      %gt3A_1013 = arith.cmpf ogt, %add3A_1012, %scan3A_970 : vector<16xf32>
      %select_n3A_1014 = arith.select %gt3A_1013, %add3A_1012, %scan3A_970 : vector<16xi1>, vector<16xf32>
      %add3A_1015 = arith.constant 80016 : i32
      %add3A_1016 = arith.addi %add3A_1015, %mul3A_978 : i32
      %broadcast_in_dim3A_1017 = vector.broadcast %add3A_1016 : i32 to vector<16xi32>
      %select_n3A_1018 = arith.select %gt3A_1013, %broadcast_in_dim3A_1017, %scan3A_974 : vector<16xi1>, vector<16xi32>
      %add3A_1019 = arith.constant 32 : i32
      %add3A_1020 = arith.addi %mul3A_978, %add3A_1019 : i32
      %get3A_1021 = arith.constant 0 : i32
      %get3A_1022 = arith.index_cast %get3A_1021 : i32 to index
      %get3A_1023 = arith.index_cast %add3A_1020 : i32 to index
      %get3A_1024 = tpu.vector_load %arg6[%get3A_1022, %get3A_1023] {strides = array<i32>} : memref<2x10000xf32, #tpu.memory_space<vmem>>, vector<16xf32>,
      %add3A_1025 = arith.constant 32 : i32
      %add3A_1026 = arith.addi %mul3A_978, %add3A_1025 : i32
      %get3A_1027 = arith.constant 0 : i32
      %get3A_1028 = arith.index_cast %get3A_1027 : i32 to index
      %get3A_1029 = arith.index_cast %add3A_1026 : i32 to index
      %get3A_1030 = tpu.vector_load %arg7[%get3A_1028, %get3A_1029] {strides = array<i32>} : memref<2x10000xf32, #tpu.memory_space<vmem>>, vector<16xf32>,
      %mul3A_1031 = arith.mulf %get3A_1024, %get3A_505 : vector<16xf32>
      %add3A_1032 = arith.addf %mul3A_1031, %get3A_1030 : vector<16xf32>
      %gt3A_1033 = arith.cmpf ogt, %add3A_1032, %scan3A_971 : vector<16xf32>
      %select_n3A_1034 = arith.select %gt3A_1033, %add3A_1032, %scan3A_971 : vector<16xi1>, vector<16xf32>
      %add3A_1035 = arith.constant 80032 : i32
      %add3A_1036 = arith.addi %add3A_1035, %mul3A_978 : i32
      %broadcast_in_dim3A_1037 = vector.broadcast %add3A_1036 : i32 to vector<16xi32>
      %select_n3A_1038 = arith.select %gt3A_1033, %broadcast_in_dim3A_1037, %scan3A_975 : vector<16xi1>, vector<16xi32>
      %add3A_1039 = arith.constant 48 : i32
      %add3A_1040 = arith.addi %mul3A_978, %add3A_1039 : i32
      %get3A_1041 = arith.constant 0 : i32
      %get3A_1042 = arith.index_cast %get3A_1041 : i32 to index
      %get3A_1043 = arith.index_cast %add3A_1040 : i32 to index
      %get3A_1044 = tpu.vector_load %arg6[%get3A_1042, %get3A_1043] {strides = array<i32>} : memref<2x10000xf32, #tpu.memory_space<vmem>>, vector<16xf32>,
      %add3A_1045 = arith.constant 48 : i32
      %add3A_1046 = arith.addi %mul3A_978, %add3A_1045 : i32
      %get3A_1047 = arith.constant 0 : i32
      %get3A_1048 = arith.index_cast %get3A_1047 : i32 to index
      %get3A_1049 = arith.index_cast %add3A_1046 : i32 to index
      %get3A_1050 = tpu.vector_load %arg7[%get3A_1048, %get3A_1049] {strides = array<i32>} : memref<2x10000xf32, #tpu.memory_space<vmem>>, vector<16xf32>,
      %mul3A_1051 = arith.mulf %get3A_1044, %get3A_505 : vector<16xf32>
      %add3A_1052 = arith.addf %mul3A_1051, %get3A_1050 : vector<16xf32>
      %gt3A_1053 = arith.cmpf ogt, %add3A_1052, %scan3A_972 : vector<16xf32>
      %select_n3A_1054 = arith.select %gt3A_1053, %add3A_1052, %scan3A_972 : vector<16xi1>, vector<16xf32>
      %add3A_1055 = arith.constant 80048 : i32
      %add3A_1056 = arith.addi %add3A_1055, %mul3A_978 : i32
      %broadcast_in_dim3A_1057 = vector.broadcast %add3A_1056 : i32 to vector<16xi32>
      %select_n3A_1058 = arith.select %gt3A_1053, %broadcast_in_dim3A_1057, %scan3A_976 : vector<16xi1>, vector<16xi32>
      scf.yield %select_n3A_994, %select_n3A_1014, %select_n3A_1034, %select_n3A_1054, %select_n3A_998, %select_n3A_1018, %select_n3A_1038, %select_n3A_1058 : vector<16xf32>, vector<16xf32>, vector<16xf32>, vector<16xf32>, vector<16xi32>, vector<16xi32>, vector<16xi32>, vector<16xi32>
    }
    %scan3A_901 = arith.constant 156 : i32
    %dma_wait3A_902 = arith.constant 1 : i32
    %dma_wait3A_903 = arith.constant 0 : i32
    %dma_wait3A_904 = tpu.memref_slice %arg6[%dma_wait3A_902, %dma_wait3A_903] : memref<2x10000xf32, #tpu.memory_space<vmem>> -> memref<1x10000xf32, #tpu.memory_space<vmem>>
    %dma_wait3A_905 = tpu.memref_squeeze %dma_wait3A_904 : memref<1x10000xf32, #tpu.memory_space<vmem>> -> memref<10000xf32, #tpu.memory_space<vmem>>
    %dma_wait3A_906 = tpu.memref_slice %arg2[%add3A_859] : memref<6400000xf32, #tpu.memory_space<hbm>> -> memref<10000xf32, #tpu.memory_space<hbm>>
    %dma_wait3A_907 = arith.constant 0 : i32
    %dma_wait3A_908 = tpu.memref_slice %arg6[%dma_wait3A_902, %dma_wait3A_907] : memref<2x10000xf32, #tpu.memory_space<vmem>> -> memref<1x10000xf32, #tpu.memory_space<vmem>>
    %dma_wait3A_909 = tpu.memref_squeeze %dma_wait3A_908 : memref<1x10000xf32, #tpu.memory_space<vmem>> -> memref<10000xf32, #tpu.memory_space<vmem>>
    %dma_wait3A_910 = tpu.memref_slice %arg2[%add3A_859] : memref<6400000xf32, #tpu.memory_space<hbm>> -> memref<10000xf32, #tpu.memory_space<hbm>>
    tpu.wait_dma2 semaphore(%arg11 : memref<!tpu.dma_semaphore, #tpu.memory_space<semaphore_mem>>) src(%dma_wait3A_910 : memref<10000xf32, #tpu.memory_space<hbm>>) dst(%dma_wait3A_909 : memref<10000xf32, #tpu.memory_space<vmem>>)
    %dma_wait3A_911 = arith.constant 1 : i32
    %dma_wait3A_912 = arith.constant 0 : i32
    %dma_wait3A_913 = tpu.memref_slice %arg7[%dma_wait3A_911, %dma_wait3A_912] : memref<2x10000xf32, #tpu.memory_space<vmem>> -> memref<1x10000xf32, #tpu.memory_space<vmem>>
    %dma_wait3A_914 = tpu.memref_squeeze %dma_wait3A_913 : memref<1x10000xf32, #tpu.memory_space<vmem>> -> memref<10000xf32, #tpu.memory_space<vmem>>
    %dma_wait3A_915 = tpu.memref_slice %arg3[%add3A_859] : memref<6400000xf32, #tpu.memory_space<hbm>> -> memref<10000xf32, #tpu.memory_space<hbm>>
    %dma_wait3A_916 = arith.constant 0 : i32
    %dma_wait3A_917 = tpu.memref_slice %arg7[%dma_wait3A_911, %dma_wait3A_916] : memref<2x10000xf32, #tpu.memory_space<vmem>> -> memref<1x10000xf32, #tpu.memory_space<vmem>>
    %dma_wait3A_918 = tpu.memref_squeeze %dma_wait3A_917 : memref<1x10000xf32, #tpu.memory_space<vmem>> -> memref<10000xf32, #tpu.memory_space<vmem>>
    %dma_wait3A_919 = tpu.memref_slice %arg3[%add3A_859] : memref<6400000xf32, #tpu.memory_space<hbm>> -> memref<10000xf32, #tpu.memory_space<hbm>>
    tpu.wait_dma2 semaphore(%arg13 : memref<!tpu.dma_semaphore, #tpu.memory_space<semaphore_mem>>) src(%dma_wait3A_919 : memref<10000xf32, #tpu.memory_space<hbm>>) dst(%dma_wait3A_918 : memref<10000xf32, #tpu.memory_space<vmem>>)
    %scan3A_920 = arith.constant 0 : i32
    %scan3A_921 = arith.constant 156 : i32
    %scan3A_922 = arith.addi %scan3A_920, %scan3A_921 : i32
    %scan3A_923 = arith.constant 1 : i32
    %scan3A_924:8 = scf.for %scan3A_968 = %scan3A_920 to %scan3A_922 step %scan3A_923 iter_args(%scan3A_969 = %scan3A_900#0, %scan3A_970 = %scan3A_900#1, %scan3A_971 = %scan3A_900#2, %scan3A_972 = %scan3A_900#3, %scan3A_973 = %scan3A_900#4, %scan3A_974 = %scan3A_900#5, %scan3A_975 = %scan3A_900#6, %scan3A_976 = %scan3A_900#7) -> (vector<16xf32>, vector<16xf32>, vector<16xf32>, vector<16xf32>, vector<16xi32>, vector<16xi32>, vector<16xi32>, vector<16xi32>)  : i32 {
      %mul3A_977 = arith.constant 64 : i32
      %mul3A_978 = arith.muli %scan3A_968, %mul3A_977 : i32
      %add3A_979 = arith.constant 0 : i32
      %add3A_980 = arith.addi %mul3A_978, %add3A_979 : i32
      %get3A_981 = arith.constant 1 : i32
      %get3A_982 = arith.index_cast %get3A_981 : i32 to index
      %get3A_983 = arith.index_cast %add3A_980 : i32 to index
      %get3A_984 = tpu.vector_load %arg6[%get3A_982, %get3A_983] {strides = array<i32>} : memref<2x10000xf32, #tpu.memory_space<vmem>>, vector<16xf32>,
      %add3A_985 = arith.constant 0 : i32
      %add3A_986 = arith.addi %mul3A_978, %add3A_985 : i32
      %get3A_987 = arith.constant 1 : i32
      %get3A_988 = arith.index_cast %get3A_987 : i32 to index
      %get3A_989 = arith.index_cast %add3A_986 : i32 to index
      %get3A_990 = tpu.vector_load %arg7[%get3A_988, %get3A_989] {strides = array<i32>} : memref<2x10000xf32, #tpu.memory_space<vmem>>, vector<16xf32>,
      %mul3A_991 = arith.mulf %get3A_984, %get3A_505 : vector<16xf32>
      %add3A_992 = arith.addf %mul3A_991, %get3A_990 : vector<16xf32>
      %gt3A_993 = arith.cmpf ogt, %add3A_992, %scan3A_969 : vector<16xf32>
      %select_n3A_994 = arith.select %gt3A_993, %add3A_992, %scan3A_969 : vector<16xi1>, vector<16xf32>
      %add3A_995 = arith.constant 90000 : i32
      %add3A_996 = arith.addi %add3A_995, %mul3A_978 : i32
      %broadcast_in_dim3A_997 = vector.broadcast %add3A_996 : i32 to vector<16xi32>
      %select_n3A_998 = arith.select %gt3A_993, %broadcast_in_dim3A_997, %scan3A_973 : vector<16xi1>, vector<16xi32>
      %add3A_999 = arith.constant 16 : i32
      %add3A_1000 = arith.addi %mul3A_978, %add3A_999 : i32
      %get3A_1001 = arith.constant 1 : i32
      %get3A_1002 = arith.index_cast %get3A_1001 : i32 to index
      %get3A_1003 = arith.index_cast %add3A_1000 : i32 to index
      %get3A_1004 = tpu.vector_load %arg6[%get3A_1002, %get3A_1003] {strides = array<i32>} : memref<2x10000xf32, #tpu.memory_space<vmem>>, vector<16xf32>,
      %add3A_1005 = arith.constant 16 : i32
      %add3A_1006 = arith.addi %mul3A_978, %add3A_1005 : i32
      %get3A_1007 = arith.constant 1 : i32
      %get3A_1008 = arith.index_cast %get3A_1007 : i32 to index
      %get3A_1009 = arith.index_cast %add3A_1006 : i32 to index
      %get3A_1010 = tpu.vector_load %arg7[%get3A_1008, %get3A_1009] {strides = array<i32>} : memref<2x10000xf32, #tpu.memory_space<vmem>>, vector<16xf32>,
      %mul3A_1011 = arith.mulf %get3A_1004, %get3A_505 : vector<16xf32>
      %add3A_1012 = arith.addf %mul3A_1011, %get3A_1010 : vector<16xf32>
      %gt3A_1013 = arith.cmpf ogt, %add3A_1012, %scan3A_970 : vector<16xf32>
      %select_n3A_1014 = arith.select %gt3A_1013, %add3A_1012, %scan3A_970 : vector<16xi1>, vector<16xf32>
      %add3A_1015 = arith.constant 90016 : i32
      %add3A_1016 = arith.addi %add3A_1015, %mul3A_978 : i32
      %broadcast_in_dim3A_1017 = vector.broadcast %add3A_1016 : i32 to vector<16xi32>
      %select_n3A_1018 = arith.select %gt3A_1013, %broadcast_in_dim3A_1017, %scan3A_974 : vector<16xi1>, vector<16xi32>
      %add3A_1019 = arith.constant 32 : i32
      %add3A_1020 = arith.addi %mul3A_978, %add3A_1019 : i32
      %get3A_1021 = arith.constant 1 : i32
      %get3A_1022 = arith.index_cast %get3A_1021 : i32 to index
      %get3A_1023 = arith.index_cast %add3A_1020 : i32 to index
      %get3A_1024 = tpu.vector_load %arg6[%get3A_1022, %get3A_1023] {strides = array<i32>} : memref<2x10000xf32, #tpu.memory_space<vmem>>, vector<16xf32>,
      %add3A_1025 = arith.constant 32 : i32
      %add3A_1026 = arith.addi %mul3A_978, %add3A_1025 : i32
      %get3A_1027 = arith.constant 1 : i32
      %get3A_1028 = arith.index_cast %get3A_1027 : i32 to index
      %get3A_1029 = arith.index_cast %add3A_1026 : i32 to index
      %get3A_1030 = tpu.vector_load %arg7[%get3A_1028, %get3A_1029] {strides = array<i32>} : memref<2x10000xf32, #tpu.memory_space<vmem>>, vector<16xf32>,
      %mul3A_1031 = arith.mulf %get3A_1024, %get3A_505 : vector<16xf32>
      %add3A_1032 = arith.addf %mul3A_1031, %get3A_1030 : vector<16xf32>
      %gt3A_1033 = arith.cmpf ogt, %add3A_1032, %scan3A_971 : vector<16xf32>
      %select_n3A_1034 = arith.select %gt3A_1033, %add3A_1032, %scan3A_971 : vector<16xi1>, vector<16xf32>
      %add3A_1035 = arith.constant 90032 : i32
      %add3A_1036 = arith.addi %add3A_1035, %mul3A_978 : i32
      %broadcast_in_dim3A_1037 = vector.broadcast %add3A_1036 : i32 to vector<16xi32>
      %select_n3A_1038 = arith.select %gt3A_1033, %broadcast_in_dim3A_1037, %scan3A_975 : vector<16xi1>, vector<16xi32>
      %add3A_1039 = arith.constant 48 : i32
      %add3A_1040 = arith.addi %mul3A_978, %add3A_1039 : i32
      %get3A_1041 = arith.constant 1 : i32
      %get3A_1042 = arith.index_cast %get3A_1041 : i32 to index
      %get3A_1043 = arith.index_cast %add3A_1040 : i32 to index
      %get3A_1044 = tpu.vector_load %arg6[%get3A_1042, %get3A_1043] {strides = array<i32>} : memref<2x10000xf32, #tpu.memory_space<vmem>>, vector<16xf32>,
      %add3A_1045 = arith.constant 48 : i32
      %add3A_1046 = arith.addi %mul3A_978, %add3A_1045 : i32
      %get3A_1047 = arith.constant 1 : i32
      %get3A_1048 = arith.index_cast %get3A_1047 : i32 to index
      %get3A_1049 = arith.index_cast %add3A_1046 : i32 to index
      %get3A_1050 = tpu.vector_load %arg7[%get3A_1048, %get3A_1049] {strides = array<i32>} : memref<2x10000xf32, #tpu.memory_space<vmem>>, vector<16xf32>,
      %mul3A_1051 = arith.mulf %get3A_1044, %get3A_505 : vector<16xf32>
      %add3A_1052 = arith.addf %mul3A_1051, %get3A_1050 : vector<16xf32>
      %gt3A_1053 = arith.cmpf ogt, %add3A_1052, %scan3A_972 : vector<16xf32>
      %select_n3A_1054 = arith.select %gt3A_1053, %add3A_1052, %scan3A_972 : vector<16xi1>, vector<16xf32>
      %add3A_1055 = arith.constant 90048 : i32
      %add3A_1056 = arith.addi %add3A_1055, %mul3A_978 : i32
      %broadcast_in_dim3A_1057 = vector.broadcast %add3A_1056 : i32 to vector<16xi32>
      %select_n3A_1058 = arith.select %gt3A_1053, %broadcast_in_dim3A_1057, %scan3A_976 : vector<16xi1>, vector<16xi32>
      scf.yield %select_n3A_994, %select_n3A_1014, %select_n3A_1034, %select_n3A_1054, %select_n3A_998, %select_n3A_1018, %select_n3A_1038, %select_n3A_1058 : vector<16xf32>, vector<16xf32>, vector<16xf32>, vector<16xf32>, vector<16xi32>, vector<16xi32>, vector<16xi32>, vector<16xi32>
    }
    %scan3A_925 = arith.constant 156 : i32
    %gt3A_926 = arith.cmpf ogt, %scan3A_924#1, %scan3A_924#0 : vector<16xf32>
    %eq3A_927 = arith.cmpf oeq, %scan3A_924#1, %scan3A_924#0 : vector<16xf32>
    %lt3A_928 = arith.cmpi slt, %scan3A_924#5, %scan3A_924#4 : vector<16xi32>
    %and3A_929 = arith.andi %eq3A_927, %lt3A_928 : vector<16xi1>
    %or3A_930 = arith.ori %gt3A_926, %and3A_929 : vector<16xi1>
    %select_n3A_931 = arith.select %or3A_930, %scan3A_924#1, %scan3A_924#0 : vector<16xi1>, vector<16xf32>
    %select_n3A_932 = arith.select %or3A_930, %scan3A_924#5, %scan3A_924#4 : vector<16xi1>, vector<16xi32>
    %gt3A_933 = arith.cmpf ogt, %scan3A_924#2, %select_n3A_931 : vector<16xf32>
    %eq3A_934 = arith.cmpf oeq, %scan3A_924#2, %select_n3A_931 : vector<16xf32>
    %lt3A_935 = arith.cmpi slt, %scan3A_924#6, %select_n3A_932 : vector<16xi32>
    %and3A_936 = arith.andi %eq3A_934, %lt3A_935 : vector<16xi1>
    %or3A_937 = arith.ori %gt3A_933, %and3A_936 : vector<16xi1>
    %select_n3A_938 = arith.select %or3A_937, %scan3A_924#2, %select_n3A_931 : vector<16xi1>, vector<16xf32>
    %select_n3A_939 = arith.select %or3A_937, %scan3A_924#6, %select_n3A_932 : vector<16xi1>, vector<16xi32>
    %gt3A_940 = arith.cmpf ogt, %scan3A_924#3, %select_n3A_938 : vector<16xf32>
    %eq3A_941 = arith.cmpf oeq, %scan3A_924#3, %select_n3A_938 : vector<16xf32>
    %lt3A_942 = arith.cmpi slt, %scan3A_924#7, %select_n3A_939 : vector<16xi32>
    %and3A_943 = arith.andi %eq3A_941, %lt3A_942 : vector<16xi1>
    %or3A_944 = arith.ori %gt3A_940, %and3A_943 : vector<16xi1>
    %select_n3A_945 = arith.select %or3A_944, %scan3A_924#3, %select_n3A_938 : vector<16xi1>, vector<16xf32>
    %select_n3A_946 = arith.select %or3A_944, %scan3A_924#7, %select_n3A_939 : vector<16xi1>, vector<16xi32>
    %add3A_947 = arith.addi %select_n3A_946, %iota3A : vector<16xi32>
    %reduce_max3A_948 = arith.constant true
    %reduce_max3A_949 = vector.broadcast %reduce_max3A_948 : i1 to vector<16xi1>
    %reduce_max3A_950 = tpu.scan <max>, %select_n3A_945 masked %reduce_max3A_949 : vector<16xf32>, vector<16xi1> -> vector<16xf32>
    %reduce_max3A_951 = vector.extract %reduce_max3A_950[15] : f32 from vector<16xf32>
    %eq3A_952 = vector.broadcast %reduce_max3A_951 : f32 to vector<16xf32>
    %eq3A_953 = arith.cmpf oeq, %select_n3A_945, %eq3A_952 : vector<16xf32>
    %jit3A_954 = arith.constant 1073741824 : i32
    %broadcast_in_dim3A_955 = vector.broadcast %jit3A_954 : i32 to vector<16xi32>
    %select_n3A_956 = arith.select %eq3A_953, %add3A_947, %broadcast_in_dim3A_955 : vector<16xi1>, vector<16xi32>
    %reduce_min3A_957 = arith.constant true
    %reduce_min3A_958 = vector.broadcast %reduce_min3A_957 : i1 to vector<16xi1>
    %reduce_min3A_959 = arith.constant -2147483648 : i32
    %reduce_min3A_960 = vector.broadcast %reduce_min3A_959 : i32 to vector<16xi32>
    %reduce_min3A_961 = arith.xori %select_n3A_956, %reduce_min3A_960 : vector<16xi32>
    %reduce_min3A_962 = tpu.scan <min>, %reduce_min3A_961 masked %reduce_min3A_958 : vector<16xi32>, vector<16xi1> -> vector<16xi32>
    %reduce_min3A_963 = arith.xori %reduce_min3A_962, %reduce_min3A_960 : vector<16xi32>
    %reduce_min3A_964 = vector.extract %reduce_min3A_963[15] : i32 from vector<16xi32>
    %broadcast_in_dim3A_965 = vector.broadcast %reduce_min3A_964 : i32 to vector<16xi32>
    %swap3A_966 = arith.constant 0 : index
    %swap3A_967 = tpu.vector_load %arg9[%swap3A_966] {strides = array<i32>} : memref<16xi32, #tpu.memory_space<vmem>>, vector<16xi32>,
    tpu.vector_store %arg9[%swap3A_966], %broadcast_in_dim3A_965 {strides = array<i32>} : memref<16xi32, #tpu.memory_space<vmem>>, vector<16xi32>,
    "tpu.region"() ({
      %run_scoped3A = tpu.sem_alloc : memref<!tpu.dma_semaphore, #tpu.memory_space<semaphore_mem>>
      %dma_start3A_968 = arith.constant 0 : i32
      %dma_start3A_969 = tpu.memref_slice %arg5[%add3A_503, %dma_start3A_968] : memref<64x16xi32, #tpu.memory_space<hbm>> -> memref<1x16xi32, #tpu.memory_space<hbm>>
      %dma_start3A_970 = tpu.memref_squeeze %dma_start3A_969 : memref<1x16xi32, #tpu.memory_space<hbm>> -> memref<16xi32, #tpu.memory_space<hbm>>
      %dma_start3A_971 = arith.constant 0 : i32
      %dma_start3A_972 = tpu.memref_slice %arg5[%add3A_503, %dma_start3A_971] : memref<64x16xi32, #tpu.memory_space<hbm>> -> memref<1x16xi32, #tpu.memory_space<hbm>>
      %dma_start3A_973 = tpu.memref_squeeze %dma_start3A_972 : memref<1x16xi32, #tpu.memory_space<hbm>> -> memref<16xi32, #tpu.memory_space<hbm>>
      tpu.enqueue_dma source(%arg9 : memref<16xi32, #tpu.memory_space<vmem>>) target(%dma_start3A_973 : memref<16xi32, #tpu.memory_space<hbm>>) target_semaphore(%run_scoped3A : memref<!tpu.dma_semaphore, #tpu.memory_space<semaphore_mem>>)
      %dma_wait3A_974 = arith.constant 0 : i32
      %dma_wait3A_975 = tpu.memref_slice %arg5[%add3A_503, %dma_wait3A_974] : memref<64x16xi32, #tpu.memory_space<hbm>> -> memref<1x16xi32, #tpu.memory_space<hbm>>
      %dma_wait3A_976 = tpu.memref_squeeze %dma_wait3A_975 : memref<1x16xi32, #tpu.memory_space<hbm>> -> memref<16xi32, #tpu.memory_space<hbm>>
      %dma_wait3A_977 = arith.constant 0 : i32
      %dma_wait3A_978 = tpu.memref_slice %arg5[%add3A_503, %dma_wait3A_977] : memref<64x16xi32, #tpu.memory_space<hbm>> -> memref<1x16xi32, #tpu.memory_space<hbm>>
      %dma_wait3A_979 = tpu.memref_squeeze %dma_wait3A_978 : memref<1x16xi32, #tpu.memory_space<hbm>> -> memref<16xi32, #tpu.memory_space<hbm>>
      tpu.wait_dma2 semaphore(%run_scoped3A : memref<!tpu.dma_semaphore, #tpu.memory_space<semaphore_mem>>) src(%arg9 : memref<16xi32, #tpu.memory_space<vmem>>) dst(%dma_wait3A_979 : memref<16xi32, #tpu.memory_space<hbm>>)
      tpu.yield
    }) : () -> ()
    return
  }
}

</mosaic_0001>

<sc_bundles>
// kernel: _sampler.3.cloned.1.call-start
scs
__scs_entry_jumppad:
0x0: {  	(pc) =	sbr.rel $0x88, $3  }
0x1: {  	(tag) =	ssettag $0x0;
	lr =	simm.s32 $0x1  }
0x2: {  	[smem:$0x3F9E] =	sst lr;
	_ =	strace $0xD0000000  }
0x3: {  	_ = 	snop  }
0x4: {  	_ = 	snop  }
0x5: {  	_ = 	snop  }
0x6: {  	_ = 	snop  }
0x7: {  	_ = 	snop  }
__scs_overlays_trampoline_lowered:
0x8: {  	[smem:$0x3FAD] =	sst s0  }
0x9: {  	[smem:$0x3FAE] =	sst s1  }
0xa: {  	[smem:$0x3FAF] =	sst s2  }
0xb: {  	[smem:$0x3FB0] =	sst s3  }
0xc: {  	[smem:$0x3FB1] =	sst s4  }
0xd: {  	[smem:$0x3FB2] =	sst s5  }
0xe: {  	[smem:$0x3FB3] =	sst s6  }
0xf: {  	[smem:$0x3FB4] =	sst s7  }
0x10: {  	[smem:$0x3FB5] =	sst s8  }
0x11: {  	[smem:$0x3FB6] =	sst s9;
	s0 =	simm.s32 @!p0 $0x0  }
0x12: {  	s1 =	sld [smem:$0x3F9C];
	s0 =	simm.s32 @p0 $0x1  }
0x13: {  	[smem:$0x3FB7] =	sst s0;
	s0 =	simm.s32 @!p1 $0x0  }
0x14: {  	s2 =	sld [smem:$0x3F9B];
	s0 =	simm.s32 @p1 $0x1  }
0x15: {  	[smem:$0x3FB8] =	sst s0;
	s0 =	simm.s32 @!p2 $0x0  }
0x16: {  	s3 =	sld [smem:$0x3FDB];
	s0 =	simm.s32 @p2 $0x1  }
0x17: {  	s4 =	simm.s32 $0x1BF5;
	[smem:$0x3FBA] =	sst s0  }
0x18: {  	s0 =	sld [smem:$0x3F9D];
	_ =	swait.ge [sflag:s4], $0x0  }
0x19: {  	s7 =	sld [smem:$0x3F9E]  }
0x1a: {  	s8 =	sadd.s32 $0xFFFFE003, lr  }
0x1b: {  	s9 =	sadd.s32 $0xFFFFFEF7, lr;
	s5 =	simm.s32 $0xFFFFFFFF;
	p2 =	slt.u32 s8, $0xFFFFF086  }
0x1c: {  	p1 =	slt.u32 s9, $0xF7A;
	s5 =	simm.s32 @!p2 $0x0  }
0x1d: {  	s5 =	simm.s32 @p1 $0x1;
	p0 =	seq.s32 s7, s2  }
0x1e: {  	s7 =	smul.u32 @!p0 $0xF7A, s2;
	p2 =	seq.s32 @!p0 s5, $0x0  }
0x1f: {  	s9 =	smul.u32 $0xF7A, s1;
	s8 =	simm.s32 @!p0 $0x1BF5;
	p2 =	por !p2, p0  }
0x20: {  	[sflag:s8] =	ssyncset.s32 @!p0 $0xFFFFF086;
	s6 =	sadd.s32 @!p0 s3, s7;
	s7 =	simm.s32 @!p0 $0x108  }
0x21: {  	s3 =	sadd.s32 s3, s9;
	s6 =	sadd.s32 @!p0 $0x88, s6;
	s7 =	simm.s32 @p2 $0x1082  }
0x22: {  	[simem:s7], [sflag:s8] =	dma.local @!p0 [hbm:s6], $0xF7A  }
0x23: {  	s9 =	sor.u32 $0xD0000000, s2;
	s6 =	simm.s32 $0x108;
	_ =	swait.ge @!p0 [sflag:s8], $0x0  }
0x24: {  	s3 =	sadd.s32 $0x88, s3;
	s6 =	simm.s32 @!p1 $0x1082;
	[sflag:s4] =	ssyncset.s32 $0xFFFFF086  }
0x25: {  	[simem:s6], [sflag:s4] =	dma.local [hbm:s3], $0xF7A  }
0x26: {  	[smem:$0x3F9E] =	sst s1;
	(tag) =	ssettag s2;
	_ =	strace s9  }
0x27: {  	s1 =	sld [smem:$0x3FAE]  }
0x28: {  	s2 =	sld [smem:$0x3FAF]  }
0x29: {  	s4 =	sld [smem:$0x3FB1]  }
0x2a: {  	p0 =	seq.s32 s5, $0x0;
	s5 =	sld [smem:$0x3FB2]  }
0x2b: {  	s6 =	sld [smem:$0x3FB3]  }
0x2c: {  	s7 =	sld [smem:$0x3FB4]  }
0x2d: {  	s3 =	simm.s32 $0x108;
	s8 =	sld [smem:$0x3FB5]  }
0x2e: {  	s3 =	simm.s32 @!p0 $0x1082;
	s9 =	sld [smem:$0x3FB6]  }
0x2f: {  	lr =	sadd.s32 s0, s3;
	s0 =	sld [smem:$0x3FAD]  }
0x30: {  	s3 =	sld [smem:$0x3FB0]  }
0x31: {  	[smem:$0x3FB9] =	sst s10  }
0x32: {  	s10 =	sld [smem:$0x3FB7];
	_ =	sdelay $0x3  }
0x33: {  	p0 =	seq.s32 s10, $0x1;
	s10 =	sld [smem:$0x3FB9];
	_ =	sdelay $0x3  }
0x34: {  	[smem:$0x3FB9] =	sst s10  }
0x35: {  	s10 =	sld [smem:$0x3FB8];
	_ =	sdelay $0x3  }
0x36: {  	p1 =	seq.s32 s10, $0x1;
	s10 =	sld [smem:$0x3FB9];
	_ =	sdelay $0x3  }
0x37: {  	[smem:$0x3FB9] =	sst s10  }
0x38: {  	s10 =	sld [smem:$0x3FBA]  }
0x39: {  	_ = 	snop;
	(pc) =	sbr.ind lr, $3  }
0x3a: {  	_ = 	snop  }
0x3b: {  	_ = 	snop  }
0x3c: {  	p2 =	seq.s32 s10, $0x1;
	s10 =	sld [smem:$0x3FB9]  }
0x3d: {  	_ =	shalt  }
0x3e: {  	_ =	shalt  }
0x3f: {  	_ =	shalt  }
0x40: {  	_ =	shalt  }
0x41: {  	_ =	shalt  }
0x42: {  	_ =	shalt  }
0x43: {  	_ =	shalt  }
0x44: {  	_ =	shalt  }
0x45: {  	_ =	shalt  }
0x46: {  	_ =	shalt  }
0x47: {  	_ =	shalt  }
0x48: {  	_ =	shalt  }
0x49: {  	_ =	shalt  }
0x4a: {  	_ =	shalt  }
0x4b: {  	_ =	shalt  }
0x4c: {  	_ =	shalt  }
0x4d: {  	_ =	shalt  }
0x4e: {  	_ =	shalt  }
0x4f: {  	_ =	shalt  }
0x50: {  	_ =	shalt  }
0x51: {  	_ =	shalt  }
0x52: {  	_ =	shalt  }
0x53: {  	_ =	shalt  }
0x54: {  	_ =	shalt  }
0x55: {  	_ =	shalt  }
0x56: {  	_ =	shalt  }
0x57: {  	_ =	shalt  }
0x58: {  	_ =	shalt  }
0x59: {  	_ =	shalt  }
0x5a: {  	_ =	shalt  }
0x5b: {  	_ =	shalt  }
0x5c: {  	_ =	shalt  }
0x5d: {  	_ =	shalt  }
0x5e: {  	_ =	shalt  }
0x5f: {  	_ =	shalt  }
0x60: {  	_ =	shalt  }
0x61: {  	_ =	shalt  }
0x62: {  	_ =	shalt  }
0x63: {  	_ =	shalt  }
0x64: {  	_ =	shalt  }
0x65: {  	_ =	shalt  }
0x66: {  	_ =	shalt  }
0x67: {  	_ =	shalt  }
0x68: {  	_ =	shalt  }
0x69: {  	_ =	shalt  }
0x6a: {  	_ =	shalt  }
0x6b: {  	_ =	shalt  }
0x6c: {  	_ =	shalt  }
0x6d: {  	_ =	shalt  }
0x6e: {  	_ =	shalt  }
0x6f: {  	_ =	shalt  }
0x70: {  	_ =	shalt  }
0x71: {  	_ =	shalt  }
0x72: {  	_ =	shalt  }
0x73: {  	_ =	shalt  }
0x74: {  	_ =	shalt  }
0x75: {  	_ =	shalt  }
0x76: {  	_ =	shalt  }
0x77: {  	_ =	shalt  }
0x78: {  	_ =	shalt  }
0x79: {  	_ =	shalt  }
0x7a: {  	_ =	shalt  }
0x7b: {  	_ =	shalt  }
0x7c: {  	_ =	shalt  }
0x7d: {  	_ =	shalt  }
0x7e: {  	_ =	shalt  }
0x7f: {  	_ =	shalt  }
0x80: {  	_ =	shalt  }
0x81: {  	_ =	shalt  }
0x82: {  	_ =	shalt  }
0x83: {  	_ =	shalt  }
0x84: {  	_ =	shalt  }
0x85: {  	_ =	shalt  }
0x86: {  	_ =	shalt  }
0x87: {  	_ =	shalt  }
.Lfunc_end0:
.L_simem_size_0:
called_computation_lowered:
.L_overlay_start_0:
0x88: {  	s2 =	sld [smem:$0x3FD9]  }
0x89: {  	s3 =	sld [smem:$0x3FFE];
	_ =	sdelay $0x1  }
0x8a: {  	s1 =	srdreg.scid  }
0x8b: {  	s0 =	sand.u32 $0x1, s1  }
0x8c: {  	s17 =	sshll.u32 s0, $0xA;
	s2 =	sadd.s32 s3, s2  }
0x8d: {  	s2 =	sadd.s32 s2, s17  }
0x8e: {  	[smem:$0x3FC5] =	sst s2  }
0x8f: {  	_ = 	snop  }
0x90: {  	s2 =	sld [smem:$0x3FC9]  }
0x91: {  	s18 =	sld [smem:$0x3FC8]  }
0x92: {  	s4 =	sld [smem:$0x3FD0];
	(tm) =	ssettm $0x1  }
0x93: {  	s5 =	sld [smem:$0x3FFB];
	_ =	sdelay $0x3  }
0x94: {  	_ =	strace s5  }
0x95: {  	s5 =	sld [smem:$0x3FFC];
	_ =	sdelay $0x3  }
0x96: {  	_ =	strace s5  }
0x97: {  	s5 =	sld [smem:$0x3FFD];
	_ =	sdelay $0x3  }
0x98: {  	_ =	strace s5  }
0x99: {  	_ =	strace $0x8FFFFFFF  }
0x9a: {  	s19 =	sld [smem:$0x3FDB];
	_ =	sdelay $0x1  }
0x9b: {  	s6 =	simm.s32 $_scs_section_size  }
0x9c: {  	s7 =	simm.s32 $_size__tile_overlayer_lowered;
	s8 =	simm.s32 $_tile_overlayer_lowered  }
0x9d: {  	s22 =	simm.s32 $0x1BFF;
	s21 =	sshll.u32 s8, $0x1;
	s5 =	sadd.s32 s6, s19  }
0x9e: {  	s9 =	simm.s32 $0x0;
	s20 =	sshll.u32 s7, $0x1;
	s7 =	sadd.s32 s21, s5  }
0x9f: {  	[timem:s9], [sflag:s22] =	dma.local [hbm:s7], s20  }
0xa0: {  	_ =	swait.ge [sflag:s22], s20  }
0xa1: {  	s6 =	ssub.s32 $0x0, s20;
	[sflag:s22] =	ssyncset.done $0x0  }
0xa2: {  	[sflag:s22] =	ssyncadd.s32 s6;
	_ =	sdelay $0x1  }
0xa3: {  	s23 =	simm.s32 $0x1B8B  }
0xa4: {  	_ =	swait.ge [sflag:s23], $0x1  }
0xa5: {  	[sflag:s23] =	ssyncset.done $0x0  }
0xa6: {  	s25 =	simm.s32 $0x1B8E;
	s24 =	sld [smem:$0x3FFE];
	[sflag:s23] =	ssyncadd.s32 $0xFFFFFFFF  }
0xa7: {  	s26 =	simm.s32 $execute0_lowered;
	[smem:$0x3FD2] =	sst s25  }
0xa8: {  	s7 =	sshll.u32 s26, $0x1;
	_ =	strace $0x80000046;
	[dreg:$0x1] =	wrdreg $0xFFFFFFFF  }
0xa9: {  	s28 =	simm.s32 $_size_execute0_lowered;
	s5 =	sadd.s32 s5, s7;
	[dreg:$0x0] =	wrdreg $0x0  }
0xaa: {  	s7 =	sshll.u32 s28, $0x1;
	[dreg:$0x2] =	wrdreg s5  }
0xab: {  	[dreg:$0x3] =	wrdreg s7  }
0xac: {  	[dreg:$0x4] =	wrdreg $0xC0  }
0xad: {  	_ =	task [dreg:s9], $0x5FFFF  }
0xae: {  	[dreg:$0x1] =	wrdreg $0xFFFFFFFF  }
0xaf: {  	[dreg:$0x0] =	wrdreg $0x60  }
0xb0: {  	[dreg:$0x2] =	wrdreg s2  }
0xb1: {  	[dreg:$0x3] =	wrdreg s18  }
0xb2: {  	[dreg:$0x4] =	wrdreg s4  }
0xb3: {  	[dreg:$0x5] =	wrdreg s24  }
0xb4: {  	[dreg:$0x6] =	wrdreg $0x9  }
0xb5: {  	_ =	task.clear_ibuf [dreg:s9], $0x7FFFF;
	_ =	strace $0x90000046  }
0xb6: {  	s29 =	simm.s32 $0x9;
	_ =	strace $0x80000048  }
0xb7: {  	_ =	swait.ge [sflag:s29], $0x1  }
0xb8: {  	[sflag:s29] =	ssyncadd.s32 $0xFFFFFFFF  }
0xb9: {  	_ =	strace $0x90000048  }
0xba: {  	_ =	sfence  }
0xbb: {  	s30 =	sld [smem:$0x0];
	_ =	sdelay $0x2  }
0xbc: {  	s31 =	sshll.u32 s1, $0xD;
	s1 =	sshrl.u32 s1, $0x2  }
0xbd: {  	s3 =	sand.u32 $0x4000, s31;
	s1 =	sadd.s32 s1, s30  }
0xbe: {  	s0 =	sor.u32 s3, s0;
	s1 =	sshll.u32 s1, $0x11  }
0xbf: {  	s0 =	sor.u32 s1, s0  }
0xc0: {  	s0 =	sadd.s32 $0x8F2B, s0  }
0xc1: {  	[sflag:s0] =	ssyncadd.remote.s32 $0x1  }
0xc2: {  	_ =	sfence.sel $0xFFFF  }
0xc3: {  	[dreg:$0x0] =	wrdreg $0xFFFFFFFF;
	(pc) =	sbr.abs _section_cstart, $3  }
0xc4: {  	[dreg:$0x1] =	wrdreg $0xFFFFFFFF  }
0xc5: {  	_ =	task.clear_ibuf [dreg:s9], $0x2FFFF;
	_ =	strace $0x9FFFFFFF  }
0xc6: {  	(tm) =	ssettm $0x7FFFFFFF  }
0xc7: {  	_ =	shalt  }
tec
execute0_lowered:
.L_overlay_start_1:
0x0: {  	(tag) =	ssettag $0x1  }
0x1: {  	s0 =	srdreg.scid;
	s1 =	stileid.u32  }
0x2: {  	s0 =	sand.u32 $0x1, s0;
	s1 =	sshll.u32 s1, $0x1  }
0x3: {  	s10 =	sor.u32 s0, s1  }
0x4: {  	s1 =	smul.u32 $0x30D40, s10;
	_ =	sdelay $0x1  }
0x5: {  	s9 =	sshrl.u32 s1, $0x3  }
0x6: {  	s8 =	rddreg [dreg:$0x0];
	s0 =	ssub.s32 $0x2, s0;
	s2 =	sadd.s32 $0x4E2, s9  }
0x7: {  	s11 =	rddreg [dreg:$0x1];
	s20 =	sshrl.u32 s0, $0x1;
	s21 =	sadd.s32 s8, s2  }
0x8: {  	s22 =	sadd.s32 $0x9C4, s9;
	s23 =	sadd.s32 s11, s2;
	[dreg:$0x5] =	wrdreg s21  }
0x9: {  	s15 =	ssub.s32 s0, s20;
	s24 =	sadd.s32 s8, s22;
	[dreg:$0x6] =	wrdreg s23  }
0xa: {  	s25 =	sadd.s32 $0xEA6, s9;
	s0 =	sadd.s32 s11, s22;
	[dreg:$0x7] =	wrdreg s24  }
0xb: {  	s15 =	smax.u32 s15, $0x1;
	s26 =	sadd.s32 s8, s25;
	[dreg:$0x8] =	wrdreg s0  }
0xc: {  	s28 =	sadd.s32 $0x1388, s9;
	s1 =	sadd.s32 s11, s25;
	[dreg:$0x9] =	wrdreg s26  }
0xd: {  	s30 =	sadd.s32 $0x186A, s9;
	s29 =	sadd.s32 s8, s28;
	[dreg:$0xa] =	wrdreg s1  }
0xe: {  	s4 =	sadd.s32 $0x222E, s9;
	s31 =	sadd.s32 s8, s30;
	[dreg:$0xb] =	wrdreg s29  }
0xf: {  	s6 =	sadd.s32 $0x2710, s9;
	s5 =	sadd.s32 s8, s4;
	[dreg:$0xd] =	wrdreg s31  }
0x10: {  	s12 =	sadd.s32 $0x2BF2, s9;
	s7 =	sadd.s32 s8, s6;
	[dreg:$0x11] =	wrdreg s5  }
0x11: {  	s14 =	sadd.s32 $0x30D4, s9;
	s13 =	sadd.s32 s8, s12;
	[dreg:$0x13] =	wrdreg s7  }
0x12: {  	s17 =	sadd.s32 $0x35B6, s9;
	s16 =	sadd.s32 s8, s14;
	[dreg:$0x15] =	wrdreg s13  }
0x13: {  	s19 =	sadd.s32 $0x3A98, s9;
	s18 =	sadd.s32 s8, s17;
	[dreg:$0x17] =	wrdreg s16  }
0x14: {  	s2 =	sadd.s32 $0x1D4C, s9;
	s20 =	sadd.s32 s8, s19;
	[dreg:$0x19] =	wrdreg s18  }
0x15: {  	s25 =	sadd.s32 $0x493E, s9;
	s0 =	sadd.s32 s11, s28;
	[dreg:$0x1b] =	wrdreg s20  }
0x16: {  	s1 =	sadd.s32 s11, s30;
	s3 =	sadd.s32 s8, s2;
	s13 =	rddreg [dreg:$0x2]  }
0x17: {  	s21 =	sadd.s32 $0x3F7A, s9;
	s23 =	sadd.s32 $0x445C, s9;
	s31 =	rddreg [dreg:$0x3]  }
0x18: {  	s26 =	sadd.s32 s8, s25;
	s28 =	sadd.s32 $0x4E20, s9;
	[dreg:$0xc] =	wrdreg s0  }
0x19: {  	s29 =	sadd.s32 s11, s25;
	s5 =	sadd.s32 $0x57E4, s9;
	[dreg:$0xe] =	wrdreg s1  }
0x1a: {  	s7 =	sadd.s32 s11, s9;
	s18 =	simm.s32 $0x5;
	[dreg:$0xf] =	wrdreg s3  }
0x1b: {  	s20 =	simm.s32 $0x7530;
	s25 =	simm.s32 $0x0;
	[smem:$0x7FB] =	sst s26  }
0x1c: {  	s0 =	sadd.s32 s11, s2;
	s1 =	sadd.s32 s11, s4;
	[smem:$0x7FC] =	sst s29  }
0x1d: {  	s22 =	sadd.s32 s8, s21;
	s24 =	sadd.s32 s8, s23;
	[dreg:$0x10] =	wrdreg s0  }
0x1e: {  	s30 =	sadd.s32 s8, s28;
	s3 =	sadd.s32 $0x5302, s9;
	[dreg:$0x12] =	wrdreg s1  }
0x1f: {  	s4 =	sadd.s32 s8, s5;
	s5 =	sadd.s32 s11, s5;
	[dreg:$0x1d] =	wrdreg s22  }
0x20: {  	s16 =	sadd.s32 $0x400, s31;
	s0 =	sadd.s32 s11, s6;
	[dreg:$0x1f] =	wrdreg s24  }
0x21: {  	s1 =	sadd.s32 s11, s12;
	[smem:$0x7FD] =	sst s30;
	s2 =	sadd.s32 s8, s3  }
0x22: {  	s3 =	sadd.s32 s11, s3;
	s6 =	sadd.s32 s8, s9;
	[dreg:$0x14] =	wrdreg s0  }
0x23: {  	s9 =	sadd.s32 $0x5CC6, s9;
	s22 =	simm.s32 $0x2;
	[dreg:$0x16] =	wrdreg s1  }
0x24: {  	s0 =	sadd.s32 s11, s14;
	s1 =	sadd.s32 s11, s17;
	s8 =	sadd.s32 s8, s9  }
0x25: {  	s9 =	sadd.s32 s11, s9;
	s14 =	sshll.u32 s10, $0x2;
	[dreg:$0x18] =	wrdreg s0  }
0x26: {  	s10 =	simm.s32 $0x0;
	s17 =	simm.s32 $0x3;
	[dreg:$0x1a] =	wrdreg s1  }
0x27: {  	s0 =	sadd.s32 s11, s19;
	s1 =	sadd.s32 s11, s21;
	[smem:$0x7FF] =	sst s10  }
0x28: {  	s12 =	sadd.s32 s16, s14;
	s19 =	simm.s32 $0x2710;
	[dreg:$0x1c] =	wrdreg s0  }
0x29: {  	s21 =	simm.s32 $0x1;
	[dreg:$0x1e] =	wrdreg s1;
	s0 =	sadd.s32 s11, s23  }
0x2a: {  	s1 =	sadd.s32 s11, s28;
	s11 =	sadd.s32 s13, s14;
	s14 =	sor.u32 $0x2, s14  }
0x2b: {  	s23 =	simm.s32 $0x4;
	[smem:$0x7FA] =	sst s0;
	s13 =	sadd.s32 s13, s14  }
0x2c: {  	v0 =	vlaneseq.u32;
	s14 =	sadd.s32 s16, s14;
	s16 =	simm.s32 $0x4E20;
	_ =	strace $0x80000047  }
.LBB2_1:
0x2d: {  	[tilespmem:s10], [sflag:$0x1] =	stream.linear.gather [hbm4b:s6+s10], $0x2710, $0x38;
	[tilespmem:$0x9C60] =	vst v63  }
0x2e: {  	_ = 	snop  }
0x2f: {  	[tilespmem:s16], [sflag:$0x3] =	stream.linear.gather [hbm4b:s7+s10], $0x2710, $0x38;
	[tilespmem:$0x9C60] =	vst v63  }
0x30: {  	s0 =	simm.s32 $0x9C40  }
0x31: {  	[tilespmem:s0], [sflag:$0x5] =	stream.linear.gather [hbm4b:s11+s10], $0x10, $0x38;
	[tilespmem:$0x9C60] =	vst v63  }
0x32: {  	_ =	swait.ge [sflag:s18], $0x10  }
0x33: {  	[sflag:s18] =	ssyncset.done $0x0  }
0x34: {  	s24 =	rddreg [dreg:$0x5];
	[sflag:s18] =	ssyncadd.s32 $0xFFFFFFF0  }
0x35: {  	v1 =	vld [tilespmem:$0x9C40];
	[tilespmem:s19], [sflag:$0x2] =	stream.linear.gather [hbm4b:s24+s10], $0x2710, $0x38  }
0x36: {  	s26 =	rddreg [dreg:$0x6]  }
0x37: {  	[tilespmem:s20], [sflag:$0x4] =	stream.linear.gather [hbm4b:s26+s10], $0x2710, $0x38;
	[tilespmem:$0x9C60] =	vst v63  }
0x38: {  	_ =	swait.ge [sflag:s21], $0x2710  }
0x39: {  	[sflag:s21] =	ssyncset.done $0x0  }
0x3a: {  	[sflag:s21] =	ssyncadd.s32 $0xFFFFD8F0  }
0x3b: {  	_ =	swait.ge [sflag:s17], $0x2710  }
0x3c: {  	[sflag:s17] =	ssyncset.done $0x0  }
0x3d: {  	s24 =	simm.s32 $0x4E40;
	[sflag:s17] =	ssyncadd.s32 $0xFFFFD8F0  }
0x3e: {  	v2 =	vld [tilespmem:s24+$0xFFFFFFE0]  }
0x3f: {  	s26 =	simm.s32 $0x20;
	v3 =	vld [tilespmem:s24+$0xFFFFFFF0]  }
0x40: {  	v4 =	vld [tilespmem:s26+$0xFFFFFFE0]  }
0x41: {  	v5 =	vld [tilespmem:s26+$0xFFFFFFF0]  }
0x42: {  	v6 =	vld [tilespmem:s26+$0x0]  }
0x43: {  	v7 =	vld [tilespmem:s26+$0x10]  }
0x44: {  	v8 =	vld [tilespmem:s24+$0x0]  }
0x45: {  	v10 =	vld [tilespmem:s24+$0x10]  }
0x46: {  	s28 =	simm.s32 $0x4E80  }
0x47: {  	v9 =	vld [tilespmem:s28+$0xFFFFFFE0];
	v4 =	vmul.f32 v4, v1;
	v11 =	vmul.f32 v5, v1  }
0x48: {  	s29 =	simm.s32 $0x60;
	v5 =	vld [tilespmem:s28+$0xFFFFFFF0];
	v6 =	vmul.f32 v6, v1;
	v12 =	vmul.f32 v7, v1;
	v7 =	vimm.f32 $-Inf  }
0x49: {  	v14 =	vld [tilespmem:s29+$0xFFFFFFE0];
	v2 =	vadd.f32 v2, v4;
	v4 =	vimm.s32 $0x0;
	v16 =	vadd.f32 v3, v11  }
0x4a: {  	v13 =	vld [tilespmem:s29+$0xFFFFFFF0];
	v18 =	vadd.f32 v8, v6;
	v17 =	vadd.f32 v10, v12;
	v11 =	vimm.f32 $-Inf  }
0x4b: {  	s31 =	simm.s32 $0x0;
	v15 =	vld [tilespmem:s29+$0x10];
	v12 =	vimm.f32 $-Inf;
	v8 =	vimm.s32 $0x0;
	vm0 =	vgt.f32 v2, v7  }
0x4c: {  	s30 =	simm.s32 $0xB0;
	s24 =	simm.s32 $0x30;
	s26 =	simm.s32 $0x70;
	v10 =	vld [tilespmem:s29+$0x0];
	v6 =	vimm.s32 $0x0;
	v3 =	vsel vm0, v2, v7;
	v2 =	vsel vm0, s31, v4  }
.LBB2_2:
0x4d: {  	p0 =	sne.s32 s30, $0x26F0;
	v19 =	vld [tilespmem:s28+$0x0];
	vm0 =	vgt.f32 v16, v7;
	vm1 =	vgt.f32 v18, v11;
	vm2 =	vgt.f32 v17, v12;
	v20 =	vmovc v5  }
0x4e: {  	s31 =	sadd.s32 $0xFFFFFFE0, s24;
	s0 =	sadd.s32 $0xFFFFFFF0, s24;
	v21 =	vld [tilespmem:s28+$0x10];
	s28 =	sadd.s32 $0x40, s28;
	v7 =	vsel vm0, v16, v7;
	v11 =	vsel vm1, v18, v11;
	v12 =	vsel vm2, v17, v12  }
0x4f: {  	v16 =	vmul.f32 v14, v1;
	v4 =	vsel vm0, s31, v4;
	v8 =	vsel vm1, s0, v8;
	v22 =	vld [tilespmem:s28+$0xFFFFFFE0]  }
.Ltmp0:
0x50: {  	s29 =	sadd.s32 $0x40, s29;
	v6 =	vsel vm2, s24, v6;
	s24 =	smov.u32 s26;
	v17 =	vmul.f32 v13, v1;
	v5 =	vld [tilespmem:s28+$0xFFFFFFF0];
	(pc) =	sbr.rel @p0 .LBB2_2-.Ltmp0, $4  }
0x51: {  	s26 =	smov.u32 s30;
	v23 =	vadd.f32 v9, v16;
	v18 =	vmul.f32 v10, v1;
	v14 =	vld [tilespmem:s29+$0xFFFFFFE0];
	v15 =	vmul.f32 v15, v1  }
0x52: {  	v16 =	vadd.f32 v20, v17;
	v13 =	vld [tilespmem:s29+$0xFFFFFFF0]  }
0x53: {  	s0 =	sadd.s32 $0xFFFFFFD0, s24;
	vm0 =	vgt.f32 v23, v3;
	v18 =	vadd.f32 v19, v18;
	v10 =	vld [tilespmem:s29+$0x0];
	v17 =	vadd.f32 v21, v15  }
0x54: {  	s30 =	sadd.s32 $0x40, s30;
	v3 =	vsel vm0, v23, v3;
	v2 =	vsel vm0, s0, v2;
	v15 =	vld [tilespmem:s29+$0x10];
	v9 =	vmov v22  }
0x55: {  	v19 =	vld [tilespmem:s28+$0x0];
	s0 =	rddreg [dreg:$0x7]  }
0x56: {  	v20 =	vld [tilespmem:s28+$0x10];
	[tilespmem:s10], [sflag:$0x1] =	stream.linear.gather [hbm4b:s0+s10], $0x2710, $0x38  }
0x57: {  	s31 =	rddreg [dreg:$0x8]  }
0x58: {  	[tilespmem:s16], [sflag:$0x3] =	stream.linear.gather [hbm4b:s31+s10], $0x2710, $0x38;
	[tilespmem:$0x9C60] =	vst v63  }
0x59: {  	_ =	swait.ge [sflag:s22], $0x2710  }
0x5a: {  	[sflag:s22] =	ssyncset.done $0x0  }
0x5b: {  	[sflag:s22] =	ssyncadd.s32 $0xFFFFD8F0  }
0x5c: {  	_ =	swait.ge [sflag:s23], $0x2710  }
0x5d: {  	[sflag:s23] =	ssyncset.done $0x0  }
0x5e: {  	s0 =	simm.s32 $0x7560;
	[sflag:s23] =	ssyncadd.s32 $0xFFFFD8F0  }
0x5f: {  	vm0 =	vgt.f32 v16, v7;
	vm1 =	vgt.f32 v18, v11;
	vm2 =	vgt.f32 v17, v12;
	v21 =	vld [tilespmem:s0+$0xFFFFFFD0]  }
0x60: {  	s28 =	simm.s32 $0x2740;
	s29 =	sadd.s32 $0xFFFFFFE0, s24;
	v7 =	vsel vm0, v16, v7;
	v14 =	vmul.f32 v14, v1;
	v11 =	vsel vm1, v18, v11;
	v16 =	vld [tilespmem:s0+$0xFFFFFFE0]  }
0x61: {  	v12 =	vsel vm2, v17, v12;
	v4 =	vsel vm0, s29, v4;
	v13 =	vmul.f32 v13, v1;
	v18 =	vld [tilespmem:s28+$0xFFFFFFD0]  }
0x62: {  	s29 =	sadd.s32 $0xFFFFFFF0, s24;
	v9 =	vadd.f32 v9, v14;
	v10 =	vmul.f32 v10, v1;
	v15 =	vmul.f32 v15, v1;
	v14 =	vld [tilespmem:s28+$0xFFFFFFE0]  }
0x63: {  	v22 =	vsel vm2, s24, v6;
	v8 =	vsel vm1, s29, v8;
	v5 =	vadd.f32 v5, v13;
	v13 =	vld [tilespmem:s28+$0xFFFFFFF0]  }
0x64: {  	s31 =	sadd.s32 $0xFFFFFFD0, s26;
	vm11 =	vgt.f32 v9, v3;
	v17 =	vadd.f32 v19, v10;
	v15 =	vadd.f32 v20, v15;
	v19 =	vld [tilespmem:s28+$0x0]  }
0x65: {  	v9 =	vsel vm11, v9, v3;
	v23 =	vsel vm11, s31, v2;
	vm12 =	vgt.f32 v5, v7;
	v20 =	vld [tilespmem:s0+$0xFFFFFFF0]  }
0x66: {  	s24 =	sadd.s32 $0xFFFFFFE0, s26;
	s29 =	simm.s32 $0x2780;
	vm13 =	vgt.f32 v17, v11;
	v7 =	vsel vm12, v5, v7;
	vm14 =	vgt.f32 v15, v12;
	v24 =	vld [tilespmem:s0+$0x0]  }
0x67: {  	s31 =	sadd.s32 $0xFFFFFFF0, s26;
	v3 =	vsel vm12, s24, v4;
	v5 =	vsel vm14, v15, v12;
	s28 =	simm.s32 $0x75A0;
	v15 =	vld [tilespmem:s29+$0xFFFFFFD0];
	v2 =	vmul.f32 v18, v1  }
0x68: {  	v6 =	vsel vm13, v17, v11;
	v4 =	vsel vm13, s31, v8;
	v11 =	vld [tilespmem:s28+$0xFFFFFFE0];
	v12 =	vmul.f32 v14, v1  }
0x69: {  	v10 =	vld [tilespmem:s28+$0xFFFFFFD0];
	v14 =	vmul.f32 v13, v1;
	v8 =	vmul.f32 v19, v1;
	v21 =	vadd.f32 v21, v2  }
0x6a: {  	v13 =	vld [tilespmem:s29+$0xFFFFFFE0];
	v17 =	vadd.f32 v16, v12  }
0x6b: {  	s24 =	simm.s32 $0x2710;
	v12 =	vld [tilespmem:s29+$0xFFFFFFF0];
	v18 =	vadd.f32 v20, v14;
	v16 =	vadd.f32 v24, v8;
	vm15 =	vgt.f32 v21, v9  }
0x6c: {  	s30 =	simm.s32 $0x2790;
	v2 =	vsel vm14, s26, v22;
	s26 =	simm.s32 $0x2750;
	v14 =	vld [tilespmem:s29+$0x0];
	v9 =	vsel vm15, v21, v9;
	v8 =	vsel vm15, s24, v23  }
.LBB2_4:
0x6d: {  	p0 =	sne.s32 s30, $0x4DD0;
	v19 =	vld [tilespmem:s28+$0xFFFFFFF0];
	vm0 =	vgt.f32 v17, v7;
	vm1 =	vgt.f32 v18, v6;
	vm2 =	vgt.f32 v16, v5;
	v20 =	vmovc v11  }
0x6e: {  	s0 =	sadd.s32 $0x10, s24;
	s31 =	sadd.s32 $0x20, s24;
	v21 =	vld [tilespmem:s28+$0x0];
	s28 =	sadd.s32 $0x40, s28;
	v7 =	vsel vm0, v17, v7;
	v6 =	vsel vm1, v18, v6;
	v5 =	vsel vm2, v16, v5  }
0x6f: {  	v16 =	vmul.f32 v15, v1;
	v3 =	vsel vm0, s0, v3;
	v4 =	vsel vm1, s31, v4;
	s0 =	sadd.s32 $0x30, s24;
	s24 =	smov.u32 s26;
	s26 =	smov.u32 s30;
	v22 =	vld [tilespmem:s28+$0xFFFFFFD0]  }
.Ltmp1:
0x70: {  	s29 =	sadd.s32 $0x40, s29;
	v17 =	vmul.f32 v13, v1;
	v2 =	vsel vm2, s0, v2;
	v11 =	vld [tilespmem:s28+$0xFFFFFFE0];
	(pc) =	sbr.rel @p0 .LBB2_4-.Ltmp1, $4  }
0x71: {  	v23 =	vadd.f32 v10, v16;
	v16 =	vmul.f32 v12, v1;
	v15 =	vld [tilespmem:s29+$0xFFFFFFD0];
	v14 =	vmul.f32 v14, v1  }
0x72: {  	v17 =	vadd.f32 v20, v17;
	v13 =	vld [tilespmem:s29+$0xFFFFFFE0]  }
0x73: {  	vm0 =	vgt.f32 v23, v9;
	v18 =	vadd.f32 v19, v16;
	v12 =	vld [tilespmem:s29+$0xFFFFFFF0];
	v16 =	vadd.f32 v21, v14  }
0x74: {  	s30 =	sadd.s32 $0x40, s30;
	v9 =	vsel vm0, v23, v9;
	v8 =	vsel vm0, s24, v8;
	v14 =	vld [tilespmem:s29+$0x0];
	v10 =	vmov v22  }
0x75: {  	v19 =	vld [tilespmem:s28+$0xFFFFFFF0];
	s0 =	rddreg [dreg:$0x9]  }
0x76: {  	v20 =	vld [tilespmem:s28+$0x0];
	[tilespmem:s19], [sflag:$0x2] =	stream.linear.gather [hbm4b:s0+s10], $0x2710, $0x38  }
0x77: {  	s31 =	rddreg [dreg:$0xa]  }
0x78: {  	[tilespmem:s20], [sflag:$0x4] =	stream.linear.gather [hbm4b:s31+s10], $0x2710, $0x38;
	[tilespmem:$0x9C60] =	vst v63  }
0x79: {  	_ =	swait.ge [sflag:s21], $0x2710  }
0x7a: {  	[sflag:s21] =	ssyncset.done $0x0  }
0x7b: {  	[sflag:s21] =	ssyncadd.s32 $0xFFFFD8F0  }
0x7c: {  	_ =	swait.ge [sflag:s17], $0x2710  }
0x7d: {  	[sflag:s17] =	ssyncset.done $0x0  }
0x7e: {  	s0 =	simm.s32 $0x4E40;
	[sflag:s17] =	ssyncadd.s32 $0xFFFFD8F0  }
0x7f: {  	vm0 =	vgt.f32 v17, v7;
	v21 =	vld [tilespmem:s0+$0xFFFFFFE0]  }
0x80: {  	vm1 =	vgt.f32 v18, v6;
	s28 =	simm.s32 $0x20;
	v7 =	vsel vm0, v17, v7;
	v15 =	vmul.f32 v15, v1;
	v17 =	vld [tilespmem:s0+$0xFFFFFFF0]  }
0x81: {  	vm2 =	vgt.f32 v16, v5;
	v6 =	vsel vm1, v18, v6;
	v13 =	vmul.f32 v13, v1;
	v18 =	vld [tilespmem:s28+$0xFFFFFFE0]  }
0x82: {  	s29 =	sadd.s32 $0x10, s24;
	v5 =	vsel vm2, v16, v5;
	v10 =	vadd.f32 v10, v15;
	v12 =	vmul.f32 v12, v1;
	v15 =	vld [tilespmem:s28+$0xFFFFFFF0]  }
0x83: {  	v3 =	vsel vm0, s29, v3;
	s29 =	sadd.s32 $0x20, s24;
	v14 =	vmul.f32 v14, v1;
	v11 =	vadd.f32 v11, v13;
	v13 =	vld [tilespmem:s28+$0x0]  }
0x84: {  	v16 =	vsel vm1, s29, v4;
	s31 =	sadd.s32 $0x30, s24;
	vm11 =	vgt.f32 v10, v9;
	v4 =	vadd.f32 v19, v12;
	v12 =	vld [tilespmem:s28+$0x10]  }
0x85: {  	v19 =	vsel vm2, s31, v2;
	v2 =	vadd.f32 v20, v14;
	vm12 =	vgt.f32 v11, v7;
	v14 =	vld [tilespmem:s0+$0x0]  }
0x86: {  	v9 =	vsel vm11, v10, v9;
	vm13 =	vgt.f32 v4, v6;
	v7 =	vsel vm12, v11, v7;
	v20 =	vld [tilespmem:s0+$0x10];
	s28 =	simm.s32 $0x4E80  }
0x87: {  	s24 =	sadd.s32 $0x20, s26;
	vm14 =	vgt.f32 v2, v5;
	v6 =	vsel vm13, v4, v6;
	v10 =	vld [tilespmem:s28+$0xFFFFFFE0];
	v18 =	vmul.f32 v18, v1  }
0x88: {  	s29 =	simm.s32 $0x60;
	v4 =	vsel vm14, v2, v5;
	v5 =	vsel vm13, s24, v16;
	v11 =	vld [tilespmem:s28+$0xFFFFFFF0];
	v22 =	vmul.f32 v15, v1  }
0x89: {  	s31 =	sadd.s32 $0x10, s26;
	v15 =	vld [tilespmem:s29+$0xFFFFFFE0];
	v16 =	vmul.f32 v12, v1;
	v21 =	vadd.f32 v21, v18;
	v18 =	vmul.f32 v13, v1  }
0x8a: {  	v8 =	vsel vm11, s26, v8;
	v2 =	vsel vm12, s31, v3;
	v12 =	vld [tilespmem:s29+$0x0];
	v17 =	vadd.f32 v17, v22  }
0x8b: {  	s31 =	sadd.s32 $0x30, s26;
	s24 =	simm.s32 $0x4E20;
	v13 =	vld [tilespmem:s29+$0xFFFFFFF0];
	v16 =	vadd.f32 v20, v16;
	vm15 =	vgt.f32 v21, v9;
	v18 =	vadd.f32 v14, v18  }
0x8c: {  	s30 =	simm.s32 $0x4EA0;
	s26 =	simm.s32 $0x4E60;
	v3 =	vsel vm14, s31, v19;
	v14 =	vld [tilespmem:s29+$0x10];
	v9 =	vsel vm15, v21, v9;
	v8 =	vsel vm15, s24, v8  }
.LBB2_6:
0x8d: {  	p0 =	sne.s32 s30, $0x74E0;
	v19 =	vld [tilespmem:s28+$0x0];
	vm0 =	vgt.f32 v17, v7;
	vm1 =	vgt.f32 v18, v6;
	vm2 =	vgt.f32 v16, v4;
	v20 =	vmovc v11  }
0x8e: {  	s0 =	sadd.s32 $0x10, s24;
	s31 =	sadd.s32 $0x20, s24;
	v21 =	vld [tilespmem:s28+$0x10];
	s28 =	sadd.s32 $0x40, s28;
	v7 =	vsel vm0, v17, v7;
	v6 =	vsel vm1, v18, v6;
	v4 =	vsel vm2, v16, v4  }
0x8f: {  	v16 =	vmul.f32 v15, v1;
	v2 =	vsel vm0, s0, v2;
	v5 =	vsel vm1, s31, v5;
	s0 =	sadd.s32 $0x30, s24;
	s24 =	smov.u32 s26;
	s26 =	smov.u32 s30;
	v22 =	vld [tilespmem:s28+$0xFFFFFFE0]  }
.Ltmp2:
0x90: {  	s29 =	sadd.s32 $0x40, s29;
	v17 =	vmul.f32 v13, v1;
	v3 =	vsel vm2, s0, v3;
	v11 =	vld [tilespmem:s28+$0xFFFFFFF0];
	(pc) =	sbr.rel @p0 .LBB2_6-.Ltmp2, $4  }
0x91: {  	v23 =	vadd.f32 v10, v16;
	v16 =	vmul.f32 v12, v1;
	v15 =	vld [tilespmem:s29+$0xFFFFFFE0];
	v14 =	vmul.f32 v14, v1  }
0x92: {  	v17 =	vadd.f32 v20, v17;
	v13 =	vld [tilespmem:s29+$0xFFFFFFF0]  }
0x93: {  	vm0 =	vgt.f32 v23, v9;
	v18 =	vadd.f32 v19, v16;
	v12 =	vld [tilespmem:s29+$0x0];
	v16 =	vadd.f32 v21, v14  }
0x94: {  	s30 =	sadd.s32 $0x40, s30;
	v9 =	vsel vm0, v23, v9;
	v8 =	vsel vm0, s24, v8;
	v14 =	vld [tilespmem:s29+$0x10];
	v10 =	vmov v22  }
0x95: {  	v19 =	vld [tilespmem:s28+$0x0];
	s0 =	rddreg [dreg:$0xb]  }
0x96: {  	v20 =	vld [tilespmem:s28+$0x10];
	[tilespmem:s10], [sflag:$0x1] =	stream.linear.gather [hbm4b:s0+s10], $0x2710, $0x38  }
0x97: {  	s31 =	rddreg [dreg:$0xc]  }
0x98: {  	[tilespmem:s16], [sflag:$0x3] =	stream.linear.gather [hbm4b:s31+s10], $0x2710, $0x38;
	[tilespmem:$0x9C60] =	vst v63  }
0x99: {  	_ =	swait.ge [sflag:s22], $0x2710  }
0x9a: {  	[sflag:s22] =	ssyncset.done $0x0  }
0x9b: {  	[sflag:s22] =	ssyncadd.s32 $0xFFFFD8F0  }
0x9c: {  	_ =	swait.ge [sflag:s23], $0x2710  }
0x9d: {  	[sflag:s23] =	ssyncset.done $0x0  }
0x9e: {  	s0 =	simm.s32 $0x7560;
	[sflag:s23] =	ssyncadd.s32 $0xFFFFD8F0  }
0x9f: {  	vm0 =	vgt.f32 v17, v7;
	v21 =	vld [tilespmem:s0+$0xFFFFFFD0]  }
0xa0: {  	vm1 =	vgt.f32 v18, v6;
	s28 =	simm.s32 $0x2740;
	v7 =	vsel vm0, v17, v7;
	v15 =	vmul.f32 v15, v1;
	v17 =	vld [tilespmem:s0+$0xFFFFFFE0]  }
0xa1: {  	vm2 =	vgt.f32 v16, v4;
	v6 =	vsel vm1, v18, v6;
	v13 =	vmul.f32 v13, v1;
	v18 =	vld [tilespmem:s28+$0xFFFFFFD0]  }
0xa2: {  	s29 =	sadd.s32 $0x10, s24;
	v4 =	vsel vm2, v16, v4;
	v10 =	vadd.f32 v10, v15;
	v12 =	vmul.f32 v12, v1;
	v15 =	vld [tilespmem:s28+$0xFFFFFFE0]  }
0xa3: {  	v2 =	vsel vm0, s29, v2;
	s29 =	sadd.s32 $0x20, s24;
	v14 =	vmul.f32 v14, v1;
	v11 =	vadd.f32 v11, v13;
	v13 =	vld [tilespmem:s28+$0xFFFFFFF0]  }
0xa4: {  	v5 =	vsel vm1, s29, v5;
	s31 =	sadd.s32 $0x30, s24;
	vm11 =	vgt.f32 v10, v9;
	v12 =	vadd.f32 v19, v12;
	v16 =	vld [tilespmem:s28+$0x0]  }
0xa5: {  	v3 =	vsel vm2, s31, v3;
	v14 =	vadd.f32 v20, v14;
	v9 =	vsel vm11, v10, v9;
	v19 =	vld [tilespmem:s0+$0xFFFFFFF0]  }
0xa6: {  	v8 =	vsel vm11, s26, v8;
	vm12 =	vgt.f32 v11, v7;
	vm13 =	vgt.f32 v12, v6;
	v20 =	vld [tilespmem:s0+$0x0];
	s28 =	simm.s32 $0x75A0  }
0xa7: {  	v7 =	vsel vm12, v11, v7;
	vm14 =	vgt.f32 v14, v4;
	v10 =	vld [tilespmem:s28+$0xFFFFFFD0];
	v18 =	vmul.f32 v18, v1  }
0xa8: {  	s29 =	simm.s32 $0x2780;
	v6 =	vsel vm13, v12, v6;
	v4 =	vsel vm14, v14, v4;
	v11 =	vld [tilespmem:s28+$0xFFFFFFE0];
	v12 =	vmul.f32 v15, v1  }
0xa9: {  	s24 =	sadd.s32 $0x20, s26;
	s31 =	sadd.s32 $0x10, s26;
	v15 =	vld [tilespmem:s29+$0xFFFFFFD0];
	v14 =	vmul.f32 v13, v1;
	v16 =	vmul.f32 v16, v1;
	v21 =	vadd.f32 v21, v18  }
0xaa: {  	v2 =	vsel vm12, s31, v2;
	v5 =	vsel vm13, s24, v5;
	v13 =	vld [tilespmem:s29+$0xFFFFFFE0];
	v17 =	vadd.f32 v17, v12  }
0xab: {  	s31 =	sadd.s32 $0x30, s26;
	s24 =	simm.s32 $0x7530;
	v12 =	vld [tilespmem:s29+$0xFFFFFFF0];
	v18 =	vadd.f32 v19, v14;
	v16 =	vadd.f32 v20, v16;
	vm15 =	vgt.f32 v21, v9  }
0xac: {  	s30 =	simm.s32 $0x75B0;
	s26 =	simm.s32 $0x7570;
	v3 =	vsel vm14, s31, v3;
	v14 =	vld [tilespmem:s29+$0x0];
	v9 =	vsel vm15, v21, v9;
	v8 =	vsel vm15, s24, v8  }
.LBB2_8:
0xad: {  	p0 =	sne.s32 s30, $0x9BF0;
	v19 =	vld [tilespmem:s28+$0xFFFFFFF0];
	vm0 =	vgt.f32 v17, v7;
	vm1 =	vgt.f32 v18, v6;
	vm2 =	vgt.f32 v16, v4;
	v20 =	vmovc v11  }
0xae: {  	s0 =	sadd.s32 $0x10, s24;
	s31 =	sadd.s32 $0x20, s24;
	v21 =	vld [tilespmem:s28+$0x0];
	s28 =	sadd.s32 $0x40, s28;
	v7 =	vsel vm0, v17, v7;
	v6 =	vsel vm1, v18, v6;
	v4 =	vsel vm2, v16, v4  }
0xaf: {  	v16 =	vmul.f32 v15, v1;
	v2 =	vsel vm0, s0, v2;
	v5 =	vsel vm1, s31, v5;
	s0 =	sadd.s32 $0x30, s24;
	s24 =	smov.u32 s26;
	s26 =	smov.u32 s30;
	v22 =	vld [tilespmem:s28+$0xFFFFFFD0]  }
.Ltmp3:
0xb0: {  	s29 =	sadd.s32 $0x40, s29;
	v17 =	vmul.f32 v13, v1;
	v3 =	vsel vm2, s0, v3;
	v11 =	vld [tilespmem:s28+$0xFFFFFFE0];
	(pc) =	sbr.rel @p0 .LBB2_8-.Ltmp3, $4  }
0xb1: {  	v23 =	vadd.f32 v10, v16;
	v16 =	vmul.f32 v12, v1;
	v15 =	vld [tilespmem:s29+$0xFFFFFFD0];
	v14 =	vmul.f32 v14, v1  }
0xb2: {  	v17 =	vadd.f32 v20, v17;
	v13 =	vld [tilespmem:s29+$0xFFFFFFE0]  }
0xb3: {  	vm0 =	vgt.f32 v23, v9;
	v18 =	vadd.f32 v19, v16;
	v12 =	vld [tilespmem:s29+$0xFFFFFFF0];
	v16 =	vadd.f32 v21, v14  }
0xb4: {  	s30 =	sadd.s32 $0x40, s30;
	v9 =	vsel vm0, v23, v9;
	v8 =	vsel vm0, s24, v8;
	v14 =	vld [tilespmem:s29+$0x0];
	v10 =	vmov v22  }
0xb5: {  	v19 =	vld [tilespmem:s28+$0xFFFFFFF0];
	s0 =	rddreg [dreg:$0xd]  }
0xb6: {  	v20 =	vld [tilespmem:s28+$0x0];
	[tilespmem:s19], [sflag:$0x2] =	stream.linear.gather [hbm4b:s0+s10], $0x2710, $0x38  }
0xb7: {  	s31 =	rddreg [dreg:$0xe]  }
0xb8: {  	[tilespmem:s20], [sflag:$0x4] =	stream.linear.gather [hbm4b:s31+s10], $0x2710, $0x38;
	[tilespmem:$0x9C60] =	vst v63  }
0xb9: {  	_ =	swait.ge [sflag:s21], $0x2710  }
0xba: {  	[sflag:s21] =	ssyncset.done $0x0  }
0xbb: {  	[sflag:s21] =	ssyncadd.s32 $0xFFFFD8F0  }
0xbc: {  	_ =	swait.ge [sflag:s17], $0x2710  }
0xbd: {  	[sflag:s17] =	ssyncset.done $0x0  }
0xbe: {  	s0 =	simm.s32 $0x4E40;
	[sflag:s17] =	ssyncadd.s32 $0xFFFFD8F0  }
0xbf: {  	vm0 =	vgt.f32 v17, v7;
	v21 =	vld [tilespmem:s0+$0xFFFFFFE0]  }
0xc0: {  	vm1 =	vgt.f32 v18, v6;
	s28 =	simm.s32 $0x20;
	v7 =	vsel vm0, v17, v7;
	v15 =	vmul.f32 v15, v1;
	v17 =	vld [tilespmem:s0+$0xFFFFFFF0]  }
0xc1: {  	vm2 =	vgt.f32 v16, v4;
	v6 =	vsel vm1, v18, v6;
	v13 =	vmul.f32 v13, v1;
	v18 =	vld [tilespmem:s28+$0xFFFFFFE0]  }
0xc2: {  	s29 =	sadd.s32 $0x10, s24;
	v4 =	vsel vm2, v16, v4;
	v10 =	vadd.f32 v10, v15;
	v12 =	vmul.f32 v12, v1;
	v15 =	vld [tilespmem:s28+$0xFFFFFFF0]  }
0xc3: {  	v2 =	vsel vm0, s29, v2;
	s29 =	sadd.s32 $0x20, s24;
	v14 =	vmul.f32 v14, v1;
	v11 =	vadd.f32 v11, v13;
	v13 =	vld [tilespmem:s28+$0x0]  }
0xc4: {  	v5 =	vsel vm1, s29, v5;
	s31 =	sadd.s32 $0x30, s24;
	vm11 =	vgt.f32 v10, v9;
	v12 =	vadd.f32 v19, v12;
	v16 =	vld [tilespmem:s28+$0x10]  }
0xc5: {  	v3 =	vsel vm2, s31, v3;
	v14 =	vadd.f32 v20, v14;
	v9 =	vsel vm11, v10, v9;
	v19 =	vld [tilespmem:s0+$0x0]  }
0xc6: {  	v8 =	vsel vm11, s26, v8;
	vm12 =	vgt.f32 v11, v7;
	vm13 =	vgt.f32 v12, v6;
	v20 =	vld [tilespmem:s0+$0x10];
	s28 =	simm.s32 $0x4E80  }
0xc7: {  	v7 =	vsel vm12, v11, v7;
	vm14 =	vgt.f32 v14, v4;
	v10 =	vld [tilespmem:s28+$0xFFFFFFE0];
	v18 =	vmul.f32 v18, v1  }
0xc8: {  	s29 =	simm.s32 $0x60;
	v6 =	vsel vm13, v12, v6;
	v4 =	vsel vm14, v14, v4;
	v11 =	vld [tilespmem:s28+$0xFFFFFFF0];
	v12 =	vmul.f32 v15, v1  }
0xc9: {  	s24 =	sadd.s32 $0x20, s26;
	s31 =	sadd.s32 $0x10, s26;
	v15 =	vld [tilespmem:s29+$0xFFFFFFE0];
	v14 =	vmul.f32 v13, v1;
	v16 =	vmul.f32 v16, v1;
	v21 =	vadd.f32 v21, v18  }
0xca: {  	v2 =	vsel vm12, s31, v2;
	v5 =	vsel vm13, s24, v5;
	v13 =	vld [tilespmem:s29+$0xFFFFFFF0];
	v17 =	vadd.f32 v17, v12  }
0xcb: {  	s31 =	sadd.s32 $0x30, s26;
	s24 =	simm.s32 $0x9C40;
	v12 =	vld [tilespmem:s29+$0x0];
	v18 =	vadd.f32 v19, v14;
	v16 =	vadd.f32 v20, v16;
	vm15 =	vgt.f32 v21, v9  }
0xcc: {  	s30 =	simm.s32 $0x9CC0;
	s26 =	simm.s32 $0x9C80;
	v3 =	vsel vm14, s31, v3;
	v14 =	vld [tilespmem:s29+$0x10];
	v9 =	vsel vm15, v21, v9;
	v8 =	vsel vm15, s24, v8  }
.LBB2_10:
0xcd: {  	p0 =	sne.s32 s30, $0xC300;
	v19 =	vld [tilespmem:s28+$0x0];
	vm0 =	vgt.f32 v17, v7;
	vm1 =	vgt.f32 v18, v6;
	vm2 =	vgt.f32 v16, v4;
	v20 =	vmovc v11  }
0xce: {  	s0 =	sadd.s32 $0x10, s24;
	s31 =	sadd.s32 $0x20, s24;
	v21 =	vld [tilespmem:s28+$0x10];
	s28 =	sadd.s32 $0x40, s28;
	v7 =	vsel vm0, v17, v7;
	v6 =	vsel vm1, v18, v6;
	v4 =	vsel vm2, v16, v4  }
0xcf: {  	v16 =	vmul.f32 v15, v1;
	v2 =	vsel vm0, s0, v2;
	v5 =	vsel vm1, s31, v5;
	s0 =	sadd.s32 $0x30, s24;
	s24 =	smov.u32 s26;
	s26 =	smov.u32 s30;
	v22 =	vld [tilespmem:s28+$0xFFFFFFE0]  }
.Ltmp4:
0xd0: {  	s29 =	sadd.s32 $0x40, s29;
	v17 =	vmul.f32 v13, v1;
	v3 =	vsel vm2, s0, v3;
	v11 =	vld [tilespmem:s28+$0xFFFFFFF0];
	(pc) =	sbr.rel @p0 .LBB2_10-.Ltmp4, $4  }
0xd1: {  	v23 =	vadd.f32 v10, v16;
	v16 =	vmul.f32 v12, v1;
	v15 =	vld [tilespmem:s29+$0xFFFFFFE0];
	v14 =	vmul.f32 v14, v1  }
0xd2: {  	v17 =	vadd.f32 v20, v17;
	v13 =	vld [tilespmem:s29+$0xFFFFFFF0]  }
0xd3: {  	vm0 =	vgt.f32 v23, v9;
	v18 =	vadd.f32 v19, v16;
	v12 =	vld [tilespmem:s29+$0x0];
	v16 =	vadd.f32 v21, v14  }
0xd4: {  	s30 =	sadd.s32 $0x40, s30;
	v9 =	vsel vm0, v23, v9;
	v8 =	vsel vm0, s24, v8;
	v14 =	vld [tilespmem:s29+$0x10];
	v10 =	vmov v22  }
0xd5: {  	v19 =	vld [tilespmem:s28+$0x0];
	s0 =	rddreg [dreg:$0xf]  }
0xd6: {  	v20 =	vld [tilespmem:s28+$0x10];
	[tilespmem:s10], [sflag:$0x1] =	stream.linear.gather [hbm4b:s0+s10], $0x2710, $0x38  }
0xd7: {  	s31 =	rddreg [dreg:$0x10]  }
0xd8: {  	[tilespmem:s16], [sflag:$0x3] =	stream.linear.gather [hbm4b:s31+s10], $0x2710, $0x38;
	[tilespmem:$0x9C60] =	vst v63  }
0xd9: {  	_ =	swait.ge [sflag:s22], $0x2710  }
0xda: {  	[sflag:s22] =	ssyncset.done $0x0  }
0xdb: {  	[sflag:s22] =	ssyncadd.s32 $0xFFFFD8F0  }
0xdc: {  	_ =	swait.ge [sflag:s23], $0x2710  }
0xdd: {  	[sflag:s23] =	ssyncset.done $0x0  }
0xde: {  	s0 =	simm.s32 $0x7560;
	[sflag:s23] =	ssyncadd.s32 $0xFFFFD8F0  }
0xdf: {  	vm0 =	vgt.f32 v17, v7;
	v21 =	vld [tilespmem:s0+$0xFFFFFFD0]  }
0xe0: {  	vm1 =	vgt.f32 v18, v6;
	s28 =	simm.s32 $0x2740;
	v7 =	vsel vm0, v17, v7;
	v15 =	vmul.f32 v15, v1;
	v17 =	vld [tilespmem:s0+$0xFFFFFFE0]  }
0xe1: {  	vm2 =	vgt.f32 v16, v4;
	v6 =	vsel vm1, v18, v6;
	v13 =	vmul.f32 v13, v1;
	v18 =	vld [tilespmem:s28+$0xFFFFFFD0]  }
0xe2: {  	s29 =	sadd.s32 $0x10, s24;
	v4 =	vsel vm2, v16, v4;
	v10 =	vadd.f32 v10, v15;
	v12 =	vmul.f32 v12, v1;
	v15 =	vld [tilespmem:s28+$0xFFFFFFE0]  }
0xe3: {  	v2 =	vsel vm0, s29, v2;
	s29 =	sadd.s32 $0x20, s24;
	v14 =	vmul.f32 v14, v1;
	v11 =	vadd.f32 v11, v13;
	v13 =	vld [tilespmem:s28+$0xFFFFFFF0]  }
0xe4: {  	v5 =	vsel vm1, s29, v5;
	s31 =	sadd.s32 $0x30, s24;
	vm11 =	vgt.f32 v10, v9;
	v12 =	vadd.f32 v19, v12;
	v16 =	vld [tilespmem:s28+$0x0]  }
0xe5: {  	v3 =	vsel vm2, s31, v3;
	v14 =	vadd.f32 v20, v14;
	v9 =	vsel vm11, v10, v9;
	v19 =	vld [tilespmem:s0+$0xFFFFFFF0]  }
0xe6: {  	v8 =	vsel vm11, s26, v8;
	vm12 =	vgt.f32 v11, v7;
	vm13 =	vgt.f32 v12, v6;
	v20 =	vld [tilespmem:s0+$0x0];
	s28 =	simm.s32 $0x75A0  }
0xe7: {  	v7 =	vsel vm12, v11, v7;
	vm14 =	vgt.f32 v14, v4;
	v10 =	vld [tilespmem:s28+$0xFFFFFFD0];
	v18 =	vmul.f32 v18, v1  }
0xe8: {  	s29 =	simm.s32 $0x2780;
	v6 =	vsel vm13, v12, v6;
	v4 =	vsel vm14, v14, v4;
	v11 =	vld [tilespmem:s28+$0xFFFFFFE0];
	v12 =	vmul.f32 v15, v1  }
0xe9: {  	s24 =	sadd.s32 $0x20, s26;
	s31 =	sadd.s32 $0x10, s26;
	v15 =	vld [tilespmem:s29+$0xFFFFFFD0];
	v14 =	vmul.f32 v13, v1;
	v16 =	vmul.f32 v16, v1;
	v21 =	vadd.f32 v21, v18  }
0xea: {  	v2 =	vsel vm12, s31, v2;
	v5 =	vsel vm13, s24, v5;
	v13 =	vld [tilespmem:s29+$0xFFFFFFE0];
	v17 =	vadd.f32 v17, v12  }
0xeb: {  	s31 =	sadd.s32 $0x30, s26;
	s24 =	simm.s32 $0xC350;
	v12 =	vld [tilespmem:s29+$0xFFFFFFF0];
	v18 =	vadd.f32 v19, v14;
	v16 =	vadd.f32 v20, v16;
	vm15 =	vgt.f32 v21, v9  }
0xec: {  	s30 =	simm.s32 $0xC3D0;
	s26 =	simm.s32 $0xC390;
	v3 =	vsel vm14, s31, v3;
	v14 =	vld [tilespmem:s29+$0x0];
	v9 =	vsel vm15, v21, v9;
	v8 =	vsel vm15, s24, v8  }
.LBB2_12:
0xed: {  	p0 =	sne.s32 s30, $0xEA10;
	v19 =	vld [tilespmem:s28+$0xFFFFFFF0];
	vm0 =	vgt.f32 v17, v7;
	vm1 =	vgt.f32 v18, v6;
	vm2 =	vgt.f32 v16, v4;
	v20 =	vmovc v11  }
0xee: {  	s0 =	sadd.s32 $0x10, s24;
	s31 =	sadd.s32 $0x20, s24;
	v21 =	vld [tilespmem:s28+$0x0];
	s28 =	sadd.s32 $0x40, s28;
	v7 =	vsel vm0, v17, v7;
	v6 =	vsel vm1, v18, v6;
	v4 =	vsel vm2, v16, v4  }
0xef: {  	v16 =	vmul.f32 v15, v1;
	v2 =	vsel vm0, s0, v2;
	v5 =	vsel vm1, s31, v5;
	s0 =	sadd.s32 $0x30, s24;
	s24 =	smov.u32 s26;
	s26 =	smov.u32 s30;
	v22 =	vld [tilespmem:s28+$0xFFFFFFD0]  }
.Ltmp5:
0xf0: {  	s29 =	sadd.s32 $0x40, s29;
	v17 =	vmul.f32 v13, v1;
	v3 =	vsel vm2, s0, v3;
	v11 =	vld [tilespmem:s28+$0xFFFFFFE0];
	(pc) =	sbr.rel @p0 .LBB2_12-.Ltmp5, $4  }
0xf1: {  	v23 =	vadd.f32 v10, v16;
	v16 =	vmul.f32 v12, v1;
	v15 =	vld [tilespmem:s29+$0xFFFFFFD0];
	v14 =	vmul.f32 v14, v1  }
0xf2: {  	v17 =	vadd.f32 v20, v17;
	v13 =	vld [tilespmem:s29+$0xFFFFFFE0]  }
0xf3: {  	vm0 =	vgt.f32 v23, v9;
	v18 =	vadd.f32 v19, v16;
	v12 =	vld [tilespmem:s29+$0xFFFFFFF0];
	v16 =	vadd.f32 v21, v14  }
0xf4: {  	s30 =	sadd.s32 $0x40, s30;
	v9 =	vsel vm0, v23, v9;
	v8 =	vsel vm0, s24, v8;
	v14 =	vld [tilespmem:s29+$0x0];
	v10 =	vmov v22  }
0xf5: {  	v19 =	vld [tilespmem:s28+$0xFFFFFFF0];
	s0 =	rddreg [dreg:$0x11]  }
0xf6: {  	v20 =	vld [tilespmem:s28+$0x0];
	[tilespmem:s19], [sflag:$0x2] =	stream.linear.gather [hbm4b:s0+s10], $0x2710, $0x38  }
0xf7: {  	s31 =	rddreg [dreg:$0x12]  }
0xf8: {  	[tilespmem:s20], [sflag:$0x4] =	stream.linear.gather [hbm4b:s31+s10], $0x2710, $0x38;
	[tilespmem:$0x9C60] =	vst v63  }
0xf9: {  	_ =	swait.ge [sflag:s21], $0x2710  }
0xfa: {  	[sflag:s21] =	ssyncset.done $0x0  }
0xfb: {  	[sflag:s21] =	ssyncadd.s32 $0xFFFFD8F0  }
0xfc: {  	_ =	swait.ge [sflag:s17], $0x2710  }
0xfd: {  	[sflag:s17] =	ssyncset.done $0x0  }
0xfe: {  	s0 =	simm.s32 $0x4E40;
	[sflag:s17] =	ssyncadd.s32 $0xFFFFD8F0  }
0xff: {  	vm0 =	vgt.f32 v17, v7;
	v21 =	vld [tilespmem:s0+$0xFFFFFFE0]  }
0x100: {  	vm1 =	vgt.f32 v18, v6;
	s28 =	simm.s32 $0x20;
	v7 =	vsel vm0, v17, v7;
	v15 =	vmul.f32 v15, v1;
	v17 =	vld [tilespmem:s0+$0xFFFFFFF0]  }
0x101: {  	vm2 =	vgt.f32 v16, v4;
	v6 =	vsel vm1, v18, v6;
	v13 =	vmul.f32 v13, v1;
	v18 =	vld [tilespmem:s28+$0xFFFFFFE0]  }
0x102: {  	s29 =	sadd.s32 $0x10, s24;
	v4 =	vsel vm2, v16, v4;
	v10 =	vadd.f32 v10, v15;
	v12 =	vmul.f32 v12, v1;
	v15 =	vld [tilespmem:s28+$0xFFFFFFF0]  }
0x103: {  	v2 =	vsel vm0, s29, v2;
	s29 =	sadd.s32 $0x20, s24;
	v14 =	vmul.f32 v14, v1;
	v11 =	vadd.f32 v11, v13;
	v13 =	vld [tilespmem:s28+$0x0]  }
0x104: {  	v5 =	vsel vm1, s29, v5;
	s31 =	sadd.s32 $0x30, s24;
	vm11 =	vgt.f32 v10, v9;
	v12 =	vadd.f32 v19, v12;
	v16 =	vld [tilespmem:s28+$0x10]  }
0x105: {  	v3 =	vsel vm2, s31, v3;
	v14 =	vadd.f32 v20, v14;
	v9 =	vsel vm11, v10, v9;
	v19 =	vld [tilespmem:s0+$0x0]  }
0x106: {  	v8 =	vsel vm11, s26, v8;
	vm12 =	vgt.f32 v11, v7;
	vm13 =	vgt.f32 v12, v6;
	v20 =	vld [tilespmem:s0+$0x10];
	s28 =	simm.s32 $0x4E80  }
0x107: {  	v7 =	vsel vm12, v11, v7;
	vm14 =	vgt.f32 v14, v4;
	v10 =	vld [tilespmem:s28+$0xFFFFFFE0];
	v18 =	vmul.f32 v18, v1  }
0x108: {  	s29 =	simm.s32 $0x60;
	v6 =	vsel vm13, v12, v6;
	v4 =	vsel vm14, v14, v4;
	v11 =	vld [tilespmem:s28+$0xFFFFFFF0];
	v12 =	vmul.f32 v15, v1  }
0x109: {  	s24 =	sadd.s32 $0x20, s26;
	s31 =	sadd.s32 $0x10, s26;
	v15 =	vld [tilespmem:s29+$0xFFFFFFE0];
	v14 =	vmul.f32 v13, v1;
	v16 =	vmul.f32 v16, v1;
	v21 =	vadd.f32 v21, v18  }
0x10a: {  	v2 =	vsel vm12, s31, v2;
	v5 =	vsel vm13, s24, v5;
	v13 =	vld [tilespmem:s29+$0xFFFFFFF0];
	v17 =	vadd.f32 v17, v12  }
0x10b: {  	s31 =	sadd.s32 $0x30, s26;
	s24 =	simm.s32 $0xEA60;
	v12 =	vld [tilespmem:s29+$0x0];
	v18 =	vadd.f32 v19, v14;
	v16 =	vadd.f32 v20, v16;
	vm15 =	vgt.f32 v21, v9  }
0x10c: {  	s30 =	simm.s32 $0xEAE0;
	s26 =	simm.s32 $0xEAA0;
	v3 =	vsel vm14, s31, v3;
	v14 =	vld [tilespmem:s29+$0x10];
	v9 =	vsel vm15, v21, v9;
	v8 =	vsel vm15, s24, v8  }
.LBB2_14:
0x10d: {  	p0 =	sne.s32 s30, $0x11120;
	v19 =	vld [tilespmem:s28+$0x0];
	vm0 =	vgt.f32 v17, v7;
	vm1 =	vgt.f32 v18, v6;
	vm2 =	vgt.f32 v16, v4;
	v20 =	vmovc v11  }
0x10e: {  	s0 =	sadd.s32 $0x10, s24;
	s31 =	sadd.s32 $0x20, s24;
	v21 =	vld [tilespmem:s28+$0x10];
	s28 =	sadd.s32 $0x40, s28;
	v7 =	vsel vm0, v17, v7;
	v6 =	vsel vm1, v18, v6;
	v4 =	vsel vm2, v16, v4  }
0x10f: {  	v16 =	vmul.f32 v15, v1;
	v2 =	vsel vm0, s0, v2;
	v5 =	vsel vm1, s31, v5;
	s0 =	sadd.s32 $0x30, s24;
	s24 =	smov.u32 s26;
	s26 =	smov.u32 s30;
	v22 =	vld [tilespmem:s28+$0xFFFFFFE0]  }
.Ltmp6:
0x110: {  	s29 =	sadd.s32 $0x40, s29;
	v17 =	vmul.f32 v13, v1;
	v3 =	vsel vm2, s0, v3;
	v11 =	vld [tilespmem:s28+$0xFFFFFFF0];
	(pc) =	sbr.rel @p0 .LBB2_14-.Ltmp6, $4  }
0x111: {  	v23 =	vadd.f32 v10, v16;
	v16 =	vmul.f32 v12, v1;
	v15 =	vld [tilespmem:s29+$0xFFFFFFE0];
	v14 =	vmul.f32 v14, v1  }
0x112: {  	v17 =	vadd.f32 v20, v17;
	v13 =	vld [tilespmem:s29+$0xFFFFFFF0]  }
0x113: {  	vm0 =	vgt.f32 v23, v9;
	v18 =	vadd.f32 v19, v16;
	v12 =	vld [tilespmem:s29+$0x0];
	v16 =	vadd.f32 v21, v14  }
0x114: {  	s30 =	sadd.s32 $0x40, s30;
	v9 =	vsel vm0, v23, v9;
	v8 =	vsel vm0, s24, v8;
	v14 =	vld [tilespmem:s29+$0x10];
	v10 =	vmov v22  }
0x115: {  	v19 =	vld [tilespmem:s28+$0x0];
	s0 =	rddreg [dreg:$0x13]  }
0x116: {  	v20 =	vld [tilespmem:s28+$0x10];
	[tilespmem:s10], [sflag:$0x1] =	stream.linear.gather [hbm4b:s0+s10], $0x2710, $0x38  }
0x117: {  	s31 =	rddreg [dreg:$0x14]  }
0x118: {  	[tilespmem:s16], [sflag:$0x3] =	stream.linear.gather [hbm4b:s31+s10], $0x2710, $0x38;
	[tilespmem:$0x9C60] =	vst v63  }
0x119: {  	_ =	swait.ge [sflag:s22], $0x2710  }
0x11a: {  	[sflag:s22] =	ssyncset.done $0x0  }
0x11b: {  	[sflag:s22] =	ssyncadd.s32 $0xFFFFD8F0  }
0x11c: {  	_ =	swait.ge [sflag:s23], $0x2710  }
0x11d: {  	[sflag:s23] =	ssyncset.done $0x0  }
0x11e: {  	s0 =	simm.s32 $0x7560;
	[sflag:s23] =	ssyncadd.s32 $0xFFFFD8F0  }
0x11f: {  	vm0 =	vgt.f32 v17, v7;
	v21 =	vld [tilespmem:s0+$0xFFFFFFD0]  }
0x120: {  	vm1 =	vgt.f32 v18, v6;
	s28 =	simm.s32 $0x2740;
	v7 =	vsel vm0, v17, v7;
	v15 =	vmul.f32 v15, v1;
	v17 =	vld [tilespmem:s0+$0xFFFFFFE0]  }
0x121: {  	vm2 =	vgt.f32 v16, v4;
	v6 =	vsel vm1, v18, v6;
	v13 =	vmul.f32 v13, v1;
	v18 =	vld [tilespmem:s28+$0xFFFFFFD0]  }
0x122: {  	s29 =	sadd.s32 $0x10, s24;
	v4 =	vsel vm2, v16, v4;
	v10 =	vadd.f32 v10, v15;
	v12 =	vmul.f32 v12, v1;
	v15 =	vld [tilespmem:s28+$0xFFFFFFE0]  }
0x123: {  	v2 =	vsel vm0, s29, v2;
	s29 =	sadd.s32 $0x20, s24;
	v14 =	vmul.f32 v14, v1;
	v11 =	vadd.f32 v11, v13;
	v13 =	vld [tilespmem:s28+$0xFFFFFFF0]  }
0x124: {  	v5 =	vsel vm1, s29, v5;
	s31 =	sadd.s32 $0x30, s24;
	vm11 =	vgt.f32 v10, v9;
	v12 =	vadd.f32 v19, v12;
	v16 =	vld [tilespmem:s28+$0x0]  }
0x125: {  	v3 =	vsel vm2, s31, v3;
	v14 =	vadd.f32 v20, v14;
	v9 =	vsel vm11, v10, v9;
	v19 =	vld [tilespmem:s0+$0xFFFFFFF0]  }
0x126: {  	v8 =	vsel vm11, s26, v8;
	vm12 =	vgt.f32 v11, v7;
	vm13 =	vgt.f32 v12, v6;
	v20 =	vld [tilespmem:s0+$0x0];
	s28 =	simm.s32 $0x75A0  }
0x127: {  	v7 =	vsel vm12, v11, v7;
	vm14 =	vgt.f32 v14, v4;
	v10 =	vld [tilespmem:s28+$0xFFFFFFD0];
	v18 =	vmul.f32 v18, v1  }
0x128: {  	s29 =	simm.s32 $0x2780;
	v6 =	vsel vm13, v12, v6;
	v4 =	vsel vm14, v14, v4;
	v11 =	vld [tilespmem:s28+$0xFFFFFFE0];
	v12 =	vmul.f32 v15, v1  }
0x129: {  	s24 =	sadd.s32 $0x20, s26;
	s31 =	sadd.s32 $0x10, s26;
	v15 =	vld [tilespmem:s29+$0xFFFFFFD0];
	v14 =	vmul.f32 v13, v1;
	v16 =	vmul.f32 v16, v1;
	v21 =	vadd.f32 v21, v18  }
0x12a: {  	v2 =	vsel vm12, s31, v2;
	v5 =	vsel vm13, s24, v5;
	v13 =	vld [tilespmem:s29+$0xFFFFFFE0];
	v17 =	vadd.f32 v17, v12  }
0x12b: {  	s31 =	sadd.s32 $0x30, s26;
	s24 =	simm.s32 $0x11170;
	v12 =	vld [tilespmem:s29+$0xFFFFFFF0];
	v18 =	vadd.f32 v19, v14;
	v16 =	vadd.f32 v20, v16;
	vm15 =	vgt.f32 v21, v9  }
0x12c: {  	s30 =	simm.s32 $0x111F0;
	s26 =	simm.s32 $0x111B0;
	v3 =	vsel vm14, s31, v3;
	v14 =	vld [tilespmem:s29+$0x0];
	v9 =	vsel vm15, v21, v9;
	v8 =	vsel vm15, s24, v8  }
.LBB2_16:
0x12d: {  	p0 =	sne.s32 s30, $0x13830;
	v19 =	vld [tilespmem:s28+$0xFFFFFFF0];
	vm0 =	vgt.f32 v17, v7;
	vm1 =	vgt.f32 v18, v6;
	vm2 =	vgt.f32 v16, v4;
	v20 =	vmovc v11  }
0x12e: {  	s0 =	sadd.s32 $0x10, s24;
	s31 =	sadd.s32 $0x20, s24;
	v21 =	vld [tilespmem:s28+$0x0];
	s28 =	sadd.s32 $0x40, s28;
	v7 =	vsel vm0, v17, v7;
	v6 =	vsel vm1, v18, v6;
	v4 =	vsel vm2, v16, v4  }
0x12f: {  	v16 =	vmul.f32 v15, v1;
	v2 =	vsel vm0, s0, v2;
	v5 =	vsel vm1, s31, v5;
	s0 =	sadd.s32 $0x30, s24;
	s24 =	smov.u32 s26;
	s26 =	smov.u32 s30;
	v22 =	vld [tilespmem:s28+$0xFFFFFFD0]  }
.Ltmp7:
0x130: {  	s29 =	sadd.s32 $0x40, s29;
	v17 =	vmul.f32 v13, v1;
	v3 =	vsel vm2, s0, v3;
	v11 =	vld [tilespmem:s28+$0xFFFFFFE0];
	(pc) =	sbr.rel @p0 .LBB2_16-.Ltmp7, $4  }
0x131: {  	v23 =	vadd.f32 v10, v16;
	v16 =	vmul.f32 v12, v1;
	v15 =	vld [tilespmem:s29+$0xFFFFFFD0];
	v14 =	vmul.f32 v14, v1  }
0x132: {  	v17 =	vadd.f32 v20, v17;
	v13 =	vld [tilespmem:s29+$0xFFFFFFE0]  }
0x133: {  	vm0 =	vgt.f32 v23, v9;
	v18 =	vadd.f32 v19, v16;
	v12 =	vld [tilespmem:s29+$0xFFFFFFF0];
	v16 =	vadd.f32 v21, v14  }
0x134: {  	s30 =	sadd.s32 $0x40, s30;
	v9 =	vsel vm0, v23, v9;
	v8 =	vsel vm0, s24, v8;
	v14 =	vld [tilespmem:s29+$0x0];
	v10 =	vmov v22  }
0x135: {  	v19 =	vld [tilespmem:s28+$0xFFFFFFF0];
	s0 =	rddreg [dreg:$0x15]  }
0x136: {  	v20 =	vld [tilespmem:s28+$0x0];
	[tilespmem:s19], [sflag:$0x2] =	stream.linear.gather [hbm4b:s0+s10], $0x2710, $0x38  }
0x137: {  	s31 =	rddreg [dreg:$0x16]  }
0x138: {  	[tilespmem:s20], [sflag:$0x4] =	stream.linear.gather [hbm4b:s31+s10], $0x2710, $0x38;
	[tilespmem:$0x9C60] =	vst v63  }
0x139: {  	_ =	swait.ge [sflag:s21], $0x2710  }
0x13a: {  	[sflag:s21] =	ssyncset.done $0x0  }
0x13b: {  	[sflag:s21] =	ssyncadd.s32 $0xFFFFD8F0  }
0x13c: {  	_ =	swait.ge [sflag:s17], $0x2710  }
0x13d: {  	[sflag:s17] =	ssyncset.done $0x0  }
0x13e: {  	s0 =	simm.s32 $0x4E40;
	[sflag:s17] =	ssyncadd.s32 $0xFFFFD8F0  }
0x13f: {  	vm0 =	vgt.f32 v17, v7;
	v21 =	vld [tilespmem:s0+$0xFFFFFFE0]  }
0x140: {  	vm1 =	vgt.f32 v18, v6;
	s28 =	simm.s32 $0x20;
	v7 =	vsel vm0, v17, v7;
	v15 =	vmul.f32 v15, v1;
	v17 =	vld [tilespmem:s0+$0xFFFFFFF0]  }
0x141: {  	vm2 =	vgt.f32 v16, v4;
	v6 =	vsel vm1, v18, v6;
	v13 =	vmul.f32 v13, v1;
	v18 =	vld [tilespmem:s28+$0xFFFFFFE0]  }
0x142: {  	s29 =	sadd.s32 $0x10, s24;
	v4 =	vsel vm2, v16, v4;
	v10 =	vadd.f32 v10, v15;
	v12 =	vmul.f32 v12, v1;
	v15 =	vld [tilespmem:s28+$0xFFFFFFF0]  }
0x143: {  	v2 =	vsel vm0, s29, v2;
	s29 =	sadd.s32 $0x20, s24;
	v14 =	vmul.f32 v14, v1;
	v11 =	vadd.f32 v11, v13;
	v13 =	vld [tilespmem:s28+$0x0]  }
0x144: {  	v5 =	vsel vm1, s29, v5;
	s31 =	sadd.s32 $0x30, s24;
	vm11 =	vgt.f32 v10, v9;
	v12 =	vadd.f32 v19, v12;
	v16 =	vld [tilespmem:s28+$0x10]  }
0x145: {  	v3 =	vsel vm2, s31, v3;
	v14 =	vadd.f32 v20, v14;
	v9 =	vsel vm11, v10, v9;
	v19 =	vld [tilespmem:s0+$0x0]  }
0x146: {  	v8 =	vsel vm11, s26, v8;
	vm12 =	vgt.f32 v11, v7;
	vm13 =	vgt.f32 v12, v6;
	v20 =	vld [tilespmem:s0+$0x10];
	s28 =	simm.s32 $0x4E80  }
0x147: {  	v7 =	vsel vm12, v11, v7;
	vm14 =	vgt.f32 v14, v4;
	v10 =	vld [tilespmem:s28+$0xFFFFFFE0];
	v18 =	vmul.f32 v18, v1  }
0x148: {  	s29 =	simm.s32 $0x60;
	v6 =	vsel vm13, v12, v6;
	v4 =	vsel vm14, v14, v4;
	v11 =	vld [tilespmem:s28+$0xFFFFFFF0];
	v12 =	vmul.f32 v15, v1  }
0x149: {  	s24 =	sadd.s32 $0x20, s26;
	s31 =	sadd.s32 $0x10, s26;
	v15 =	vld [tilespmem:s29+$0xFFFFFFE0];
	v14 =	vmul.f32 v13, v1;
	v16 =	vmul.f32 v16, v1;
	v21 =	vadd.f32 v21, v18  }
0x14a: {  	v2 =	vsel vm12, s31, v2;
	v5 =	vsel vm13, s24, v5;
	v13 =	vld [tilespmem:s29+$0xFFFFFFF0];
	v17 =	vadd.f32 v17, v12  }
0x14b: {  	s31 =	sadd.s32 $0x30, s26;
	s24 =	simm.s32 $0x13880;
	v12 =	vld [tilespmem:s29+$0x0];
	v18 =	vadd.f32 v19, v14;
	v16 =	vadd.f32 v20, v16;
	vm15 =	vgt.f32 v21, v9  }
0x14c: {  	s30 =	simm.s32 $0x13900;
	s26 =	simm.s32 $0x138C0;
	v3 =	vsel vm14, s31, v3;
	v14 =	vld [tilespmem:s29+$0x10];
	v9 =	vsel vm15, v21, v9;
	v8 =	vsel vm15, s24, v8  }
.LBB2_18:
0x14d: {  	p0 =	sne.s32 s30, $0x15F40;
	v19 =	vld [tilespmem:s28+$0x0];
	vm0 =	vgt.f32 v17, v7;
	vm1 =	vgt.f32 v18, v6;
	vm2 =	vgt.f32 v16, v4;
	v20 =	vmovc v11  }
0x14e: {  	s0 =	sadd.s32 $0x10, s24;
	s31 =	sadd.s32 $0x20, s24;
	v21 =	vld [tilespmem:s28+$0x10];
	s28 =	sadd.s32 $0x40, s28;
	v7 =	vsel vm0, v17, v7;
	v6 =	vsel vm1, v18, v6;
	v4 =	vsel vm2, v16, v4  }
0x14f: {  	v16 =	vmul.f32 v15, v1;
	v2 =	vsel vm0, s0, v2;
	v5 =	vsel vm1, s31, v5;
	s0 =	sadd.s32 $0x30, s24;
	s24 =	smov.u32 s26;
	s26 =	smov.u32 s30;
	v22 =	vld [tilespmem:s28+$0xFFFFFFE0]  }
.Ltmp8:
0x150: {  	s29 =	sadd.s32 $0x40, s29;
	v17 =	vmul.f32 v13, v1;
	v3 =	vsel vm2, s0, v3;
	v11 =	vld [tilespmem:s28+$0xFFFFFFF0];
	(pc) =	sbr.rel @p0 .LBB2_18-.Ltmp8, $4  }
0x151: {  	v23 =	vadd.f32 v10, v16;
	v16 =	vmul.f32 v12, v1;
	v15 =	vld [tilespmem:s29+$0xFFFFFFE0];
	v14 =	vmul.f32 v14, v1  }
0x152: {  	v17 =	vadd.f32 v20, v17;
	v13 =	vld [tilespmem:s29+$0xFFFFFFF0]  }
0x153: {  	vm0 =	vgt.f32 v23, v9;
	v18 =	vadd.f32 v19, v16;
	v12 =	vld [tilespmem:s29+$0x0];
	v16 =	vadd.f32 v21, v14  }
0x154: {  	s30 =	sadd.s32 $0x40, s30;
	v9 =	vsel vm0, v23, v9;
	v8 =	vsel vm0, s24, v8;
	v14 =	vld [tilespmem:s29+$0x10];
	v10 =	vmov v22  }
0x155: {  	v19 =	vld [tilespmem:s28+$0x0];
	s0 =	rddreg [dreg:$0x17]  }
0x156: {  	v20 =	vld [tilespmem:s28+$0x10];
	[tilespmem:s10], [sflag:$0x1] =	stream.linear.gather [hbm4b:s0+s10], $0x2710, $0x38  }
0x157: {  	s31 =	rddreg [dreg:$0x18]  }
0x158: {  	[tilespmem:s16], [sflag:$0x3] =	stream.linear.gather [hbm4b:s31+s10], $0x2710, $0x38;
	[tilespmem:$0x9C60] =	vst v63  }
0x159: {  	_ =	swait.ge [sflag:s22], $0x2710  }
0x15a: {  	[sflag:s22] =	ssyncset.done $0x0  }
0x15b: {  	[sflag:s22] =	ssyncadd.s32 $0xFFFFD8F0  }
0x15c: {  	_ =	swait.ge [sflag:s23], $0x2710  }
0x15d: {  	[sflag:s23] =	ssyncset.done $0x0  }
0x15e: {  	s0 =	simm.s32 $0x7560;
	[sflag:s23] =	ssyncadd.s32 $0xFFFFD8F0  }
0x15f: {  	vm0 =	vgt.f32 v17, v7;
	v21 =	vld [tilespmem:s0+$0xFFFFFFD0]  }
0x160: {  	vm1 =	vgt.f32 v18, v6;
	s28 =	simm.s32 $0x2740;
	v7 =	vsel vm0, v17, v7;
	v15 =	vmul.f32 v15, v1;
	v17 =	vld [tilespmem:s0+$0xFFFFFFE0]  }
0x161: {  	vm2 =	vgt.f32 v16, v4;
	v6 =	vsel vm1, v18, v6;
	v13 =	vmul.f32 v13, v1;
	v18 =	vld [tilespmem:s28+$0xFFFFFFD0]  }
0x162: {  	s29 =	sadd.s32 $0x10, s24;
	v4 =	vsel vm2, v16, v4;
	v10 =	vadd.f32 v10, v15;
	v12 =	vmul.f32 v12, v1;
	v15 =	vld [tilespmem:s28+$0xFFFFFFE0]  }
0x163: {  	v16 =	vsel vm0, s29, v2;
	s29 =	sadd.s32 $0x20, s24;
	s31 =	sadd.s32 $0x30, s24;
	v2 =	vmul.f32 v14, v1;
	v11 =	vadd.f32 v11, v13;
	v13 =	vld [tilespmem:s28+$0xFFFFFFF0]  }
0x164: {  	v14 =	vsel vm1, s29, v5;
	v3 =	vsel vm2, s31, v3;
	v12 =	vadd.f32 v19, v12;
	v19 =	vld [tilespmem:s28+$0x0]  }
0x165: {  	vm11 =	vgt.f32 v10, v9;
	v2 =	vadd.f32 v20, v2;
	vm12 =	vgt.f32 v11, v7;
	v20 =	vld [tilespmem:s0+$0xFFFFFFF0]  }
0x166: {  	s24 =	simm.s32 $0x75A0;
	v9 =	vsel vm11, v10, v9;
	vm13 =	vgt.f32 v12, v6;
	v5 =	vsel vm12, v11, v7;
	v22 =	vld [tilespmem:s0+$0x0]  }
0x167: {  	s31 =	sadd.s32 $0x10, s26;
	vm14 =	vgt.f32 v2, v4;
	v6 =	vsel vm13, v12, v6;
	v10 =	vld [tilespmem:s24+$0xFFFFFFD0];
	v7 =	vmul.f32 v18, v1  }
0x168: {  	s29 =	simm.s32 $0x2780;
	v2 =	vsel vm14, v2, v4;
	v4 =	vsel vm12, s31, v16;
	v12 =	vld [tilespmem:s24+$0xFFFFFFE0];
	v11 =	vmul.f32 v15, v1  }
0x169: {  	s0 =	sadd.s32 $0x20, s26;
	v16 =	vld [tilespmem:s29+$0xFFFFFFE0];
	v13 =	vmul.f32 v13, v1;
	v19 =	vmul.f32 v19, v1;
	v21 =	vadd.f32 v21, v7  }
0x16a: {  	v8 =	vsel vm11, s26, v8;
	v15 =	vld [tilespmem:s29+$0xFFFFFFD0];
	v7 =	vsel vm13, s0, v14;
	v17 =	vadd.f32 v17, v11  }
0x16b: {  	s31 =	sadd.s32 $0x30, s26;
	s28 =	simm.s32 $0x15F90;
	v14 =	vld [tilespmem:s29+$0xFFFFFFF0];
	v18 =	vadd.f32 v20, v13;
	v13 =	vadd.f32 v22, v19;
	vm15 =	vgt.f32 v21, v9  }
0x16c: {  	s30 =	simm.s32 $0x16010;
	v3 =	vsel vm14, s31, v3;
	s26 =	simm.s32 $0x15FD0;
	v11 =	vld [tilespmem:s29+$0x0];
	v9 =	vsel vm15, v21, v9;
	v8 =	vsel vm15, s28, v8  }
.LBB2_20:
0x16d: {  	p0 =	sne.s32 s30, $0x18650;
	v19 =	vld [tilespmem:s24+$0xFFFFFFF0];
	vm0 =	vgt.f32 v17, v5;
	vm1 =	vgt.f32 v18, v6;
	vm2 =	vgt.f32 v13, v2;
	v20 =	vmovc v12  }
0x16e: {  	s0 =	sadd.s32 $0x10, s28;
	s31 =	sadd.s32 $0x20, s28;
	v21 =	vld [tilespmem:s24+$0x0];
	s24 =	sadd.s32 $0x40, s24;
	v5 =	vsel vm0, v17, v5;
	v6 =	vsel vm1, v18, v6;
	v2 =	vsel vm2, v13, v2  }
0x16f: {  	v13 =	vmul.f32 v15, v1;
	v4 =	vsel vm0, s0, v4;
	v7 =	vsel vm1, s31, v7;
	s0 =	sadd.s32 $0x30, s28;
	s28 =	smov.u32 s26;
	s26 =	smov.u32 s30;
	v22 =	vld [tilespmem:s24+$0xFFFFFFD0]  }
.Ltmp9:
0x170: {  	s29 =	sadd.s32 $0x40, s29;
	v17 =	vmul.f32 v16, v1;
	v3 =	vsel vm2, s0, v3;
	v12 =	vld [tilespmem:s24+$0xFFFFFFE0];
	(pc) =	sbr.rel @p0 .LBB2_20-.Ltmp9, $4  }
0x171: {  	v23 =	vadd.f32 v10, v13;
	v13 =	vmul.f32 v14, v1;
	v15 =	vld [tilespmem:s29+$0xFFFFFFD0];
	v11 =	vmul.f32 v11, v1  }
0x172: {  	v17 =	vadd.f32 v20, v17;
	v16 =	vld [tilespmem:s29+$0xFFFFFFE0]  }
0x173: {  	vm0 =	vgt.f32 v23, v9;
	v18 =	vadd.f32 v19, v13;
	v14 =	vld [tilespmem:s29+$0xFFFFFFF0];
	v13 =	vadd.f32 v21, v11  }
0x174: {  	s30 =	sadd.s32 $0x40, s30;
	v9 =	vsel vm0, v23, v9;
	v8 =	vsel vm0, s28, v8;
	v11 =	vld [tilespmem:s29+$0x0];
	v10 =	vmov v22  }
0x175: {  	_ = 	snop  }
0x176: {  	v19 =	vld [tilespmem:s24+$0xFFFFFFF0];
	v15 =	vmul.f32 v15, v1  }
0x177: {  	vm1 =	vgt.f32 v17, v5;
	vm2 =	vgt.f32 v18, v6;
	v16 =	vmul.f32 v16, v1  }
0x178: {  	vm0 =	vgt.f32 v13, v2;
	v5 =	vsel vm1, v17, v5;
	v10 =	vadd.f32 v10, v15  }
0x179: {  	s0 =	sadd.s32 $0x10, s28;
	s29 =	sadd.s32 $0x20, s28;
	v6 =	vsel vm2, v18, v6;
	v14 =	vmul.f32 v14, v1;
	v12 =	vadd.f32 v12, v16  }
0x17a: {  	v4 =	vsel vm1, s0, v4;
	v7 =	vsel vm2, s29, v7;
	v15 =	vld [tilespmem:s24+$0x0];
	vm13 =	vgt.f32 v10, v9  }
0x17b: {  	s24 =	sadd.s32 $0x10, s26;
	v14 =	vadd.f32 v19, v14;
	v9 =	vsel vm13, v10, v9;
	vm14 =	vgt.f32 v12, v5  }
0x17c: {  	v8 =	vsel vm13, s26, v8;
	v5 =	vsel vm14, v12, v5;
	v4 =	vsel vm14, s24, v4  }
0x17d: {  	v1 =	vmul.f32 v11, v1;
	vm15 =	veq.f32 v5, v9;
	vm2 =	vlt.s32 v4, v8  }
0x17e: {  	vm3 =	vgt.f32 v14, v6;
	vm5 =	vgt.f32 v5, v9;
	vm1 =	vmand vm15, vm2  }
0x17f: {  	s31 =	sadd.s32 $0x20, s26;
	v1 =	vadd.f32 v15, v1;
	v6 =	vsel vm3, v14, v6;
	vm1 =	vmor vm5, vm1  }
0x180: {  	v7 =	vsel vm3, s31, v7;
	v5 =	vsel vm1, v5, v9;
	v4 =	vsel vm1, v4, v8  }
0x181: {  	v2 =	vsel vm0, v13, v2;
	vm6 =	veq.f32 v6, v5;
	vm7 =	vlt.s32 v7, v4  }
0x182: {  	s24 =	sadd.s32 $0x30, s28;
	vm8 =	vgt.f32 v1, v2;
	vm9 =	vgt.f32 v6, v5;
	vm1 =	vmand vm6, vm7  }
0x183: {  	v3 =	vsel vm0, s24, v3;
	s31 =	sadd.s32 $0x30, s26;
	v1 =	vsel vm8, v1, v2;
	vm10 =	vmor vm9, vm1  }
0x184: {  	v2 =	vsel vm8, s31, v3;
	v3 =	vsel vm10, v6, v5;
	v4 =	vsel vm10, v7, v4  }
0x185: {  	vm11 =	veq.f32 v1, v3;
	vm12 =	vlt.s32 v2, v4  }
0x186: {  	vm13 =	vgt.f32 v1, v3;
	vm0 =	vmand vm11, vm12  }
0x187: {  	vm0 =	vmor vm13, vm0  }
0x188: {  	v1 =	vsel vm0, v1, v3  }
0x189: {  	(xrf0) =	vmax.scan.msk.f32 $0xffff, v1;
	_ =	sdelay $0x5  }
0x18a: {  	v3, _, _ =	vpop (xrf0)  }
0x18b: {  	v2 =	vsel vm0, v2, v4;
	v3 =	vbroadcast v3, $0xF  }
0x18c: {  	v2 =	vadd.s32 v0, v2  }
0x18d: {  	vm14 =	veq.f32 v1, v3;
	v1 =	vxor.u32 $0x80000000, v2  }
0x18e: {  	v1 =	vnsel vm14, $0xC0000000, v1  }
0x18f: {  	(xrf0) =	vmin.scan.msk.u32 $0xffff, v1;
	_ =	sdelay $0x5  }
0x190: {  	v1, _, _ =	vpop (xrf0)  }
0x191: {  	(v2sf) =	vpush v1, $0xF;
	_ =	sdelay $0xe  }
0x192: {  	s24 =	spop (v2sf)  }
0x193: {  	s0 =	sxor.u32 $0x80000000, s24  }
0x194: {  	v1 =	vmov s0  }
0x195: {  	s26 =	simm.s32 $0x9C50;
	[tilespmem:$0x9C50] =	vst v1  }
0x196: {  	[hbm4b:s12+s10] =	stream.linear.scatter [tilespmem:s26], [sflag:$0x5], $0x10, $0x38;
	[tilespmem:$0x9C60] =	vst v63  }
0x197: {  	_ =	swait.ge [sflag:s18], $0x10  }
0x198: {  	[sflag:s18] =	ssyncset.done $0x0  }
0x199: {  	s31 =	simm.s32 $0x9C40;
	[sflag:s18] =	ssyncadd.s32 $0xFFFFFFF0  }
0x19a: {  	[tilespmem:s31], [sflag:$0x5] =	stream.linear.gather [hbm4b:s13+s10], $0x10, $0x38;
	[tilespmem:$0x9C60] =	vst v63  }
0x19b: {  	_ =	swait.ge [sflag:s18], $0x10  }
0x19c: {  	[sflag:s18] =	ssyncset.done $0x0  }
0x19d: {  	s24 =	rddreg [dreg:$0x19];
	[sflag:s18] =	ssyncadd.s32 $0xFFFFFFF0  }
0x19e: {  	v1 =	vld [tilespmem:$0x9C40];
	[tilespmem:s19], [sflag:$0x2] =	stream.linear.gather [hbm4b:s24+s10], $0x2710, $0x38  }
0x19f: {  	s26 =	rddreg [dreg:$0x1a]  }
0x1a0: {  	[tilespmem:s20], [sflag:$0x4] =	stream.linear.gather [hbm4b:s26+s10], $0x2710, $0x38;
	[tilespmem:$0x9C60] =	vst v63  }
0x1a1: {  	_ =	swait.ge [sflag:s21], $0x2710  }
0x1a2: {  	[sflag:s21] =	ssyncset.done $0x0  }
0x1a3: {  	[sflag:s21] =	ssyncadd.s32 $0xFFFFD8F0  }
0x1a4: {  	_ =	swait.ge [sflag:s17], $0x2710  }
0x1a5: {  	[sflag:s17] =	ssyncset.done $0x0  }
0x1a6: {  	s31 =	simm.s32 $0x4E40;
	[sflag:s17] =	ssyncadd.s32 $0xFFFFD8F0  }
0x1a7: {  	v2 =	vld [tilespmem:s31+$0xFFFFFFE0]  }
0x1a8: {  	s26 =	simm.s32 $0x20;
	v3 =	vld [tilespmem:s31+$0xFFFFFFF0]  }
0x1a9: {  	v4 =	vld [tilespmem:s26+$0xFFFFFFE0]  }
0x1aa: {  	v5 =	vld [tilespmem:s26+$0xFFFFFFF0]  }
0x1ab: {  	v6 =	vld [tilespmem:s26+$0x0]  }
0x1ac: {  	v7 =	vld [tilespmem:s26+$0x10]  }
0x1ad: {  	v8 =	vld [tilespmem:s31+$0x0]  }
0x1ae: {  	v10 =	vld [tilespmem:s31+$0x10]  }
0x1af: {  	s28 =	simm.s32 $0x4E80  }
0x1b0: {  	v9 =	vld [tilespmem:s28+$0xFFFFFFE0];
	v4 =	vmul.f32 v4, v1;
	v11 =	vmul.f32 v5, v1  }
0x1b1: {  	s29 =	simm.s32 $0x60;
	v5 =	vld [tilespmem:s28+$0xFFFFFFF0];
	v6 =	vmul.f32 v6, v1;
	v12 =	vmul.f32 v7, v1;
	v7 =	vimm.f32 $-Inf  }
0x1b2: {  	v14 =	vld [tilespmem:s29+$0xFFFFFFE0];
	v2 =	vadd.f32 v2, v4;
	v4 =	vimm.s32 $0x0;
	v16 =	vadd.f32 v3, v11  }
0x1b3: {  	v13 =	vld [tilespmem:s29+$0xFFFFFFF0];
	v18 =	vadd.f32 v8, v6;
	v17 =	vadd.f32 v10, v12;
	v11 =	vimm.f32 $-Inf  }
0x1b4: {  	s31 =	simm.s32 $0x0;
	v15 =	vld [tilespmem:s29+$0x10];
	v12 =	vimm.f32 $-Inf;
	v8 =	vimm.s32 $0x0;
	vm15 =	vgt.f32 v2, v7  }
0x1b5: {  	s30 =	simm.s32 $0xB0;
	s24 =	simm.s32 $0x30;
	s26 =	simm.s32 $0x70;
	v10 =	vld [tilespmem:s29+$0x0];
	v6 =	vimm.s32 $0x0;
	v3 =	vsel vm15, v2, v7;
	v2 =	vsel vm15, s31, v4  }
.LBB2_22:
0x1b6: {  	p0 =	sne.s32 s30, $0x26F0;
	v19 =	vld [tilespmem:s28+$0x0];
	vm0 =	vgt.f32 v16, v7;
	vm1 =	vgt.f32 v18, v11;
	vm2 =	vgt.f32 v17, v12;
	v20 =	vmovc v5  }
0x1b7: {  	s0 =	sadd.s32 $0xFFFFFFE0, s24;
	s31 =	sadd.s32 $0xFFFFFFF0, s24;
	v21 =	vld [tilespmem:s28+$0x10];
	s28 =	sadd.s32 $0x40, s28;
	v7 =	vsel vm0, v16, v7;
	v11 =	vsel vm1, v18, v11;
	v12 =	vsel vm2, v17, v12  }
0x1b8: {  	v16 =	vmul.f32 v14, v1;
	v4 =	vsel vm0, s0, v4;
	v8 =	vsel vm1, s31, v8;
	v22 =	vld [tilespmem:s28+$0xFFFFFFE0]  }
.Ltmp10:
0x1b9: {  	s29 =	sadd.s32 $0x40, s29;
	v6 =	vsel vm2, s24, v6;
	s24 =	smov.u32 s26;
	v17 =	vmul.f32 v13, v1;
	v5 =	vld [tilespmem:s28+$0xFFFFFFF0];
	(pc) =	sbr.rel @p0 .LBB2_22-.Ltmp10, $4  }
0x1ba: {  	s26 =	smov.u32 s30;
	v23 =	vadd.f32 v9, v16;
	v18 =	vmul.f32 v10, v1;
	v14 =	vld [tilespmem:s29+$0xFFFFFFE0];
	v15 =	vmul.f32 v15, v1  }
0x1bb: {  	v16 =	vadd.f32 v20, v17;
	v13 =	vld [tilespmem:s29+$0xFFFFFFF0]  }
0x1bc: {  	s0 =	sadd.s32 $0xFFFFFFD0, s24;
	vm0 =	vgt.f32 v23, v3;
	v18 =	vadd.f32 v19, v18;
	v10 =	vld [tilespmem:s29+$0x0];
	v17 =	vadd.f32 v21, v15  }
0x1bd: {  	s30 =	sadd.s32 $0x40, s30;
	v3 =	vsel vm0, v23, v3;
	v2 =	vsel vm0, s0, v2;
	v15 =	vld [tilespmem:s29+$0x10];
	v9 =	vmov v22  }
0x1be: {  	v19 =	vld [tilespmem:s28+$0x0];
	s0 =	rddreg [dreg:$0x1b]  }
0x1bf: {  	v20 =	vld [tilespmem:s28+$0x10];
	[tilespmem:s10], [sflag:$0x1] =	stream.linear.gather [hbm4b:s0+s10], $0x2710, $0x38  }
0x1c0: {  	s31 =	rddreg [dreg:$0x1c]  }
0x1c1: {  	[tilespmem:s16], [sflag:$0x3] =	stream.linear.gather [hbm4b:s31+s10], $0x2710, $0x38;
	[tilespmem:$0x9C60] =	vst v63  }
0x1c2: {  	_ =	swait.ge [sflag:s22], $0x2710  }
0x1c3: {  	[sflag:s22] =	ssyncset.done $0x0  }
0x1c4: {  	[sflag:s22] =	ssyncadd.s32 $0xFFFFD8F0  }
0x1c5: {  	_ =	swait.ge [sflag:s23], $0x2710  }
0x1c6: {  	[sflag:s23] =	ssyncset.done $0x0  }
0x1c7: {  	s0 =	simm.s32 $0x7560;
	[sflag:s23] =	ssyncadd.s32 $0xFFFFD8F0  }
0x1c8: {  	vm0 =	vgt.f32 v16, v7;
	vm1 =	vgt.f32 v18, v11;
	vm2 =	vgt.f32 v17, v12;
	v21 =	vld [tilespmem:s0+$0xFFFFFFD0]  }
0x1c9: {  	s28 =	simm.s32 $0x2740;
	s29 =	sadd.s32 $0xFFFFFFE0, s24;
	v7 =	vsel vm0, v16, v7;
	v14 =	vmul.f32 v14, v1;
	v11 =	vsel vm1, v18, v11;
	v16 =	vld [tilespmem:s0+$0xFFFFFFE0]  }
0x1ca: {  	v12 =	vsel vm2, v17, v12;
	v4 =	vsel vm0, s29, v4;
	v13 =	vmul.f32 v13, v1;
	v18 =	vld [tilespmem:s28+$0xFFFFFFD0]  }
0x1cb: {  	s29 =	sadd.s32 $0xFFFFFFF0, s24;
	v9 =	vadd.f32 v9, v14;
	v10 =	vmul.f32 v10, v1;
	v15 =	vmul.f32 v15, v1;
	v14 =	vld [tilespmem:s28+$0xFFFFFFE0]  }
0x1cc: {  	v22 =	vsel vm2, s24, v6;
	v8 =	vsel vm1, s29, v8;
	v5 =	vadd.f32 v5, v13;
	v13 =	vld [tilespmem:s28+$0xFFFFFFF0]  }
0x1cd: {  	s31 =	sadd.s32 $0xFFFFFFD0, s26;
	vm11 =	vgt.f32 v9, v3;
	v17 =	vadd.f32 v19, v10;
	v15 =	vadd.f32 v20, v15;
	v19 =	vld [tilespmem:s28+$0x0]  }
0x1ce: {  	v9 =	vsel vm11, v9, v3;
	v23 =	vsel vm11, s31, v2;
	vm12 =	vgt.f32 v5, v7;
	v20 =	vld [tilespmem:s0+$0xFFFFFFF0]  }
0x1cf: {  	s24 =	sadd.s32 $0xFFFFFFE0, s26;
	s29 =	simm.s32 $0x2780;
	vm13 =	vgt.f32 v17, v11;
	v7 =	vsel vm12, v5, v7;
	vm14 =	vgt.f32 v15, v12;
	v24 =	vld [tilespmem:s0+$0x0]  }
0x1d0: {  	s31 =	sadd.s32 $0xFFFFFFF0, s26;
	v3 =	vsel vm12, s24, v4;
	v5 =	vsel vm14, v15, v12;
	s28 =	simm.s32 $0x75A0;
	v15 =	vld [tilespmem:s29+$0xFFFFFFD0];
	v2 =	vmul.f32 v18, v1  }
0x1d1: {  	v6 =	vsel vm13, v17, v11;
	v4 =	vsel vm13, s31, v8;
	v11 =	vld [tilespmem:s28+$0xFFFFFFE0];
	v12 =	vmul.f32 v14, v1  }
0x1d2: {  	v10 =	vld [tilespmem:s28+$0xFFFFFFD0];
	v14 =	vmul.f32 v13, v1;
	v8 =	vmul.f32 v19, v1;
	v21 =	vadd.f32 v21, v2  }
0x1d3: {  	v13 =	vld [tilespmem:s29+$0xFFFFFFE0];
	v17 =	vadd.f32 v16, v12  }
0x1d4: {  	s24 =	simm.s32 $0x2710;
	v12 =	vld [tilespmem:s29+$0xFFFFFFF0];
	v18 =	vadd.f32 v20, v14;
	v16 =	vadd.f32 v24, v8;
	vm15 =	vgt.f32 v21, v9  }
0x1d5: {  	s30 =	simm.s32 $0x2790;
	v2 =	vsel vm14, s26, v22;
	s26 =	simm.s32 $0x2750;
	v14 =	vld [tilespmem:s29+$0x0];
	v9 =	vsel vm15, v21, v9;
	v8 =	vsel vm15, s24, v23  }
.LBB2_24:
0x1d6: {  	p0 =	sne.s32 s30, $0x4DD0;
	v19 =	vld [tilespmem:s28+$0xFFFFFFF0];
	vm0 =	vgt.f32 v17, v7;
	vm1 =	vgt.f32 v18, v6;
	vm2 =	vgt.f32 v16, v5;
	v20 =	vmovc v11  }
0x1d7: {  	s0 =	sadd.s32 $0x10, s24;
	s31 =	sadd.s32 $0x20, s24;
	v21 =	vld [tilespmem:s28+$0x0];
	s28 =	sadd.s32 $0x40, s28;
	v7 =	vsel vm0, v17, v7;
	v6 =	vsel vm1, v18, v6;
	v5 =	vsel vm2, v16, v5  }
0x1d8: {  	v16 =	vmul.f32 v15, v1;
	v3 =	vsel vm0, s0, v3;
	v4 =	vsel vm1, s31, v4;
	s0 =	sadd.s32 $0x30, s24;
	s24 =	smov.u32 s26;
	s26 =	smov.u32 s30;
	v22 =	vld [tilespmem:s28+$0xFFFFFFD0]  }
.Ltmp11:
0x1d9: {  	s29 =	sadd.s32 $0x40, s29;
	v17 =	vmul.f32 v13, v1;
	v2 =	vsel vm2, s0, v2;
	v11 =	vld [tilespmem:s28+$0xFFFFFFE0];
	(pc) =	sbr.rel @p0 .LBB2_24-.Ltmp11, $4  }
0x1da: {  	v23 =	vadd.f32 v10, v16;
	v16 =	vmul.f32 v12, v1;
	v15 =	vld [tilespmem:s29+$0xFFFFFFD0];
	v14 =	vmul.f32 v14, v1  }
0x1db: {  	v17 =	vadd.f32 v20, v17;
	v13 =	vld [tilespmem:s29+$0xFFFFFFE0]  }
0x1dc: {  	vm0 =	vgt.f32 v23, v9;
	v18 =	vadd.f32 v19, v16;
	v12 =	vld [tilespmem:s29+$0xFFFFFFF0];
	v16 =	vadd.f32 v21, v14  }
0x1dd: {  	s30 =	sadd.s32 $0x40, s30;
	v9 =	vsel vm0, v23, v9;
	v8 =	vsel vm0, s24, v8;
	v14 =	vld [tilespmem:s29+$0x0];
	v10 =	vmov v22  }
0x1de: {  	v19 =	vld [tilespmem:s28+$0xFFFFFFF0];
	s0 =	rddreg [dreg:$0x1d]  }
0x1df: {  	v20 =	vld [tilespmem:s28+$0x0];
	[tilespmem:s19], [sflag:$0x2] =	stream.linear.gather [hbm4b:s0+s10], $0x2710, $0x38  }
0x1e0: {  	s31 =	rddreg [dreg:$0x1e]  }
0x1e1: {  	[tilespmem:s20], [sflag:$0x4] =	stream.linear.gather [hbm4b:s31+s10], $0x2710, $0x38;
	[tilespmem:$0x9C60] =	vst v63  }
0x1e2: {  	_ =	swait.ge [sflag:s21], $0x2710  }
0x1e3: {  	[sflag:s21] =	ssyncset.done $0x0  }
0x1e4: {  	[sflag:s21] =	ssyncadd.s32 $0xFFFFD8F0  }
0x1e5: {  	_ =	swait.ge [sflag:s17], $0x2710  }
0x1e6: {  	[sflag:s17] =	ssyncset.done $0x0  }
0x1e7: {  	s0 =	simm.s32 $0x4E40;
	[sflag:s17] =	ssyncadd.s32 $0xFFFFD8F0  }
0x1e8: {  	vm0 =	vgt.f32 v17, v7;
	v21 =	vld [tilespmem:s0+$0xFFFFFFE0]  }
0x1e9: {  	vm1 =	vgt.f32 v18, v6;
	s28 =	simm.s32 $0x20;
	v7 =	vsel vm0, v17, v7;
	v15 =	vmul.f32 v15, v1;
	v17 =	vld [tilespmem:s0+$0xFFFFFFF0]  }
0x1ea: {  	vm2 =	vgt.f32 v16, v5;
	v6 =	vsel vm1, v18, v6;
	v13 =	vmul.f32 v13, v1;
	v18 =	vld [tilespmem:s28+$0xFFFFFFE0]  }
0x1eb: {  	s29 =	sadd.s32 $0x10, s24;
	v5 =	vsel vm2, v16, v5;
	v10 =	vadd.f32 v10, v15;
	v12 =	vmul.f32 v12, v1;
	v15 =	vld [tilespmem:s28+$0xFFFFFFF0]  }
0x1ec: {  	v3 =	vsel vm0, s29, v3;
	s29 =	sadd.s32 $0x20, s24;
	v14 =	vmul.f32 v14, v1;
	v11 =	vadd.f32 v11, v13;
	v13 =	vld [tilespmem:s28+$0x0]  }
0x1ed: {  	v16 =	vsel vm1, s29, v4;
	s31 =	sadd.s32 $0x30, s24;
	vm11 =	vgt.f32 v10, v9;
	v4 =	vadd.f32 v19, v12;
	v12 =	vld [tilespmem:s28+$0x10]  }
0x1ee: {  	v19 =	vsel vm2, s31, v2;
	v2 =	vadd.f32 v20, v14;
	vm12 =	vgt.f32 v11, v7;
	v14 =	vld [tilespmem:s0+$0x0]  }
0x1ef: {  	v9 =	vsel vm11, v10, v9;
	vm13 =	vgt.f32 v4, v6;
	v7 =	vsel vm12, v11, v7;
	v20 =	vld [tilespmem:s0+$0x10];
	s28 =	simm.s32 $0x4E80  }
0x1f0: {  	s24 =	sadd.s32 $0x20, s26;
	vm14 =	vgt.f32 v2, v5;
	v6 =	vsel vm13, v4, v6;
	v10 =	vld [tilespmem:s28+$0xFFFFFFE0];
	v18 =	vmul.f32 v18, v1  }
0x1f1: {  	s29 =	simm.s32 $0x60;
	v4 =	vsel vm14, v2, v5;
	v5 =	vsel vm13, s24, v16;
	v11 =	vld [tilespmem:s28+$0xFFFFFFF0];
	v22 =	vmul.f32 v15, v1  }
0x1f2: {  	s31 =	sadd.s32 $0x10, s26;
	v15 =	vld [tilespmem:s29+$0xFFFFFFE0];
	v16 =	vmul.f32 v12, v1;
	v21 =	vadd.f32 v21, v18;
	v18 =	vmul.f32 v13, v1  }
0x1f3: {  	v8 =	vsel vm11, s26, v8;
	v2 =	vsel vm12, s31, v3;
	v12 =	vld [tilespmem:s29+$0x0];
	v17 =	vadd.f32 v17, v22  }
0x1f4: {  	s31 =	sadd.s32 $0x30, s26;
	s24 =	simm.s32 $0x4E20;
	v13 =	vld [tilespmem:s29+$0xFFFFFFF0];
	v16 =	vadd.f32 v20, v16;
	vm15 =	vgt.f32 v21, v9;
	v18 =	vadd.f32 v14, v18  }
0x1f5: {  	s30 =	simm.s32 $0x4EA0;
	s26 =	simm.s32 $0x4E60;
	v3 =	vsel vm14, s31, v19;
	v14 =	vld [tilespmem:s29+$0x10];
	v9 =	vsel vm15, v21, v9;
	v8 =	vsel vm15, s24, v8  }
.LBB2_26:
0x1f6: {  	p0 =	sne.s32 s30, $0x74E0;
	v19 =	vld [tilespmem:s28+$0x0];
	vm0 =	vgt.f32 v17, v7;
	vm1 =	vgt.f32 v18, v6;
	vm2 =	vgt.f32 v16, v4;
	v20 =	vmovc v11  }
0x1f7: {  	s0 =	sadd.s32 $0x10, s24;
	s31 =	sadd.s32 $0x20, s24;
	v21 =	vld [tilespmem:s28+$0x10];
	s28 =	sadd.s32 $0x40, s28;
	v7 =	vsel vm0, v17, v7;
	v6 =	vsel vm1, v18, v6;
	v4 =	vsel vm2, v16, v4  }
0x1f8: {  	v16 =	vmul.f32 v15, v1;
	v2 =	vsel vm0, s0, v2;
	v5 =	vsel vm1, s31, v5;
	s0 =	sadd.s32 $0x30, s24;
	s24 =	smov.u32 s26;
	s26 =	smov.u32 s30;
	v22 =	vld [tilespmem:s28+$0xFFFFFFE0]  }
.Ltmp12:
0x1f9: {  	s29 =	sadd.s32 $0x40, s29;
	v17 =	vmul.f32 v13, v1;
	v3 =	vsel vm2, s0, v3;
	v11 =	vld [tilespmem:s28+$0xFFFFFFF0];
	(pc) =	sbr.rel @p0 .LBB2_26-.Ltmp12, $4  }
0x1fa: {  	v23 =	vadd.f32 v10, v16;
	v16 =	vmul.f32 v12, v1;
	v15 =	vld [tilespmem:s29+$0xFFFFFFE0];
	v14 =	vmul.f32 v14, v1  }
0x1fb: {  	v17 =	vadd.f32 v20, v17;
	v13 =	vld [tilespmem:s29+$0xFFFFFFF0]  }
0x1fc: {  	vm0 =	vgt.f32 v23, v9;
	v18 =	vadd.f32 v19, v16;
	v12 =	vld [tilespmem:s29+$0x0];
	v16 =	vadd.f32 v21, v14  }
0x1fd: {  	s30 =	sadd.s32 $0x40, s30;
	v9 =	vsel vm0, v23, v9;
	v8 =	vsel vm0, s24, v8;
	v14 =	vld [tilespmem:s29+$0x10];
	v10 =	vmov v22  }
0x1fe: {  	s0 =	rddreg [dreg:$0x1f]  }
0x1ff: {  	v19 =	vld [tilespmem:s28+$0x0];
	s31 =	sld [smem:$0x7FA]  }
0x200: {  	v20 =	vld [tilespmem:s28+$0x10];
	[tilespmem:s10], [sflag:$0x1] =	stream.linear.gather [hbm4b:s0+s10], $0x2710, $0x38  }
0x201: {  	_ = 	snop  }
0x202: {  	[tilespmem:s16], [sflag:$0x3] =	stream.linear.gather [hbm4b:s31+s10], $0x2710, $0x38;
	[tilespmem:$0x9C60] =	vst v63  }
0x203: {  	_ =	swait.ge [sflag:s22], $0x2710  }
0x204: {  	[sflag:s22] =	ssyncset.done $0x0  }
0x205: {  	[sflag:s22] =	ssyncadd.s32 $0xFFFFD8F0  }
0x206: {  	_ =	swait.ge [sflag:s23], $0x2710  }
0x207: {  	[sflag:s23] =	ssyncset.done $0x0  }
0x208: {  	s0 =	simm.s32 $0x7560;
	[sflag:s23] =	ssyncadd.s32 $0xFFFFD8F0  }
0x209: {  	vm0 =	vgt.f32 v17, v7;
	v21 =	vld [tilespmem:s0+$0xFFFFFFD0]  }
0x20a: {  	vm1 =	vgt.f32 v18, v6;
	s28 =	simm.s32 $0x2740;
	v7 =	vsel vm0, v17, v7;
	v15 =	vmul.f32 v15, v1;
	v17 =	vld [tilespmem:s0+$0xFFFFFFE0]  }
0x20b: {  	vm2 =	vgt.f32 v16, v4;
	v6 =	vsel vm1, v18, v6;
	v13 =	vmul.f32 v13, v1;
	v18 =	vld [tilespmem:s28+$0xFFFFFFD0]  }
0x20c: {  	s29 =	sadd.s32 $0x10, s24;
	v4 =	vsel vm2, v16, v4;
	v10 =	vadd.f32 v10, v15;
	v12 =	vmul.f32 v12, v1;
	v15 =	vld [tilespmem:s28+$0xFFFFFFE0]  }
0x20d: {  	v2 =	vsel vm0, s29, v2;
	s29 =	sadd.s32 $0x20, s24;
	v14 =	vmul.f32 v14, v1;
	v11 =	vadd.f32 v11, v13;
	v13 =	vld [tilespmem:s28+$0xFFFFFFF0]  }
0x20e: {  	v5 =	vsel vm1, s29, v5;
	s31 =	sadd.s32 $0x30, s24;
	vm11 =	vgt.f32 v10, v9;
	v12 =	vadd.f32 v19, v12;
	v16 =	vld [tilespmem:s28+$0x0]  }
0x20f: {  	v3 =	vsel vm2, s31, v3;
	v14 =	vadd.f32 v20, v14;
	v9 =	vsel vm11, v10, v9;
	v19 =	vld [tilespmem:s0+$0xFFFFFFF0]  }
0x210: {  	v8 =	vsel vm11, s26, v8;
	vm12 =	vgt.f32 v11, v7;
	vm13 =	vgt.f32 v12, v6;
	v20 =	vld [tilespmem:s0+$0x0];
	s28 =	simm.s32 $0x75A0  }
0x211: {  	v7 =	vsel vm12, v11, v7;
	vm14 =	vgt.f32 v14, v4;
	v10 =	vld [tilespmem:s28+$0xFFFFFFD0];
	v18 =	vmul.f32 v18, v1  }
0x212: {  	s29 =	simm.s32 $0x2780;
	v6 =	vsel vm13, v12, v6;
	v4 =	vsel vm14, v14, v4;
	v11 =	vld [tilespmem:s28+$0xFFFFFFE0];
	v12 =	vmul.f32 v15, v1  }
0x213: {  	s24 =	sadd.s32 $0x20, s26;
	s31 =	sadd.s32 $0x10, s26;
	v15 =	vld [tilespmem:s29+$0xFFFFFFD0];
	v14 =	vmul.f32 v13, v1;
	v16 =	vmul.f32 v16, v1;
	v21 =	vadd.f32 v21, v18  }
0x214: {  	v2 =	vsel vm12, s31, v2;
	v5 =	vsel vm13, s24, v5;
	v13 =	vld [tilespmem:s29+$0xFFFFFFE0];
	v17 =	vadd.f32 v17, v12  }
0x215: {  	s31 =	sadd.s32 $0x30, s26;
	s24 =	simm.s32 $0x7530;
	v12 =	vld [tilespmem:s29+$0xFFFFFFF0];
	v18 =	vadd.f32 v19, v14;
	v16 =	vadd.f32 v20, v16;
	vm15 =	vgt.f32 v21, v9  }
0x216: {  	s30 =	simm.s32 $0x75B0;
	s26 =	simm.s32 $0x7570;
	v3 =	vsel vm14, s31, v3;
	v14 =	vld [tilespmem:s29+$0x0];
	v9 =	vsel vm15, v21, v9;
	v8 =	vsel vm15, s24, v8  }
.LBB2_28:
0x217: {  	p0 =	sne.s32 s30, $0x9BF0;
	v19 =	vld [tilespmem:s28+$0xFFFFFFF0];
	vm0 =	vgt.f32 v17, v7;
	vm1 =	vgt.f32 v18, v6;
	vm2 =	vgt.f32 v16, v4;
	v20 =	vmovc v11  }
0x218: {  	s0 =	sadd.s32 $0x10, s24;
	s31 =	sadd.s32 $0x20, s24;
	v21 =	vld [tilespmem:s28+$0x0];
	s28 =	sadd.s32 $0x40, s28;
	v7 =	vsel vm0, v17, v7;
	v6 =	vsel vm1, v18, v6;
	v4 =	vsel vm2, v16, v4  }
0x219: {  	v16 =	vmul.f32 v15, v1;
	v2 =	vsel vm0, s0, v2;
	v5 =	vsel vm1, s31, v5;
	s0 =	sadd.s32 $0x30, s24;
	s24 =	smov.u32 s26;
	s26 =	smov.u32 s30;
	v22 =	vld [tilespmem:s28+$0xFFFFFFD0]  }
.Ltmp13:
0x21a: {  	s29 =	sadd.s32 $0x40, s29;
	v17 =	vmul.f32 v13, v1;
	v3 =	vsel vm2, s0, v3;
	v11 =	vld [tilespmem:s28+$0xFFFFFFE0];
	(pc) =	sbr.rel @p0 .LBB2_28-.Ltmp13, $4  }
0x21b: {  	v23 =	vadd.f32 v10, v16;
	v16 =	vmul.f32 v12, v1;
	v15 =	vld [tilespmem:s29+$0xFFFFFFD0];
	v14 =	vmul.f32 v14, v1  }
0x21c: {  	v17 =	vadd.f32 v20, v17;
	v13 =	vld [tilespmem:s29+$0xFFFFFFE0]  }
0x21d: {  	vm0 =	vgt.f32 v23, v9;
	v18 =	vadd.f32 v19, v16;
	v12 =	vld [tilespmem:s29+$0xFFFFFFF0];
	v16 =	vadd.f32 v21, v14  }
0x21e: {  	s30 =	sadd.s32 $0x40, s30;
	v9 =	vsel vm0, v23, v9;
	v8 =	vsel vm0, s24, v8;
	v14 =	vld [tilespmem:s29+$0x0];
	v10 =	vmov v22  }
0x21f: {  	s0 =	sld [smem:$0x7FB];
	_ =	sdelay $0x1  }
0x220: {  	v19 =	vld [tilespmem:s28+$0xFFFFFFF0];
	s31 =	sld [smem:$0x7FC]  }
0x221: {  	v20 =	vld [tilespmem:s28+$0x0];
	[tilespmem:s19], [sflag:$0x2] =	stream.linear.gather [hbm4b:s0+s10], $0x2710, $0x38  }
0x222: {  	_ = 	snop  }
0x223: {  	[tilespmem:s20], [sflag:$0x4] =	stream.linear.gather [hbm4b:s31+s10], $0x2710, $0x38;
	[tilespmem:$0x9C60] =	vst v63  }
0x224: {  	_ =	swait.ge [sflag:s21], $0x2710  }
0x225: {  	[sflag:s21] =	ssyncset.done $0x0  }
0x226: {  	[sflag:s21] =	ssyncadd.s32 $0xFFFFD8F0  }
0x227: {  	_ =	swait.ge [sflag:s17], $0x2710  }
0x228: {  	[sflag:s17] =	ssyncset.done $0x0  }
0x229: {  	s0 =	simm.s32 $0x4E40;
	[sflag:s17] =	ssyncadd.s32 $0xFFFFD8F0  }
0x22a: {  	vm0 =	vgt.f32 v17, v7;
	v21 =	vld [tilespmem:s0+$0xFFFFFFE0]  }
0x22b: {  	vm1 =	vgt.f32 v18, v6;
	s28 =	simm.s32 $0x20;
	v7 =	vsel vm0, v17, v7;
	v15 =	vmul.f32 v15, v1;
	v17 =	vld [tilespmem:s0+$0xFFFFFFF0]  }
0x22c: {  	vm2 =	vgt.f32 v16, v4;
	v6 =	vsel vm1, v18, v6;
	v13 =	vmul.f32 v13, v1;
	v18 =	vld [tilespmem:s28+$0xFFFFFFE0]  }
0x22d: {  	s29 =	sadd.s32 $0x10, s24;
	v4 =	vsel vm2, v16, v4;
	v10 =	vadd.f32 v10, v15;
	v12 =	vmul.f32 v12, v1;
	v15 =	vld [tilespmem:s28+$0xFFFFFFF0]  }
0x22e: {  	v2 =	vsel vm0, s29, v2;
	s29 =	sadd.s32 $0x20, s24;
	v14 =	vmul.f32 v14, v1;
	v11 =	vadd.f32 v11, v13;
	v13 =	vld [tilespmem:s28+$0x0]  }
0x22f: {  	v5 =	vsel vm1, s29, v5;
	s31 =	sadd.s32 $0x30, s24;
	vm11 =	vgt.f32 v10, v9;
	v12 =	vadd.f32 v19, v12;
	v16 =	vld [tilespmem:s28+$0x10]  }
0x230: {  	v3 =	vsel vm2, s31, v3;
	v14 =	vadd.f32 v20, v14;
	v9 =	vsel vm11, v10, v9;
	v19 =	vld [tilespmem:s0+$0x0]  }
0x231: {  	v8 =	vsel vm11, s26, v8;
	vm12 =	vgt.f32 v11, v7;
	vm13 =	vgt.f32 v12, v6;
	v20 =	vld [tilespmem:s0+$0x10];
	s28 =	simm.s32 $0x4E80  }
0x232: {  	v7 =	vsel vm12, v11, v7;
	vm14 =	vgt.f32 v14, v4;
	v10 =	vld [tilespmem:s28+$0xFFFFFFE0];
	v18 =	vmul.f32 v18, v1  }
0x233: {  	s29 =	simm.s32 $0x60;
	v6 =	vsel vm13, v12, v6;
	v4 =	vsel vm14, v14, v4;
	v11 =	vld [tilespmem:s28+$0xFFFFFFF0];
	v12 =	vmul.f32 v15, v1  }
0x234: {  	s24 =	sadd.s32 $0x20, s26;
	s31 =	sadd.s32 $0x10, s26;
	v15 =	vld [tilespmem:s29+$0xFFFFFFE0];
	v14 =	vmul.f32 v13, v1;
	v16 =	vmul.f32 v16, v1;
	v21 =	vadd.f32 v21, v18  }
0x235: {  	v2 =	vsel vm12, s31, v2;
	v5 =	vsel vm13, s24, v5;
	v13 =	vld [tilespmem:s29+$0xFFFFFFF0];
	v17 =	vadd.f32 v17, v12  }
0x236: {  	s31 =	sadd.s32 $0x30, s26;
	s24 =	simm.s32 $0x9C40;
	v12 =	vld [tilespmem:s29+$0x0];
	v18 =	vadd.f32 v19, v14;
	v16 =	vadd.f32 v20, v16;
	vm15 =	vgt.f32 v21, v9  }
0x237: {  	s30 =	simm.s32 $0x9CC0;
	s26 =	simm.s32 $0x9C80;
	v3 =	vsel vm14, s31, v3;
	v14 =	vld [tilespmem:s29+$0x10];
	v9 =	vsel vm15, v21, v9;
	v8 =	vsel vm15, s24, v8  }
.LBB2_30:
0x238: {  	p0 =	sne.s32 s30, $0xC300;
	v19 =	vld [tilespmem:s28+$0x0];
	vm0 =	vgt.f32 v17, v7;
	vm1 =	vgt.f32 v18, v6;
	vm2 =	vgt.f32 v16, v4;
	v20 =	vmovc v11  }
0x239: {  	s0 =	sadd.s32 $0x10, s24;
	s31 =	sadd.s32 $0x20, s24;
	v21 =	vld [tilespmem:s28+$0x10];
	s28 =	sadd.s32 $0x40, s28;
	v7 =	vsel vm0, v17, v7;
	v6 =	vsel vm1, v18, v6;
	v4 =	vsel vm2, v16, v4  }
0x23a: {  	v16 =	vmul.f32 v15, v1;
	v2 =	vsel vm0, s0, v2;
	v5 =	vsel vm1, s31, v5;
	s0 =	sadd.s32 $0x30, s24;
	s24 =	smov.u32 s26;
	s26 =	smov.u32 s30;
	v22 =	vld [tilespmem:s28+$0xFFFFFFE0]  }
.Ltmp14:
0x23b: {  	s29 =	sadd.s32 $0x40, s29;
	v17 =	vmul.f32 v13, v1;
	v3 =	vsel vm2, s0, v3;
	v11 =	vld [tilespmem:s28+$0xFFFFFFF0];
	(pc) =	sbr.rel @p0 .LBB2_30-.Ltmp14, $4  }
0x23c: {  	v23 =	vadd.f32 v10, v16;
	v16 =	vmul.f32 v12, v1;
	v15 =	vld [tilespmem:s29+$0xFFFFFFE0];
	v14 =	vmul.f32 v14, v1  }
0x23d: {  	v17 =	vadd.f32 v20, v17;
	v13 =	vld [tilespmem:s29+$0xFFFFFFF0]  }
0x23e: {  	vm0 =	vgt.f32 v23, v9;
	v18 =	vadd.f32 v19, v16;
	v12 =	vld [tilespmem:s29+$0x0];
	v16 =	vadd.f32 v21, v14  }
0x23f: {  	s30 =	sadd.s32 $0x40, s30;
	v9 =	vsel vm0, v23, v9;
	v8 =	vsel vm0, s24, v8;
	v14 =	vld [tilespmem:s29+$0x10];
	v10 =	vmov v22  }
0x240: {  	s0 =	sld [smem:$0x7FD];
	_ =	sdelay $0x1  }
0x241: {  	v19 =	vld [tilespmem:s28+$0x0]  }
0x242: {  	v20 =	vld [tilespmem:s28+$0x10];
	[tilespmem:s10], [sflag:$0x1] =	stream.linear.gather [hbm4b:s0+s10], $0x2710, $0x38  }
0x243: {  	_ = 	snop  }
0x244: {  	[tilespmem:s16], [sflag:$0x3] =	stream.linear.gather [hbm4b:s1+s10], $0x2710, $0x38;
	[tilespmem:$0x9C60] =	vst v63  }
0x245: {  	_ =	swait.ge [sflag:s22], $0x2710  }
0x246: {  	[sflag:s22] =	ssyncset.done $0x0  }
0x247: {  	[sflag:s22] =	ssyncadd.s32 $0xFFFFD8F0  }
0x248: {  	_ =	swait.ge [sflag:s23], $0x2710  }
0x249: {  	[sflag:s23] =	ssyncset.done $0x0  }
0x24a: {  	s0 =	simm.s32 $0x7560;
	[sflag:s23] =	ssyncadd.s32 $0xFFFFD8F0  }
0x24b: {  	vm0 =	vgt.f32 v17, v7;
	v21 =	vld [tilespmem:s0+$0xFFFFFFD0]  }
0x24c: {  	vm1 =	vgt.f32 v18, v6;
	s28 =	simm.s32 $0x2740;
	v7 =	vsel vm0, v17, v7;
	v15 =	vmul.f32 v15, v1;
	v17 =	vld [tilespmem:s0+$0xFFFFFFE0]  }
0x24d: {  	vm2 =	vgt.f32 v16, v4;
	v6 =	vsel vm1, v18, v6;
	v13 =	vmul.f32 v13, v1;
	v18 =	vld [tilespmem:s28+$0xFFFFFFD0]  }
0x24e: {  	s29 =	sadd.s32 $0x10, s24;
	v4 =	vsel vm2, v16, v4;
	v10 =	vadd.f32 v10, v15;
	v12 =	vmul.f32 v12, v1;
	v15 =	vld [tilespmem:s28+$0xFFFFFFE0]  }
0x24f: {  	s31 =	sadd.s32 $0x30, s24;
	v2 =	vsel vm0, s29, v2;
	v14 =	vmul.f32 v14, v1;
	v11 =	vadd.f32 v11, v13;
	v13 =	vld [tilespmem:s28+$0xFFFFFFF0]  }
0x250: {  	s29 =	sadd.s32 $0x20, s24;
	v3 =	vsel vm2, s31, v3;
	vm11 =	vgt.f32 v10, v9;
	v12 =	vadd.f32 v19, v12;
	v16 =	vld [tilespmem:s28+$0x0]  }
0x251: {  	v5 =	vsel vm1, s29, v5;
	v14 =	vadd.f32 v20, v14;
	v9 =	vsel vm11, v10, v9;
	v19 =	vld [tilespmem:s0+$0xFFFFFFF0]  }
0x252: {  	v8 =	vsel vm11, s26, v8;
	vm12 =	vgt.f32 v11, v7;
	vm13 =	vgt.f32 v12, v6;
	v20 =	vld [tilespmem:s0+$0x0];
	s28 =	simm.s32 $0x75A0  }
0x253: {  	v7 =	vsel vm12, v11, v7;
	vm14 =	vgt.f32 v14, v4;
	v10 =	vld [tilespmem:s28+$0xFFFFFFD0];
	v18 =	vmul.f32 v18, v1  }
0x254: {  	s29 =	simm.s32 $0x2780;
	v6 =	vsel vm13, v12, v6;
	v4 =	vsel vm14, v14, v4;
	v11 =	vld [tilespmem:s28+$0xFFFFFFE0];
	v12 =	vmul.f32 v15, v1  }
0x255: {  	s31 =	sadd.s32 $0x10, s26;
	s24 =	sadd.s32 $0x20, s26;
	v15 =	vld [tilespmem:s29+$0xFFFFFFD0];
	v14 =	vmul.f32 v13, v1;
	v16 =	vmul.f32 v16, v1;
	v21 =	vadd.f32 v21, v18  }
0x256: {  	v2 =	vsel vm12, s31, v2;
	v5 =	vsel vm13, s24, v5;
	v13 =	vld [tilespmem:s29+$0xFFFFFFE0];
	v17 =	vadd.f32 v17, v12  }
0x257: {  	s31 =	sadd.s32 $0x30, s26;
	s24 =	simm.s32 $0xC350;
	v12 =	vld [tilespmem:s29+$0xFFFFFFF0];
	v18 =	vadd.f32 v19, v14;
	v16 =	vadd.f32 v20, v16;
	vm15 =	vgt.f32 v21, v9  }
0x258: {  	s30 =	simm.s32 $0xC3D0;
	s26 =	simm.s32 $0xC390;
	v3 =	vsel vm14, s31, v3;
	v14 =	vld [tilespmem:s29+$0x0];
	v9 =	vsel vm15, v21, v9;
	v8 =	vsel vm15, s24, v8  }
.LBB2_32:
0x259: {  	p0 =	sne.s32 s30, $0xEA10;
	v19 =	vld [tilespmem:s28+$0xFFFFFFF0];
	vm0 =	vgt.f32 v17, v7;
	vm1 =	vgt.f32 v18, v6;
	vm2 =	vgt.f32 v16, v4;
	v20 =	vmovc v11  }
0x25a: {  	s0 =	sadd.s32 $0x10, s24;
	s31 =	sadd.s32 $0x20, s24;
	v21 =	vld [tilespmem:s28+$0x0];
	s28 =	sadd.s32 $0x40, s28;
	v7 =	vsel vm0, v17, v7;
	v6 =	vsel vm1, v18, v6;
	v4 =	vsel vm2, v16, v4  }
0x25b: {  	v16 =	vmul.f32 v15, v1;
	v2 =	vsel vm0, s0, v2;
	v5 =	vsel vm1, s31, v5;
	s0 =	sadd.s32 $0x30, s24;
	s24 =	smov.u32 s26;
	s26 =	smov.u32 s30;
	v22 =	vld [tilespmem:s28+$0xFFFFFFD0]  }
.Ltmp15:
0x25c: {  	s29 =	sadd.s32 $0x40, s29;
	v17 =	vmul.f32 v13, v1;
	v3 =	vsel vm2, s0, v3;
	v11 =	vld [tilespmem:s28+$0xFFFFFFE0];
	(pc) =	sbr.rel @p0 .LBB2_32-.Ltmp15, $4  }
0x25d: {  	v23 =	vadd.f32 v10, v16;
	v16 =	vmul.f32 v12, v1;
	v15 =	vld [tilespmem:s29+$0xFFFFFFD0];
	v14 =	vmul.f32 v14, v1  }
0x25e: {  	v17 =	vadd.f32 v20, v17;
	v13 =	vld [tilespmem:s29+$0xFFFFFFE0]  }
0x25f: {  	vm0 =	vgt.f32 v23, v9;
	v18 =	vadd.f32 v19, v16;
	v12 =	vld [tilespmem:s29+$0xFFFFFFF0];
	v16 =	vadd.f32 v21, v14  }
0x260: {  	s30 =	sadd.s32 $0x40, s30;
	v9 =	vsel vm0, v23, v9;
	v8 =	vsel vm0, s24, v8;
	v14 =	vld [tilespmem:s29+$0x0];
	v10 =	vmov v22  }
0x261: {  	v19 =	vld [tilespmem:s28+$0xFFFFFFF0]  }
0x262: {  	v20 =	vld [tilespmem:s28+$0x0];
	[tilespmem:s19], [sflag:$0x2] =	stream.linear.gather [hbm4b:s2+s10], $0x2710, $0x38  }
0x263: {  	_ = 	snop  }
0x264: {  	[tilespmem:s20], [sflag:$0x4] =	stream.linear.gather [hbm4b:s3+s10], $0x2710, $0x38;
	[tilespmem:$0x9C60] =	vst v63  }
0x265: {  	_ =	swait.ge [sflag:s21], $0x2710  }
0x266: {  	[sflag:s21] =	ssyncset.done $0x0  }
0x267: {  	[sflag:s21] =	ssyncadd.s32 $0xFFFFD8F0  }
0x268: {  	_ =	swait.ge [sflag:s17], $0x2710  }
0x269: {  	[sflag:s17] =	ssyncset.done $0x0  }
0x26a: {  	s0 =	simm.s32 $0x4E40;
	[sflag:s17] =	ssyncadd.s32 $0xFFFFD8F0  }
0x26b: {  	vm0 =	vgt.f32 v17, v7;
	v21 =	vld [tilespmem:s0+$0xFFFFFFE0]  }
0x26c: {  	vm1 =	vgt.f32 v18, v6;
	s28 =	simm.s32 $0x20;
	v7 =	vsel vm0, v17, v7;
	v15 =	vmul.f32 v15, v1;
	v17 =	vld [tilespmem:s0+$0xFFFFFFF0]  }
0x26d: {  	vm2 =	vgt.f32 v16, v4;
	v6 =	vsel vm1, v18, v6;
	v13 =	vmul.f32 v13, v1;
	v18 =	vld [tilespmem:s28+$0xFFFFFFE0]  }
0x26e: {  	s29 =	sadd.s32 $0x10, s24;
	v4 =	vsel vm2, v16, v4;
	v10 =	vadd.f32 v10, v15;
	v12 =	vmul.f32 v12, v1;
	v15 =	vld [tilespmem:s28+$0xFFFFFFF0]  }
0x26f: {  	s31 =	sadd.s32 $0x30, s24;
	v2 =	vsel vm0, s29, v2;
	v14 =	vmul.f32 v14, v1;
	v11 =	vadd.f32 v11, v13;
	v13 =	vld [tilespmem:s28+$0x0]  }
0x270: {  	s29 =	sadd.s32 $0x20, s24;
	v3 =	vsel vm2, s31, v3;
	vm11 =	vgt.f32 v10, v9;
	v12 =	vadd.f32 v19, v12;
	v16 =	vld [tilespmem:s28+$0x10]  }
0x271: {  	v5 =	vsel vm1, s29, v5;
	v14 =	vadd.f32 v20, v14;
	v9 =	vsel vm11, v10, v9;
	v19 =	vld [tilespmem:s0+$0x0]  }
0x272: {  	v8 =	vsel vm11, s26, v8;
	vm12 =	vgt.f32 v11, v7;
	vm13 =	vgt.f32 v12, v6;
	v20 =	vld [tilespmem:s0+$0x10];
	s28 =	simm.s32 $0x4E80  }
0x273: {  	v7 =	vsel vm12, v11, v7;
	vm14 =	vgt.f32 v14, v4;
	v10 =	vld [tilespmem:s28+$0xFFFFFFE0];
	v18 =	vmul.f32 v18, v1  }
0x274: {  	s29 =	simm.s32 $0x60;
	v6 =	vsel vm13, v12, v6;
	v4 =	vsel vm14, v14, v4;
	v11 =	vld [tilespmem:s28+$0xFFFFFFF0];
	v12 =	vmul.f32 v15, v1  }
0x275: {  	s31 =	sadd.s32 $0x10, s26;
	s24 =	sadd.s32 $0x20, s26;
	v15 =	vld [tilespmem:s29+$0xFFFFFFE0];
	v14 =	vmul.f32 v13, v1;
	v16 =	vmul.f32 v16, v1;
	v21 =	vadd.f32 v21, v18  }
0x276: {  	v2 =	vsel vm12, s31, v2;
	v5 =	vsel vm13, s24, v5;
	v13 =	vld [tilespmem:s29+$0xFFFFFFF0];
	v17 =	vadd.f32 v17, v12  }
0x277: {  	s31 =	sadd.s32 $0x30, s26;
	s24 =	simm.s32 $0xEA60;
	v12 =	vld [tilespmem:s29+$0x0];
	v18 =	vadd.f32 v19, v14;
	v16 =	vadd.f32 v20, v16;
	vm15 =	vgt.f32 v21, v9  }
0x278: {  	s30 =	simm.s32 $0xEAE0;
	s26 =	simm.s32 $0xEAA0;
	v3 =	vsel vm14, s31, v3;
	v14 =	vld [tilespmem:s29+$0x10];
	v9 =	vsel vm15, v21, v9;
	v8 =	vsel vm15, s24, v8  }
.LBB2_34:
0x279: {  	p0 =	sne.s32 s30, $0x11120;
	v19 =	vld [tilespmem:s28+$0x0];
	vm0 =	vgt.f32 v17, v7;
	vm1 =	vgt.f32 v18, v6;
	vm2 =	vgt.f32 v16, v4;
	v20 =	vmovc v11  }
0x27a: {  	s0 =	sadd.s32 $0x10, s24;
	s31 =	sadd.s32 $0x20, s24;
	v21 =	vld [tilespmem:s28+$0x10];
	s28 =	sadd.s32 $0x40, s28;
	v7 =	vsel vm0, v17, v7;
	v6 =	vsel vm1, v18, v6;
	v4 =	vsel vm2, v16, v4  }
0x27b: {  	v16 =	vmul.f32 v15, v1;
	v2 =	vsel vm0, s0, v2;
	v5 =	vsel vm1, s31, v5;
	s0 =	sadd.s32 $0x30, s24;
	s24 =	smov.u32 s26;
	s26 =	smov.u32 s30;
	v22 =	vld [tilespmem:s28+$0xFFFFFFE0]  }
.Ltmp16:
0x27c: {  	s29 =	sadd.s32 $0x40, s29;
	v17 =	vmul.f32 v13, v1;
	v3 =	vsel vm2, s0, v3;
	v11 =	vld [tilespmem:s28+$0xFFFFFFF0];
	(pc) =	sbr.rel @p0 .LBB2_34-.Ltmp16, $4  }
0x27d: {  	v23 =	vadd.f32 v10, v16;
	v16 =	vmul.f32 v12, v1;
	v15 =	vld [tilespmem:s29+$0xFFFFFFE0];
	v14 =	vmul.f32 v14, v1  }
0x27e: {  	v17 =	vadd.f32 v20, v17;
	v13 =	vld [tilespmem:s29+$0xFFFFFFF0]  }
0x27f: {  	vm0 =	vgt.f32 v23, v9;
	v18 =	vadd.f32 v19, v16;
	v12 =	vld [tilespmem:s29+$0x0];
	v16 =	vadd.f32 v21, v14  }
0x280: {  	s30 =	sadd.s32 $0x40, s30;
	v9 =	vsel vm0, v23, v9;
	v8 =	vsel vm0, s24, v8;
	v14 =	vld [tilespmem:s29+$0x10];
	v10 =	vmov v22  }
0x281: {  	v19 =	vld [tilespmem:s28+$0x0]  }
0x282: {  	v20 =	vld [tilespmem:s28+$0x10];
	[tilespmem:s10], [sflag:$0x1] =	stream.linear.gather [hbm4b:s4+s10], $0x2710, $0x38  }
0x283: {  	_ = 	snop  }
0x284: {  	[tilespmem:s16], [sflag:$0x3] =	stream.linear.gather [hbm4b:s5+s10], $0x2710, $0x38;
	[tilespmem:$0x9C60] =	vst v63  }
0x285: {  	_ =	swait.ge [sflag:s22], $0x2710  }
0x286: {  	[sflag:s22] =	ssyncset.done $0x0  }
0x287: {  	[sflag:s22] =	ssyncadd.s32 $0xFFFFD8F0  }
0x288: {  	_ =	swait.ge [sflag:s23], $0x2710  }
0x289: {  	[sflag:s23] =	ssyncset.done $0x0  }
0x28a: {  	s0 =	simm.s32 $0x7560;
	[sflag:s23] =	ssyncadd.s32 $0xFFFFD8F0  }
0x28b: {  	vm0 =	vgt.f32 v17, v7;
	v21 =	vld [tilespmem:s0+$0xFFFFFFD0]  }
0x28c: {  	vm1 =	vgt.f32 v18, v6;
	s28 =	simm.s32 $0x2740;
	v7 =	vsel vm0, v17, v7;
	v15 =	vmul.f32 v15, v1;
	v17 =	vld [tilespmem:s0+$0xFFFFFFE0]  }
0x28d: {  	vm2 =	vgt.f32 v16, v4;
	v6 =	vsel vm1, v18, v6;
	v13 =	vmul.f32 v13, v1;
	v18 =	vld [tilespmem:s28+$0xFFFFFFD0]  }
0x28e: {  	s29 =	sadd.s32 $0x10, s24;
	v4 =	vsel vm2, v16, v4;
	v10 =	vadd.f32 v10, v15;
	v12 =	vmul.f32 v12, v1;
	v15 =	vld [tilespmem:s28+$0xFFFFFFE0]  }
0x28f: {  	s31 =	sadd.s32 $0x30, s24;
	v2 =	vsel vm0, s29, v2;
	v14 =	vmul.f32 v14, v1;
	v11 =	vadd.f32 v11, v13;
	v13 =	vld [tilespmem:s28+$0xFFFFFFF0]  }
0x290: {  	s29 =	sadd.s32 $0x20, s24;
	v3 =	vsel vm2, s31, v3;
	vm11 =	vgt.f32 v10, v9;
	v12 =	vadd.f32 v19, v12;
	v16 =	vld [tilespmem:s28+$0x0]  }
0x291: {  	v5 =	vsel vm1, s29, v5;
	v14 =	vadd.f32 v20, v14;
	v9 =	vsel vm11, v10, v9;
	v19 =	vld [tilespmem:s0+$0xFFFFFFF0]  }
0x292: {  	v8 =	vsel vm11, s26, v8;
	vm12 =	vgt.f32 v11, v7;
	vm13 =	vgt.f32 v12, v6;
	v20 =	vld [tilespmem:s0+$0x0];
	s28 =	simm.s32 $0x75A0  }
0x293: {  	v7 =	vsel vm12, v11, v7;
	vm14 =	vgt.f32 v14, v4;
	v10 =	vld [tilespmem:s28+$0xFFFFFFD0];
	v18 =	vmul.f32 v18, v1  }
0x294: {  	s29 =	simm.s32 $0x2780;
	v6 =	vsel vm13, v12, v6;
	v4 =	vsel vm14, v14, v4;
	v11 =	vld [tilespmem:s28+$0xFFFFFFE0];
	v12 =	vmul.f32 v15, v1  }
0x295: {  	s31 =	sadd.s32 $0x10, s26;
	s24 =	sadd.s32 $0x20, s26;
	v15 =	vld [tilespmem:s29+$0xFFFFFFD0];
	v14 =	vmul.f32 v13, v1;
	v16 =	vmul.f32 v16, v1;
	v21 =	vadd.f32 v21, v18  }
0x296: {  	v2 =	vsel vm12, s31, v2;
	v5 =	vsel vm13, s24, v5;
	v13 =	vld [tilespmem:s29+$0xFFFFFFE0];
	v17 =	vadd.f32 v17, v12  }
0x297: {  	s31 =	sadd.s32 $0x30, s26;
	s24 =	simm.s32 $0x11170;
	v12 =	vld [tilespmem:s29+$0xFFFFFFF0];
	v18 =	vadd.f32 v19, v14;
	v16 =	vadd.f32 v20, v16;
	vm15 =	vgt.f32 v21, v9  }
0x298: {  	s30 =	simm.s32 $0x111F0;
	s26 =	simm.s32 $0x111B0;
	v3 =	vsel vm14, s31, v3;
	v14 =	vld [tilespmem:s29+$0x0];
	v9 =	vsel vm15, v21, v9;
	v8 =	vsel vm15, s24, v8  }
.LBB2_36:
0x299: {  	p0 =	sne.s32 s30, $0x13830;
	v19 =	vld [tilespmem:s28+$0xFFFFFFF0];
	vm0 =	vgt.f32 v17, v7;
	vm1 =	vgt.f32 v18, v6;
	vm2 =	vgt.f32 v16, v4;
	v20 =	vmovc v11  }
0x29a: {  	s0 =	sadd.s32 $0x10, s24;
	s31 =	sadd.s32 $0x20, s24;
	v21 =	vld [tilespmem:s28+$0x0];
	s28 =	sadd.s32 $0x40, s28;
	v7 =	vsel vm0, v17, v7;
	v6 =	vsel vm1, v18, v6;
	v4 =	vsel vm2, v16, v4  }
0x29b: {  	v16 =	vmul.f32 v15, v1;
	v2 =	vsel vm0, s0, v2;
	v5 =	vsel vm1, s31, v5;
	s0 =	sadd.s32 $0x30, s24;
	s24 =	smov.u32 s26;
	s26 =	smov.u32 s30;
	v22 =	vld [tilespmem:s28+$0xFFFFFFD0]  }
.Ltmp17:
0x29c: {  	s29 =	sadd.s32 $0x40, s29;
	v17 =	vmul.f32 v13, v1;
	v3 =	vsel vm2, s0, v3;
	v11 =	vld [tilespmem:s28+$0xFFFFFFE0];
	(pc) =	sbr.rel @p0 .LBB2_36-.Ltmp17, $4  }
0x29d: {  	v23 =	vadd.f32 v10, v16;
	v16 =	vmul.f32 v12, v1;
	v15 =	vld [tilespmem:s29+$0xFFFFFFD0];
	v14 =	vmul.f32 v14, v1  }
0x29e: {  	v17 =	vadd.f32 v20, v17;
	v13 =	vld [tilespmem:s29+$0xFFFFFFE0]  }
0x29f: {  	vm0 =	vgt.f32 v23, v9;
	v18 =	vadd.f32 v19, v16;
	v12 =	vld [tilespmem:s29+$0xFFFFFFF0];
	v16 =	vadd.f32 v21, v14  }
0x2a0: {  	s30 =	sadd.s32 $0x40, s30;
	v9 =	vsel vm0, v23, v9;
	v8 =	vsel vm0, s24, v8;
	v14 =	vld [tilespmem:s29+$0x0];
	v10 =	vmov v22  }
0x2a1: {  	v19 =	vld [tilespmem:s28+$0xFFFFFFF0]  }
0x2a2: {  	v20 =	vld [tilespmem:s28+$0x0];
	[tilespmem:s19], [sflag:$0x2] =	stream.linear.gather [hbm4b:s8+s10], $0x2710, $0x38  }
0x2a3: {  	_ = 	snop  }
0x2a4: {  	[tilespmem:s20], [sflag:$0x4] =	stream.linear.gather [hbm4b:s9+s10], $0x2710, $0x38;
	[tilespmem:$0x9C60] =	vst v63  }
0x2a5: {  	_ =	swait.ge [sflag:s21], $0x2710  }
0x2a6: {  	[sflag:s21] =	ssyncset.done $0x0  }
0x2a7: {  	[sflag:s21] =	ssyncadd.s32 $0xFFFFD8F0  }
0x2a8: {  	_ =	swait.ge [sflag:s17], $0x2710  }
0x2a9: {  	[sflag:s17] =	ssyncset.done $0x0  }
0x2aa: {  	s0 =	simm.s32 $0x4E40;
	[sflag:s17] =	ssyncadd.s32 $0xFFFFD8F0  }
0x2ab: {  	vm0 =	vgt.f32 v17, v7;
	v21 =	vld [tilespmem:s0+$0xFFFFFFE0]  }
0x2ac: {  	vm1 =	vgt.f32 v18, v6;
	s28 =	simm.s32 $0x20;
	v7 =	vsel vm0, v17, v7;
	v15 =	vmul.f32 v15, v1;
	v17 =	vld [tilespmem:s0+$0xFFFFFFF0]  }
0x2ad: {  	vm2 =	vgt.f32 v16, v4;
	v6 =	vsel vm1, v18, v6;
	v13 =	vmul.f32 v13, v1;
	v18 =	vld [tilespmem:s28+$0xFFFFFFE0]  }
0x2ae: {  	s29 =	sadd.s32 $0x10, s24;
	v4 =	vsel vm2, v16, v4;
	v10 =	vadd.f32 v10, v15;
	v12 =	vmul.f32 v12, v1;
	v15 =	vld [tilespmem:s28+$0xFFFFFFF0]  }
0x2af: {  	s31 =	sadd.s32 $0x30, s24;
	v2 =	vsel vm0, s29, v2;
	v14 =	vmul.f32 v14, v1;
	v11 =	vadd.f32 v11, v13;
	v13 =	vld [tilespmem:s28+$0x0]  }
0x2b0: {  	s29 =	sadd.s32 $0x20, s24;
	v3 =	vsel vm2, s31, v3;
	vm11 =	vgt.f32 v10, v9;
	v12 =	vadd.f32 v19, v12;
	v16 =	vld [tilespmem:s28+$0x10]  }
0x2b1: {  	v5 =	vsel vm1, s29, v5;
	v14 =	vadd.f32 v20, v14;
	v9 =	vsel vm11, v10, v9;
	v19 =	vld [tilespmem:s0+$0x0]  }
0x2b2: {  	v8 =	vsel vm11, s26, v8;
	vm12 =	vgt.f32 v11, v7;
	vm13 =	vgt.f32 v12, v6;
	v20 =	vld [tilespmem:s0+$0x10];
	s28 =	simm.s32 $0x4E80  }
0x2b3: {  	v7 =	vsel vm12, v11, v7;
	vm14 =	vgt.f32 v14, v4;
	v10 =	vld [tilespmem:s28+$0xFFFFFFE0];
	v18 =	vmul.f32 v18, v1  }
0x2b4: {  	s29 =	simm.s32 $0x60;
	v6 =	vsel vm13, v12, v6;
	v4 =	vsel vm14, v14, v4;
	v11 =	vld [tilespmem:s28+$0xFFFFFFF0];
	v12 =	vmul.f32 v15, v1  }
0x2b5: {  	s31 =	sadd.s32 $0x10, s26;
	s24 =	sadd.s32 $0x20, s26;
	v15 =	vld [tilespmem:s29+$0xFFFFFFE0];
	v14 =	vmul.f32 v13, v1;
	v16 =	vmul.f32 v16, v1;
	v21 =	vadd.f32 v21, v18  }
0x2b6: {  	v2 =	vsel vm12, s31, v2;
	v5 =	vsel vm13, s24, v5;
	v13 =	vld [tilespmem:s29+$0xFFFFFFF0];
	v17 =	vadd.f32 v17, v12  }
0x2b7: {  	s31 =	sadd.s32 $0x30, s26;
	s24 =	simm.s32 $0x13880;
	v12 =	vld [tilespmem:s29+$0x0];
	v18 =	vadd.f32 v19, v14;
	v16 =	vadd.f32 v20, v16;
	vm15 =	vgt.f32 v21, v9  }
0x2b8: {  	s30 =	simm.s32 $0x13900;
	s26 =	simm.s32 $0x138C0;
	v3 =	vsel vm14, s31, v3;
	v14 =	vld [tilespmem:s29+$0x10];
	v9 =	vsel vm15, v21, v9;
	v8 =	vsel vm15, s24, v8  }
.LBB2_38:
0x2b9: {  	p0 =	sne.s32 s30, $0x15F40;
	v19 =	vld [tilespmem:s28+$0x0];
	vm0 =	vgt.f32 v17, v7;
	vm1 =	vgt.f32 v18, v6;
	vm2 =	vgt.f32 v16, v4;
	v20 =	vmovc v11  }
0x2ba: {  	s0 =	sadd.s32 $0x10, s24;
	s31 =	sadd.s32 $0x20, s24;
	v21 =	vld [tilespmem:s28+$0x10];
	s28 =	sadd.s32 $0x40, s28;
	v7 =	vsel vm0, v17, v7;
	v6 =	vsel vm1, v18, v6;
	v4 =	vsel vm2, v16, v4  }
0x2bb: {  	v16 =	vmul.f32 v15, v1;
	v2 =	vsel vm0, s0, v2;
	v5 =	vsel vm1, s31, v5;
	s0 =	sadd.s32 $0x30, s24;
	s24 =	smov.u32 s26;
	s26 =	smov.u32 s30;
	v22 =	vld [tilespmem:s28+$0xFFFFFFE0]  }
.Ltmp18:
0x2bc: {  	s29 =	sadd.s32 $0x40, s29;
	v17 =	vmul.f32 v13, v1;
	v3 =	vsel vm2, s0, v3;
	v11 =	vld [tilespmem:s28+$0xFFFFFFF0];
	(pc) =	sbr.rel @p0 .LBB2_38-.Ltmp18, $4  }
0x2bd: {  	v23 =	vadd.f32 v10, v16;
	v16 =	vmul.f32 v12, v1;
	v15 =	vld [tilespmem:s29+$0xFFFFFFE0];
	v14 =	vmul.f32 v14, v1  }
0x2be: {  	v17 =	vadd.f32 v20, v17;
	v13 =	vld [tilespmem:s29+$0xFFFFFFF0]  }
0x2bf: {  	vm0 =	vgt.f32 v23, v9;
	v18 =	vadd.f32 v19, v16;
	v12 =	vld [tilespmem:s29+$0x0];
	v16 =	vadd.f32 v21, v14  }
0x2c0: {  	s30 =	sadd.s32 $0x40, s30;
	v9 =	vsel vm0, v23, v9;
	v8 =	vsel vm0, s24, v8;
	v14 =	vld [tilespmem:s29+$0x10];
	v10 =	vmov v22  }
0x2c1: {  	v19 =	vld [tilespmem:s28+$0x0]  }
0x2c2: {  	v20 =	vld [tilespmem:s28+$0x10];
	_ =	swait.ge [sflag:s22], $0x2710  }
0x2c3: {  	[sflag:s22] =	ssyncset.done $0x0  }
0x2c4: {  	[sflag:s22] =	ssyncadd.s32 $0xFFFFD8F0  }
0x2c5: {  	_ =	swait.ge [sflag:s23], $0x2710  }
0x2c6: {  	[sflag:s23] =	ssyncset.done $0x0  }
0x2c7: {  	s0 =	simm.s32 $0x7560;
	[sflag:s23] =	ssyncadd.s32 $0xFFFFD8F0  }
0x2c8: {  	vm0 =	vgt.f32 v17, v7;
	v21 =	vld [tilespmem:s0+$0xFFFFFFD0]  }
0x2c9: {  	vm1 =	vgt.f32 v18, v6;
	s28 =	simm.s32 $0x2740;
	v7 =	vsel vm0, v17, v7;
	v15 =	vmul.f32 v15, v1;
	v17 =	vld [tilespmem:s0+$0xFFFFFFE0]  }
0x2ca: {  	vm2 =	vgt.f32 v16, v4;
	v6 =	vsel vm1, v18, v6;
	v13 =	vmul.f32 v13, v1;
	v18 =	vld [tilespmem:s28+$0xFFFFFFD0]  }
0x2cb: {  	s29 =	sadd.s32 $0x10, s24;
	v4 =	vsel vm2, v16, v4;
	v10 =	vadd.f32 v10, v15;
	v12 =	vmul.f32 v12, v1;
	v15 =	vld [tilespmem:s28+$0xFFFFFFE0]  }
0x2cc: {  	s31 =	sadd.s32 $0x30, s24;
	v16 =	vsel vm0, s29, v2;
	s29 =	sadd.s32 $0x20, s24;
	v2 =	vmul.f32 v14, v1;
	v11 =	vadd.f32 v11, v13;
	v13 =	vld [tilespmem:s28+$0xFFFFFFF0]  }
0x2cd: {  	v3 =	vsel vm2, s31, v3;
	v14 =	vsel vm1, s29, v5;
	v12 =	vadd.f32 v19, v12;
	v19 =	vld [tilespmem:s28+$0x0]  }
0x2ce: {  	vm11 =	vgt.f32 v10, v9;
	v2 =	vadd.f32 v20, v2;
	v20 =	vld [tilespmem:s0+$0xFFFFFFF0];
	vm12 =	vgt.f32 v11, v7  }
0x2cf: {  	s24 =	simm.s32 $0x75A0;
	v9 =	vsel vm11, v10, v9;
	v22 =	vld [tilespmem:s0+$0x0];
	vm13 =	vgt.f32 v12, v6;
	v5 =	vsel vm12, v11, v7  }
0x2d0: {  	s31 =	sadd.s32 $0x10, s26;
	v10 =	vld [tilespmem:s24+$0xFFFFFFD0];
	vm14 =	vgt.f32 v2, v4;
	v6 =	vsel vm13, v12, v6;
	v7 =	vmul.f32 v18, v1  }
0x2d1: {  	s29 =	simm.s32 $0x2780;
	v12 =	vld [tilespmem:s24+$0xFFFFFFE0];
	v2 =	vsel vm14, v2, v4;
	v4 =	vsel vm12, s31, v16;
	v11 =	vmul.f32 v15, v1  }
0x2d2: {  	s0 =	sadd.s32 $0x20, s26;
	v16 =	vld [tilespmem:s29+$0xFFFFFFE0];
	v13 =	vmul.f32 v13, v1;
	v19 =	vmul.f32 v19, v1;
	v21 =	vadd.f32 v21, v7  }
0x2d3: {  	v8 =	vsel vm11, s26, v8;
	v15 =	vld [tilespmem:s29+$0xFFFFFFD0];
	v7 =	vsel vm13, s0, v14;
	v17 =	vadd.f32 v17, v11  }
0x2d4: {  	s28 =	simm.s32 $0x15F90;
	s31 =	sadd.s32 $0x30, s26;
	v14 =	vld [tilespmem:s29+$0xFFFFFFF0];
	v18 =	vadd.f32 v20, v13;
	v13 =	vadd.f32 v22, v19;
	vm15 =	vgt.f32 v21, v9  }
0x2d5: {  	s30 =	simm.s32 $0x16010;
	s26 =	simm.s32 $0x15FD0;
	v3 =	vsel vm14, s31, v3;
	v11 =	vld [tilespmem:s29+$0x0];
	v9 =	vsel vm15, v21, v9;
	v8 =	vsel vm15, s28, v8  }
.LBB2_40:
0x2d6: {  	p0 =	sne.s32 s30, $0x18650;
	v19 =	vld [tilespmem:s24+$0xFFFFFFF0];
	vm0 =	vgt.f32 v17, v5;
	vm1 =	vgt.f32 v18, v6;
	vm2 =	vgt.f32 v13, v2;
	v20 =	vmovc v12  }
0x2d7: {  	s0 =	sadd.s32 $0x10, s28;
	s31 =	sadd.s32 $0x20, s28;
	v21 =	vld [tilespmem:s24+$0x0];
	s24 =	sadd.s32 $0x40, s24;
	v5 =	vsel vm0, v17, v5;
	v6 =	vsel vm1, v18, v6;
	v2 =	vsel vm2, v13, v2  }
0x2d8: {  	v13 =	vmul.f32 v15, v1;
	v4 =	vsel vm0, s0, v4;
	v7 =	vsel vm1, s31, v7;
	s0 =	sadd.s32 $0x30, s28;
	s28 =	smov.u32 s26;
	s26 =	smov.u32 s30;
	v22 =	vld [tilespmem:s24+$0xFFFFFFD0]  }
.Ltmp19:
0x2d9: {  	s29 =	sadd.s32 $0x40, s29;
	v17 =	vmul.f32 v16, v1;
	v3 =	vsel vm2, s0, v3;
	v12 =	vld [tilespmem:s24+$0xFFFFFFE0];
	(pc) =	sbr.rel @p0 .LBB2_40-.Ltmp19, $4  }
0x2da: {  	v23 =	vadd.f32 v10, v13;
	v13 =	vmul.f32 v14, v1;
	v15 =	vld [tilespmem:s29+$0xFFFFFFD0];
	v11 =	vmul.f32 v11, v1  }
0x2db: {  	v17 =	vadd.f32 v20, v17;
	v16 =	vld [tilespmem:s29+$0xFFFFFFE0]  }
0x2dc: {  	vm0 =	vgt.f32 v23, v9;
	v18 =	vadd.f32 v19, v13;
	v14 =	vld [tilespmem:s29+$0xFFFFFFF0];
	v13 =	vadd.f32 v21, v11  }
0x2dd: {  	s30 =	sadd.s32 $0x40, s30;
	v9 =	vsel vm0, v23, v9;
	v8 =	vsel vm0, s28, v8;
	v11 =	vld [tilespmem:s29+$0x0];
	v10 =	vmov v22  }
0x2de: {  	_ = 	snop  }
0x2df: {  	v19 =	vld [tilespmem:s24+$0xFFFFFFF0];
	v15 =	vmul.f32 v15, v1  }
0x2e0: {  	vm1 =	vgt.f32 v17, v5;
	vm2 =	vgt.f32 v18, v6;
	v16 =	vmul.f32 v16, v1  }
0x2e1: {  	vm0 =	vgt.f32 v13, v2;
	v5 =	vsel vm1, v17, v5;
	v10 =	vadd.f32 v10, v15  }
0x2e2: {  	s0 =	sadd.s32 $0x10, s28;
	s29 =	sadd.s32 $0x20, s28;
	v6 =	vsel vm2, v18, v6;
	v14 =	vmul.f32 v14, v1;
	v12 =	vadd.f32 v12, v16  }
0x2e3: {  	v63 =	vld [tilespmem:s24+$0x0];
	v4 =	vsel vm1, s0, v4;
	v7 =	vsel vm2, s29, v7;
	vm13 =	vgt.f32 v10, v9  }
0x2e4: {  	s31 =	sadd.s32 $0x10, s26;
	v14 =	vadd.f32 v19, v14;
	v9 =	vsel vm13, v10, v9;
	vm14 =	vgt.f32 v12, v5  }
0x2e5: {  	v8 =	vsel vm13, s26, v8;
	v5 =	vsel vm14, v12, v5;
	v4 =	vsel vm14, s31, v4  }
0x2e6: {  	v1 =	vmul.f32 v11, v1;
	vm15 =	veq.f32 v5, v9;
	vm2 =	vlt.s32 v4, v8  }
0x2e7: {  	vm3 =	vgt.f32 v14, v6;
	vm6 =	vgt.f32 v5, v9;
	vm1 =	vmand vm15, vm2  }
0x2e8: {  	s24 =	sadd.s32 $0x20, s26;
	v1 =	vadd.f32 v63, v1;
	v6 =	vsel vm3, v14, v6;
	vm1 =	vmor vm6, vm1  }
0x2e9: {  	v7 =	vsel vm3, s24, v7;
	v5 =	vsel vm1, v5, v9;
	v4 =	vsel vm1, v4, v8  }
0x2ea: {  	v2 =	vsel vm0, v13, v2;
	vm7 =	veq.f32 v6, v5;
	vm8 =	vlt.s32 v7, v4  }
0x2eb: {  	s28 =	sadd.s32 $0x30, s28;
	vm9 =	vgt.f32 v1, v2;
	vm10 =	vgt.f32 v6, v5;
	vm1 =	vmand vm7, vm8  }
0x2ec: {  	v3 =	vsel vm0, s28, v3;
	s29 =	sadd.s32 $0x30, s26;
	v1 =	vsel vm9, v1, v2;
	vm11 =	vmor vm10, vm1  }
0x2ed: {  	v2 =	vsel vm9, s29, v3;
	v3 =	vsel vm11, v6, v5;
	v4 =	vsel vm11, v7, v4  }
0x2ee: {  	vm12 =	veq.f32 v1, v3;
	vm13 =	vlt.s32 v2, v4  }
0x2ef: {  	vm14 =	vgt.f32 v1, v3;
	vm0 =	vmand vm12, vm13  }
0x2f0: {  	vm0 =	vmor vm14, vm0  }
0x2f1: {  	v1 =	vsel vm0, v1, v3  }
0x2f2: {  	(xrf0) =	vmax.scan.msk.f32 $0xffff, v1;
	_ =	sdelay $0x5  }
0x2f3: {  	v3, _, _ =	vpop (xrf0)  }
0x2f4: {  	v2 =	vsel vm0, v2, v4;
	v3 =	vbroadcast v3, $0xF  }
0x2f5: {  	v2 =	vadd.s32 v0, v2  }
0x2f6: {  	vm15 =	veq.f32 v1, v3;
	v1 =	vxor.u32 $0x80000000, v2  }
0x2f7: {  	v1 =	vnsel vm15, $0xC0000000, v1  }
0x2f8: {  	(xrf0) =	vmin.scan.msk.u32 $0xffff, v1;
	_ =	sdelay $0x5  }
0x2f9: {  	v1, _, _ =	vpop (xrf0)  }
0x2fa: {  	(v2sf) =	vpush v1, $0xF;
	_ =	sdelay $0xe  }
0x2fb: {  	s30 =	spop (v2sf)  }
0x2fc: {  	s25 =	sadd.s32 $0x1, s25;
	s0 =	sxor.u32 $0x80000000, s30  }
0x2fd: {  	p0 =	sne.s32 s25, s15;
	v1 =	vmov s0  }
.Ltmp20:
0x2fe: {  	s31 =	simm.s32 $0x9C50;
	[tilespmem:$0x9C50] =	vst v1;
	(pc) =	sbr.rel @p0 .LBB2_1-.Ltmp20, $4  }
0x2ff: {  	[hbm4b:s14+s10] =	stream.linear.scatter [tilespmem:s31], [sflag:$0x5], $0x10, $0x38;
	[tilespmem:$0x9C60] =	vst v63  }
0x300: {  	_ =	swait.ge [sflag:s18], $0x10  }
0x301: {  	[sflag:s18] =	ssyncset.done $0x0  }
0x302: {  	[sflag:s18] =	ssyncadd.s32 $0xFFFFFFF0  }
0x303: {  	_ =	sfence.sel $0x180000  }
0x304: {  	[bflag:$0x0] =	sbarrier.arrive $0xFFFF  }
0x305: {  	_ =	strace $0x90000047  }
0x306: {  	s0 =	stileid.u32;
	[bflag:$0x2] =	sbarrier.arrive $0xFFFF  }
0x307: {  	p0 =	sne.s32 s0, $0x0;
	s0 =	rddreg [dreg:$0x4]  }
0x308: {  	s0 =	sadd.s32 @!p0 $0x100000, s0  }
0x309: {  	[sflag:s0] =	ssyncadd.tile.s32 @!p0 $0x1;
	_ =	shalt  }
.Lfunc_end2:
_tile_overlayer_lowered:
.L_overlay_start_2:
0x30a: {  	(tag) =	ssettag $0x2  }
0x30b: {  	s0 =	rddreg [dreg:$0x0];
	s2 =	stileid.u32  }
0x30c: {  	s1 =	rddreg [dreg:$0x1];
	p0 =	sne.s32 s2, $0x0  }
0x30d: {  	s3 =	rddreg [dreg:$0x2];
	[bflag:$0x3] =	sbarrier.arrive $0xFFFF;
	s2 =	simm.s32 @!p0 $0x1C05  }
0x30e: {  	[timem:s3], [sflag:s2] =	dma.local @!p0 [hbm:s0], s1  }
0x30f: {  	s0 =	simm.s32 @!p0 $0x5  }
0x310: {  	_ =	swait.ge @!p0 [sflag:s0], s1  }
0x311: {  	s1 =	ssub.s32 @!p0 $0x0, s1;
	[sflag:s0] =	ssyncset.done @!p0 $0x0  }
0x312: {  	[sflag:s0] =	ssyncadd.s32 @!p0 s1  }
0x313: {  	[bflag:$0x3] =	sbarrier.arrive $0xFFFF  }
0x314: {  	_ =	shalt  }

</sc_bundles>
